<compile_context>
chip_gen: v7x
topology: tpu7x:2x2x1
jax: 0.10.2.dev20260603
libtpu: 0.0.44.dev20260713+nightly
codegen_flags: <defaults>
</compile_context>

<pallas_src>
import jax
import jax.numpy as jnp
from jax import lax
from jax.experimental import pallas as pl
from jax.experimental.pallas import tpu as pltpu
from jax.experimental.pallas import tpu_sc as plsc

B = 8
NMAX = 512
H = 16
F = 768
N_TOTAL = 2048
NEG = -1000000000.0

NC = 1
NS = 16
NW = NC * NS
ROWS_PER_W = B * NMAX // NW
ZERO_ROW = N_TOTAL
NCHUNK = 8
CH = ROWS_PER_W // NCHUNK


def _tc_idx(ids_ref, idx_ref):
    ids = ids_ref[...]
    r = lax.broadcasted_iota(jnp.int32, (NW, ROWS_PER_W), 0) * ROWS_PER_W \
        + lax.broadcasted_iota(jnp.int32, (NW, ROWS_PER_W), 1)
    barr = r // NMAX
    k = r - barr * NMAX
    cnt_arr = jnp.zeros((NW, ROWS_PER_W), jnp.int32)
    cb_arr = jnp.zeros((NW, ROWS_PER_W), jnp.int32)
    for b in range(B):
        cnt = jnp.sum((ids == b).astype(jnp.int32))
        cb = jnp.sum((ids < b).astype(jnp.int32))
        cnt_arr = jnp.where(barr == b, cnt, cnt_arr)
        cb_arr = jnp.where(barr == b, cb, cb_arr)
    idx_ref[...] = jnp.where(k < cnt_arr, cb_arr + k, ZERO_ROW + k)


def _sc_dense(x_hbm, idx_hbm, out_hbm, idx_v, rows_v, semg, semo):
    wid = lax.axis_index("s") * NC + lax.axis_index("c")
    base = wid * ROWS_PER_W
    pltpu.sync_copy(idx_hbm.at[pl.ds(base, ROWS_PER_W)], idx_v)
    for c in range(NCHUNK):
        p = c % 2
        if c >= 2:
            pltpu.make_async_copy(
                rows_v.at[p],
                out_hbm.at[pl.ds(base + (c - 2) * CH, CH)],
                semo.at[p],
            ).wait()
        pltpu.async_copy(
            x_hbm.at[idx_v.at[pl.ds(c * CH, CH)]], rows_v.at[p], semg
        ).wait()
        pltpu.make_async_copy(
            rows_v.at[p], out_hbm.at[pl.ds(base + c * CH, CH)], semo.at[p]
        ).start()
    for c in range(NCHUNK - 2, NCHUNK):
        p = c % 2
        pltpu.make_async_copy(
            rows_v.at[p], out_hbm.at[pl.ds(base + c * CH, CH)], semo.at[p]
        ).wait()


def _tc_mask(ids_ref, mask_hbm, tiles, sem):
    ids = ids_ref[...]
    col = lax.broadcasted_iota(jnp.int32, (NMAX, NMAX), 1)
    for b in range(B):
        cnt = jnp.sum((ids == b).astype(jnp.int32))
        tiles[b] = jnp.where(col >= cnt, NEG, 0.0)
        for h in range(H):
            pltpu.make_async_copy(tiles.at[b], mask_hbm.at[b, h], sem).start()
    for b in range(B):
        for h in range(H):
            pltpu.make_async_copy(tiles.at[b], mask_hbm.at[b, h], sem).wait()


def kernel(x, batch_ids):
    ids2d = batch_ids.astype(jnp.int32).reshape(16, 128)
    x_aug = jnp.concatenate([x, jnp.zeros((NMAX, F), x.dtype)], axis=0)

    idx = pl.pallas_call(
        _tc_idx,
        in_specs=[pl.BlockSpec((16, 128), lambda: (0, 0))],
        out_specs=pl.BlockSpec((NW, ROWS_PER_W), lambda: (0, 0)),
        out_shape=jax.ShapeDtypeStruct((NW, ROWS_PER_W), jnp.int32),
    )(ids2d).reshape(B * NMAX)

    attn_mask = pl.pallas_call(
        _tc_mask,
        in_specs=[pl.BlockSpec((16, 128), lambda: (0, 0))],
        out_specs=pl.BlockSpec(memory_space=pl.ANY),
        out_shape=jax.ShapeDtypeStruct((B, H, NMAX, NMAX), jnp.float32),
        scratch_shapes=[
            pltpu.VMEM((B, NMAX, NMAX), jnp.float32),
            pltpu.SemaphoreType.DMA,
        ],
    )(ids2d)

    dense_flat = pl.kernel(
        _sc_dense,
        out_type=jax.ShapeDtypeStruct((B * NMAX, F), x.dtype),
        mesh=plsc.VectorSubcoreMesh(core_axis_name="c", subcore_axis_name="s",
                                    num_cores=NC),
        scratch_types=[
            pltpu.VMEM((ROWS_PER_W,), jnp.int32),
            pltpu.VMEM((2, CH, F), jnp.float32),
            pltpu.SemaphoreType.DMA,
            pltpu.SemaphoreType.DMA((2,)),
        ],
    )(x_aug, idx)
    dense_x = dense_flat.reshape(B, NMAX, F)
    return dense_x, attn_mask

# --- scband reference (transcript-rebuilt; emitter-appended) ---
"""Pipeline reference for scband-basemask-75651553951851 (READ-ONLY COPY).

The authoritative reference and input builder live on the scoring server;
editing this copy changes nothing except your own understanding.
"""

import jax, jax.numpy as jnp
import numpy as np

# cfg assumptions (the torch class reads a global cfg):
#   cfg.dataset.task != 'graph'; cfg.share.can_flex = False
#   cfg.gt.attn_heads = 16; cfg.gt.dim_hidden = 768
#   cfg.gt.attn_type = 'General' (dense path, not BatchedAttention)
#   cfg.share.targetsize = 512 (fixed max_num_nodes -> static shapes)
B = 8        # num_graphs
NMAX = 512   # cfg.share.targetsize
H = 16       # cfg.gt.attn_heads
F = 768      # cfg.gt.dim_hidden
N_TOTAL = 2048


def setup_inputs(seed: int = 0) -> dict:
    key = jax.random.key(seed)
    k1, k2 = jax.random.split(key)
    x = jax.random.normal(k1, (N_TOTAL, F), dtype=jnp.float32)
    batch_ids = jnp.sort(jax.random.randint(k2, (N_TOTAL,), 0, B))
    return {"x": x, "batch_ids": batch_ids}


def reference(x, batch_ids):
    # _forward_general with use_flex=False: to_dense_batch + additive padding mask
    N = x.shape[0]
    node_counts = jnp.bincount(batch_ids, length=B)            # torch.bincount(batch.batch, minlength=B)
    # to_dense_batch(x, batch, max_num_nodes=NMAX, batch_size=B)
    cum_before = jnp.concatenate([jnp.zeros((1,), node_counts.dtype), jnp.cumsum(node_counts)[:-1]])
    pos = jnp.arange(N, dtype=batch_ids.dtype) - cum_before[batch_ids]  # position within own graph (batch_ids sorted)
    gindex = batch_ids * NMAX + pos                            # flat scatter indices (Gindex)
    dense_flat = jnp.zeros((B * NMAX, F), dtype=x.dtype).at[gindex].set(x)
    dense_x = dense_flat.reshape(B, NMAX, F)                   # batch.x after densify
    dmask = jnp.zeros((B * NMAX,), dtype=bool).at[gindex].set(True).reshape(B, NMAX)  # Dmask
    # key padding mask: (~Dmask)[:,None,None,:] * -1e9 expanded to [B,H,NMAX,NMAX]
    key_pad = (~dmask)[:, None, None, :].astype(jnp.float32)
    attn_mask = jnp.broadcast_to(key_pad * -1000000000.0, (B, H, NMAX, NMAX))
    return dense_x, attn_mask

if __name__ == "__main__":
    import jax
    _d = setup_inputs()
    print(jax.jit(kernel)(*tuple(_d.values())))

</pallas_src>

<mosaic_0001>
#map = affine_map<(d0, d1) -> (0, 0)>
#map1 = affine_map<(d0, d1) -> (0)>
module attributes {stable_mosaic.version = 14 : i64} {
  func.func @_sc_dense(%arg0: i32, %arg1: i32, %arg2: memref<2560x768xf32, #tpu.memory_space<hbm>>, %arg3: memref<4096xi32, #tpu.memory_space<hbm>>, %arg4: memref<4096x768xf32, #tpu.memory_space<hbm>>, %arg5: memref<256xi32, #tpu.memory_space<vmem>>, %arg6: memref<2x32x768xf32, #tpu.memory_space<vmem>>, %arg7: memref<!tpu.dma_semaphore, #tpu.memory_space<semaphore_mem>>, %arg8: memref<2x!tpu.dma_semaphore, #tpu.memory_space<semaphore_mem>>) attributes {dimension_semantics = [#tpu.dimension_semantics<core_parallel>, #tpu.dimension_semantics<subcore_parallel>], iteration_bounds = array<i64: 1, 16>, scalar_prefetch = 0 : i64, scratch_operands = 4 : i64, tpu.core_type = #tpu.core_type<sc_vector_subcore>, window_params = [{transform_indices = #map}, {transform_indices = #map1}, {transform_indices = #map}]} {
    %mul3A = arith.constant 1 : i32
    %mul3A_0 = arith.muli %arg1, %mul3A : i32
    %add3A = arith.addi %mul3A_0, %arg0 : i32
    %mul3A_1 = arith.constant 256 : i32
    %mul3A_2 = arith.muli %add3A, %mul3A_1 : i32
    "tpu.region"() ({
      %run_scoped3A = tpu.sem_alloc : memref<!tpu.dma_semaphore, #tpu.memory_space<semaphore_mem>>
      %dma_start3A_449 = tpu.memref_slice %arg3[%mul3A_2] : memref<4096xi32, #tpu.memory_space<hbm>> -> memref<256xi32, #tpu.memory_space<hbm>>
      %dma_start3A_450 = tpu.memref_slice %arg3[%mul3A_2] : memref<4096xi32, #tpu.memory_space<hbm>> -> memref<256xi32, #tpu.memory_space<hbm>>
      tpu.enqueue_dma source(%dma_start3A_450 : memref<256xi32, #tpu.memory_space<hbm>>) target(%arg5 : memref<256xi32, #tpu.memory_space<vmem>>) target_semaphore(%run_scoped3A : memref<!tpu.dma_semaphore, #tpu.memory_space<semaphore_mem>>)
      %dma_wait3A_451 = tpu.memref_slice %arg3[%mul3A_2] : memref<4096xi32, #tpu.memory_space<hbm>> -> memref<256xi32, #tpu.memory_space<hbm>>
      %dma_wait3A_452 = tpu.memref_slice %arg3[%mul3A_2] : memref<4096xi32, #tpu.memory_space<hbm>> -> memref<256xi32, #tpu.memory_space<hbm>>
      tpu.wait_dma2 semaphore(%run_scoped3A : memref<!tpu.dma_semaphore, #tpu.memory_space<semaphore_mem>>) src(%dma_wait3A_452 : memref<256xi32, #tpu.memory_space<hbm>>) dst(%arg5 : memref<256xi32, #tpu.memory_space<vmem>>)
      tpu.yield
    }) : () -> ()
    %dma_start3A = arith.constant 0 : i32
    %dma_start3A_3 = arith.constant 0 : i32
    %dma_start3A_4 = arith.constant 0 : i32
    %dma_start3A_5 = tpu.memref_slice %arg6[%dma_start3A, %dma_start3A_3, %dma_start3A_4] : memref<2x32x768xf32, #tpu.memory_space<vmem>> -> memref<1x32x768xf32, #tpu.memory_space<vmem>>
    %dma_start3A_6 = tpu.memref_squeeze %dma_start3A_5 : memref<1x32x768xf32, #tpu.memory_space<vmem>> -> memref<32x768xf32, #tpu.memory_space<vmem>>
    %dma_start3A_7 = arith.constant 0 : i32
    %dma_start3A_8 = tpu.memref_slice %arg5[%dma_start3A_7] : memref<256xi32, #tpu.memory_space<vmem>> -> memref<32xi32, #tpu.memory_space<vmem>>
    %dma_start3A_9 = arith.constant 0 : i32
    %dma_start3A_10 = arith.constant 0 : i32
    %dma_start3A_11 = tpu.memref_slice %arg2[%dma_start3A_9, %dma_start3A_10] : memref<2560x768xf32, #tpu.memory_space<hbm>> -> memref<2560x768xf32, #tpu.memory_space<hbm>>
    tpu.enqueue_indirect_dma source(%dma_start3A_11 : memref<2560x768xf32, #tpu.memory_space<hbm>>) target(%dma_start3A_6 : memref<32x768xf32, #tpu.memory_space<vmem>>) offsets(%dma_start3A_8 : memref<32xi32, #tpu.memory_space<vmem>>) semaphore(%arg7 : memref<!tpu.dma_semaphore, #tpu.memory_space<semaphore_mem>>)
    %dma_wait3A = arith.constant 0 : i32
    %dma_wait3A_12 = arith.constant 0 : i32
    %dma_wait3A_13 = arith.constant 0 : i32
    %dma_wait3A_14 = tpu.memref_slice %arg6[%dma_wait3A, %dma_wait3A_12, %dma_wait3A_13] : memref<2x32x768xf32, #tpu.memory_space<vmem>> -> memref<1x32x768xf32, #tpu.memory_space<vmem>>
    %dma_wait3A_15 = tpu.memref_squeeze %dma_wait3A_14 : memref<1x32x768xf32, #tpu.memory_space<vmem>> -> memref<32x768xf32, #tpu.memory_space<vmem>>
    %dma_wait3A_16 = arith.constant 0 : i32
    %dma_wait3A_17 = tpu.memref_slice %arg5[%dma_wait3A_16] : memref<256xi32, #tpu.memory_space<vmem>> -> memref<32xi32, #tpu.memory_space<vmem>>
    %dma_wait3A_18 = arith.constant 0 : i32
    %dma_wait3A_19 = arith.constant 0 : i32
    %dma_wait3A_20 = tpu.memref_slice %arg2[%dma_wait3A_18, %dma_wait3A_19] : memref<2560x768xf32, #tpu.memory_space<hbm>> -> memref<2560x768xf32, #tpu.memory_space<hbm>>
    tpu.wait_indirect_dma semaphore(%arg7 : memref<!tpu.dma_semaphore, #tpu.memory_space<semaphore_mem>>) src(%dma_wait3A_20 : memref<2560x768xf32, #tpu.memory_space<hbm>>) dst(%dma_wait3A_15 : memref<32x768xf32, #tpu.memory_space<vmem>>)
    %add3A_21 = arith.constant 0 : i32
    %add3A_22 = arith.addi %mul3A_2, %add3A_21 : i32
    %dma_start3A_23 = arith.constant 0 : i32
    %dma_start3A_24 = arith.constant 0 : i32
    %dma_start3A_25 = arith.constant 0 : i32
    %dma_start3A_26 = arith.constant 0 : i32
    %dma_start3A_27 = tpu.memref_slice %arg6[%dma_start3A_23, %dma_start3A_25, %dma_start3A_26] : memref<2x32x768xf32, #tpu.memory_space<vmem>> -> memref<1x32x768xf32, #tpu.memory_space<vmem>>
    %dma_start3A_28 = tpu.memref_squeeze %dma_start3A_27 : memref<1x32x768xf32, #tpu.memory_space<vmem>> -> memref<32x768xf32, #tpu.memory_space<vmem>>
    %dma_start3A_29 = arith.constant 0 : i32
    %dma_start3A_30 = tpu.memref_slice %arg4[%add3A_22, %dma_start3A_29] : memref<4096x768xf32, #tpu.memory_space<hbm>> -> memref<32x768xf32, #tpu.memory_space<hbm>>
    %dma_start3A_31 = tpu.memref_slice %arg8[%dma_start3A_24] : memref<2x!tpu.dma_semaphore, #tpu.memory_space<semaphore_mem>> -> memref<1x!tpu.dma_semaphore, #tpu.memory_space<semaphore_mem>>
    %dma_start3A_32 = tpu.memref_squeeze %dma_start3A_31 : memref<1x!tpu.dma_semaphore, #tpu.memory_space<semaphore_mem>> -> memref<!tpu.dma_semaphore, #tpu.memory_space<semaphore_mem>>
    %dma_start3A_33 = arith.constant 0 : i32
    %dma_start3A_34 = tpu.memref_slice %arg4[%add3A_22, %dma_start3A_33] : memref<4096x768xf32, #tpu.memory_space<hbm>> -> memref<32x768xf32, #tpu.memory_space<hbm>>
    %dma_start3A_35 = arith.constant 0 : i32
    %dma_start3A_36 = arith.constant 0 : i32
    %dma_start3A_37 = tpu.memref_slice %arg6[%dma_start3A_23, %dma_start3A_35, %dma_start3A_36] : memref<2x32x768xf32, #tpu.memory_space<vmem>> -> memref<1x32x768xf32, #tpu.memory_space<vmem>>
    %dma_start3A_38 = tpu.memref_squeeze %dma_start3A_37 : memref<1x32x768xf32, #tpu.memory_space<vmem>> -> memref<32x768xf32, #tpu.memory_space<vmem>>
    tpu.enqueue_dma source(%dma_start3A_38 : memref<32x768xf32, #tpu.memory_space<vmem>>) target(%dma_start3A_34 : memref<32x768xf32, #tpu.memory_space<hbm>>) target_semaphore(%dma_start3A_32 : memref<!tpu.dma_semaphore, #tpu.memory_space<semaphore_mem>>)
    %dma_start3A_39 = arith.constant 1 : i32
    %dma_start3A_40 = arith.constant 0 : i32
    %dma_start3A_41 = arith.constant 0 : i32
    %dma_start3A_42 = tpu.memref_slice %arg6[%dma_start3A_39, %dma_start3A_40, %dma_start3A_41] : memref<2x32x768xf32, #tpu.memory_space<vmem>> -> memref<1x32x768xf32, #tpu.memory_space<vmem>>
    %dma_start3A_43 = tpu.memref_squeeze %dma_start3A_42 : memref<1x32x768xf32, #tpu.memory_space<vmem>> -> memref<32x768xf32, #tpu.memory_space<vmem>>
    %dma_start3A_44 = arith.constant 32 : i32
    %dma_start3A_45 = tpu.memref_slice %arg5[%dma_start3A_44] : memref<256xi32, #tpu.memory_space<vmem>> -> memref<32xi32, #tpu.memory_space<vmem>>
    %dma_start3A_46 = arith.constant 0 : i32
    %dma_start3A_47 = arith.constant 0 : i32
    %dma_start3A_48 = tpu.memref_slice %arg2[%dma_start3A_46, %dma_start3A_47] : memref<2560x768xf32, #tpu.memory_space<hbm>> -> memref<2560x768xf32, #tpu.memory_space<hbm>>
    tpu.enqueue_indirect_dma source(%dma_start3A_48 : memref<2560x768xf32, #tpu.memory_space<hbm>>) target(%dma_start3A_43 : memref<32x768xf32, #tpu.memory_space<vmem>>) offsets(%dma_start3A_45 : memref<32xi32, #tpu.memory_space<vmem>>) semaphore(%arg7 : memref<!tpu.dma_semaphore, #tpu.memory_space<semaphore_mem>>)
    %dma_wait3A_49 = arith.constant 1 : i32
    %dma_wait3A_50 = arith.constant 0 : i32
    %dma_wait3A_51 = arith.constant 0 : i32
    %dma_wait3A_52 = tpu.memref_slice %arg6[%dma_wait3A_49, %dma_wait3A_50, %dma_wait3A_51] : memref<2x32x768xf32, #tpu.memory_space<vmem>> -> memref<1x32x768xf32, #tpu.memory_space<vmem>>
    %dma_wait3A_53 = tpu.memref_squeeze %dma_wait3A_52 : memref<1x32x768xf32, #tpu.memory_space<vmem>> -> memref<32x768xf32, #tpu.memory_space<vmem>>
    %dma_wait3A_54 = arith.constant 32 : i32
    %dma_wait3A_55 = tpu.memref_slice %arg5[%dma_wait3A_54] : memref<256xi32, #tpu.memory_space<vmem>> -> memref<32xi32, #tpu.memory_space<vmem>>
    %dma_wait3A_56 = arith.constant 0 : i32
    %dma_wait3A_57 = arith.constant 0 : i32
    %dma_wait3A_58 = tpu.memref_slice %arg2[%dma_wait3A_56, %dma_wait3A_57] : memref<2560x768xf32, #tpu.memory_space<hbm>> -> memref<2560x768xf32, #tpu.memory_space<hbm>>
    tpu.wait_indirect_dma semaphore(%arg7 : memref<!tpu.dma_semaphore, #tpu.memory_space<semaphore_mem>>) src(%dma_wait3A_58 : memref<2560x768xf32, #tpu.memory_space<hbm>>) dst(%dma_wait3A_53 : memref<32x768xf32, #tpu.memory_space<vmem>>)
    %add3A_59 = arith.constant 32 : i32
    %add3A_60 = arith.addi %mul3A_2, %add3A_59 : i32
    %dma_start3A_61 = arith.constant 1 : i32
    %dma_start3A_62 = arith.constant 1 : i32
    %dma_start3A_63 = arith.constant 0 : i32
    %dma_start3A_64 = arith.constant 0 : i32
    %dma_start3A_65 = tpu.memref_slice %arg6[%dma_start3A_61, %dma_start3A_63, %dma_start3A_64] : memref<2x32x768xf32, #tpu.memory_space<vmem>> -> memref<1x32x768xf32, #tpu.memory_space<vmem>>
    %dma_start3A_66 = tpu.memref_squeeze %dma_start3A_65 : memref<1x32x768xf32, #tpu.memory_space<vmem>> -> memref<32x768xf32, #tpu.memory_space<vmem>>
    %dma_start3A_67 = arith.constant 0 : i32
    %dma_start3A_68 = tpu.memref_slice %arg4[%add3A_60, %dma_start3A_67] : memref<4096x768xf32, #tpu.memory_space<hbm>> -> memref<32x768xf32, #tpu.memory_space<hbm>>
    %dma_start3A_69 = tpu.memref_slice %arg8[%dma_start3A_62] : memref<2x!tpu.dma_semaphore, #tpu.memory_space<semaphore_mem>> -> memref<1x!tpu.dma_semaphore, #tpu.memory_space<semaphore_mem>>
    %dma_start3A_70 = tpu.memref_squeeze %dma_start3A_69 : memref<1x!tpu.dma_semaphore, #tpu.memory_space<semaphore_mem>> -> memref<!tpu.dma_semaphore, #tpu.memory_space<semaphore_mem>>
    %dma_start3A_71 = arith.constant 0 : i32
    %dma_start3A_72 = tpu.memref_slice %arg4[%add3A_60, %dma_start3A_71] : memref<4096x768xf32, #tpu.memory_space<hbm>> -> memref<32x768xf32, #tpu.memory_space<hbm>>
    %dma_start3A_73 = arith.constant 0 : i32
    %dma_start3A_74 = arith.constant 0 : i32
    %dma_start3A_75 = tpu.memref_slice %arg6[%dma_start3A_61, %dma_start3A_73, %dma_start3A_74] : memref<2x32x768xf32, #tpu.memory_space<vmem>> -> memref<1x32x768xf32, #tpu.memory_space<vmem>>
    %dma_start3A_76 = tpu.memref_squeeze %dma_start3A_75 : memref<1x32x768xf32, #tpu.memory_space<vmem>> -> memref<32x768xf32, #tpu.memory_space<vmem>>
    tpu.enqueue_dma source(%dma_start3A_76 : memref<32x768xf32, #tpu.memory_space<vmem>>) target(%dma_start3A_72 : memref<32x768xf32, #tpu.memory_space<hbm>>) target_semaphore(%dma_start3A_70 : memref<!tpu.dma_semaphore, #tpu.memory_space<semaphore_mem>>)
    %add3A_77 = arith.constant 0 : i32
    %add3A_78 = arith.addi %mul3A_2, %add3A_77 : i32
    %dma_wait3A_79 = arith.constant 0 : i32
    %dma_wait3A_80 = arith.constant 0 : i32
    %dma_wait3A_81 = arith.constant 0 : i32
    %dma_wait3A_82 = arith.constant 0 : i32
    %dma_wait3A_83 = tpu.memref_slice %arg6[%dma_wait3A_79, %dma_wait3A_81, %dma_wait3A_82] : memref<2x32x768xf32, #tpu.memory_space<vmem>> -> memref<1x32x768xf32, #tpu.memory_space<vmem>>
    %dma_wait3A_84 = tpu.memref_squeeze %dma_wait3A_83 : memref<1x32x768xf32, #tpu.memory_space<vmem>> -> memref<32x768xf32, #tpu.memory_space<vmem>>
    %dma_wait3A_85 = arith.constant 0 : i32
    %dma_wait3A_86 = tpu.memref_slice %arg4[%add3A_78, %dma_wait3A_85] : memref<4096x768xf32, #tpu.memory_space<hbm>> -> memref<32x768xf32, #tpu.memory_space<hbm>>
    %dma_wait3A_87 = tpu.memref_slice %arg8[%dma_wait3A_80] : memref<2x!tpu.dma_semaphore, #tpu.memory_space<semaphore_mem>> -> memref<1x!tpu.dma_semaphore, #tpu.memory_space<semaphore_mem>>
    %dma_wait3A_88 = tpu.memref_squeeze %dma_wait3A_87 : memref<1x!tpu.dma_semaphore, #tpu.memory_space<semaphore_mem>> -> memref<!tpu.dma_semaphore, #tpu.memory_space<semaphore_mem>>
    %dma_wait3A_89 = arith.constant 0 : i32
    %dma_wait3A_90 = tpu.memref_slice %arg4[%add3A_78, %dma_wait3A_89] : memref<4096x768xf32, #tpu.memory_space<hbm>> -> memref<32x768xf32, #tpu.memory_space<hbm>>
    %dma_wait3A_91 = arith.constant 0 : i32
    %dma_wait3A_92 = arith.constant 0 : i32
    %dma_wait3A_93 = tpu.memref_slice %arg6[%dma_wait3A_79, %dma_wait3A_91, %dma_wait3A_92] : memref<2x32x768xf32, #tpu.memory_space<vmem>> -> memref<1x32x768xf32, #tpu.memory_space<vmem>>
    %dma_wait3A_94 = tpu.memref_squeeze %dma_wait3A_93 : memref<1x32x768xf32, #tpu.memory_space<vmem>> -> memref<32x768xf32, #tpu.memory_space<vmem>>
    tpu.wait_dma2 semaphore(%dma_wait3A_88 : memref<!tpu.dma_semaphore, #tpu.memory_space<semaphore_mem>>) src(%dma_wait3A_94 : memref<32x768xf32, #tpu.memory_space<vmem>>) dst(%dma_wait3A_90 : memref<32x768xf32, #tpu.memory_space<hbm>>)
    %dma_start3A_95 = arith.constant 0 : i32
    %dma_start3A_96 = arith.constant 0 : i32
    %dma_start3A_97 = arith.constant 0 : i32
    %dma_start3A_98 = tpu.memref_slice %arg6[%dma_start3A_95, %dma_start3A_96, %dma_start3A_97] : memref<2x32x768xf32, #tpu.memory_space<vmem>> -> memref<1x32x768xf32, #tpu.memory_space<vmem>>
    %dma_start3A_99 = tpu.memref_squeeze %dma_start3A_98 : memref<1x32x768xf32, #tpu.memory_space<vmem>> -> memref<32x768xf32, #tpu.memory_space<vmem>>
    %dma_start3A_100 = arith.constant 64 : i32
    %dma_start3A_101 = tpu.memref_slice %arg5[%dma_start3A_100] : memref<256xi32, #tpu.memory_space<vmem>> -> memref<32xi32, #tpu.memory_space<vmem>>
    %dma_start3A_102 = arith.constant 0 : i32
    %dma_start3A_103 = arith.constant 0 : i32
    %dma_start3A_104 = tpu.memref_slice %arg2[%dma_start3A_102, %dma_start3A_103] : memref<2560x768xf32, #tpu.memory_space<hbm>> -> memref<2560x768xf32, #tpu.memory_space<hbm>>
    tpu.enqueue_indirect_dma source(%dma_start3A_104 : memref<2560x768xf32, #tpu.memory_space<hbm>>) target(%dma_start3A_99 : memref<32x768xf32, #tpu.memory_space<vmem>>) offsets(%dma_start3A_101 : memref<32xi32, #tpu.memory_space<vmem>>) semaphore(%arg7 : memref<!tpu.dma_semaphore, #tpu.memory_space<semaphore_mem>>)
    %dma_wait3A_105 = arith.constant 0 : i32
    %dma_wait3A_106 = arith.constant 0 : i32
    %dma_wait3A_107 = arith.constant 0 : i32
    %dma_wait3A_108 = tpu.memref_slice %arg6[%dma_wait3A_105, %dma_wait3A_106, %dma_wait3A_107] : memref<2x32x768xf32, #tpu.memory_space<vmem>> -> memref<1x32x768xf32, #tpu.memory_space<vmem>>
    %dma_wait3A_109 = tpu.memref_squeeze %dma_wait3A_108 : memref<1x32x768xf32, #tpu.memory_space<vmem>> -> memref<32x768xf32, #tpu.memory_space<vmem>>
    %dma_wait3A_110 = arith.constant 64 : i32
    %dma_wait3A_111 = tpu.memref_slice %arg5[%dma_wait3A_110] : memref<256xi32, #tpu.memory_space<vmem>> -> memref<32xi32, #tpu.memory_space<vmem>>
    %dma_wait3A_112 = arith.constant 0 : i32
    %dma_wait3A_113 = arith.constant 0 : i32
    %dma_wait3A_114 = tpu.memref_slice %arg2[%dma_wait3A_112, %dma_wait3A_113] : memref<2560x768xf32, #tpu.memory_space<hbm>> -> memref<2560x768xf32, #tpu.memory_space<hbm>>
    tpu.wait_indirect_dma semaphore(%arg7 : memref<!tpu.dma_semaphore, #tpu.memory_space<semaphore_mem>>) src(%dma_wait3A_114 : memref<2560x768xf32, #tpu.memory_space<hbm>>) dst(%dma_wait3A_109 : memref<32x768xf32, #tpu.memory_space<vmem>>)
    %add3A_115 = arith.constant 64 : i32
    %add3A_116 = arith.addi %mul3A_2, %add3A_115 : i32
    %dma_start3A_117 = arith.constant 0 : i32
    %dma_start3A_118 = arith.constant 0 : i32
    %dma_start3A_119 = arith.constant 0 : i32
    %dma_start3A_120 = arith.constant 0 : i32
    %dma_start3A_121 = tpu.memref_slice %arg6[%dma_start3A_117, %dma_start3A_119, %dma_start3A_120] : memref<2x32x768xf32, #tpu.memory_space<vmem>> -> memref<1x32x768xf32, #tpu.memory_space<vmem>>
    %dma_start3A_122 = tpu.memref_squeeze %dma_start3A_121 : memref<1x32x768xf32, #tpu.memory_space<vmem>> -> memref<32x768xf32, #tpu.memory_space<vmem>>
    %dma_start3A_123 = arith.constant 0 : i32
    %dma_start3A_124 = tpu.memref_slice %arg4[%add3A_116, %dma_start3A_123] : memref<4096x768xf32, #tpu.memory_space<hbm>> -> memref<32x768xf32, #tpu.memory_space<hbm>>
    %dma_start3A_125 = tpu.memref_slice %arg8[%dma_start3A_118] : memref<2x!tpu.dma_semaphore, #tpu.memory_space<semaphore_mem>> -> memref<1x!tpu.dma_semaphore, #tpu.memory_space<semaphore_mem>>
    %dma_start3A_126 = tpu.memref_squeeze %dma_start3A_125 : memref<1x!tpu.dma_semaphore, #tpu.memory_space<semaphore_mem>> -> memref<!tpu.dma_semaphore, #tpu.memory_space<semaphore_mem>>
    %dma_start3A_127 = arith.constant 0 : i32
    %dma_start3A_128 = tpu.memref_slice %arg4[%add3A_116, %dma_start3A_127] : memref<4096x768xf32, #tpu.memory_space<hbm>> -> memref<32x768xf32, #tpu.memory_space<hbm>>
    %dma_start3A_129 = arith.constant 0 : i32
    %dma_start3A_130 = arith.constant 0 : i32
    %dma_start3A_131 = tpu.memref_slice %arg6[%dma_start3A_117, %dma_start3A_129, %dma_start3A_130] : memref<2x32x768xf32, #tpu.memory_space<vmem>> -> memref<1x32x768xf32, #tpu.memory_space<vmem>>
    %dma_start3A_132 = tpu.memref_squeeze %dma_start3A_131 : memref<1x32x768xf32, #tpu.memory_space<vmem>> -> memref<32x768xf32, #tpu.memory_space<vmem>>
    tpu.enqueue_dma source(%dma_start3A_132 : memref<32x768xf32, #tpu.memory_space<vmem>>) target(%dma_start3A_128 : memref<32x768xf32, #tpu.memory_space<hbm>>) target_semaphore(%dma_start3A_126 : memref<!tpu.dma_semaphore, #tpu.memory_space<semaphore_mem>>)
    %add3A_133 = arith.constant 32 : i32
    %add3A_134 = arith.addi %mul3A_2, %add3A_133 : i32
    %dma_wait3A_135 = arith.constant 1 : i32
    %dma_wait3A_136 = arith.constant 1 : i32
    %dma_wait3A_137 = arith.constant 0 : i32
    %dma_wait3A_138 = arith.constant 0 : i32
    %dma_wait3A_139 = tpu.memref_slice %arg6[%dma_wait3A_135, %dma_wait3A_137, %dma_wait3A_138] : memref<2x32x768xf32, #tpu.memory_space<vmem>> -> memref<1x32x768xf32, #tpu.memory_space<vmem>>
    %dma_wait3A_140 = tpu.memref_squeeze %dma_wait3A_139 : memref<1x32x768xf32, #tpu.memory_space<vmem>> -> memref<32x768xf32, #tpu.memory_space<vmem>>
    %dma_wait3A_141 = arith.constant 0 : i32
    %dma_wait3A_142 = tpu.memref_slice %arg4[%add3A_134, %dma_wait3A_141] : memref<4096x768xf32, #tpu.memory_space<hbm>> -> memref<32x768xf32, #tpu.memory_space<hbm>>
    %dma_wait3A_143 = tpu.memref_slice %arg8[%dma_wait3A_136] : memref<2x!tpu.dma_semaphore, #tpu.memory_space<semaphore_mem>> -> memref<1x!tpu.dma_semaphore, #tpu.memory_space<semaphore_mem>>
    %dma_wait3A_144 = tpu.memref_squeeze %dma_wait3A_143 : memref<1x!tpu.dma_semaphore, #tpu.memory_space<semaphore_mem>> -> memref<!tpu.dma_semaphore, #tpu.memory_space<semaphore_mem>>
    %dma_wait3A_145 = arith.constant 0 : i32
    %dma_wait3A_146 = tpu.memref_slice %arg4[%add3A_134, %dma_wait3A_145] : memref<4096x768xf32, #tpu.memory_space<hbm>> -> memref<32x768xf32, #tpu.memory_space<hbm>>
    %dma_wait3A_147 = arith.constant 0 : i32
    %dma_wait3A_148 = arith.constant 0 : i32
    %dma_wait3A_149 = tpu.memref_slice %arg6[%dma_wait3A_135, %dma_wait3A_147, %dma_wait3A_148] : memref<2x32x768xf32, #tpu.memory_space<vmem>> -> memref<1x32x768xf32, #tpu.memory_space<vmem>>
    %dma_wait3A_150 = tpu.memref_squeeze %dma_wait3A_149 : memref<1x32x768xf32, #tpu.memory_space<vmem>> -> memref<32x768xf32, #tpu.memory_space<vmem>>
    tpu.wait_dma2 semaphore(%dma_wait3A_144 : memref<!tpu.dma_semaphore, #tpu.memory_space<semaphore_mem>>) src(%dma_wait3A_150 : memref<32x768xf32, #tpu.memory_space<vmem>>) dst(%dma_wait3A_146 : memref<32x768xf32, #tpu.memory_space<hbm>>)
    %dma_start3A_151 = arith.constant 1 : i32
    %dma_start3A_152 = arith.constant 0 : i32
    %dma_start3A_153 = arith.constant 0 : i32
    %dma_start3A_154 = tpu.memref_slice %arg6[%dma_start3A_151, %dma_start3A_152, %dma_start3A_153] : memref<2x32x768xf32, #tpu.memory_space<vmem>> -> memref<1x32x768xf32, #tpu.memory_space<vmem>>
    %dma_start3A_155 = tpu.memref_squeeze %dma_start3A_154 : memref<1x32x768xf32, #tpu.memory_space<vmem>> -> memref<32x768xf32, #tpu.memory_space<vmem>>
    %dma_start3A_156 = arith.constant 96 : i32
    %dma_start3A_157 = tpu.memref_slice %arg5[%dma_start3A_156] : memref<256xi32, #tpu.memory_space<vmem>> -> memref<32xi32, #tpu.memory_space<vmem>>
    %dma_start3A_158 = arith.constant 0 : i32
    %dma_start3A_159 = arith.constant 0 : i32
    %dma_start3A_160 = tpu.memref_slice %arg2[%dma_start3A_158, %dma_start3A_159] : memref<2560x768xf32, #tpu.memory_space<hbm>> -> memref<2560x768xf32, #tpu.memory_space<hbm>>
    tpu.enqueue_indirect_dma source(%dma_start3A_160 : memref<2560x768xf32, #tpu.memory_space<hbm>>) target(%dma_start3A_155 : memref<32x768xf32, #tpu.memory_space<vmem>>) offsets(%dma_start3A_157 : memref<32xi32, #tpu.memory_space<vmem>>) semaphore(%arg7 : memref<!tpu.dma_semaphore, #tpu.memory_space<semaphore_mem>>)
    %dma_wait3A_161 = arith.constant 1 : i32
    %dma_wait3A_162 = arith.constant 0 : i32
    %dma_wait3A_163 = arith.constant 0 : i32
    %dma_wait3A_164 = tpu.memref_slice %arg6[%dma_wait3A_161, %dma_wait3A_162, %dma_wait3A_163] : memref<2x32x768xf32, #tpu.memory_space<vmem>> -> memref<1x32x768xf32, #tpu.memory_space<vmem>>
    %dma_wait3A_165 = tpu.memref_squeeze %dma_wait3A_164 : memref<1x32x768xf32, #tpu.memory_space<vmem>> -> memref<32x768xf32, #tpu.memory_space<vmem>>
    %dma_wait3A_166 = arith.constant 96 : i32
    %dma_wait3A_167 = tpu.memref_slice %arg5[%dma_wait3A_166] : memref<256xi32, #tpu.memory_space<vmem>> -> memref<32xi32, #tpu.memory_space<vmem>>
    %dma_wait3A_168 = arith.constant 0 : i32
    %dma_wait3A_169 = arith.constant 0 : i32
    %dma_wait3A_170 = tpu.memref_slice %arg2[%dma_wait3A_168, %dma_wait3A_169] : memref<2560x768xf32, #tpu.memory_space<hbm>> -> memref<2560x768xf32, #tpu.memory_space<hbm>>
    tpu.wait_indirect_dma semaphore(%arg7 : memref<!tpu.dma_semaphore, #tpu.memory_space<semaphore_mem>>) src(%dma_wait3A_170 : memref<2560x768xf32, #tpu.memory_space<hbm>>) dst(%dma_wait3A_165 : memref<32x768xf32, #tpu.memory_space<vmem>>)
    %add3A_171 = arith.constant 96 : i32
    %add3A_172 = arith.addi %mul3A_2, %add3A_171 : i32
    %dma_start3A_173 = arith.constant 1 : i32
    %dma_start3A_174 = arith.constant 1 : i32
    %dma_start3A_175 = arith.constant 0 : i32
    %dma_start3A_176 = arith.constant 0 : i32
    %dma_start3A_177 = tpu.memref_slice %arg6[%dma_start3A_173, %dma_start3A_175, %dma_start3A_176] : memref<2x32x768xf32, #tpu.memory_space<vmem>> -> memref<1x32x768xf32, #tpu.memory_space<vmem>>
    %dma_start3A_178 = tpu.memref_squeeze %dma_start3A_177 : memref<1x32x768xf32, #tpu.memory_space<vmem>> -> memref<32x768xf32, #tpu.memory_space<vmem>>
    %dma_start3A_179 = arith.constant 0 : i32
    %dma_start3A_180 = tpu.memref_slice %arg4[%add3A_172, %dma_start3A_179] : memref<4096x768xf32, #tpu.memory_space<hbm>> -> memref<32x768xf32, #tpu.memory_space<hbm>>
    %dma_start3A_181 = tpu.memref_slice %arg8[%dma_start3A_174] : memref<2x!tpu.dma_semaphore, #tpu.memory_space<semaphore_mem>> -> memref<1x!tpu.dma_semaphore, #tpu.memory_space<semaphore_mem>>
    %dma_start3A_182 = tpu.memref_squeeze %dma_start3A_181 : memref<1x!tpu.dma_semaphore, #tpu.memory_space<semaphore_mem>> -> memref<!tpu.dma_semaphore, #tpu.memory_space<semaphore_mem>>
    %dma_start3A_183 = arith.constant 0 : i32
    %dma_start3A_184 = tpu.memref_slice %arg4[%add3A_172, %dma_start3A_183] : memref<4096x768xf32, #tpu.memory_space<hbm>> -> memref<32x768xf32, #tpu.memory_space<hbm>>
    %dma_start3A_185 = arith.constant 0 : i32
    %dma_start3A_186 = arith.constant 0 : i32
    %dma_start3A_187 = tpu.memref_slice %arg6[%dma_start3A_173, %dma_start3A_185, %dma_start3A_186] : memref<2x32x768xf32, #tpu.memory_space<vmem>> -> memref<1x32x768xf32, #tpu.memory_space<vmem>>
    %dma_start3A_188 = tpu.memref_squeeze %dma_start3A_187 : memref<1x32x768xf32, #tpu.memory_space<vmem>> -> memref<32x768xf32, #tpu.memory_space<vmem>>
    tpu.enqueue_dma source(%dma_start3A_188 : memref<32x768xf32, #tpu.memory_space<vmem>>) target(%dma_start3A_184 : memref<32x768xf32, #tpu.memory_space<hbm>>) target_semaphore(%dma_start3A_182 : memref<!tpu.dma_semaphore, #tpu.memory_space<semaphore_mem>>)
    %add3A_189 = arith.constant 64 : i32
    %add3A_190 = arith.addi %mul3A_2, %add3A_189 : i32
    %dma_wait3A_191 = arith.constant 0 : i32
    %dma_wait3A_192 = arith.constant 0 : i32
    %dma_wait3A_193 = arith.constant 0 : i32
    %dma_wait3A_194 = arith.constant 0 : i32
    %dma_wait3A_195 = tpu.memref_slice %arg6[%dma_wait3A_191, %dma_wait3A_193, %dma_wait3A_194] : memref<2x32x768xf32, #tpu.memory_space<vmem>> -> memref<1x32x768xf32, #tpu.memory_space<vmem>>
    %dma_wait3A_196 = tpu.memref_squeeze %dma_wait3A_195 : memref<1x32x768xf32, #tpu.memory_space<vmem>> -> memref<32x768xf32, #tpu.memory_space<vmem>>
    %dma_wait3A_197 = arith.constant 0 : i32
    %dma_wait3A_198 = tpu.memref_slice %arg4[%add3A_190, %dma_wait3A_197] : memref<4096x768xf32, #tpu.memory_space<hbm>> -> memref<32x768xf32, #tpu.memory_space<hbm>>
    %dma_wait3A_199 = tpu.memref_slice %arg8[%dma_wait3A_192] : memref<2x!tpu.dma_semaphore, #tpu.memory_space<semaphore_mem>> -> memref<1x!tpu.dma_semaphore, #tpu.memory_space<semaphore_mem>>
    %dma_wait3A_200 = tpu.memref_squeeze %dma_wait3A_199 : memref<1x!tpu.dma_semaphore, #tpu.memory_space<semaphore_mem>> -> memref<!tpu.dma_semaphore, #tpu.memory_space<semaphore_mem>>
    %dma_wait3A_201 = arith.constant 0 : i32
    %dma_wait3A_202 = tpu.memref_slice %arg4[%add3A_190, %dma_wait3A_201] : memref<4096x768xf32, #tpu.memory_space<hbm>> -> memref<32x768xf32, #tpu.memory_space<hbm>>
    %dma_wait3A_203 = arith.constant 0 : i32
    %dma_wait3A_204 = arith.constant 0 : i32
    %dma_wait3A_205 = tpu.memref_slice %arg6[%dma_wait3A_191, %dma_wait3A_203, %dma_wait3A_204] : memref<2x32x768xf32, #tpu.memory_space<vmem>> -> memref<1x32x768xf32, #tpu.memory_space<vmem>>
    %dma_wait3A_206 = tpu.memref_squeeze %dma_wait3A_205 : memref<1x32x768xf32, #tpu.memory_space<vmem>> -> memref<32x768xf32, #tpu.memory_space<vmem>>
    tpu.wait_dma2 semaphore(%dma_wait3A_200 : memref<!tpu.dma_semaphore, #tpu.memory_space<semaphore_mem>>) src(%dma_wait3A_206 : memref<32x768xf32, #tpu.memory_space<vmem>>) dst(%dma_wait3A_202 : memref<32x768xf32, #tpu.memory_space<hbm>>)
    %dma_start3A_207 = arith.constant 0 : i32
    %dma_start3A_208 = arith.constant 0 : i32
    %dma_start3A_209 = arith.constant 0 : i32
    %dma_start3A_210 = tpu.memref_slice %arg6[%dma_start3A_207, %dma_start3A_208, %dma_start3A_209] : memref<2x32x768xf32, #tpu.memory_space<vmem>> -> memref<1x32x768xf32, #tpu.memory_space<vmem>>
    %dma_start3A_211 = tpu.memref_squeeze %dma_start3A_210 : memref<1x32x768xf32, #tpu.memory_space<vmem>> -> memref<32x768xf32, #tpu.memory_space<vmem>>
    %dma_start3A_212 = arith.constant 128 : i32
    %dma_start3A_213 = tpu.memref_slice %arg5[%dma_start3A_212] : memref<256xi32, #tpu.memory_space<vmem>> -> memref<32xi32, #tpu.memory_space<vmem>>
    %dma_start3A_214 = arith.constant 0 : i32
    %dma_start3A_215 = arith.constant 0 : i32
    %dma_start3A_216 = tpu.memref_slice %arg2[%dma_start3A_214, %dma_start3A_215] : memref<2560x768xf32, #tpu.memory_space<hbm>> -> memref<2560x768xf32, #tpu.memory_space<hbm>>
    tpu.enqueue_indirect_dma source(%dma_start3A_216 : memref<2560x768xf32, #tpu.memory_space<hbm>>) target(%dma_start3A_211 : memref<32x768xf32, #tpu.memory_space<vmem>>) offsets(%dma_start3A_213 : memref<32xi32, #tpu.memory_space<vmem>>) semaphore(%arg7 : memref<!tpu.dma_semaphore, #tpu.memory_space<semaphore_mem>>)
    %dma_wait3A_217 = arith.constant 0 : i32
    %dma_wait3A_218 = arith.constant 0 : i32
    %dma_wait3A_219 = arith.constant 0 : i32
    %dma_wait3A_220 = tpu.memref_slice %arg6[%dma_wait3A_217, %dma_wait3A_218, %dma_wait3A_219] : memref<2x32x768xf32, #tpu.memory_space<vmem>> -> memref<1x32x768xf32, #tpu.memory_space<vmem>>
    %dma_wait3A_221 = tpu.memref_squeeze %dma_wait3A_220 : memref<1x32x768xf32, #tpu.memory_space<vmem>> -> memref<32x768xf32, #tpu.memory_space<vmem>>
    %dma_wait3A_222 = arith.constant 128 : i32
    %dma_wait3A_223 = tpu.memref_slice %arg5[%dma_wait3A_222] : memref<256xi32, #tpu.memory_space<vmem>> -> memref<32xi32, #tpu.memory_space<vmem>>
    %dma_wait3A_224 = arith.constant 0 : i32
    %dma_wait3A_225 = arith.constant 0 : i32
    %dma_wait3A_226 = tpu.memref_slice %arg2[%dma_wait3A_224, %dma_wait3A_225] : memref<2560x768xf32, #tpu.memory_space<hbm>> -> memref<2560x768xf32, #tpu.memory_space<hbm>>
    tpu.wait_indirect_dma semaphore(%arg7 : memref<!tpu.dma_semaphore, #tpu.memory_space<semaphore_mem>>) src(%dma_wait3A_226 : memref<2560x768xf32, #tpu.memory_space<hbm>>) dst(%dma_wait3A_221 : memref<32x768xf32, #tpu.memory_space<vmem>>)
    %add3A_227 = arith.constant 128 : i32
    %add3A_228 = arith.addi %mul3A_2, %add3A_227 : i32
    %dma_start3A_229 = arith.constant 0 : i32
    %dma_start3A_230 = arith.constant 0 : i32
    %dma_start3A_231 = arith.constant 0 : i32
    %dma_start3A_232 = arith.constant 0 : i32
    %dma_start3A_233 = tpu.memref_slice %arg6[%dma_start3A_229, %dma_start3A_231, %dma_start3A_232] : memref<2x32x768xf32, #tpu.memory_space<vmem>> -> memref<1x32x768xf32, #tpu.memory_space<vmem>>
    %dma_start3A_234 = tpu.memref_squeeze %dma_start3A_233 : memref<1x32x768xf32, #tpu.memory_space<vmem>> -> memref<32x768xf32, #tpu.memory_space<vmem>>
    %dma_start3A_235 = arith.constant 0 : i32
    %dma_start3A_236 = tpu.memref_slice %arg4[%add3A_228, %dma_start3A_235] : memref<4096x768xf32, #tpu.memory_space<hbm>> -> memref<32x768xf32, #tpu.memory_space<hbm>>
    %dma_start3A_237 = tpu.memref_slice %arg8[%dma_start3A_230] : memref<2x!tpu.dma_semaphore, #tpu.memory_space<semaphore_mem>> -> memref<1x!tpu.dma_semaphore, #tpu.memory_space<semaphore_mem>>
    %dma_start3A_238 = tpu.memref_squeeze %dma_start3A_237 : memref<1x!tpu.dma_semaphore, #tpu.memory_space<semaphore_mem>> -> memref<!tpu.dma_semaphore, #tpu.memory_space<semaphore_mem>>
    %dma_start3A_239 = arith.constant 0 : i32
    %dma_start3A_240 = tpu.memref_slice %arg4[%add3A_228, %dma_start3A_239] : memref<4096x768xf32, #tpu.memory_space<hbm>> -> memref<32x768xf32, #tpu.memory_space<hbm>>
    %dma_start3A_241 = arith.constant 0 : i32
    %dma_start3A_242 = arith.constant 0 : i32
    %dma_start3A_243 = tpu.memref_slice %arg6[%dma_start3A_229, %dma_start3A_241, %dma_start3A_242] : memref<2x32x768xf32, #tpu.memory_space<vmem>> -> memref<1x32x768xf32, #tpu.memory_space<vmem>>
    %dma_start3A_244 = tpu.memref_squeeze %dma_start3A_243 : memref<1x32x768xf32, #tpu.memory_space<vmem>> -> memref<32x768xf32, #tpu.memory_space<vmem>>
    tpu.enqueue_dma source(%dma_start3A_244 : memref<32x768xf32, #tpu.memory_space<vmem>>) target(%dma_start3A_240 : memref<32x768xf32, #tpu.memory_space<hbm>>) target_semaphore(%dma_start3A_238 : memref<!tpu.dma_semaphore, #tpu.memory_space<semaphore_mem>>)
    %add3A_245 = arith.constant 96 : i32
    %add3A_246 = arith.addi %mul3A_2, %add3A_245 : i32
    %dma_wait3A_247 = arith.constant 1 : i32
    %dma_wait3A_248 = arith.constant 1 : i32
    %dma_wait3A_249 = arith.constant 0 : i32
    %dma_wait3A_250 = arith.constant 0 : i32
    %dma_wait3A_251 = tpu.memref_slice %arg6[%dma_wait3A_247, %dma_wait3A_249, %dma_wait3A_250] : memref<2x32x768xf32, #tpu.memory_space<vmem>> -> memref<1x32x768xf32, #tpu.memory_space<vmem>>
    %dma_wait3A_252 = tpu.memref_squeeze %dma_wait3A_251 : memref<1x32x768xf32, #tpu.memory_space<vmem>> -> memref<32x768xf32, #tpu.memory_space<vmem>>
    %dma_wait3A_253 = arith.constant 0 : i32
    %dma_wait3A_254 = tpu.memref_slice %arg4[%add3A_246, %dma_wait3A_253] : memref<4096x768xf32, #tpu.memory_space<hbm>> -> memref<32x768xf32, #tpu.memory_space<hbm>>
    %dma_wait3A_255 = tpu.memref_slice %arg8[%dma_wait3A_248] : memref<2x!tpu.dma_semaphore, #tpu.memory_space<semaphore_mem>> -> memref<1x!tpu.dma_semaphore, #tpu.memory_space<semaphore_mem>>
    %dma_wait3A_256 = tpu.memref_squeeze %dma_wait3A_255 : memref<1x!tpu.dma_semaphore, #tpu.memory_space<semaphore_mem>> -> memref<!tpu.dma_semaphore, #tpu.memory_space<semaphore_mem>>
    %dma_wait3A_257 = arith.constant 0 : i32
    %dma_wait3A_258 = tpu.memref_slice %arg4[%add3A_246, %dma_wait3A_257] : memref<4096x768xf32, #tpu.memory_space<hbm>> -> memref<32x768xf32, #tpu.memory_space<hbm>>
    %dma_wait3A_259 = arith.constant 0 : i32
    %dma_wait3A_260 = arith.constant 0 : i32
    %dma_wait3A_261 = tpu.memref_slice %arg6[%dma_wait3A_247, %dma_wait3A_259, %dma_wait3A_260] : memref<2x32x768xf32, #tpu.memory_space<vmem>> -> memref<1x32x768xf32, #tpu.memory_space<vmem>>
    %dma_wait3A_262 = tpu.memref_squeeze %dma_wait3A_261 : memref<1x32x768xf32, #tpu.memory_space<vmem>> -> memref<32x768xf32, #tpu.memory_space<vmem>>
    tpu.wait_dma2 semaphore(%dma_wait3A_256 : memref<!tpu.dma_semaphore, #tpu.memory_space<semaphore_mem>>) src(%dma_wait3A_262 : memref<32x768xf32, #tpu.memory_space<vmem>>) dst(%dma_wait3A_258 : memref<32x768xf32, #tpu.memory_space<hbm>>)
    %dma_start3A_263 = arith.constant 1 : i32
    %dma_start3A_264 = arith.constant 0 : i32
    %dma_start3A_265 = arith.constant 0 : i32
    %dma_start3A_266 = tpu.memref_slice %arg6[%dma_start3A_263, %dma_start3A_264, %dma_start3A_265] : memref<2x32x768xf32, #tpu.memory_space<vmem>> -> memref<1x32x768xf32, #tpu.memory_space<vmem>>
    %dma_start3A_267 = tpu.memref_squeeze %dma_start3A_266 : memref<1x32x768xf32, #tpu.memory_space<vmem>> -> memref<32x768xf32, #tpu.memory_space<vmem>>
    %dma_start3A_268 = arith.constant 160 : i32
    %dma_start3A_269 = tpu.memref_slice %arg5[%dma_start3A_268] : memref<256xi32, #tpu.memory_space<vmem>> -> memref<32xi32, #tpu.memory_space<vmem>>
    %dma_start3A_270 = arith.constant 0 : i32
    %dma_start3A_271 = arith.constant 0 : i32
    %dma_start3A_272 = tpu.memref_slice %arg2[%dma_start3A_270, %dma_start3A_271] : memref<2560x768xf32, #tpu.memory_space<hbm>> -> memref<2560x768xf32, #tpu.memory_space<hbm>>
    tpu.enqueue_indirect_dma source(%dma_start3A_272 : memref<2560x768xf32, #tpu.memory_space<hbm>>) target(%dma_start3A_267 : memref<32x768xf32, #tpu.memory_space<vmem>>) offsets(%dma_start3A_269 : memref<32xi32, #tpu.memory_space<vmem>>) semaphore(%arg7 : memref<!tpu.dma_semaphore, #tpu.memory_space<semaphore_mem>>)
    %dma_wait3A_273 = arith.constant 1 : i32
    %dma_wait3A_274 = arith.constant 0 : i32
    %dma_wait3A_275 = arith.constant 0 : i32
    %dma_wait3A_276 = tpu.memref_slice %arg6[%dma_wait3A_273, %dma_wait3A_274, %dma_wait3A_275] : memref<2x32x768xf32, #tpu.memory_space<vmem>> -> memref<1x32x768xf32, #tpu.memory_space<vmem>>
    %dma_wait3A_277 = tpu.memref_squeeze %dma_wait3A_276 : memref<1x32x768xf32, #tpu.memory_space<vmem>> -> memref<32x768xf32, #tpu.memory_space<vmem>>
    %dma_wait3A_278 = arith.constant 160 : i32
    %dma_wait3A_279 = tpu.memref_slice %arg5[%dma_wait3A_278] : memref<256xi32, #tpu.memory_space<vmem>> -> memref<32xi32, #tpu.memory_space<vmem>>
    %dma_wait3A_280 = arith.constant 0 : i32
    %dma_wait3A_281 = arith.constant 0 : i32
    %dma_wait3A_282 = tpu.memref_slice %arg2[%dma_wait3A_280, %dma_wait3A_281] : memref<2560x768xf32, #tpu.memory_space<hbm>> -> memref<2560x768xf32, #tpu.memory_space<hbm>>
    tpu.wait_indirect_dma semaphore(%arg7 : memref<!tpu.dma_semaphore, #tpu.memory_space<semaphore_mem>>) src(%dma_wait3A_282 : memref<2560x768xf32, #tpu.memory_space<hbm>>) dst(%dma_wait3A_277 : memref<32x768xf32, #tpu.memory_space<vmem>>)
    %add3A_283 = arith.constant 160 : i32
    %add3A_284 = arith.addi %mul3A_2, %add3A_283 : i32
    %dma_start3A_285 = arith.constant 1 : i32
    %dma_start3A_286 = arith.constant 1 : i32
    %dma_start3A_287 = arith.constant 0 : i32
    %dma_start3A_288 = arith.constant 0 : i32
    %dma_start3A_289 = tpu.memref_slice %arg6[%dma_start3A_285, %dma_start3A_287, %dma_start3A_288] : memref<2x32x768xf32, #tpu.memory_space<vmem>> -> memref<1x32x768xf32, #tpu.memory_space<vmem>>
    %dma_start3A_290 = tpu.memref_squeeze %dma_start3A_289 : memref<1x32x768xf32, #tpu.memory_space<vmem>> -> memref<32x768xf32, #tpu.memory_space<vmem>>
    %dma_start3A_291 = arith.constant 0 : i32
    %dma_start3A_292 = tpu.memref_slice %arg4[%add3A_284, %dma_start3A_291] : memref<4096x768xf32, #tpu.memory_space<hbm>> -> memref<32x768xf32, #tpu.memory_space<hbm>>
    %dma_start3A_293 = tpu.memref_slice %arg8[%dma_start3A_286] : memref<2x!tpu.dma_semaphore, #tpu.memory_space<semaphore_mem>> -> memref<1x!tpu.dma_semaphore, #tpu.memory_space<semaphore_mem>>
    %dma_start3A_294 = tpu.memref_squeeze %dma_start3A_293 : memref<1x!tpu.dma_semaphore, #tpu.memory_space<semaphore_mem>> -> memref<!tpu.dma_semaphore, #tpu.memory_space<semaphore_mem>>
    %dma_start3A_295 = arith.constant 0 : i32
    %dma_start3A_296 = tpu.memref_slice %arg4[%add3A_284, %dma_start3A_295] : memref<4096x768xf32, #tpu.memory_space<hbm>> -> memref<32x768xf32, #tpu.memory_space<hbm>>
    %dma_start3A_297 = arith.constant 0 : i32
    %dma_start3A_298 = arith.constant 0 : i32
    %dma_start3A_299 = tpu.memref_slice %arg6[%dma_start3A_285, %dma_start3A_297, %dma_start3A_298] : memref<2x32x768xf32, #tpu.memory_space<vmem>> -> memref<1x32x768xf32, #tpu.memory_space<vmem>>
    %dma_start3A_300 = tpu.memref_squeeze %dma_start3A_299 : memref<1x32x768xf32, #tpu.memory_space<vmem>> -> memref<32x768xf32, #tpu.memory_space<vmem>>
    tpu.enqueue_dma source(%dma_start3A_300 : memref<32x768xf32, #tpu.memory_space<vmem>>) target(%dma_start3A_296 : memref<32x768xf32, #tpu.memory_space<hbm>>) target_semaphore(%dma_start3A_294 : memref<!tpu.dma_semaphore, #tpu.memory_space<semaphore_mem>>)
    %add3A_301 = arith.constant 128 : i32
    %add3A_302 = arith.addi %mul3A_2, %add3A_301 : i32
    %dma_wait3A_303 = arith.constant 0 : i32
    %dma_wait3A_304 = arith.constant 0 : i32
    %dma_wait3A_305 = arith.constant 0 : i32
    %dma_wait3A_306 = arith.constant 0 : i32
    %dma_wait3A_307 = tpu.memref_slice %arg6[%dma_wait3A_303, %dma_wait3A_305, %dma_wait3A_306] : memref<2x32x768xf32, #tpu.memory_space<vmem>> -> memref<1x32x768xf32, #tpu.memory_space<vmem>>
    %dma_wait3A_308 = tpu.memref_squeeze %dma_wait3A_307 : memref<1x32x768xf32, #tpu.memory_space<vmem>> -> memref<32x768xf32, #tpu.memory_space<vmem>>
    %dma_wait3A_309 = arith.constant 0 : i32
    %dma_wait3A_310 = tpu.memref_slice %arg4[%add3A_302, %dma_wait3A_309] : memref<4096x768xf32, #tpu.memory_space<hbm>> -> memref<32x768xf32, #tpu.memory_space<hbm>>
    %dma_wait3A_311 = tpu.memref_slice %arg8[%dma_wait3A_304] : memref<2x!tpu.dma_semaphore, #tpu.memory_space<semaphore_mem>> -> memref<1x!tpu.dma_semaphore, #tpu.memory_space<semaphore_mem>>
    %dma_wait3A_312 = tpu.memref_squeeze %dma_wait3A_311 : memref<1x!tpu.dma_semaphore, #tpu.memory_space<semaphore_mem>> -> memref<!tpu.dma_semaphore, #tpu.memory_space<semaphore_mem>>
    %dma_wait3A_313 = arith.constant 0 : i32
    %dma_wait3A_314 = tpu.memref_slice %arg4[%add3A_302, %dma_wait3A_313] : memref<4096x768xf32, #tpu.memory_space<hbm>> -> memref<32x768xf32, #tpu.memory_space<hbm>>
    %dma_wait3A_315 = arith.constant 0 : i32
    %dma_wait3A_316 = arith.constant 0 : i32
    %dma_wait3A_317 = tpu.memref_slice %arg6[%dma_wait3A_303, %dma_wait3A_315, %dma_wait3A_316] : memref<2x32x768xf32, #tpu.memory_space<vmem>> -> memref<1x32x768xf32, #tpu.memory_space<vmem>>
    %dma_wait3A_318 = tpu.memref_squeeze %dma_wait3A_317 : memref<1x32x768xf32, #tpu.memory_space<vmem>> -> memref<32x768xf32, #tpu.memory_space<vmem>>
    tpu.wait_dma2 semaphore(%dma_wait3A_312 : memref<!tpu.dma_semaphore, #tpu.memory_space<semaphore_mem>>) src(%dma_wait3A_318 : memref<32x768xf32, #tpu.memory_space<vmem>>) dst(%dma_wait3A_314 : memref<32x768xf32, #tpu.memory_space<hbm>>)
    %dma_start3A_319 = arith.constant 0 : i32
    %dma_start3A_320 = arith.constant 0 : i32
    %dma_start3A_321 = arith.constant 0 : i32
    %dma_start3A_322 = tpu.memref_slice %arg6[%dma_start3A_319, %dma_start3A_320, %dma_start3A_321] : memref<2x32x768xf32, #tpu.memory_space<vmem>> -> memref<1x32x768xf32, #tpu.memory_space<vmem>>
    %dma_start3A_323 = tpu.memref_squeeze %dma_start3A_322 : memref<1x32x768xf32, #tpu.memory_space<vmem>> -> memref<32x768xf32, #tpu.memory_space<vmem>>
    %dma_start3A_324 = arith.constant 192 : i32
    %dma_start3A_325 = tpu.memref_slice %arg5[%dma_start3A_324] : memref<256xi32, #tpu.memory_space<vmem>> -> memref<32xi32, #tpu.memory_space<vmem>>
    %dma_start3A_326 = arith.constant 0 : i32
    %dma_start3A_327 = arith.constant 0 : i32
    %dma_start3A_328 = tpu.memref_slice %arg2[%dma_start3A_326, %dma_start3A_327] : memref<2560x768xf32, #tpu.memory_space<hbm>> -> memref<2560x768xf32, #tpu.memory_space<hbm>>
    tpu.enqueue_indirect_dma source(%dma_start3A_328 : memref<2560x768xf32, #tpu.memory_space<hbm>>) target(%dma_start3A_323 : memref<32x768xf32, #tpu.memory_space<vmem>>) offsets(%dma_start3A_325 : memref<32xi32, #tpu.memory_space<vmem>>) semaphore(%arg7 : memref<!tpu.dma_semaphore, #tpu.memory_space<semaphore_mem>>)
    %dma_wait3A_329 = arith.constant 0 : i32
    %dma_wait3A_330 = arith.constant 0 : i32
    %dma_wait3A_331 = arith.constant 0 : i32
    %dma_wait3A_332 = tpu.memref_slice %arg6[%dma_wait3A_329, %dma_wait3A_330, %dma_wait3A_331] : memref<2x32x768xf32, #tpu.memory_space<vmem>> -> memref<1x32x768xf32, #tpu.memory_space<vmem>>
    %dma_wait3A_333 = tpu.memref_squeeze %dma_wait3A_332 : memref<1x32x768xf32, #tpu.memory_space<vmem>> -> memref<32x768xf32, #tpu.memory_space<vmem>>
    %dma_wait3A_334 = arith.constant 192 : i32
    %dma_wait3A_335 = tpu.memref_slice %arg5[%dma_wait3A_334] : memref<256xi32, #tpu.memory_space<vmem>> -> memref<32xi32, #tpu.memory_space<vmem>>
    %dma_wait3A_336 = arith.constant 0 : i32
    %dma_wait3A_337 = arith.constant 0 : i32
    %dma_wait3A_338 = tpu.memref_slice %arg2[%dma_wait3A_336, %dma_wait3A_337] : memref<2560x768xf32, #tpu.memory_space<hbm>> -> memref<2560x768xf32, #tpu.memory_space<hbm>>
    tpu.wait_indirect_dma semaphore(%arg7 : memref<!tpu.dma_semaphore, #tpu.memory_space<semaphore_mem>>) src(%dma_wait3A_338 : memref<2560x768xf32, #tpu.memory_space<hbm>>) dst(%dma_wait3A_333 : memref<32x768xf32, #tpu.memory_space<vmem>>)
    %add3A_339 = arith.constant 192 : i32
    %add3A_340 = arith.addi %mul3A_2, %add3A_339 : i32
    %dma_start3A_341 = arith.constant 0 : i32
    %dma_start3A_342 = arith.constant 0 : i32
    %dma_start3A_343 = arith.constant 0 : i32
    %dma_start3A_344 = arith.constant 0 : i32
    %dma_start3A_345 = tpu.memref_slice %arg6[%dma_start3A_341, %dma_start3A_343, %dma_start3A_344] : memref<2x32x768xf32, #tpu.memory_space<vmem>> -> memref<1x32x768xf32, #tpu.memory_space<vmem>>
    %dma_start3A_346 = tpu.memref_squeeze %dma_start3A_345 : memref<1x32x768xf32, #tpu.memory_space<vmem>> -> memref<32x768xf32, #tpu.memory_space<vmem>>
    %dma_start3A_347 = arith.constant 0 : i32
    %dma_start3A_348 = tpu.memref_slice %arg4[%add3A_340, %dma_start3A_347] : memref<4096x768xf32, #tpu.memory_space<hbm>> -> memref<32x768xf32, #tpu.memory_space<hbm>>
    %dma_start3A_349 = tpu.memref_slice %arg8[%dma_start3A_342] : memref<2x!tpu.dma_semaphore, #tpu.memory_space<semaphore_mem>> -> memref<1x!tpu.dma_semaphore, #tpu.memory_space<semaphore_mem>>
    %dma_start3A_350 = tpu.memref_squeeze %dma_start3A_349 : memref<1x!tpu.dma_semaphore, #tpu.memory_space<semaphore_mem>> -> memref<!tpu.dma_semaphore, #tpu.memory_space<semaphore_mem>>
    %dma_start3A_351 = arith.constant 0 : i32
    %dma_start3A_352 = tpu.memref_slice %arg4[%add3A_340, %dma_start3A_351] : memref<4096x768xf32, #tpu.memory_space<hbm>> -> memref<32x768xf32, #tpu.memory_space<hbm>>
    %dma_start3A_353 = arith.constant 0 : i32
    %dma_start3A_354 = arith.constant 0 : i32
    %dma_start3A_355 = tpu.memref_slice %arg6[%dma_start3A_341, %dma_start3A_353, %dma_start3A_354] : memref<2x32x768xf32, #tpu.memory_space<vmem>> -> memref<1x32x768xf32, #tpu.memory_space<vmem>>
    %dma_start3A_356 = tpu.memref_squeeze %dma_start3A_355 : memref<1x32x768xf32, #tpu.memory_space<vmem>> -> memref<32x768xf32, #tpu.memory_space<vmem>>
    tpu.enqueue_dma source(%dma_start3A_356 : memref<32x768xf32, #tpu.memory_space<vmem>>) target(%dma_start3A_352 : memref<32x768xf32, #tpu.memory_space<hbm>>) target_semaphore(%dma_start3A_350 : memref<!tpu.dma_semaphore, #tpu.memory_space<semaphore_mem>>)
    %add3A_357 = arith.constant 160 : i32
    %add3A_358 = arith.addi %mul3A_2, %add3A_357 : i32
    %dma_wait3A_359 = arith.constant 1 : i32
    %dma_wait3A_360 = arith.constant 1 : i32
    %dma_wait3A_361 = arith.constant 0 : i32
    %dma_wait3A_362 = arith.constant 0 : i32
    %dma_wait3A_363 = tpu.memref_slice %arg6[%dma_wait3A_359, %dma_wait3A_361, %dma_wait3A_362] : memref<2x32x768xf32, #tpu.memory_space<vmem>> -> memref<1x32x768xf32, #tpu.memory_space<vmem>>
    %dma_wait3A_364 = tpu.memref_squeeze %dma_wait3A_363 : memref<1x32x768xf32, #tpu.memory_space<vmem>> -> memref<32x768xf32, #tpu.memory_space<vmem>>
    %dma_wait3A_365 = arith.constant 0 : i32
    %dma_wait3A_366 = tpu.memref_slice %arg4[%add3A_358, %dma_wait3A_365] : memref<4096x768xf32, #tpu.memory_space<hbm>> -> memref<32x768xf32, #tpu.memory_space<hbm>>
    %dma_wait3A_367 = tpu.memref_slice %arg8[%dma_wait3A_360] : memref<2x!tpu.dma_semaphore, #tpu.memory_space<semaphore_mem>> -> memref<1x!tpu.dma_semaphore, #tpu.memory_space<semaphore_mem>>
    %dma_wait3A_368 = tpu.memref_squeeze %dma_wait3A_367 : memref<1x!tpu.dma_semaphore, #tpu.memory_space<semaphore_mem>> -> memref<!tpu.dma_semaphore, #tpu.memory_space<semaphore_mem>>
    %dma_wait3A_369 = arith.constant 0 : i32
    %dma_wait3A_370 = tpu.memref_slice %arg4[%add3A_358, %dma_wait3A_369] : memref<4096x768xf32, #tpu.memory_space<hbm>> -> memref<32x768xf32, #tpu.memory_space<hbm>>
    %dma_wait3A_371 = arith.constant 0 : i32
    %dma_wait3A_372 = arith.constant 0 : i32
    %dma_wait3A_373 = tpu.memref_slice %arg6[%dma_wait3A_359, %dma_wait3A_371, %dma_wait3A_372] : memref<2x32x768xf32, #tpu.memory_space<vmem>> -> memref<1x32x768xf32, #tpu.memory_space<vmem>>
    %dma_wait3A_374 = tpu.memref_squeeze %dma_wait3A_373 : memref<1x32x768xf32, #tpu.memory_space<vmem>> -> memref<32x768xf32, #tpu.memory_space<vmem>>
    tpu.wait_dma2 semaphore(%dma_wait3A_368 : memref<!tpu.dma_semaphore, #tpu.memory_space<semaphore_mem>>) src(%dma_wait3A_374 : memref<32x768xf32, #tpu.memory_space<vmem>>) dst(%dma_wait3A_370 : memref<32x768xf32, #tpu.memory_space<hbm>>)
    %dma_start3A_375 = arith.constant 1 : i32
    %dma_start3A_376 = arith.constant 0 : i32
    %dma_start3A_377 = arith.constant 0 : i32
    %dma_start3A_378 = tpu.memref_slice %arg6[%dma_start3A_375, %dma_start3A_376, %dma_start3A_377] : memref<2x32x768xf32, #tpu.memory_space<vmem>> -> memref<1x32x768xf32, #tpu.memory_space<vmem>>
    %dma_start3A_379 = tpu.memref_squeeze %dma_start3A_378 : memref<1x32x768xf32, #tpu.memory_space<vmem>> -> memref<32x768xf32, #tpu.memory_space<vmem>>
    %dma_start3A_380 = arith.constant 224 : i32
    %dma_start3A_381 = tpu.memref_slice %arg5[%dma_start3A_380] : memref<256xi32, #tpu.memory_space<vmem>> -> memref<32xi32, #tpu.memory_space<vmem>>
    %dma_start3A_382 = arith.constant 0 : i32
    %dma_start3A_383 = arith.constant 0 : i32
    %dma_start3A_384 = tpu.memref_slice %arg2[%dma_start3A_382, %dma_start3A_383] : memref<2560x768xf32, #tpu.memory_space<hbm>> -> memref<2560x768xf32, #tpu.memory_space<hbm>>
    tpu.enqueue_indirect_dma source(%dma_start3A_384 : memref<2560x768xf32, #tpu.memory_space<hbm>>) target(%dma_start3A_379 : memref<32x768xf32, #tpu.memory_space<vmem>>) offsets(%dma_start3A_381 : memref<32xi32, #tpu.memory_space<vmem>>) semaphore(%arg7 : memref<!tpu.dma_semaphore, #tpu.memory_space<semaphore_mem>>)
    %dma_wait3A_385 = arith.constant 1 : i32
    %dma_wait3A_386 = arith.constant 0 : i32
    %dma_wait3A_387 = arith.constant 0 : i32
    %dma_wait3A_388 = tpu.memref_slice %arg6[%dma_wait3A_385, %dma_wait3A_386, %dma_wait3A_387] : memref<2x32x768xf32, #tpu.memory_space<vmem>> -> memref<1x32x768xf32, #tpu.memory_space<vmem>>
    %dma_wait3A_389 = tpu.memref_squeeze %dma_wait3A_388 : memref<1x32x768xf32, #tpu.memory_space<vmem>> -> memref<32x768xf32, #tpu.memory_space<vmem>>
    %dma_wait3A_390 = arith.constant 224 : i32
    %dma_wait3A_391 = tpu.memref_slice %arg5[%dma_wait3A_390] : memref<256xi32, #tpu.memory_space<vmem>> -> memref<32xi32, #tpu.memory_space<vmem>>
    %dma_wait3A_392 = arith.constant 0 : i32
    %dma_wait3A_393 = arith.constant 0 : i32
    %dma_wait3A_394 = tpu.memref_slice %arg2[%dma_wait3A_392, %dma_wait3A_393] : memref<2560x768xf32, #tpu.memory_space<hbm>> -> memref<2560x768xf32, #tpu.memory_space<hbm>>
    tpu.wait_indirect_dma semaphore(%arg7 : memref<!tpu.dma_semaphore, #tpu.memory_space<semaphore_mem>>) src(%dma_wait3A_394 : memref<2560x768xf32, #tpu.memory_space<hbm>>) dst(%dma_wait3A_389 : memref<32x768xf32, #tpu.memory_space<vmem>>)
    %add3A_395 = arith.constant 224 : i32
    %add3A_396 = arith.addi %mul3A_2, %add3A_395 : i32
    %dma_start3A_397 = arith.constant 1 : i32
    %dma_start3A_398 = arith.constant 1 : i32
    %dma_start3A_399 = arith.constant 0 : i32
    %dma_start3A_400 = arith.constant 0 : i32
    %dma_start3A_401 = tpu.memref_slice %arg6[%dma_start3A_397, %dma_start3A_399, %dma_start3A_400] : memref<2x32x768xf32, #tpu.memory_space<vmem>> -> memref<1x32x768xf32, #tpu.memory_space<vmem>>
    %dma_start3A_402 = tpu.memref_squeeze %dma_start3A_401 : memref<1x32x768xf32, #tpu.memory_space<vmem>> -> memref<32x768xf32, #tpu.memory_space<vmem>>
    %dma_start3A_403 = arith.constant 0 : i32
    %dma_start3A_404 = tpu.memref_slice %arg4[%add3A_396, %dma_start3A_403] : memref<4096x768xf32, #tpu.memory_space<hbm>> -> memref<32x768xf32, #tpu.memory_space<hbm>>
    %dma_start3A_405 = tpu.memref_slice %arg8[%dma_start3A_398] : memref<2x!tpu.dma_semaphore, #tpu.memory_space<semaphore_mem>> -> memref<1x!tpu.dma_semaphore, #tpu.memory_space<semaphore_mem>>
    %dma_start3A_406 = tpu.memref_squeeze %dma_start3A_405 : memref<1x!tpu.dma_semaphore, #tpu.memory_space<semaphore_mem>> -> memref<!tpu.dma_semaphore, #tpu.memory_space<semaphore_mem>>
    %dma_start3A_407 = arith.constant 0 : i32
    %dma_start3A_408 = tpu.memref_slice %arg4[%add3A_396, %dma_start3A_407] : memref<4096x768xf32, #tpu.memory_space<hbm>> -> memref<32x768xf32, #tpu.memory_space<hbm>>
    %dma_start3A_409 = arith.constant 0 : i32
    %dma_start3A_410 = arith.constant 0 : i32
    %dma_start3A_411 = tpu.memref_slice %arg6[%dma_start3A_397, %dma_start3A_409, %dma_start3A_410] : memref<2x32x768xf32, #tpu.memory_space<vmem>> -> memref<1x32x768xf32, #tpu.memory_space<vmem>>
    %dma_start3A_412 = tpu.memref_squeeze %dma_start3A_411 : memref<1x32x768xf32, #tpu.memory_space<vmem>> -> memref<32x768xf32, #tpu.memory_space<vmem>>
    tpu.enqueue_dma source(%dma_start3A_412 : memref<32x768xf32, #tpu.memory_space<vmem>>) target(%dma_start3A_408 : memref<32x768xf32, #tpu.memory_space<hbm>>) target_semaphore(%dma_start3A_406 : memref<!tpu.dma_semaphore, #tpu.memory_space<semaphore_mem>>)
    %add3A_413 = arith.constant 192 : i32
    %add3A_414 = arith.addi %mul3A_2, %add3A_413 : i32
    %dma_wait3A_415 = arith.constant 0 : i32
    %dma_wait3A_416 = arith.constant 0 : i32
    %dma_wait3A_417 = arith.constant 0 : i32
    %dma_wait3A_418 = arith.constant 0 : i32
    %dma_wait3A_419 = tpu.memref_slice %arg6[%dma_wait3A_415, %dma_wait3A_417, %dma_wait3A_418] : memref<2x32x768xf32, #tpu.memory_space<vmem>> -> memref<1x32x768xf32, #tpu.memory_space<vmem>>
    %dma_wait3A_420 = tpu.memref_squeeze %dma_wait3A_419 : memref<1x32x768xf32, #tpu.memory_space<vmem>> -> memref<32x768xf32, #tpu.memory_space<vmem>>
    %dma_wait3A_421 = arith.constant 0 : i32
    %dma_wait3A_422 = tpu.memref_slice %arg4[%add3A_414, %dma_wait3A_421] : memref<4096x768xf32, #tpu.memory_space<hbm>> -> memref<32x768xf32, #tpu.memory_space<hbm>>
    %dma_wait3A_423 = tpu.memref_slice %arg8[%dma_wait3A_416] : memref<2x!tpu.dma_semaphore, #tpu.memory_space<semaphore_mem>> -> memref<1x!tpu.dma_semaphore, #tpu.memory_space<semaphore_mem>>
    %dma_wait3A_424 = tpu.memref_squeeze %dma_wait3A_423 : memref<1x!tpu.dma_semaphore, #tpu.memory_space<semaphore_mem>> -> memref<!tpu.dma_semaphore, #tpu.memory_space<semaphore_mem>>
    %dma_wait3A_425 = arith.constant 0 : i32
    %dma_wait3A_426 = tpu.memref_slice %arg4[%add3A_414, %dma_wait3A_425] : memref<4096x768xf32, #tpu.memory_space<hbm>> -> memref<32x768xf32, #tpu.memory_space<hbm>>
    %dma_wait3A_427 = arith.constant 0 : i32
    %dma_wait3A_428 = arith.constant 0 : i32
    %dma_wait3A_429 = tpu.memref_slice %arg6[%dma_wait3A_415, %dma_wait3A_427, %dma_wait3A_428] : memref<2x32x768xf32, #tpu.memory_space<vmem>> -> memref<1x32x768xf32, #tpu.memory_space<vmem>>
    %dma_wait3A_430 = tpu.memref_squeeze %dma_wait3A_429 : memref<1x32x768xf32, #tpu.memory_space<vmem>> -> memref<32x768xf32, #tpu.memory_space<vmem>>
    tpu.wait_dma2 semaphore(%dma_wait3A_424 : memref<!tpu.dma_semaphore, #tpu.memory_space<semaphore_mem>>) src(%dma_wait3A_430 : memref<32x768xf32, #tpu.memory_space<vmem>>) dst(%dma_wait3A_426 : memref<32x768xf32, #tpu.memory_space<hbm>>)
    %add3A_431 = arith.constant 224 : i32
    %add3A_432 = arith.addi %mul3A_2, %add3A_431 : i32
    %dma_wait3A_433 = arith.constant 1 : i32
    %dma_wait3A_434 = arith.constant 1 : i32
    %dma_wait3A_435 = arith.constant 0 : i32
    %dma_wait3A_436 = arith.constant 0 : i32
    %dma_wait3A_437 = tpu.memref_slice %arg6[%dma_wait3A_433, %dma_wait3A_435, %dma_wait3A_436] : memref<2x32x768xf32, #tpu.memory_space<vmem>> -> memref<1x32x768xf32, #tpu.memory_space<vmem>>
    %dma_wait3A_438 = tpu.memref_squeeze %dma_wait3A_437 : memref<1x32x768xf32, #tpu.memory_space<vmem>> -> memref<32x768xf32, #tpu.memory_space<vmem>>
    %dma_wait3A_439 = arith.constant 0 : i32
    %dma_wait3A_440 = tpu.memref_slice %arg4[%add3A_432, %dma_wait3A_439] : memref<4096x768xf32, #tpu.memory_space<hbm>> -> memref<32x768xf32, #tpu.memory_space<hbm>>
    %dma_wait3A_441 = tpu.memref_slice %arg8[%dma_wait3A_434] : memref<2x!tpu.dma_semaphore, #tpu.memory_space<semaphore_mem>> -> memref<1x!tpu.dma_semaphore, #tpu.memory_space<semaphore_mem>>
    %dma_wait3A_442 = tpu.memref_squeeze %dma_wait3A_441 : memref<1x!tpu.dma_semaphore, #tpu.memory_space<semaphore_mem>> -> memref<!tpu.dma_semaphore, #tpu.memory_space<semaphore_mem>>
    %dma_wait3A_443 = arith.constant 0 : i32
    %dma_wait3A_444 = tpu.memref_slice %arg4[%add3A_432, %dma_wait3A_443] : memref<4096x768xf32, #tpu.memory_space<hbm>> -> memref<32x768xf32, #tpu.memory_space<hbm>>
    %dma_wait3A_445 = arith.constant 0 : i32
    %dma_wait3A_446 = arith.constant 0 : i32
    %dma_wait3A_447 = tpu.memref_slice %arg6[%dma_wait3A_433, %dma_wait3A_445, %dma_wait3A_446] : memref<2x32x768xf32, #tpu.memory_space<vmem>> -> memref<1x32x768xf32, #tpu.memory_space<vmem>>
    %dma_wait3A_448 = tpu.memref_squeeze %dma_wait3A_447 : memref<1x32x768xf32, #tpu.memory_space<vmem>> -> memref<32x768xf32, #tpu.memory_space<vmem>>
    tpu.wait_dma2 semaphore(%dma_wait3A_442 : memref<!tpu.dma_semaphore, #tpu.memory_space<semaphore_mem>>) src(%dma_wait3A_448 : memref<32x768xf32, #tpu.memory_space<vmem>>) dst(%dma_wait3A_444 : memref<32x768xf32, #tpu.memory_space<hbm>>)
    return
  }
}

module attributes {stable_mosaic.version = 14 : i64} {
  func.func @_tc_idx(%arg0: memref<16x128xi32, #tpu.memory_space<vmem>>, %arg1: memref<16x256xi32, #tpu.memory_space<vmem>>) attributes {dimension_semantics = [], scalar_prefetch = 0 : i64, scratch_operands = 0 : i64, tpu.core_type = #tpu.core_type<tc>} {
    %get3A = arith.constant 0 : index
    %get3A_0 = arith.constant 0 : index
    %get3A_1 = vector.load %arg0[%get3A, %get3A_0] : memref<16x128xi32, #tpu.memory_space<vmem>>, vector<16x128xi32>
    %iota3A = tpu.iota {dimensions = array<i32: 0>} : vector<16x256xi32>
    %mul3A = arith.constant 256 : i32
    %mul3A_2 = vector.broadcast %mul3A : i32 to vector<16x256xi32>
    %mul3A_3 = arith.muli %iota3A, %mul3A_2 : vector<16x256xi32>
    %iota3A_4 = tpu.iota {dimensions = array<i32: 1>} : vector<16x256xi32>
    %add3A = arith.addi %mul3A_3, %iota3A_4 : vector<16x256xi32>
    %jit3A = arith.constant 512 : i32
    %div3A = vector.broadcast %jit3A : i32 to vector<16x256xi32>
    %div3A_5 = arith.divsi %add3A, %div3A : vector<16x256xi32>
    %sign3A = arith.constant 0 : i32
    %sign3A_6 = vector.broadcast %sign3A : i32 to vector<16x256xi32>
    %sign3A_7 = arith.cmpi sgt, %add3A, %sign3A_6 : vector<16x256xi32>
    %sign3A_8 = arith.extui %sign3A_7 : vector<16x256xi1> to vector<16x256xi32>
    %sign3A_9 = arith.constant 0 : i32
    %sign3A_10 = vector.broadcast %sign3A_9 : i32 to vector<16x256xi32>
    %sign3A_11 = arith.cmpi slt, %add3A, %sign3A_10 : vector<16x256xi32>
    %sign3A_12 = arith.extui %sign3A_11 : vector<16x256xi1> to vector<16x256xi32>
    %sign3A_13 = arith.subi %sign3A_8, %sign3A_12 : vector<16x256xi32>
    %sign3A_14 = arith.constant 0 : i32
    %sign3A_15 = arith.cmpi sgt, %jit3A, %sign3A_14 : i32
    %sign3A_16 = arith.extui %sign3A_15 : i1 to i32
    %sign3A_17 = arith.constant 0 : i32
    %sign3A_18 = arith.cmpi slt, %jit3A, %sign3A_17 : i32
    %sign3A_19 = arith.extui %sign3A_18 : i1 to i32
    %sign3A_20 = arith.subi %sign3A_16, %sign3A_19 : i32
    %ne3A = vector.broadcast %sign3A_20 : i32 to vector<16x256xi32>
    %ne3A_21 = arith.cmpi ne, %sign3A_13, %ne3A : vector<16x256xi32>
    %rem3A = vector.broadcast %jit3A : i32 to vector<16x256xi32>
    %rem3A_22 = arith.remsi %add3A, %rem3A : vector<16x256xi32>
    %ne3A_23 = arith.constant 0 : i32
    %ne3A_24 = vector.broadcast %ne3A_23 : i32 to vector<16x256xi32>
    %ne3A_25 = arith.cmpi ne, %rem3A_22, %ne3A_24 : vector<16x256xi32>
    %and3A = arith.andi %ne3A_21, %ne3A_25 : vector<16x256xi1>
    %sub3A = arith.constant 1 : i32
    %sub3A_26 = vector.broadcast %sub3A : i32 to vector<16x256xi32>
    %sub3A_27 = arith.subi %div3A_5, %sub3A_26 : vector<16x256xi32>
    %select_n3A = arith.select %and3A, %sub3A_27, %div3A_5 : vector<16x256xi1>, vector<16x256xi32>
    %mul3A_28 = arith.constant 512 : i32
    %mul3A_29 = vector.broadcast %mul3A_28 : i32 to vector<16x256xi32>
    %mul3A_30 = arith.muli %select_n3A, %mul3A_29 : vector<16x256xi32>
    %sub3A_31 = arith.subi %add3A, %mul3A_30 : vector<16x256xi32>
    %broadcast_in_dim3A = arith.constant 0 : i32
    %broadcast_in_dim3A_32 = vector.broadcast %broadcast_in_dim3A : i32 to vector<16x256xi32>
    %broadcast_in_dim3A_33 = arith.constant 0 : i32
    %broadcast_in_dim3A_34 = vector.broadcast %broadcast_in_dim3A_33 : i32 to vector<16x256xi32>
    %eq3A = arith.constant 0 : i32
    %eq3A_35 = vector.broadcast %eq3A : i32 to vector<16x128xi32>
    %eq3A_36 = arith.cmpi eq, %get3A_1, %eq3A_35 : vector<16x128xi32>
    %convert_element_type3A = arith.extui %eq3A_36 : vector<16x128xi1> to vector<16x128xi32>
    %reduce_sum3A = vector.shape_cast %convert_element_type3A : vector<16x128xi32> to vector<1x16x128xi32>
    %reduce_sum3A_37 = arith.constant dense<0> : vector<1xi32>
    %reduce_sum3A_38 = vector.multi_reduction <add>, %reduce_sum3A, %reduce_sum3A_37 [1, 2] : vector<1x16x128xi32> to vector<1xi32>
    %reduce_sum3A_39 = vector.shape_cast %reduce_sum3A_38 : vector<1xi32> to vector<1x1x1xi32>
    %reduce_sum3A_40 = vector.extract %reduce_sum3A_39[0, 0, 0] : i32 from vector<1x1x1xi32>
    %lt3A = arith.constant 0 : i32
    %lt3A_41 = vector.broadcast %lt3A : i32 to vector<16x128xi32>
    %lt3A_42 = arith.cmpi slt, %get3A_1, %lt3A_41 : vector<16x128xi32>
    %convert_element_type3A_43 = arith.extui %lt3A_42 : vector<16x128xi1> to vector<16x128xi32>
    %reduce_sum3A_44 = vector.shape_cast %convert_element_type3A_43 : vector<16x128xi32> to vector<1x16x128xi32>
    %reduce_sum3A_45 = arith.constant dense<0> : vector<1xi32>
    %reduce_sum3A_46 = vector.multi_reduction <add>, %reduce_sum3A_44, %reduce_sum3A_45 [1, 2] : vector<1x16x128xi32> to vector<1xi32>
    %reduce_sum3A_47 = vector.shape_cast %reduce_sum3A_46 : vector<1xi32> to vector<1x1x1xi32>
    %reduce_sum3A_48 = vector.extract %reduce_sum3A_47[0, 0, 0] : i32 from vector<1x1x1xi32>
    %eq3A_49 = arith.constant 0 : i32
    %eq3A_50 = vector.broadcast %eq3A_49 : i32 to vector<16x256xi32>
    %eq3A_51 = arith.cmpi eq, %select_n3A, %eq3A_50 : vector<16x256xi32>
    %broadcast_in_dim3A_52 = vector.broadcast %reduce_sum3A_40 : i32 to vector<16x256xi32>
    %select_n3A_53 = arith.select %eq3A_51, %broadcast_in_dim3A_52, %broadcast_in_dim3A_32 : vector<16x256xi1>, vector<16x256xi32>
    %eq3A_54 = arith.constant 0 : i32
    %eq3A_55 = vector.broadcast %eq3A_54 : i32 to vector<16x256xi32>
    %eq3A_56 = arith.cmpi eq, %select_n3A, %eq3A_55 : vector<16x256xi32>
    %broadcast_in_dim3A_57 = vector.broadcast %reduce_sum3A_48 : i32 to vector<16x256xi32>
    %select_n3A_58 = arith.select %eq3A_56, %broadcast_in_dim3A_57, %broadcast_in_dim3A_34 : vector<16x256xi1>, vector<16x256xi32>
    %eq3A_59 = arith.constant 1 : i32
    %eq3A_60 = vector.broadcast %eq3A_59 : i32 to vector<16x128xi32>
    %eq3A_61 = arith.cmpi eq, %get3A_1, %eq3A_60 : vector<16x128xi32>
    %convert_element_type3A_62 = arith.extui %eq3A_61 : vector<16x128xi1> to vector<16x128xi32>
    %reduce_sum3A_63 = vector.shape_cast %convert_element_type3A_62 : vector<16x128xi32> to vector<1x16x128xi32>
    %reduce_sum3A_64 = arith.constant dense<0> : vector<1xi32>
    %reduce_sum3A_65 = vector.multi_reduction <add>, %reduce_sum3A_63, %reduce_sum3A_64 [1, 2] : vector<1x16x128xi32> to vector<1xi32>
    %reduce_sum3A_66 = vector.shape_cast %reduce_sum3A_65 : vector<1xi32> to vector<1x1x1xi32>
    %reduce_sum3A_67 = vector.extract %reduce_sum3A_66[0, 0, 0] : i32 from vector<1x1x1xi32>
    %lt3A_68 = arith.constant 1 : i32
    %lt3A_69 = vector.broadcast %lt3A_68 : i32 to vector<16x128xi32>
    %lt3A_70 = arith.cmpi slt, %get3A_1, %lt3A_69 : vector<16x128xi32>
    %convert_element_type3A_71 = arith.extui %lt3A_70 : vector<16x128xi1> to vector<16x128xi32>
    %reduce_sum3A_72 = vector.shape_cast %convert_element_type3A_71 : vector<16x128xi32> to vector<1x16x128xi32>
    %reduce_sum3A_73 = arith.constant dense<0> : vector<1xi32>
    %reduce_sum3A_74 = vector.multi_reduction <add>, %reduce_sum3A_72, %reduce_sum3A_73 [1, 2] : vector<1x16x128xi32> to vector<1xi32>
    %reduce_sum3A_75 = vector.shape_cast %reduce_sum3A_74 : vector<1xi32> to vector<1x1x1xi32>
    %reduce_sum3A_76 = vector.extract %reduce_sum3A_75[0, 0, 0] : i32 from vector<1x1x1xi32>
    %eq3A_77 = arith.constant 1 : i32
    %eq3A_78 = vector.broadcast %eq3A_77 : i32 to vector<16x256xi32>
    %eq3A_79 = arith.cmpi eq, %select_n3A, %eq3A_78 : vector<16x256xi32>
    %broadcast_in_dim3A_80 = vector.broadcast %reduce_sum3A_67 : i32 to vector<16x256xi32>
    %select_n3A_81 = arith.select %eq3A_79, %broadcast_in_dim3A_80, %select_n3A_53 : vector<16x256xi1>, vector<16x256xi32>
    %eq3A_82 = arith.constant 1 : i32
    %eq3A_83 = vector.broadcast %eq3A_82 : i32 to vector<16x256xi32>
    %eq3A_84 = arith.cmpi eq, %select_n3A, %eq3A_83 : vector<16x256xi32>
    %broadcast_in_dim3A_85 = vector.broadcast %reduce_sum3A_76 : i32 to vector<16x256xi32>
    %select_n3A_86 = arith.select %eq3A_84, %broadcast_in_dim3A_85, %select_n3A_58 : vector<16x256xi1>, vector<16x256xi32>
    %eq3A_87 = arith.constant 2 : i32
    %eq3A_88 = vector.broadcast %eq3A_87 : i32 to vector<16x128xi32>
    %eq3A_89 = arith.cmpi eq, %get3A_1, %eq3A_88 : vector<16x128xi32>
    %convert_element_type3A_90 = arith.extui %eq3A_89 : vector<16x128xi1> to vector<16x128xi32>
    %reduce_sum3A_91 = vector.shape_cast %convert_element_type3A_90 : vector<16x128xi32> to vector<1x16x128xi32>
    %reduce_sum3A_92 = arith.constant dense<0> : vector<1xi32>
    %reduce_sum3A_93 = vector.multi_reduction <add>, %reduce_sum3A_91, %reduce_sum3A_92 [1, 2] : vector<1x16x128xi32> to vector<1xi32>
    %reduce_sum3A_94 = vector.shape_cast %reduce_sum3A_93 : vector<1xi32> to vector<1x1x1xi32>
    %reduce_sum3A_95 = vector.extract %reduce_sum3A_94[0, 0, 0] : i32 from vector<1x1x1xi32>
    %lt3A_96 = arith.constant 2 : i32
    %lt3A_97 = vector.broadcast %lt3A_96 : i32 to vector<16x128xi32>
    %lt3A_98 = arith.cmpi slt, %get3A_1, %lt3A_97 : vector<16x128xi32>
    %convert_element_type3A_99 = arith.extui %lt3A_98 : vector<16x128xi1> to vector<16x128xi32>
    %reduce_sum3A_100 = vector.shape_cast %convert_element_type3A_99 : vector<16x128xi32> to vector<1x16x128xi32>
    %reduce_sum3A_101 = arith.constant dense<0> : vector<1xi32>
    %reduce_sum3A_102 = vector.multi_reduction <add>, %reduce_sum3A_100, %reduce_sum3A_101 [1, 2] : vector<1x16x128xi32> to vector<1xi32>
    %reduce_sum3A_103 = vector.shape_cast %reduce_sum3A_102 : vector<1xi32> to vector<1x1x1xi32>
    %reduce_sum3A_104 = vector.extract %reduce_sum3A_103[0, 0, 0] : i32 from vector<1x1x1xi32>
    %eq3A_105 = arith.constant 2 : i32
    %eq3A_106 = vector.broadcast %eq3A_105 : i32 to vector<16x256xi32>
    %eq3A_107 = arith.cmpi eq, %select_n3A, %eq3A_106 : vector<16x256xi32>
    %broadcast_in_dim3A_108 = vector.broadcast %reduce_sum3A_95 : i32 to vector<16x256xi32>
    %select_n3A_109 = arith.select %eq3A_107, %broadcast_in_dim3A_108, %select_n3A_81 : vector<16x256xi1>, vector<16x256xi32>
    %eq3A_110 = arith.constant 2 : i32
    %eq3A_111 = vector.broadcast %eq3A_110 : i32 to vector<16x256xi32>
    %eq3A_112 = arith.cmpi eq, %select_n3A, %eq3A_111 : vector<16x256xi32>
    %broadcast_in_dim3A_113 = vector.broadcast %reduce_sum3A_104 : i32 to vector<16x256xi32>
    %select_n3A_114 = arith.select %eq3A_112, %broadcast_in_dim3A_113, %select_n3A_86 : vector<16x256xi1>, vector<16x256xi32>
    %eq3A_115 = arith.constant 3 : i32
    %eq3A_116 = vector.broadcast %eq3A_115 : i32 to vector<16x128xi32>
    %eq3A_117 = arith.cmpi eq, %get3A_1, %eq3A_116 : vector<16x128xi32>
    %convert_element_type3A_118 = arith.extui %eq3A_117 : vector<16x128xi1> to vector<16x128xi32>
    %reduce_sum3A_119 = vector.shape_cast %convert_element_type3A_118 : vector<16x128xi32> to vector<1x16x128xi32>
    %reduce_sum3A_120 = arith.constant dense<0> : vector<1xi32>
    %reduce_sum3A_121 = vector.multi_reduction <add>, %reduce_sum3A_119, %reduce_sum3A_120 [1, 2] : vector<1x16x128xi32> to vector<1xi32>
    %reduce_sum3A_122 = vector.shape_cast %reduce_sum3A_121 : vector<1xi32> to vector<1x1x1xi32>
    %reduce_sum3A_123 = vector.extract %reduce_sum3A_122[0, 0, 0] : i32 from vector<1x1x1xi32>
    %lt3A_124 = arith.constant 3 : i32
    %lt3A_125 = vector.broadcast %lt3A_124 : i32 to vector<16x128xi32>
    %lt3A_126 = arith.cmpi slt, %get3A_1, %lt3A_125 : vector<16x128xi32>
    %convert_element_type3A_127 = arith.extui %lt3A_126 : vector<16x128xi1> to vector<16x128xi32>
    %reduce_sum3A_128 = vector.shape_cast %convert_element_type3A_127 : vector<16x128xi32> to vector<1x16x128xi32>
    %reduce_sum3A_129 = arith.constant dense<0> : vector<1xi32>
    %reduce_sum3A_130 = vector.multi_reduction <add>, %reduce_sum3A_128, %reduce_sum3A_129 [1, 2] : vector<1x16x128xi32> to vector<1xi32>
    %reduce_sum3A_131 = vector.shape_cast %reduce_sum3A_130 : vector<1xi32> to vector<1x1x1xi32>
    %reduce_sum3A_132 = vector.extract %reduce_sum3A_131[0, 0, 0] : i32 from vector<1x1x1xi32>
    %eq3A_133 = arith.constant 3 : i32
    %eq3A_134 = vector.broadcast %eq3A_133 : i32 to vector<16x256xi32>
    %eq3A_135 = arith.cmpi eq, %select_n3A, %eq3A_134 : vector<16x256xi32>
    %broadcast_in_dim3A_136 = vector.broadcast %reduce_sum3A_123 : i32 to vector<16x256xi32>
    %select_n3A_137 = arith.select %eq3A_135, %broadcast_in_dim3A_136, %select_n3A_109 : vector<16x256xi1>, vector<16x256xi32>
    %eq3A_138 = arith.constant 3 : i32
    %eq3A_139 = vector.broadcast %eq3A_138 : i32 to vector<16x256xi32>
    %eq3A_140 = arith.cmpi eq, %select_n3A, %eq3A_139 : vector<16x256xi32>
    %broadcast_in_dim3A_141 = vector.broadcast %reduce_sum3A_132 : i32 to vector<16x256xi32>
    %select_n3A_142 = arith.select %eq3A_140, %broadcast_in_dim3A_141, %select_n3A_114 : vector<16x256xi1>, vector<16x256xi32>
    %eq3A_143 = arith.constant 4 : i32
    %eq3A_144 = vector.broadcast %eq3A_143 : i32 to vector<16x128xi32>
    %eq3A_145 = arith.cmpi eq, %get3A_1, %eq3A_144 : vector<16x128xi32>
    %convert_element_type3A_146 = arith.extui %eq3A_145 : vector<16x128xi1> to vector<16x128xi32>
    %reduce_sum3A_147 = vector.shape_cast %convert_element_type3A_146 : vector<16x128xi32> to vector<1x16x128xi32>
    %reduce_sum3A_148 = arith.constant dense<0> : vector<1xi32>
    %reduce_sum3A_149 = vector.multi_reduction <add>, %reduce_sum3A_147, %reduce_sum3A_148 [1, 2] : vector<1x16x128xi32> to vector<1xi32>
    %reduce_sum3A_150 = vector.shape_cast %reduce_sum3A_149 : vector<1xi32> to vector<1x1x1xi32>
    %reduce_sum3A_151 = vector.extract %reduce_sum3A_150[0, 0, 0] : i32 from vector<1x1x1xi32>
    %lt3A_152 = arith.constant 4 : i32
    %lt3A_153 = vector.broadcast %lt3A_152 : i32 to vector<16x128xi32>
    %lt3A_154 = arith.cmpi slt, %get3A_1, %lt3A_153 : vector<16x128xi32>
    %convert_element_type3A_155 = arith.extui %lt3A_154 : vector<16x128xi1> to vector<16x128xi32>
    %reduce_sum3A_156 = vector.shape_cast %convert_element_type3A_155 : vector<16x128xi32> to vector<1x16x128xi32>
    %reduce_sum3A_157 = arith.constant dense<0> : vector<1xi32>
    %reduce_sum3A_158 = vector.multi_reduction <add>, %reduce_sum3A_156, %reduce_sum3A_157 [1, 2] : vector<1x16x128xi32> to vector<1xi32>
    %reduce_sum3A_159 = vector.shape_cast %reduce_sum3A_158 : vector<1xi32> to vector<1x1x1xi32>
    %reduce_sum3A_160 = vector.extract %reduce_sum3A_159[0, 0, 0] : i32 from vector<1x1x1xi32>
    %eq3A_161 = arith.constant 4 : i32
    %eq3A_162 = vector.broadcast %eq3A_161 : i32 to vector<16x256xi32>
    %eq3A_163 = arith.cmpi eq, %select_n3A, %eq3A_162 : vector<16x256xi32>
    %broadcast_in_dim3A_164 = vector.broadcast %reduce_sum3A_151 : i32 to vector<16x256xi32>
    %select_n3A_165 = arith.select %eq3A_163, %broadcast_in_dim3A_164, %select_n3A_137 : vector<16x256xi1>, vector<16x256xi32>
    %eq3A_166 = arith.constant 4 : i32
    %eq3A_167 = vector.broadcast %eq3A_166 : i32 to vector<16x256xi32>
    %eq3A_168 = arith.cmpi eq, %select_n3A, %eq3A_167 : vector<16x256xi32>
    %broadcast_in_dim3A_169 = vector.broadcast %reduce_sum3A_160 : i32 to vector<16x256xi32>
    %select_n3A_170 = arith.select %eq3A_168, %broadcast_in_dim3A_169, %select_n3A_142 : vector<16x256xi1>, vector<16x256xi32>
    %eq3A_171 = arith.constant 5 : i32
    %eq3A_172 = vector.broadcast %eq3A_171 : i32 to vector<16x128xi32>
    %eq3A_173 = arith.cmpi eq, %get3A_1, %eq3A_172 : vector<16x128xi32>
    %convert_element_type3A_174 = arith.extui %eq3A_173 : vector<16x128xi1> to vector<16x128xi32>
    %reduce_sum3A_175 = vector.shape_cast %convert_element_type3A_174 : vector<16x128xi32> to vector<1x16x128xi32>
    %reduce_sum3A_176 = arith.constant dense<0> : vector<1xi32>
    %reduce_sum3A_177 = vector.multi_reduction <add>, %reduce_sum3A_175, %reduce_sum3A_176 [1, 2] : vector<1x16x128xi32> to vector<1xi32>
    %reduce_sum3A_178 = vector.shape_cast %reduce_sum3A_177 : vector<1xi32> to vector<1x1x1xi32>
    %reduce_sum3A_179 = vector.extract %reduce_sum3A_178[0, 0, 0] : i32 from vector<1x1x1xi32>
    %lt3A_180 = arith.constant 5 : i32
    %lt3A_181 = vector.broadcast %lt3A_180 : i32 to vector<16x128xi32>
    %lt3A_182 = arith.cmpi slt, %get3A_1, %lt3A_181 : vector<16x128xi32>
    %convert_element_type3A_183 = arith.extui %lt3A_182 : vector<16x128xi1> to vector<16x128xi32>
    %reduce_sum3A_184 = vector.shape_cast %convert_element_type3A_183 : vector<16x128xi32> to vector<1x16x128xi32>
    %reduce_sum3A_185 = arith.constant dense<0> : vector<1xi32>
    %reduce_sum3A_186 = vector.multi_reduction <add>, %reduce_sum3A_184, %reduce_sum3A_185 [1, 2] : vector<1x16x128xi32> to vector<1xi32>
    %reduce_sum3A_187 = vector.shape_cast %reduce_sum3A_186 : vector<1xi32> to vector<1x1x1xi32>
    %reduce_sum3A_188 = vector.extract %reduce_sum3A_187[0, 0, 0] : i32 from vector<1x1x1xi32>
    %eq3A_189 = arith.constant 5 : i32
    %eq3A_190 = vector.broadcast %eq3A_189 : i32 to vector<16x256xi32>
    %eq3A_191 = arith.cmpi eq, %select_n3A, %eq3A_190 : vector<16x256xi32>
    %broadcast_in_dim3A_192 = vector.broadcast %reduce_sum3A_179 : i32 to vector<16x256xi32>
    %select_n3A_193 = arith.select %eq3A_191, %broadcast_in_dim3A_192, %select_n3A_165 : vector<16x256xi1>, vector<16x256xi32>
    %eq3A_194 = arith.constant 5 : i32
    %eq3A_195 = vector.broadcast %eq3A_194 : i32 to vector<16x256xi32>
    %eq3A_196 = arith.cmpi eq, %select_n3A, %eq3A_195 : vector<16x256xi32>
    %broadcast_in_dim3A_197 = vector.broadcast %reduce_sum3A_188 : i32 to vector<16x256xi32>
    %select_n3A_198 = arith.select %eq3A_196, %broadcast_in_dim3A_197, %select_n3A_170 : vector<16x256xi1>, vector<16x256xi32>
    %eq3A_199 = arith.constant 6 : i32
    %eq3A_200 = vector.broadcast %eq3A_199 : i32 to vector<16x128xi32>
    %eq3A_201 = arith.cmpi eq, %get3A_1, %eq3A_200 : vector<16x128xi32>
    %convert_element_type3A_202 = arith.extui %eq3A_201 : vector<16x128xi1> to vector<16x128xi32>
    %reduce_sum3A_203 = vector.shape_cast %convert_element_type3A_202 : vector<16x128xi32> to vector<1x16x128xi32>
    %reduce_sum3A_204 = arith.constant dense<0> : vector<1xi32>
    %reduce_sum3A_205 = vector.multi_reduction <add>, %reduce_sum3A_203, %reduce_sum3A_204 [1, 2] : vector<1x16x128xi32> to vector<1xi32>
    %reduce_sum3A_206 = vector.shape_cast %reduce_sum3A_205 : vector<1xi32> to vector<1x1x1xi32>
    %reduce_sum3A_207 = vector.extract %reduce_sum3A_206[0, 0, 0] : i32 from vector<1x1x1xi32>
    %lt3A_208 = arith.constant 6 : i32
    %lt3A_209 = vector.broadcast %lt3A_208 : i32 to vector<16x128xi32>
    %lt3A_210 = arith.cmpi slt, %get3A_1, %lt3A_209 : vector<16x128xi32>
    %convert_element_type3A_211 = arith.extui %lt3A_210 : vector<16x128xi1> to vector<16x128xi32>
    %reduce_sum3A_212 = vector.shape_cast %convert_element_type3A_211 : vector<16x128xi32> to vector<1x16x128xi32>
    %reduce_sum3A_213 = arith.constant dense<0> : vector<1xi32>
    %reduce_sum3A_214 = vector.multi_reduction <add>, %reduce_sum3A_212, %reduce_sum3A_213 [1, 2] : vector<1x16x128xi32> to vector<1xi32>
    %reduce_sum3A_215 = vector.shape_cast %reduce_sum3A_214 : vector<1xi32> to vector<1x1x1xi32>
    %reduce_sum3A_216 = vector.extract %reduce_sum3A_215[0, 0, 0] : i32 from vector<1x1x1xi32>
    %eq3A_217 = arith.constant 6 : i32
    %eq3A_218 = vector.broadcast %eq3A_217 : i32 to vector<16x256xi32>
    %eq3A_219 = arith.cmpi eq, %select_n3A, %eq3A_218 : vector<16x256xi32>
    %broadcast_in_dim3A_220 = vector.broadcast %reduce_sum3A_207 : i32 to vector<16x256xi32>
    %select_n3A_221 = arith.select %eq3A_219, %broadcast_in_dim3A_220, %select_n3A_193 : vector<16x256xi1>, vector<16x256xi32>
    %eq3A_222 = arith.constant 6 : i32
    %eq3A_223 = vector.broadcast %eq3A_222 : i32 to vector<16x256xi32>
    %eq3A_224 = arith.cmpi eq, %select_n3A, %eq3A_223 : vector<16x256xi32>
    %broadcast_in_dim3A_225 = vector.broadcast %reduce_sum3A_216 : i32 to vector<16x256xi32>
    %select_n3A_226 = arith.select %eq3A_224, %broadcast_in_dim3A_225, %select_n3A_198 : vector<16x256xi1>, vector<16x256xi32>
    %eq3A_227 = arith.constant 7 : i32
    %eq3A_228 = vector.broadcast %eq3A_227 : i32 to vector<16x128xi32>
    %eq3A_229 = arith.cmpi eq, %get3A_1, %eq3A_228 : vector<16x128xi32>
    %convert_element_type3A_230 = arith.extui %eq3A_229 : vector<16x128xi1> to vector<16x128xi32>
    %reduce_sum3A_231 = vector.shape_cast %convert_element_type3A_230 : vector<16x128xi32> to vector<1x16x128xi32>
    %reduce_sum3A_232 = arith.constant dense<0> : vector<1xi32>
    %reduce_sum3A_233 = vector.multi_reduction <add>, %reduce_sum3A_231, %reduce_sum3A_232 [1, 2] : vector<1x16x128xi32> to vector<1xi32>
    %reduce_sum3A_234 = vector.shape_cast %reduce_sum3A_233 : vector<1xi32> to vector<1x1x1xi32>
    %reduce_sum3A_235 = vector.extract %reduce_sum3A_234[0, 0, 0] : i32 from vector<1x1x1xi32>
    %lt3A_236 = arith.constant 7 : i32
    %lt3A_237 = vector.broadcast %lt3A_236 : i32 to vector<16x128xi32>
    %lt3A_238 = arith.cmpi slt, %get3A_1, %lt3A_237 : vector<16x128xi32>
    %convert_element_type3A_239 = arith.extui %lt3A_238 : vector<16x128xi1> to vector<16x128xi32>
    %reduce_sum3A_240 = vector.shape_cast %convert_element_type3A_239 : vector<16x128xi32> to vector<1x16x128xi32>
    %reduce_sum3A_241 = arith.constant dense<0> : vector<1xi32>
    %reduce_sum3A_242 = vector.multi_reduction <add>, %reduce_sum3A_240, %reduce_sum3A_241 [1, 2] : vector<1x16x128xi32> to vector<1xi32>
    %reduce_sum3A_243 = vector.shape_cast %reduce_sum3A_242 : vector<1xi32> to vector<1x1x1xi32>
    %reduce_sum3A_244 = vector.extract %reduce_sum3A_243[0, 0, 0] : i32 from vector<1x1x1xi32>
    %eq3A_245 = arith.constant 7 : i32
    %eq3A_246 = vector.broadcast %eq3A_245 : i32 to vector<16x256xi32>
    %eq3A_247 = arith.cmpi eq, %select_n3A, %eq3A_246 : vector<16x256xi32>
    %broadcast_in_dim3A_248 = vector.broadcast %reduce_sum3A_235 : i32 to vector<16x256xi32>
    %select_n3A_249 = arith.select %eq3A_247, %broadcast_in_dim3A_248, %select_n3A_221 : vector<16x256xi1>, vector<16x256xi32>
    %eq3A_250 = arith.constant 7 : i32
    %eq3A_251 = vector.broadcast %eq3A_250 : i32 to vector<16x256xi32>
    %eq3A_252 = arith.cmpi eq, %select_n3A, %eq3A_251 : vector<16x256xi32>
    %broadcast_in_dim3A_253 = vector.broadcast %reduce_sum3A_244 : i32 to vector<16x256xi32>
    %select_n3A_254 = arith.select %eq3A_252, %broadcast_in_dim3A_253, %select_n3A_226 : vector<16x256xi1>, vector<16x256xi32>
    %lt3A_255 = arith.cmpi slt, %sub3A_31, %select_n3A_249 : vector<16x256xi32>
    %add3A_256 = arith.addi %select_n3A_254, %sub3A_31 : vector<16x256xi32>
    %add3A_257 = arith.constant 2048 : i32
    %add3A_258 = vector.broadcast %add3A_257 : i32 to vector<16x256xi32>
    %add3A_259 = arith.addi %add3A_258, %sub3A_31 : vector<16x256xi32>
    %select_n3A_260 = arith.select %lt3A_255, %add3A_256, %add3A_259 : vector<16x256xi1>, vector<16x256xi32>
    %swap3A = arith.constant 0 : index
    %swap3A_261 = arith.constant 0 : index
    %swap3A_262 = vector.load %arg1[%swap3A, %swap3A_261] : memref<16x256xi32, #tpu.memory_space<vmem>>, vector<16x256xi32>
    tpu.vector_store %arg1[%swap3A, %swap3A_261], %select_n3A_260 {strides = array<i32>} : memref<16x256xi32, #tpu.memory_space<vmem>>, vector<16x256xi32>,
    return
  }
}

module attributes {stable_mosaic.version = 14 : i64} {
  func.func @_tc_mask(%arg0: memref<16x128xi32, #tpu.memory_space<vmem>>, %arg1: memref<8x16x512x512xf32, #tpu.memory_space<any>>, %arg2: memref<8x512x512xf32, #tpu.memory_space<vmem>>, %arg3: memref<!tpu.dma_semaphore, #tpu.memory_space<semaphore_mem>>) attributes {dimension_semantics = [], scalar_prefetch = 0 : i64, scratch_operands = 2 : i64, tpu.core_type = #tpu.core_type<tc>} {
    %get3A = arith.constant 0 : index
    %get3A_0 = arith.constant 0 : index
    %get3A_1 = vector.load %arg0[%get3A, %get3A_0] : memref<16x128xi32, #tpu.memory_space<vmem>>, vector<16x128xi32>
    %iota3A = tpu.iota {dimensions = array<i32: 1>} : vector<512x512xi32>
    %eq3A = arith.constant 0 : i32
    %eq3A_2 = vector.broadcast %eq3A : i32 to vector<16x128xi32>
    %eq3A_3 = arith.cmpi eq, %get3A_1, %eq3A_2 : vector<16x128xi32>
    %convert_element_type3A = arith.extui %eq3A_3 : vector<16x128xi1> to vector<16x128xi32>
    %reduce_sum3A = vector.shape_cast %convert_element_type3A : vector<16x128xi32> to vector<1x16x128xi32>
    %reduce_sum3A_4 = arith.constant dense<0> : vector<1xi32>
    %reduce_sum3A_5 = vector.multi_reduction <add>, %reduce_sum3A, %reduce_sum3A_4 [1, 2] : vector<1x16x128xi32> to vector<1xi32>
    %reduce_sum3A_6 = vector.shape_cast %reduce_sum3A_5 : vector<1xi32> to vector<1x1x1xi32>
    %reduce_sum3A_7 = vector.extract %reduce_sum3A_6[0, 0, 0] : i32 from vector<1x1x1xi32>
    %ge3A = vector.broadcast %reduce_sum3A_7 : i32 to vector<512x512xi32>
    %ge3A_8 = arith.cmpi sge, %iota3A, %ge3A : vector<512x512xi32>
    %jit3A = arith.constant -1.000000e+09 : f32
    %jit3A_9 = arith.constant 0.000000e+00 : f32
    %broadcast_in_dim3A = vector.broadcast %jit3A : f32 to vector<512x512xf32>
    %broadcast_in_dim3A_10 = vector.broadcast %jit3A_9 : f32 to vector<512x512xf32>
    %select_n3A = arith.select %ge3A_8, %broadcast_in_dim3A, %broadcast_in_dim3A_10 : vector<512x512xi1>, vector<512x512xf32>
    %swap3A = arith.constant 0 : index
    %swap3A_11 = arith.constant 0 : index
    %swap3A_12 = arith.constant 0 : index
    %swap3A_13 = vector.load %arg2[%swap3A, %swap3A_11, %swap3A_12] : memref<8x512x512xf32, #tpu.memory_space<vmem>>, vector<1x512x512xf32>
    %swap3A_14 = vector.shape_cast %swap3A_13 : vector<1x512x512xf32> to vector<512x512xf32>
    %swap3A_15 = vector.shape_cast %select_n3A : vector<512x512xf32> to vector<1x512x512xf32>
    tpu.vector_store %arg2[%swap3A, %swap3A_11, %swap3A_12], %swap3A_15 {strides = array<i32>} : memref<8x512x512xf32, #tpu.memory_space<vmem>>, vector<1x512x512xf32>,
    %dma_start3A = arith.constant 0 : i32
    %dma_start3A_16 = arith.constant 0 : i32
    %dma_start3A_17 = arith.constant 0 : i32
    %dma_start3A_18 = arith.constant 0 : i32
    %dma_start3A_19 = arith.constant 0 : i32
    %dma_start3A_20 = tpu.memref_slice %arg1[%dma_start3A_16, %dma_start3A_17, %dma_start3A_18, %dma_start3A_19] : memref<8x16x512x512xf32, #tpu.memory_space<any>> -> memref<1x1x512x512xf32, #tpu.memory_space<any>>
    %dma_start3A_21 = tpu.memref_squeeze %dma_start3A_20 : memref<1x1x512x512xf32, #tpu.memory_space<any>> -> memref<512x512xf32, #tpu.memory_space<any>>
    %dma_start3A_22 = arith.constant 0 : i32
    %dma_start3A_23 = arith.constant 0 : i32
    %dma_start3A_24 = tpu.memref_slice %arg2[%dma_start3A, %dma_start3A_22, %dma_start3A_23] : memref<8x512x512xf32, #tpu.memory_space<vmem>> -> memref<1x512x512xf32, #tpu.memory_space<vmem>>
    %dma_start3A_25 = tpu.memref_squeeze %dma_start3A_24 : memref<1x512x512xf32, #tpu.memory_space<vmem>> -> memref<512x512xf32, #tpu.memory_space<vmem>>
    tpu.enqueue_dma source(%dma_start3A_25 : memref<512x512xf32, #tpu.memory_space<vmem>>) target(%dma_start3A_21 : memref<512x512xf32, #tpu.memory_space<any>>) target_semaphore(%arg3 : memref<!tpu.dma_semaphore, #tpu.memory_space<semaphore_mem>>)
    %dma_start3A_26 = arith.constant 0 : i32
    %dma_start3A_27 = arith.constant 0 : i32
    %dma_start3A_28 = arith.constant 1 : i32
    %dma_start3A_29 = arith.constant 0 : i32
    %dma_start3A_30 = arith.constant 0 : i32
    %dma_start3A_31 = tpu.memref_slice %arg1[%dma_start3A_27, %dma_start3A_28, %dma_start3A_29, %dma_start3A_30] : memref<8x16x512x512xf32, #tpu.memory_space<any>> -> memref<1x1x512x512xf32, #tpu.memory_space<any>>
    %dma_start3A_32 = tpu.memref_squeeze %dma_start3A_31 : memref<1x1x512x512xf32, #tpu.memory_space<any>> -> memref<512x512xf32, #tpu.memory_space<any>>
    %dma_start3A_33 = arith.constant 0 : i32
    %dma_start3A_34 = arith.constant 0 : i32
    %dma_start3A_35 = tpu.memref_slice %arg2[%dma_start3A_26, %dma_start3A_33, %dma_start3A_34] : memref<8x512x512xf32, #tpu.memory_space<vmem>> -> memref<1x512x512xf32, #tpu.memory_space<vmem>>
    %dma_start3A_36 = tpu.memref_squeeze %dma_start3A_35 : memref<1x512x512xf32, #tpu.memory_space<vmem>> -> memref<512x512xf32, #tpu.memory_space<vmem>>
    tpu.enqueue_dma source(%dma_start3A_36 : memref<512x512xf32, #tpu.memory_space<vmem>>) target(%dma_start3A_32 : memref<512x512xf32, #tpu.memory_space<any>>) target_semaphore(%arg3 : memref<!tpu.dma_semaphore, #tpu.memory_space<semaphore_mem>>)
    %dma_start3A_37 = arith.constant 0 : i32
    %dma_start3A_38 = arith.constant 0 : i32
    %dma_start3A_39 = arith.constant 2 : i32
    %dma_start3A_40 = arith.constant 0 : i32
    %dma_start3A_41 = arith.constant 0 : i32
    %dma_start3A_42 = tpu.memref_slice %arg1[%dma_start3A_38, %dma_start3A_39, %dma_start3A_40, %dma_start3A_41] : memref<8x16x512x512xf32, #tpu.memory_space<any>> -> memref<1x1x512x512xf32, #tpu.memory_space<any>>
    %dma_start3A_43 = tpu.memref_squeeze %dma_start3A_42 : memref<1x1x512x512xf32, #tpu.memory_space<any>> -> memref<512x512xf32, #tpu.memory_space<any>>
    %dma_start3A_44 = arith.constant 0 : i32
    %dma_start3A_45 = arith.constant 0 : i32
    %dma_start3A_46 = tpu.memref_slice %arg2[%dma_start3A_37, %dma_start3A_44, %dma_start3A_45] : memref<8x512x512xf32, #tpu.memory_space<vmem>> -> memref<1x512x512xf32, #tpu.memory_space<vmem>>
    %dma_start3A_47 = tpu.memref_squeeze %dma_start3A_46 : memref<1x512x512xf32, #tpu.memory_space<vmem>> -> memref<512x512xf32, #tpu.memory_space<vmem>>
    tpu.enqueue_dma source(%dma_start3A_47 : memref<512x512xf32, #tpu.memory_space<vmem>>) target(%dma_start3A_43 : memref<512x512xf32, #tpu.memory_space<any>>) target_semaphore(%arg3 : memref<!tpu.dma_semaphore, #tpu.memory_space<semaphore_mem>>)
    %dma_start3A_48 = arith.constant 0 : i32
    %dma_start3A_49 = arith.constant 0 : i32
    %dma_start3A_50 = arith.constant 3 : i32
    %dma_start3A_51 = arith.constant 0 : i32
    %dma_start3A_52 = arith.constant 0 : i32
    %dma_start3A_53 = tpu.memref_slice %arg1[%dma_start3A_49, %dma_start3A_50, %dma_start3A_51, %dma_start3A_52] : memref<8x16x512x512xf32, #tpu.memory_space<any>> -> memref<1x1x512x512xf32, #tpu.memory_space<any>>
    %dma_start3A_54 = tpu.memref_squeeze %dma_start3A_53 : memref<1x1x512x512xf32, #tpu.memory_space<any>> -> memref<512x512xf32, #tpu.memory_space<any>>
    %dma_start3A_55 = arith.constant 0 : i32
    %dma_start3A_56 = arith.constant 0 : i32
    %dma_start3A_57 = tpu.memref_slice %arg2[%dma_start3A_48, %dma_start3A_55, %dma_start3A_56] : memref<8x512x512xf32, #tpu.memory_space<vmem>> -> memref<1x512x512xf32, #tpu.memory_space<vmem>>
    %dma_start3A_58 = tpu.memref_squeeze %dma_start3A_57 : memref<1x512x512xf32, #tpu.memory_space<vmem>> -> memref<512x512xf32, #tpu.memory_space<vmem>>
    tpu.enqueue_dma source(%dma_start3A_58 : memref<512x512xf32, #tpu.memory_space<vmem>>) target(%dma_start3A_54 : memref<512x512xf32, #tpu.memory_space<any>>) target_semaphore(%arg3 : memref<!tpu.dma_semaphore, #tpu.memory_space<semaphore_mem>>)
    %dma_start3A_59 = arith.constant 0 : i32
    %dma_start3A_60 = arith.constant 0 : i32
    %dma_start3A_61 = arith.constant 4 : i32
    %dma_start3A_62 = arith.constant 0 : i32
    %dma_start3A_63 = arith.constant 0 : i32
    %dma_start3A_64 = tpu.memref_slice %arg1[%dma_start3A_60, %dma_start3A_61, %dma_start3A_62, %dma_start3A_63] : memref<8x16x512x512xf32, #tpu.memory_space<any>> -> memref<1x1x512x512xf32, #tpu.memory_space<any>>
    %dma_start3A_65 = tpu.memref_squeeze %dma_start3A_64 : memref<1x1x512x512xf32, #tpu.memory_space<any>> -> memref<512x512xf32, #tpu.memory_space<any>>
    %dma_start3A_66 = arith.constant 0 : i32
    %dma_start3A_67 = arith.constant 0 : i32
    %dma_start3A_68 = tpu.memref_slice %arg2[%dma_start3A_59, %dma_start3A_66, %dma_start3A_67] : memref<8x512x512xf32, #tpu.memory_space<vmem>> -> memref<1x512x512xf32, #tpu.memory_space<vmem>>
    %dma_start3A_69 = tpu.memref_squeeze %dma_start3A_68 : memref<1x512x512xf32, #tpu.memory_space<vmem>> -> memref<512x512xf32, #tpu.memory_space<vmem>>
    tpu.enqueue_dma source(%dma_start3A_69 : memref<512x512xf32, #tpu.memory_space<vmem>>) target(%dma_start3A_65 : memref<512x512xf32, #tpu.memory_space<any>>) target_semaphore(%arg3 : memref<!tpu.dma_semaphore, #tpu.memory_space<semaphore_mem>>)
    %dma_start3A_70 = arith.constant 0 : i32
    %dma_start3A_71 = arith.constant 0 : i32
    %dma_start3A_72 = arith.constant 5 : i32
    %dma_start3A_73 = arith.constant 0 : i32
    %dma_start3A_74 = arith.constant 0 : i32
    %dma_start3A_75 = tpu.memref_slice %arg1[%dma_start3A_71, %dma_start3A_72, %dma_start3A_73, %dma_start3A_74] : memref<8x16x512x512xf32, #tpu.memory_space<any>> -> memref<1x1x512x512xf32, #tpu.memory_space<any>>
    %dma_start3A_76 = tpu.memref_squeeze %dma_start3A_75 : memref<1x1x512x512xf32, #tpu.memory_space<any>> -> memref<512x512xf32, #tpu.memory_space<any>>
    %dma_start3A_77 = arith.constant 0 : i32
    %dma_start3A_78 = arith.constant 0 : i32
    %dma_start3A_79 = tpu.memref_slice %arg2[%dma_start3A_70, %dma_start3A_77, %dma_start3A_78] : memref<8x512x512xf32, #tpu.memory_space<vmem>> -> memref<1x512x512xf32, #tpu.memory_space<vmem>>
    %dma_start3A_80 = tpu.memref_squeeze %dma_start3A_79 : memref<1x512x512xf32, #tpu.memory_space<vmem>> -> memref<512x512xf32, #tpu.memory_space<vmem>>
    tpu.enqueue_dma source(%dma_start3A_80 : memref<512x512xf32, #tpu.memory_space<vmem>>) target(%dma_start3A_76 : memref<512x512xf32, #tpu.memory_space<any>>) target_semaphore(%arg3 : memref<!tpu.dma_semaphore, #tpu.memory_space<semaphore_mem>>)
    %dma_start3A_81 = arith.constant 0 : i32
    %dma_start3A_82 = arith.constant 0 : i32
    %dma_start3A_83 = arith.constant 6 : i32
    %dma_start3A_84 = arith.constant 0 : i32
    %dma_start3A_85 = arith.constant 0 : i32
    %dma_start3A_86 = tpu.memref_slice %arg1[%dma_start3A_82, %dma_start3A_83, %dma_start3A_84, %dma_start3A_85] : memref<8x16x512x512xf32, #tpu.memory_space<any>> -> memref<1x1x512x512xf32, #tpu.memory_space<any>>
    %dma_start3A_87 = tpu.memref_squeeze %dma_start3A_86 : memref<1x1x512x512xf32, #tpu.memory_space<any>> -> memref<512x512xf32, #tpu.memory_space<any>>
    %dma_start3A_88 = arith.constant 0 : i32
    %dma_start3A_89 = arith.constant 0 : i32
    %dma_start3A_90 = tpu.memref_slice %arg2[%dma_start3A_81, %dma_start3A_88, %dma_start3A_89] : memref<8x512x512xf32, #tpu.memory_space<vmem>> -> memref<1x512x512xf32, #tpu.memory_space<vmem>>
    %dma_start3A_91 = tpu.memref_squeeze %dma_start3A_90 : memref<1x512x512xf32, #tpu.memory_space<vmem>> -> memref<512x512xf32, #tpu.memory_space<vmem>>
    tpu.enqueue_dma source(%dma_start3A_91 : memref<512x512xf32, #tpu.memory_space<vmem>>) target(%dma_start3A_87 : memref<512x512xf32, #tpu.memory_space<any>>) target_semaphore(%arg3 : memref<!tpu.dma_semaphore, #tpu.memory_space<semaphore_mem>>)
    %dma_start3A_92 = arith.constant 0 : i32
    %dma_start3A_93 = arith.constant 0 : i32
    %dma_start3A_94 = arith.constant 7 : i32
    %dma_start3A_95 = arith.constant 0 : i32
    %dma_start3A_96 = arith.constant 0 : i32
    %dma_start3A_97 = tpu.memref_slice %arg1[%dma_start3A_93, %dma_start3A_94, %dma_start3A_95, %dma_start3A_96] : memref<8x16x512x512xf32, #tpu.memory_space<any>> -> memref<1x1x512x512xf32, #tpu.memory_space<any>>
    %dma_start3A_98 = tpu.memref_squeeze %dma_start3A_97 : memref<1x1x512x512xf32, #tpu.memory_space<any>> -> memref<512x512xf32, #tpu.memory_space<any>>
    %dma_start3A_99 = arith.constant 0 : i32
    %dma_start3A_100 = arith.constant 0 : i32
    %dma_start3A_101 = tpu.memref_slice %arg2[%dma_start3A_92, %dma_start3A_99, %dma_start3A_100] : memref<8x512x512xf32, #tpu.memory_space<vmem>> -> memref<1x512x512xf32, #tpu.memory_space<vmem>>
    %dma_start3A_102 = tpu.memref_squeeze %dma_start3A_101 : memref<1x512x512xf32, #tpu.memory_space<vmem>> -> memref<512x512xf32, #tpu.memory_space<vmem>>
    tpu.enqueue_dma source(%dma_start3A_102 : memref<512x512xf32, #tpu.memory_space<vmem>>) target(%dma_start3A_98 : memref<512x512xf32, #tpu.memory_space<any>>) target_semaphore(%arg3 : memref<!tpu.dma_semaphore, #tpu.memory_space<semaphore_mem>>)
    %dma_start3A_103 = arith.constant 0 : i32
    %dma_start3A_104 = arith.constant 0 : i32
    %dma_start3A_105 = arith.constant 8 : i32
    %dma_start3A_106 = arith.constant 0 : i32
    %dma_start3A_107 = arith.constant 0 : i32
    %dma_start3A_108 = tpu.memref_slice %arg1[%dma_start3A_104, %dma_start3A_105, %dma_start3A_106, %dma_start3A_107] : memref<8x16x512x512xf32, #tpu.memory_space<any>> -> memref<1x1x512x512xf32, #tpu.memory_space<any>>
    %dma_start3A_109 = tpu.memref_squeeze %dma_start3A_108 : memref<1x1x512x512xf32, #tpu.memory_space<any>> -> memref<512x512xf32, #tpu.memory_space<any>>
    %dma_start3A_110 = arith.constant 0 : i32
    %dma_start3A_111 = arith.constant 0 : i32
    %dma_start3A_112 = tpu.memref_slice %arg2[%dma_start3A_103, %dma_start3A_110, %dma_start3A_111] : memref<8x512x512xf32, #tpu.memory_space<vmem>> -> memref<1x512x512xf32, #tpu.memory_space<vmem>>
    %dma_start3A_113 = tpu.memref_squeeze %dma_start3A_112 : memref<1x512x512xf32, #tpu.memory_space<vmem>> -> memref<512x512xf32, #tpu.memory_space<vmem>>
    tpu.enqueue_dma source(%dma_start3A_113 : memref<512x512xf32, #tpu.memory_space<vmem>>) target(%dma_start3A_109 : memref<512x512xf32, #tpu.memory_space<any>>) target_semaphore(%arg3 : memref<!tpu.dma_semaphore, #tpu.memory_space<semaphore_mem>>)
    %dma_start3A_114 = arith.constant 0 : i32
    %dma_start3A_115 = arith.constant 0 : i32
    %dma_start3A_116 = arith.constant 9 : i32
    %dma_start3A_117 = arith.constant 0 : i32
    %dma_start3A_118 = arith.constant 0 : i32
    %dma_start3A_119 = tpu.memref_slice %arg1[%dma_start3A_115, %dma_start3A_116, %dma_start3A_117, %dma_start3A_118] : memref<8x16x512x512xf32, #tpu.memory_space<any>> -> memref<1x1x512x512xf32, #tpu.memory_space<any>>
    %dma_start3A_120 = tpu.memref_squeeze %dma_start3A_119 : memref<1x1x512x512xf32, #tpu.memory_space<any>> -> memref<512x512xf32, #tpu.memory_space<any>>
    %dma_start3A_121 = arith.constant 0 : i32
    %dma_start3A_122 = arith.constant 0 : i32
    %dma_start3A_123 = tpu.memref_slice %arg2[%dma_start3A_114, %dma_start3A_121, %dma_start3A_122] : memref<8x512x512xf32, #tpu.memory_space<vmem>> -> memref<1x512x512xf32, #tpu.memory_space<vmem>>
    %dma_start3A_124 = tpu.memref_squeeze %dma_start3A_123 : memref<1x512x512xf32, #tpu.memory_space<vmem>> -> memref<512x512xf32, #tpu.memory_space<vmem>>
    tpu.enqueue_dma source(%dma_start3A_124 : memref<512x512xf32, #tpu.memory_space<vmem>>) target(%dma_start3A_120 : memref<512x512xf32, #tpu.memory_space<any>>) target_semaphore(%arg3 : memref<!tpu.dma_semaphore, #tpu.memory_space<semaphore_mem>>)
    %dma_start3A_125 = arith.constant 0 : i32
    %dma_start3A_126 = arith.constant 0 : i32
    %dma_start3A_127 = arith.constant 10 : i32
    %dma_start3A_128 = arith.constant 0 : i32
    %dma_start3A_129 = arith.constant 0 : i32
    %dma_start3A_130 = tpu.memref_slice %arg1[%dma_start3A_126, %dma_start3A_127, %dma_start3A_128, %dma_start3A_129] : memref<8x16x512x512xf32, #tpu.memory_space<any>> -> memref<1x1x512x512xf32, #tpu.memory_space<any>>
    %dma_start3A_131 = tpu.memref_squeeze %dma_start3A_130 : memref<1x1x512x512xf32, #tpu.memory_space<any>> -> memref<512x512xf32, #tpu.memory_space<any>>
    %dma_start3A_132 = arith.constant 0 : i32
    %dma_start3A_133 = arith.constant 0 : i32
    %dma_start3A_134 = tpu.memref_slice %arg2[%dma_start3A_125, %dma_start3A_132, %dma_start3A_133] : memref<8x512x512xf32, #tpu.memory_space<vmem>> -> memref<1x512x512xf32, #tpu.memory_space<vmem>>
    %dma_start3A_135 = tpu.memref_squeeze %dma_start3A_134 : memref<1x512x512xf32, #tpu.memory_space<vmem>> -> memref<512x512xf32, #tpu.memory_space<vmem>>
    tpu.enqueue_dma source(%dma_start3A_135 : memref<512x512xf32, #tpu.memory_space<vmem>>) target(%dma_start3A_131 : memref<512x512xf32, #tpu.memory_space<any>>) target_semaphore(%arg3 : memref<!tpu.dma_semaphore, #tpu.memory_space<semaphore_mem>>)
    %dma_start3A_136 = arith.constant 0 : i32
    %dma_start3A_137 = arith.constant 0 : i32
    %dma_start3A_138 = arith.constant 11 : i32
    %dma_start3A_139 = arith.constant 0 : i32
    %dma_start3A_140 = arith.constant 0 : i32
    %dma_start3A_141 = tpu.memref_slice %arg1[%dma_start3A_137, %dma_start3A_138, %dma_start3A_139, %dma_start3A_140] : memref<8x16x512x512xf32, #tpu.memory_space<any>> -> memref<1x1x512x512xf32, #tpu.memory_space<any>>
    %dma_start3A_142 = tpu.memref_squeeze %dma_start3A_141 : memref<1x1x512x512xf32, #tpu.memory_space<any>> -> memref<512x512xf32, #tpu.memory_space<any>>
    %dma_start3A_143 = arith.constant 0 : i32
    %dma_start3A_144 = arith.constant 0 : i32
    %dma_start3A_145 = tpu.memref_slice %arg2[%dma_start3A_136, %dma_start3A_143, %dma_start3A_144] : memref<8x512x512xf32, #tpu.memory_space<vmem>> -> memref<1x512x512xf32, #tpu.memory_space<vmem>>
    %dma_start3A_146 = tpu.memref_squeeze %dma_start3A_145 : memref<1x512x512xf32, #tpu.memory_space<vmem>> -> memref<512x512xf32, #tpu.memory_space<vmem>>
    tpu.enqueue_dma source(%dma_start3A_146 : memref<512x512xf32, #tpu.memory_space<vmem>>) target(%dma_start3A_142 : memref<512x512xf32, #tpu.memory_space<any>>) target_semaphore(%arg3 : memref<!tpu.dma_semaphore, #tpu.memory_space<semaphore_mem>>)
    %dma_start3A_147 = arith.constant 0 : i32
    %dma_start3A_148 = arith.constant 0 : i32
    %dma_start3A_149 = arith.constant 12 : i32
    %dma_start3A_150 = arith.constant 0 : i32
    %dma_start3A_151 = arith.constant 0 : i32
    %dma_start3A_152 = tpu.memref_slice %arg1[%dma_start3A_148, %dma_start3A_149, %dma_start3A_150, %dma_start3A_151] : memref<8x16x512x512xf32, #tpu.memory_space<any>> -> memref<1x1x512x512xf32, #tpu.memory_space<any>>
    %dma_start3A_153 = tpu.memref_squeeze %dma_start3A_152 : memref<1x1x512x512xf32, #tpu.memory_space<any>> -> memref<512x512xf32, #tpu.memory_space<any>>
    %dma_start3A_154 = arith.constant 0 : i32
    %dma_start3A_155 = arith.constant 0 : i32
    %dma_start3A_156 = tpu.memref_slice %arg2[%dma_start3A_147, %dma_start3A_154, %dma_start3A_155] : memref<8x512x512xf32, #tpu.memory_space<vmem>> -> memref<1x512x512xf32, #tpu.memory_space<vmem>>
    %dma_start3A_157 = tpu.memref_squeeze %dma_start3A_156 : memref<1x512x512xf32, #tpu.memory_space<vmem>> -> memref<512x512xf32, #tpu.memory_space<vmem>>
    tpu.enqueue_dma source(%dma_start3A_157 : memref<512x512xf32, #tpu.memory_space<vmem>>) target(%dma_start3A_153 : memref<512x512xf32, #tpu.memory_space<any>>) target_semaphore(%arg3 : memref<!tpu.dma_semaphore, #tpu.memory_space<semaphore_mem>>)
    %dma_start3A_158 = arith.constant 0 : i32
    %dma_start3A_159 = arith.constant 0 : i32
    %dma_start3A_160 = arith.constant 13 : i32
    %dma_start3A_161 = arith.constant 0 : i32
    %dma_start3A_162 = arith.constant 0 : i32
    %dma_start3A_163 = tpu.memref_slice %arg1[%dma_start3A_159, %dma_start3A_160, %dma_start3A_161, %dma_start3A_162] : memref<8x16x512x512xf32, #tpu.memory_space<any>> -> memref<1x1x512x512xf32, #tpu.memory_space<any>>
    %dma_start3A_164 = tpu.memref_squeeze %dma_start3A_163 : memref<1x1x512x512xf32, #tpu.memory_space<any>> -> memref<512x512xf32, #tpu.memory_space<any>>
    %dma_start3A_165 = arith.constant 0 : i32
    %dma_start3A_166 = arith.constant 0 : i32
    %dma_start3A_167 = tpu.memref_slice %arg2[%dma_start3A_158, %dma_start3A_165, %dma_start3A_166] : memref<8x512x512xf32, #tpu.memory_space<vmem>> -> memref<1x512x512xf32, #tpu.memory_space<vmem>>
    %dma_start3A_168 = tpu.memref_squeeze %dma_start3A_167 : memref<1x512x512xf32, #tpu.memory_space<vmem>> -> memref<512x512xf32, #tpu.memory_space<vmem>>
    tpu.enqueue_dma source(%dma_start3A_168 : memref<512x512xf32, #tpu.memory_space<vmem>>) target(%dma_start3A_164 : memref<512x512xf32, #tpu.memory_space<any>>) target_semaphore(%arg3 : memref<!tpu.dma_semaphore, #tpu.memory_space<semaphore_mem>>)
    %dma_start3A_169 = arith.constant 0 : i32
    %dma_start3A_170 = arith.constant 0 : i32
    %dma_start3A_171 = arith.constant 14 : i32
    %dma_start3A_172 = arith.constant 0 : i32
    %dma_start3A_173 = arith.constant 0 : i32
    %dma_start3A_174 = tpu.memref_slice %arg1[%dma_start3A_170, %dma_start3A_171, %dma_start3A_172, %dma_start3A_173] : memref<8x16x512x512xf32, #tpu.memory_space<any>> -> memref<1x1x512x512xf32, #tpu.memory_space<any>>
    %dma_start3A_175 = tpu.memref_squeeze %dma_start3A_174 : memref<1x1x512x512xf32, #tpu.memory_space<any>> -> memref<512x512xf32, #tpu.memory_space<any>>
    %dma_start3A_176 = arith.constant 0 : i32
    %dma_start3A_177 = arith.constant 0 : i32
    %dma_start3A_178 = tpu.memref_slice %arg2[%dma_start3A_169, %dma_start3A_176, %dma_start3A_177] : memref<8x512x512xf32, #tpu.memory_space<vmem>> -> memref<1x512x512xf32, #tpu.memory_space<vmem>>
    %dma_start3A_179 = tpu.memref_squeeze %dma_start3A_178 : memref<1x512x512xf32, #tpu.memory_space<vmem>> -> memref<512x512xf32, #tpu.memory_space<vmem>>
    tpu.enqueue_dma source(%dma_start3A_179 : memref<512x512xf32, #tpu.memory_space<vmem>>) target(%dma_start3A_175 : memref<512x512xf32, #tpu.memory_space<any>>) target_semaphore(%arg3 : memref<!tpu.dma_semaphore, #tpu.memory_space<semaphore_mem>>)
    %dma_start3A_180 = arith.constant 0 : i32
    %dma_start3A_181 = arith.constant 0 : i32
    %dma_start3A_182 = arith.constant 15 : i32
    %dma_start3A_183 = arith.constant 0 : i32
    %dma_start3A_184 = arith.constant 0 : i32
    %dma_start3A_185 = tpu.memref_slice %arg1[%dma_start3A_181, %dma_start3A_182, %dma_start3A_183, %dma_start3A_184] : memref<8x16x512x512xf32, #tpu.memory_space<any>> -> memref<1x1x512x512xf32, #tpu.memory_space<any>>
    %dma_start3A_186 = tpu.memref_squeeze %dma_start3A_185 : memref<1x1x512x512xf32, #tpu.memory_space<any>> -> memref<512x512xf32, #tpu.memory_space<any>>
    %dma_start3A_187 = arith.constant 0 : i32
    %dma_start3A_188 = arith.constant 0 : i32
    %dma_start3A_189 = tpu.memref_slice %arg2[%dma_start3A_180, %dma_start3A_187, %dma_start3A_188] : memref<8x512x512xf32, #tpu.memory_space<vmem>> -> memref<1x512x512xf32, #tpu.memory_space<vmem>>
    %dma_start3A_190 = tpu.memref_squeeze %dma_start3A_189 : memref<1x512x512xf32, #tpu.memory_space<vmem>> -> memref<512x512xf32, #tpu.memory_space<vmem>>
    tpu.enqueue_dma source(%dma_start3A_190 : memref<512x512xf32, #tpu.memory_space<vmem>>) target(%dma_start3A_186 : memref<512x512xf32, #tpu.memory_space<any>>) target_semaphore(%arg3 : memref<!tpu.dma_semaphore, #tpu.memory_space<semaphore_mem>>)
    %eq3A_191 = arith.constant 1 : i32
    %eq3A_192 = vector.broadcast %eq3A_191 : i32 to vector<16x128xi32>
    %eq3A_193 = arith.cmpi eq, %get3A_1, %eq3A_192 : vector<16x128xi32>
    %convert_element_type3A_194 = arith.extui %eq3A_193 : vector<16x128xi1> to vector<16x128xi32>
    %reduce_sum3A_195 = vector.shape_cast %convert_element_type3A_194 : vector<16x128xi32> to vector<1x16x128xi32>
    %reduce_sum3A_196 = arith.constant dense<0> : vector<1xi32>
    %reduce_sum3A_197 = vector.multi_reduction <add>, %reduce_sum3A_195, %reduce_sum3A_196 [1, 2] : vector<1x16x128xi32> to vector<1xi32>
    %reduce_sum3A_198 = vector.shape_cast %reduce_sum3A_197 : vector<1xi32> to vector<1x1x1xi32>
    %reduce_sum3A_199 = vector.extract %reduce_sum3A_198[0, 0, 0] : i32 from vector<1x1x1xi32>
    %ge3A_200 = vector.broadcast %reduce_sum3A_199 : i32 to vector<512x512xi32>
    %ge3A_201 = arith.cmpi sge, %iota3A, %ge3A_200 : vector<512x512xi32>
    %jit3A_202 = arith.constant -1.000000e+09 : f32
    %jit3A_203 = arith.constant 0.000000e+00 : f32
    %broadcast_in_dim3A_204 = vector.broadcast %jit3A_202 : f32 to vector<512x512xf32>
    %broadcast_in_dim3A_205 = vector.broadcast %jit3A_203 : f32 to vector<512x512xf32>
    %select_n3A_206 = arith.select %ge3A_201, %broadcast_in_dim3A_204, %broadcast_in_dim3A_205 : vector<512x512xi1>, vector<512x512xf32>
    %swap3A_207 = arith.constant 1 : index
    %swap3A_208 = arith.constant 0 : index
    %swap3A_209 = arith.constant 0 : index
    %swap3A_210 = vector.load %arg2[%swap3A_207, %swap3A_208, %swap3A_209] : memref<8x512x512xf32, #tpu.memory_space<vmem>>, vector<1x512x512xf32>
    %swap3A_211 = vector.shape_cast %swap3A_210 : vector<1x512x512xf32> to vector<512x512xf32>
    %swap3A_212 = vector.shape_cast %select_n3A_206 : vector<512x512xf32> to vector<1x512x512xf32>
    tpu.vector_store %arg2[%swap3A_207, %swap3A_208, %swap3A_209], %swap3A_212 {strides = array<i32>} : memref<8x512x512xf32, #tpu.memory_space<vmem>>, vector<1x512x512xf32>,
    %dma_start3A_213 = arith.constant 1 : i32
    %dma_start3A_214 = arith.constant 1 : i32
    %dma_start3A_215 = arith.constant 0 : i32
    %dma_start3A_216 = arith.constant 0 : i32
    %dma_start3A_217 = arith.constant 0 : i32
    %dma_start3A_218 = tpu.memref_slice %arg1[%dma_start3A_214, %dma_start3A_215, %dma_start3A_216, %dma_start3A_217] : memref<8x16x512x512xf32, #tpu.memory_space<any>> -> memref<1x1x512x512xf32, #tpu.memory_space<any>>
    %dma_start3A_219 = tpu.memref_squeeze %dma_start3A_218 : memref<1x1x512x512xf32, #tpu.memory_space<any>> -> memref<512x512xf32, #tpu.memory_space<any>>
    %dma_start3A_220 = arith.constant 0 : i32
    %dma_start3A_221 = arith.constant 0 : i32
    %dma_start3A_222 = tpu.memref_slice %arg2[%dma_start3A_213, %dma_start3A_220, %dma_start3A_221] : memref<8x512x512xf32, #tpu.memory_space<vmem>> -> memref<1x512x512xf32, #tpu.memory_space<vmem>>
    %dma_start3A_223 = tpu.memref_squeeze %dma_start3A_222 : memref<1x512x512xf32, #tpu.memory_space<vmem>> -> memref<512x512xf32, #tpu.memory_space<vmem>>
    tpu.enqueue_dma source(%dma_start3A_223 : memref<512x512xf32, #tpu.memory_space<vmem>>) target(%dma_start3A_219 : memref<512x512xf32, #tpu.memory_space<any>>) target_semaphore(%arg3 : memref<!tpu.dma_semaphore, #tpu.memory_space<semaphore_mem>>)
    %dma_start3A_224 = arith.constant 1 : i32
    %dma_start3A_225 = arith.constant 1 : i32
    %dma_start3A_226 = arith.constant 1 : i32
    %dma_start3A_227 = arith.constant 0 : i32
    %dma_start3A_228 = arith.constant 0 : i32
    %dma_start3A_229 = tpu.memref_slice %arg1[%dma_start3A_225, %dma_start3A_226, %dma_start3A_227, %dma_start3A_228] : memref<8x16x512x512xf32, #tpu.memory_space<any>> -> memref<1x1x512x512xf32, #tpu.memory_space<any>>
    %dma_start3A_230 = tpu.memref_squeeze %dma_start3A_229 : memref<1x1x512x512xf32, #tpu.memory_space<any>> -> memref<512x512xf32, #tpu.memory_space<any>>
    %dma_start3A_231 = arith.constant 0 : i32
    %dma_start3A_232 = arith.constant 0 : i32
    %dma_start3A_233 = tpu.memref_slice %arg2[%dma_start3A_224, %dma_start3A_231, %dma_start3A_232] : memref<8x512x512xf32, #tpu.memory_space<vmem>> -> memref<1x512x512xf32, #tpu.memory_space<vmem>>
    %dma_start3A_234 = tpu.memref_squeeze %dma_start3A_233 : memref<1x512x512xf32, #tpu.memory_space<vmem>> -> memref<512x512xf32, #tpu.memory_space<vmem>>
    tpu.enqueue_dma source(%dma_start3A_234 : memref<512x512xf32, #tpu.memory_space<vmem>>) target(%dma_start3A_230 : memref<512x512xf32, #tpu.memory_space<any>>) target_semaphore(%arg3 : memref<!tpu.dma_semaphore, #tpu.memory_space<semaphore_mem>>)
    %dma_start3A_235 = arith.constant 1 : i32
    %dma_start3A_236 = arith.constant 1 : i32
    %dma_start3A_237 = arith.constant 2 : i32
    %dma_start3A_238 = arith.constant 0 : i32
    %dma_start3A_239 = arith.constant 0 : i32
    %dma_start3A_240 = tpu.memref_slice %arg1[%dma_start3A_236, %dma_start3A_237, %dma_start3A_238, %dma_start3A_239] : memref<8x16x512x512xf32, #tpu.memory_space<any>> -> memref<1x1x512x512xf32, #tpu.memory_space<any>>
    %dma_start3A_241 = tpu.memref_squeeze %dma_start3A_240 : memref<1x1x512x512xf32, #tpu.memory_space<any>> -> memref<512x512xf32, #tpu.memory_space<any>>
    %dma_start3A_242 = arith.constant 0 : i32
    %dma_start3A_243 = arith.constant 0 : i32
    %dma_start3A_244 = tpu.memref_slice %arg2[%dma_start3A_235, %dma_start3A_242, %dma_start3A_243] : memref<8x512x512xf32, #tpu.memory_space<vmem>> -> memref<1x512x512xf32, #tpu.memory_space<vmem>>
    %dma_start3A_245 = tpu.memref_squeeze %dma_start3A_244 : memref<1x512x512xf32, #tpu.memory_space<vmem>> -> memref<512x512xf32, #tpu.memory_space<vmem>>
    tpu.enqueue_dma source(%dma_start3A_245 : memref<512x512xf32, #tpu.memory_space<vmem>>) target(%dma_start3A_241 : memref<512x512xf32, #tpu.memory_space<any>>) target_semaphore(%arg3 : memref<!tpu.dma_semaphore, #tpu.memory_space<semaphore_mem>>)
    %dma_start3A_246 = arith.constant 1 : i32
    %dma_start3A_247 = arith.constant 1 : i32
    %dma_start3A_248 = arith.constant 3 : i32
    %dma_start3A_249 = arith.constant 0 : i32
    %dma_start3A_250 = arith.constant 0 : i32
    %dma_start3A_251 = tpu.memref_slice %arg1[%dma_start3A_247, %dma_start3A_248, %dma_start3A_249, %dma_start3A_250] : memref<8x16x512x512xf32, #tpu.memory_space<any>> -> memref<1x1x512x512xf32, #tpu.memory_space<any>>
    %dma_start3A_252 = tpu.memref_squeeze %dma_start3A_251 : memref<1x1x512x512xf32, #tpu.memory_space<any>> -> memref<512x512xf32, #tpu.memory_space<any>>
    %dma_start3A_253 = arith.constant 0 : i32
    %dma_start3A_254 = arith.constant 0 : i32
    %dma_start3A_255 = tpu.memref_slice %arg2[%dma_start3A_246, %dma_start3A_253, %dma_start3A_254] : memref<8x512x512xf32, #tpu.memory_space<vmem>> -> memref<1x512x512xf32, #tpu.memory_space<vmem>>
    %dma_start3A_256 = tpu.memref_squeeze %dma_start3A_255 : memref<1x512x512xf32, #tpu.memory_space<vmem>> -> memref<512x512xf32, #tpu.memory_space<vmem>>
    tpu.enqueue_dma source(%dma_start3A_256 : memref<512x512xf32, #tpu.memory_space<vmem>>) target(%dma_start3A_252 : memref<512x512xf32, #tpu.memory_space<any>>) target_semaphore(%arg3 : memref<!tpu.dma_semaphore, #tpu.memory_space<semaphore_mem>>)
    %dma_start3A_257 = arith.constant 1 : i32
    %dma_start3A_258 = arith.constant 1 : i32
    %dma_start3A_259 = arith.constant 4 : i32
    %dma_start3A_260 = arith.constant 0 : i32
    %dma_start3A_261 = arith.constant 0 : i32
    %dma_start3A_262 = tpu.memref_slice %arg1[%dma_start3A_258, %dma_start3A_259, %dma_start3A_260, %dma_start3A_261] : memref<8x16x512x512xf32, #tpu.memory_space<any>> -> memref<1x1x512x512xf32, #tpu.memory_space<any>>
    %dma_start3A_263 = tpu.memref_squeeze %dma_start3A_262 : memref<1x1x512x512xf32, #tpu.memory_space<any>> -> memref<512x512xf32, #tpu.memory_space<any>>
    %dma_start3A_264 = arith.constant 0 : i32
    %dma_start3A_265 = arith.constant 0 : i32
    %dma_start3A_266 = tpu.memref_slice %arg2[%dma_start3A_257, %dma_start3A_264, %dma_start3A_265] : memref<8x512x512xf32, #tpu.memory_space<vmem>> -> memref<1x512x512xf32, #tpu.memory_space<vmem>>
    %dma_start3A_267 = tpu.memref_squeeze %dma_start3A_266 : memref<1x512x512xf32, #tpu.memory_space<vmem>> -> memref<512x512xf32, #tpu.memory_space<vmem>>
    tpu.enqueue_dma source(%dma_start3A_267 : memref<512x512xf32, #tpu.memory_space<vmem>>) target(%dma_start3A_263 : memref<512x512xf32, #tpu.memory_space<any>>) target_semaphore(%arg3 : memref<!tpu.dma_semaphore, #tpu.memory_space<semaphore_mem>>)
    %dma_start3A_268 = arith.constant 1 : i32
    %dma_start3A_269 = arith.constant 1 : i32
    %dma_start3A_270 = arith.constant 5 : i32
    %dma_start3A_271 = arith.constant 0 : i32
    %dma_start3A_272 = arith.constant 0 : i32
    %dma_start3A_273 = tpu.memref_slice %arg1[%dma_start3A_269, %dma_start3A_270, %dma_start3A_271, %dma_start3A_272] : memref<8x16x512x512xf32, #tpu.memory_space<any>> -> memref<1x1x512x512xf32, #tpu.memory_space<any>>
    %dma_start3A_274 = tpu.memref_squeeze %dma_start3A_273 : memref<1x1x512x512xf32, #tpu.memory_space<any>> -> memref<512x512xf32, #tpu.memory_space<any>>
    %dma_start3A_275 = arith.constant 0 : i32
    %dma_start3A_276 = arith.constant 0 : i32
    %dma_start3A_277 = tpu.memref_slice %arg2[%dma_start3A_268, %dma_start3A_275, %dma_start3A_276] : memref<8x512x512xf32, #tpu.memory_space<vmem>> -> memref<1x512x512xf32, #tpu.memory_space<vmem>>
    %dma_start3A_278 = tpu.memref_squeeze %dma_start3A_277 : memref<1x512x512xf32, #tpu.memory_space<vmem>> -> memref<512x512xf32, #tpu.memory_space<vmem>>
    tpu.enqueue_dma source(%dma_start3A_278 : memref<512x512xf32, #tpu.memory_space<vmem>>) target(%dma_start3A_274 : memref<512x512xf32, #tpu.memory_space<any>>) target_semaphore(%arg3 : memref<!tpu.dma_semaphore, #tpu.memory_space<semaphore_mem>>)
    %dma_start3A_279 = arith.constant 1 : i32
    %dma_start3A_280 = arith.constant 1 : i32
    %dma_start3A_281 = arith.constant 6 : i32
    %dma_start3A_282 = arith.constant 0 : i32
    %dma_start3A_283 = arith.constant 0 : i32
    %dma_start3A_284 = tpu.memref_slice %arg1[%dma_start3A_280, %dma_start3A_281, %dma_start3A_282, %dma_start3A_283] : memref<8x16x512x512xf32, #tpu.memory_space<any>> -> memref<1x1x512x512xf32, #tpu.memory_space<any>>
    %dma_start3A_285 = tpu.memref_squeeze %dma_start3A_284 : memref<1x1x512x512xf32, #tpu.memory_space<any>> -> memref<512x512xf32, #tpu.memory_space<any>>
    %dma_start3A_286 = arith.constant 0 : i32
    %dma_start3A_287 = arith.constant 0 : i32
    %dma_start3A_288 = tpu.memref_slice %arg2[%dma_start3A_279, %dma_start3A_286, %dma_start3A_287] : memref<8x512x512xf32, #tpu.memory_space<vmem>> -> memref<1x512x512xf32, #tpu.memory_space<vmem>>
    %dma_start3A_289 = tpu.memref_squeeze %dma_start3A_288 : memref<1x512x512xf32, #tpu.memory_space<vmem>> -> memref<512x512xf32, #tpu.memory_space<vmem>>
    tpu.enqueue_dma source(%dma_start3A_289 : memref<512x512xf32, #tpu.memory_space<vmem>>) target(%dma_start3A_285 : memref<512x512xf32, #tpu.memory_space<any>>) target_semaphore(%arg3 : memref<!tpu.dma_semaphore, #tpu.memory_space<semaphore_mem>>)
    %dma_start3A_290 = arith.constant 1 : i32
    %dma_start3A_291 = arith.constant 1 : i32
    %dma_start3A_292 = arith.constant 7 : i32
    %dma_start3A_293 = arith.constant 0 : i32
    %dma_start3A_294 = arith.constant 0 : i32
    %dma_start3A_295 = tpu.memref_slice %arg1[%dma_start3A_291, %dma_start3A_292, %dma_start3A_293, %dma_start3A_294] : memref<8x16x512x512xf32, #tpu.memory_space<any>> -> memref<1x1x512x512xf32, #tpu.memory_space<any>>
    %dma_start3A_296 = tpu.memref_squeeze %dma_start3A_295 : memref<1x1x512x512xf32, #tpu.memory_space<any>> -> memref<512x512xf32, #tpu.memory_space<any>>
    %dma_start3A_297 = arith.constant 0 : i32
    %dma_start3A_298 = arith.constant 0 : i32
    %dma_start3A_299 = tpu.memref_slice %arg2[%dma_start3A_290, %dma_start3A_297, %dma_start3A_298] : memref<8x512x512xf32, #tpu.memory_space<vmem>> -> memref<1x512x512xf32, #tpu.memory_space<vmem>>
    %dma_start3A_300 = tpu.memref_squeeze %dma_start3A_299 : memref<1x512x512xf32, #tpu.memory_space<vmem>> -> memref<512x512xf32, #tpu.memory_space<vmem>>
    tpu.enqueue_dma source(%dma_start3A_300 : memref<512x512xf32, #tpu.memory_space<vmem>>) target(%dma_start3A_296 : memref<512x512xf32, #tpu.memory_space<any>>) target_semaphore(%arg3 : memref<!tpu.dma_semaphore, #tpu.memory_space<semaphore_mem>>)
    %dma_start3A_301 = arith.constant 1 : i32
    %dma_start3A_302 = arith.constant 1 : i32
    %dma_start3A_303 = arith.constant 8 : i32
    %dma_start3A_304 = arith.constant 0 : i32
    %dma_start3A_305 = arith.constant 0 : i32
    %dma_start3A_306 = tpu.memref_slice %arg1[%dma_start3A_302, %dma_start3A_303, %dma_start3A_304, %dma_start3A_305] : memref<8x16x512x512xf32, #tpu.memory_space<any>> -> memref<1x1x512x512xf32, #tpu.memory_space<any>>
    %dma_start3A_307 = tpu.memref_squeeze %dma_start3A_306 : memref<1x1x512x512xf32, #tpu.memory_space<any>> -> memref<512x512xf32, #tpu.memory_space<any>>
    %dma_start3A_308 = arith.constant 0 : i32
    %dma_start3A_309 = arith.constant 0 : i32
    %dma_start3A_310 = tpu.memref_slice %arg2[%dma_start3A_301, %dma_start3A_308, %dma_start3A_309] : memref<8x512x512xf32, #tpu.memory_space<vmem>> -> memref<1x512x512xf32, #tpu.memory_space<vmem>>
    %dma_start3A_311 = tpu.memref_squeeze %dma_start3A_310 : memref<1x512x512xf32, #tpu.memory_space<vmem>> -> memref<512x512xf32, #tpu.memory_space<vmem>>
    tpu.enqueue_dma source(%dma_start3A_311 : memref<512x512xf32, #tpu.memory_space<vmem>>) target(%dma_start3A_307 : memref<512x512xf32, #tpu.memory_space<any>>) target_semaphore(%arg3 : memref<!tpu.dma_semaphore, #tpu.memory_space<semaphore_mem>>)
    %dma_start3A_312 = arith.constant 1 : i32
    %dma_start3A_313 = arith.constant 1 : i32
    %dma_start3A_314 = arith.constant 9 : i32
    %dma_start3A_315 = arith.constant 0 : i32
    %dma_start3A_316 = arith.constant 0 : i32
    %dma_start3A_317 = tpu.memref_slice %arg1[%dma_start3A_313, %dma_start3A_314, %dma_start3A_315, %dma_start3A_316] : memref<8x16x512x512xf32, #tpu.memory_space<any>> -> memref<1x1x512x512xf32, #tpu.memory_space<any>>
    %dma_start3A_318 = tpu.memref_squeeze %dma_start3A_317 : memref<1x1x512x512xf32, #tpu.memory_space<any>> -> memref<512x512xf32, #tpu.memory_space<any>>
    %dma_start3A_319 = arith.constant 0 : i32
    %dma_start3A_320 = arith.constant 0 : i32
    %dma_start3A_321 = tpu.memref_slice %arg2[%dma_start3A_312, %dma_start3A_319, %dma_start3A_320] : memref<8x512x512xf32, #tpu.memory_space<vmem>> -> memref<1x512x512xf32, #tpu.memory_space<vmem>>
    %dma_start3A_322 = tpu.memref_squeeze %dma_start3A_321 : memref<1x512x512xf32, #tpu.memory_space<vmem>> -> memref<512x512xf32, #tpu.memory_space<vmem>>
    tpu.enqueue_dma source(%dma_start3A_322 : memref<512x512xf32, #tpu.memory_space<vmem>>) target(%dma_start3A_318 : memref<512x512xf32, #tpu.memory_space<any>>) target_semaphore(%arg3 : memref<!tpu.dma_semaphore, #tpu.memory_space<semaphore_mem>>)
    %dma_start3A_323 = arith.constant 1 : i32
    %dma_start3A_324 = arith.constant 1 : i32
    %dma_start3A_325 = arith.constant 10 : i32
    %dma_start3A_326 = arith.constant 0 : i32
    %dma_start3A_327 = arith.constant 0 : i32
    %dma_start3A_328 = tpu.memref_slice %arg1[%dma_start3A_324, %dma_start3A_325, %dma_start3A_326, %dma_start3A_327] : memref<8x16x512x512xf32, #tpu.memory_space<any>> -> memref<1x1x512x512xf32, #tpu.memory_space<any>>
    %dma_start3A_329 = tpu.memref_squeeze %dma_start3A_328 : memref<1x1x512x512xf32, #tpu.memory_space<any>> -> memref<512x512xf32, #tpu.memory_space<any>>
    %dma_start3A_330 = arith.constant 0 : i32
    %dma_start3A_331 = arith.constant 0 : i32
    %dma_start3A_332 = tpu.memref_slice %arg2[%dma_start3A_323, %dma_start3A_330, %dma_start3A_331] : memref<8x512x512xf32, #tpu.memory_space<vmem>> -> memref<1x512x512xf32, #tpu.memory_space<vmem>>
    %dma_start3A_333 = tpu.memref_squeeze %dma_start3A_332 : memref<1x512x512xf32, #tpu.memory_space<vmem>> -> memref<512x512xf32, #tpu.memory_space<vmem>>
    tpu.enqueue_dma source(%dma_start3A_333 : memref<512x512xf32, #tpu.memory_space<vmem>>) target(%dma_start3A_329 : memref<512x512xf32, #tpu.memory_space<any>>) target_semaphore(%arg3 : memref<!tpu.dma_semaphore, #tpu.memory_space<semaphore_mem>>)
    %dma_start3A_334 = arith.constant 1 : i32
    %dma_start3A_335 = arith.constant 1 : i32
    %dma_start3A_336 = arith.constant 11 : i32
    %dma_start3A_337 = arith.constant 0 : i32
    %dma_start3A_338 = arith.constant 0 : i32
    %dma_start3A_339 = tpu.memref_slice %arg1[%dma_start3A_335, %dma_start3A_336, %dma_start3A_337, %dma_start3A_338] : memref<8x16x512x512xf32, #tpu.memory_space<any>> -> memref<1x1x512x512xf32, #tpu.memory_space<any>>
    %dma_start3A_340 = tpu.memref_squeeze %dma_start3A_339 : memref<1x1x512x512xf32, #tpu.memory_space<any>> -> memref<512x512xf32, #tpu.memory_space<any>>
    %dma_start3A_341 = arith.constant 0 : i32
    %dma_start3A_342 = arith.constant 0 : i32
    %dma_start3A_343 = tpu.memref_slice %arg2[%dma_start3A_334, %dma_start3A_341, %dma_start3A_342] : memref<8x512x512xf32, #tpu.memory_space<vmem>> -> memref<1x512x512xf32, #tpu.memory_space<vmem>>
    %dma_start3A_344 = tpu.memref_squeeze %dma_start3A_343 : memref<1x512x512xf32, #tpu.memory_space<vmem>> -> memref<512x512xf32, #tpu.memory_space<vmem>>
    tpu.enqueue_dma source(%dma_start3A_344 : memref<512x512xf32, #tpu.memory_space<vmem>>) target(%dma_start3A_340 : memref<512x512xf32, #tpu.memory_space<any>>) target_semaphore(%arg3 : memref<!tpu.dma_semaphore, #tpu.memory_space<semaphore_mem>>)
    %dma_start3A_345 = arith.constant 1 : i32
    %dma_start3A_346 = arith.constant 1 : i32
    %dma_start3A_347 = arith.constant 12 : i32
    %dma_start3A_348 = arith.constant 0 : i32
    %dma_start3A_349 = arith.constant 0 : i32
    %dma_start3A_350 = tpu.memref_slice %arg1[%dma_start3A_346, %dma_start3A_347, %dma_start3A_348, %dma_start3A_349] : memref<8x16x512x512xf32, #tpu.memory_space<any>> -> memref<1x1x512x512xf32, #tpu.memory_space<any>>
    %dma_start3A_351 = tpu.memref_squeeze %dma_start3A_350 : memref<1x1x512x512xf32, #tpu.memory_space<any>> -> memref<512x512xf32, #tpu.memory_space<any>>
    %dma_start3A_352 = arith.constant 0 : i32
    %dma_start3A_353 = arith.constant 0 : i32
    %dma_start3A_354 = tpu.memref_slice %arg2[%dma_start3A_345, %dma_start3A_352, %dma_start3A_353] : memref<8x512x512xf32, #tpu.memory_space<vmem>> -> memref<1x512x512xf32, #tpu.memory_space<vmem>>
    %dma_start3A_355 = tpu.memref_squeeze %dma_start3A_354 : memref<1x512x512xf32, #tpu.memory_space<vmem>> -> memref<512x512xf32, #tpu.memory_space<vmem>>
    tpu.enqueue_dma source(%dma_start3A_355 : memref<512x512xf32, #tpu.memory_space<vmem>>) target(%dma_start3A_351 : memref<512x512xf32, #tpu.memory_space<any>>) target_semaphore(%arg3 : memref<!tpu.dma_semaphore, #tpu.memory_space<semaphore_mem>>)
    %dma_start3A_356 = arith.constant 1 : i32
    %dma_start3A_357 = arith.constant 1 : i32
    %dma_start3A_358 = arith.constant 13 : i32
    %dma_start3A_359 = arith.constant 0 : i32
    %dma_start3A_360 = arith.constant 0 : i32
    %dma_start3A_361 = tpu.memref_slice %arg1[%dma_start3A_357, %dma_start3A_358, %dma_start3A_359, %dma_start3A_360] : memref<8x16x512x512xf32, #tpu.memory_space<any>> -> memref<1x1x512x512xf32, #tpu.memory_space<any>>
    %dma_start3A_362 = tpu.memref_squeeze %dma_start3A_361 : memref<1x1x512x512xf32, #tpu.memory_space<any>> -> memref<512x512xf32, #tpu.memory_space<any>>
    %dma_start3A_363 = arith.constant 0 : i32
    %dma_start3A_364 = arith.constant 0 : i32
    %dma_start3A_365 = tpu.memref_slice %arg2[%dma_start3A_356, %dma_start3A_363, %dma_start3A_364] : memref<8x512x512xf32, #tpu.memory_space<vmem>> -> memref<1x512x512xf32, #tpu.memory_space<vmem>>
    %dma_start3A_366 = tpu.memref_squeeze %dma_start3A_365 : memref<1x512x512xf32, #tpu.memory_space<vmem>> -> memref<512x512xf32, #tpu.memory_space<vmem>>
    tpu.enqueue_dma source(%dma_start3A_366 : memref<512x512xf32, #tpu.memory_space<vmem>>) target(%dma_start3A_362 : memref<512x512xf32, #tpu.memory_space<any>>) target_semaphore(%arg3 : memref<!tpu.dma_semaphore, #tpu.memory_space<semaphore_mem>>)
    %dma_start3A_367 = arith.constant 1 : i32
    %dma_start3A_368 = arith.constant 1 : i32
    %dma_start3A_369 = arith.constant 14 : i32
    %dma_start3A_370 = arith.constant 0 : i32
    %dma_start3A_371 = arith.constant 0 : i32
    %dma_start3A_372 = tpu.memref_slice %arg1[%dma_start3A_368, %dma_start3A_369, %dma_start3A_370, %dma_start3A_371] : memref<8x16x512x512xf32, #tpu.memory_space<any>> -> memref<1x1x512x512xf32, #tpu.memory_space<any>>
    %dma_start3A_373 = tpu.memref_squeeze %dma_start3A_372 : memref<1x1x512x512xf32, #tpu.memory_space<any>> -> memref<512x512xf32, #tpu.memory_space<any>>
    %dma_start3A_374 = arith.constant 0 : i32
    %dma_start3A_375 = arith.constant 0 : i32
    %dma_start3A_376 = tpu.memref_slice %arg2[%dma_start3A_367, %dma_start3A_374, %dma_start3A_375] : memref<8x512x512xf32, #tpu.memory_space<vmem>> -> memref<1x512x512xf32, #tpu.memory_space<vmem>>
    %dma_start3A_377 = tpu.memref_squeeze %dma_start3A_376 : memref<1x512x512xf32, #tpu.memory_space<vmem>> -> memref<512x512xf32, #tpu.memory_space<vmem>>
    tpu.enqueue_dma source(%dma_start3A_377 : memref<512x512xf32, #tpu.memory_space<vmem>>) target(%dma_start3A_373 : memref<512x512xf32, #tpu.memory_space<any>>) target_semaphore(%arg3 : memref<!tpu.dma_semaphore, #tpu.memory_space<semaphore_mem>>)
    %dma_start3A_378 = arith.constant 1 : i32
    %dma_start3A_379 = arith.constant 1 : i32
    %dma_start3A_380 = arith.constant 15 : i32
    %dma_start3A_381 = arith.constant 0 : i32
    %dma_start3A_382 = arith.constant 0 : i32
    %dma_start3A_383 = tpu.memref_slice %arg1[%dma_start3A_379, %dma_start3A_380, %dma_start3A_381, %dma_start3A_382] : memref<8x16x512x512xf32, #tpu.memory_space<any>> -> memref<1x1x512x512xf32, #tpu.memory_space<any>>
    %dma_start3A_384 = tpu.memref_squeeze %dma_start3A_383 : memref<1x1x512x512xf32, #tpu.memory_space<any>> -> memref<512x512xf32, #tpu.memory_space<any>>
    %dma_start3A_385 = arith.constant 0 : i32
    %dma_start3A_386 = arith.constant 0 : i32
    %dma_start3A_387 = tpu.memref_slice %arg2[%dma_start3A_378, %dma_start3A_385, %dma_start3A_386] : memref<8x512x512xf32, #tpu.memory_space<vmem>> -> memref<1x512x512xf32, #tpu.memory_space<vmem>>
    %dma_start3A_388 = tpu.memref_squeeze %dma_start3A_387 : memref<1x512x512xf32, #tpu.memory_space<vmem>> -> memref<512x512xf32, #tpu.memory_space<vmem>>
    tpu.enqueue_dma source(%dma_start3A_388 : memref<512x512xf32, #tpu.memory_space<vmem>>) target(%dma_start3A_384 : memref<512x512xf32, #tpu.memory_space<any>>) target_semaphore(%arg3 : memref<!tpu.dma_semaphore, #tpu.memory_space<semaphore_mem>>)
    %eq3A_389 = arith.constant 2 : i32
    %eq3A_390 = vector.broadcast %eq3A_389 : i32 to vector<16x128xi32>
    %eq3A_391 = arith.cmpi eq, %get3A_1, %eq3A_390 : vector<16x128xi32>
    %convert_element_type3A_392 = arith.extui %eq3A_391 : vector<16x128xi1> to vector<16x128xi32>
    %reduce_sum3A_393 = vector.shape_cast %convert_element_type3A_392 : vector<16x128xi32> to vector<1x16x128xi32>
    %reduce_sum3A_394 = arith.constant dense<0> : vector<1xi32>
    %reduce_sum3A_395 = vector.multi_reduction <add>, %reduce_sum3A_393, %reduce_sum3A_394 [1, 2] : vector<1x16x128xi32> to vector<1xi32>
    %reduce_sum3A_396 = vector.shape_cast %reduce_sum3A_395 : vector<1xi32> to vector<1x1x1xi32>
    %reduce_sum3A_397 = vector.extract %reduce_sum3A_396[0, 0, 0] : i32 from vector<1x1x1xi32>
    %ge3A_398 = vector.broadcast %reduce_sum3A_397 : i32 to vector<512x512xi32>
    %ge3A_399 = arith.cmpi sge, %iota3A, %ge3A_398 : vector<512x512xi32>
    %jit3A_400 = arith.constant -1.000000e+09 : f32
    %jit3A_401 = arith.constant 0.000000e+00 : f32
    %broadcast_in_dim3A_402 = vector.broadcast %jit3A_400 : f32 to vector<512x512xf32>
    %broadcast_in_dim3A_403 = vector.broadcast %jit3A_401 : f32 to vector<512x512xf32>
    %select_n3A_404 = arith.select %ge3A_399, %broadcast_in_dim3A_402, %broadcast_in_dim3A_403 : vector<512x512xi1>, vector<512x512xf32>
    %swap3A_405 = arith.constant 2 : index
    %swap3A_406 = arith.constant 0 : index
    %swap3A_407 = arith.constant 0 : index
    %swap3A_408 = vector.load %arg2[%swap3A_405, %swap3A_406, %swap3A_407] : memref<8x512x512xf32, #tpu.memory_space<vmem>>, vector<1x512x512xf32>
    %swap3A_409 = vector.shape_cast %swap3A_408 : vector<1x512x512xf32> to vector<512x512xf32>
    %swap3A_410 = vector.shape_cast %select_n3A_404 : vector<512x512xf32> to vector<1x512x512xf32>
    tpu.vector_store %arg2[%swap3A_405, %swap3A_406, %swap3A_407], %swap3A_410 {strides = array<i32>} : memref<8x512x512xf32, #tpu.memory_space<vmem>>, vector<1x512x512xf32>,
    %dma_start3A_411 = arith.constant 2 : i32
    %dma_start3A_412 = arith.constant 2 : i32
    %dma_start3A_413 = arith.constant 0 : i32
    %dma_start3A_414 = arith.constant 0 : i32
    %dma_start3A_415 = arith.constant 0 : i32
    %dma_start3A_416 = tpu.memref_slice %arg1[%dma_start3A_412, %dma_start3A_413, %dma_start3A_414, %dma_start3A_415] : memref<8x16x512x512xf32, #tpu.memory_space<any>> -> memref<1x1x512x512xf32, #tpu.memory_space<any>>
    %dma_start3A_417 = tpu.memref_squeeze %dma_start3A_416 : memref<1x1x512x512xf32, #tpu.memory_space<any>> -> memref<512x512xf32, #tpu.memory_space<any>>
    %dma_start3A_418 = arith.constant 0 : i32
    %dma_start3A_419 = arith.constant 0 : i32
    %dma_start3A_420 = tpu.memref_slice %arg2[%dma_start3A_411, %dma_start3A_418, %dma_start3A_419] : memref<8x512x512xf32, #tpu.memory_space<vmem>> -> memref<1x512x512xf32, #tpu.memory_space<vmem>>
    %dma_start3A_421 = tpu.memref_squeeze %dma_start3A_420 : memref<1x512x512xf32, #tpu.memory_space<vmem>> -> memref<512x512xf32, #tpu.memory_space<vmem>>
    tpu.enqueue_dma source(%dma_start3A_421 : memref<512x512xf32, #tpu.memory_space<vmem>>) target(%dma_start3A_417 : memref<512x512xf32, #tpu.memory_space<any>>) target_semaphore(%arg3 : memref<!tpu.dma_semaphore, #tpu.memory_space<semaphore_mem>>)
    %dma_start3A_422 = arith.constant 2 : i32
    %dma_start3A_423 = arith.constant 2 : i32
    %dma_start3A_424 = arith.constant 1 : i32
    %dma_start3A_425 = arith.constant 0 : i32
    %dma_start3A_426 = arith.constant 0 : i32
    %dma_start3A_427 = tpu.memref_slice %arg1[%dma_start3A_423, %dma_start3A_424, %dma_start3A_425, %dma_start3A_426] : memref<8x16x512x512xf32, #tpu.memory_space<any>> -> memref<1x1x512x512xf32, #tpu.memory_space<any>>
    %dma_start3A_428 = tpu.memref_squeeze %dma_start3A_427 : memref<1x1x512x512xf32, #tpu.memory_space<any>> -> memref<512x512xf32, #tpu.memory_space<any>>
    %dma_start3A_429 = arith.constant 0 : i32
    %dma_start3A_430 = arith.constant 0 : i32
    %dma_start3A_431 = tpu.memref_slice %arg2[%dma_start3A_422, %dma_start3A_429, %dma_start3A_430] : memref<8x512x512xf32, #tpu.memory_space<vmem>> -> memref<1x512x512xf32, #tpu.memory_space<vmem>>
    %dma_start3A_432 = tpu.memref_squeeze %dma_start3A_431 : memref<1x512x512xf32, #tpu.memory_space<vmem>> -> memref<512x512xf32, #tpu.memory_space<vmem>>
    tpu.enqueue_dma source(%dma_start3A_432 : memref<512x512xf32, #tpu.memory_space<vmem>>) target(%dma_start3A_428 : memref<512x512xf32, #tpu.memory_space<any>>) target_semaphore(%arg3 : memref<!tpu.dma_semaphore, #tpu.memory_space<semaphore_mem>>)
    %dma_start3A_433 = arith.constant 2 : i32
    %dma_start3A_434 = arith.constant 2 : i32
    %dma_start3A_435 = arith.constant 2 : i32
    %dma_start3A_436 = arith.constant 0 : i32
    %dma_start3A_437 = arith.constant 0 : i32
    %dma_start3A_438 = tpu.memref_slice %arg1[%dma_start3A_434, %dma_start3A_435, %dma_start3A_436, %dma_start3A_437] : memref<8x16x512x512xf32, #tpu.memory_space<any>> -> memref<1x1x512x512xf32, #tpu.memory_space<any>>
    %dma_start3A_439 = tpu.memref_squeeze %dma_start3A_438 : memref<1x1x512x512xf32, #tpu.memory_space<any>> -> memref<512x512xf32, #tpu.memory_space<any>>
    %dma_start3A_440 = arith.constant 0 : i32
    %dma_start3A_441 = arith.constant 0 : i32
    %dma_start3A_442 = tpu.memref_slice %arg2[%dma_start3A_433, %dma_start3A_440, %dma_start3A_441] : memref<8x512x512xf32, #tpu.memory_space<vmem>> -> memref<1x512x512xf32, #tpu.memory_space<vmem>>
    %dma_start3A_443 = tpu.memref_squeeze %dma_start3A_442 : memref<1x512x512xf32, #tpu.memory_space<vmem>> -> memref<512x512xf32, #tpu.memory_space<vmem>>
    tpu.enqueue_dma source(%dma_start3A_443 : memref<512x512xf32, #tpu.memory_space<vmem>>) target(%dma_start3A_439 : memref<512x512xf32, #tpu.memory_space<any>>) target_semaphore(%arg3 : memref<!tpu.dma_semaphore, #tpu.memory_space<semaphore_mem>>)
    %dma_start3A_444 = arith.constant 2 : i32
    %dma_start3A_445 = arith.constant 2 : i32
    %dma_start3A_446 = arith.constant 3 : i32
    %dma_start3A_447 = arith.constant 0 : i32
    %dma_start3A_448 = arith.constant 0 : i32
    %dma_start3A_449 = tpu.memref_slice %arg1[%dma_start3A_445, %dma_start3A_446, %dma_start3A_447, %dma_start3A_448] : memref<8x16x512x512xf32, #tpu.memory_space<any>> -> memref<1x1x512x512xf32, #tpu.memory_space<any>>
    %dma_start3A_450 = tpu.memref_squeeze %dma_start3A_449 : memref<1x1x512x512xf32, #tpu.memory_space<any>> -> memref<512x512xf32, #tpu.memory_space<any>>
    %dma_start3A_451 = arith.constant 0 : i32
    %dma_start3A_452 = arith.constant 0 : i32
    %dma_start3A_453 = tpu.memref_slice %arg2[%dma_start3A_444, %dma_start3A_451, %dma_start3A_452] : memref<8x512x512xf32, #tpu.memory_space<vmem>> -> memref<1x512x512xf32, #tpu.memory_space<vmem>>
    %dma_start3A_454 = tpu.memref_squeeze %dma_start3A_453 : memref<1x512x512xf32, #tpu.memory_space<vmem>> -> memref<512x512xf32, #tpu.memory_space<vmem>>
    tpu.enqueue_dma source(%dma_start3A_454 : memref<512x512xf32, #tpu.memory_space<vmem>>) target(%dma_start3A_450 : memref<512x512xf32, #tpu.memory_space<any>>) target_semaphore(%arg3 : memref<!tpu.dma_semaphore, #tpu.memory_space<semaphore_mem>>)
    %dma_start3A_455 = arith.constant 2 : i32
    %dma_start3A_456 = arith.constant 2 : i32
    %dma_start3A_457 = arith.constant 4 : i32
    %dma_start3A_458 = arith.constant 0 : i32
    %dma_start3A_459 = arith.constant 0 : i32
    %dma_start3A_460 = tpu.memref_slice %arg1[%dma_start3A_456, %dma_start3A_457, %dma_start3A_458, %dma_start3A_459] : memref<8x16x512x512xf32, #tpu.memory_space<any>> -> memref<1x1x512x512xf32, #tpu.memory_space<any>>
    %dma_start3A_461 = tpu.memref_squeeze %dma_start3A_460 : memref<1x1x512x512xf32, #tpu.memory_space<any>> -> memref<512x512xf32, #tpu.memory_space<any>>
    %dma_start3A_462 = arith.constant 0 : i32
    %dma_start3A_463 = arith.constant 0 : i32
    %dma_start3A_464 = tpu.memref_slice %arg2[%dma_start3A_455, %dma_start3A_462, %dma_start3A_463] : memref<8x512x512xf32, #tpu.memory_space<vmem>> -> memref<1x512x512xf32, #tpu.memory_space<vmem>>
    %dma_start3A_465 = tpu.memref_squeeze %dma_start3A_464 : memref<1x512x512xf32, #tpu.memory_space<vmem>> -> memref<512x512xf32, #tpu.memory_space<vmem>>
    tpu.enqueue_dma source(%dma_start3A_465 : memref<512x512xf32, #tpu.memory_space<vmem>>) target(%dma_start3A_461 : memref<512x512xf32, #tpu.memory_space<any>>) target_semaphore(%arg3 : memref<!tpu.dma_semaphore, #tpu.memory_space<semaphore_mem>>)
    %dma_start3A_466 = arith.constant 2 : i32
    %dma_start3A_467 = arith.constant 2 : i32
    %dma_start3A_468 = arith.constant 5 : i32
    %dma_start3A_469 = arith.constant 0 : i32
    %dma_start3A_470 = arith.constant 0 : i32
    %dma_start3A_471 = tpu.memref_slice %arg1[%dma_start3A_467, %dma_start3A_468, %dma_start3A_469, %dma_start3A_470] : memref<8x16x512x512xf32, #tpu.memory_space<any>> -> memref<1x1x512x512xf32, #tpu.memory_space<any>>
    %dma_start3A_472 = tpu.memref_squeeze %dma_start3A_471 : memref<1x1x512x512xf32, #tpu.memory_space<any>> -> memref<512x512xf32, #tpu.memory_space<any>>
    %dma_start3A_473 = arith.constant 0 : i32
    %dma_start3A_474 = arith.constant 0 : i32
    %dma_start3A_475 = tpu.memref_slice %arg2[%dma_start3A_466, %dma_start3A_473, %dma_start3A_474] : memref<8x512x512xf32, #tpu.memory_space<vmem>> -> memref<1x512x512xf32, #tpu.memory_space<vmem>>
    %dma_start3A_476 = tpu.memref_squeeze %dma_start3A_475 : memref<1x512x512xf32, #tpu.memory_space<vmem>> -> memref<512x512xf32, #tpu.memory_space<vmem>>
    tpu.enqueue_dma source(%dma_start3A_476 : memref<512x512xf32, #tpu.memory_space<vmem>>) target(%dma_start3A_472 : memref<512x512xf32, #tpu.memory_space<any>>) target_semaphore(%arg3 : memref<!tpu.dma_semaphore, #tpu.memory_space<semaphore_mem>>)
    %dma_start3A_477 = arith.constant 2 : i32
    %dma_start3A_478 = arith.constant 2 : i32
    %dma_start3A_479 = arith.constant 6 : i32
    %dma_start3A_480 = arith.constant 0 : i32
    %dma_start3A_481 = arith.constant 0 : i32
    %dma_start3A_482 = tpu.memref_slice %arg1[%dma_start3A_478, %dma_start3A_479, %dma_start3A_480, %dma_start3A_481] : memref<8x16x512x512xf32, #tpu.memory_space<any>> -> memref<1x1x512x512xf32, #tpu.memory_space<any>>
    %dma_start3A_483 = tpu.memref_squeeze %dma_start3A_482 : memref<1x1x512x512xf32, #tpu.memory_space<any>> -> memref<512x512xf32, #tpu.memory_space<any>>
    %dma_start3A_484 = arith.constant 0 : i32
    %dma_start3A_485 = arith.constant 0 : i32
    %dma_start3A_486 = tpu.memref_slice %arg2[%dma_start3A_477, %dma_start3A_484, %dma_start3A_485] : memref<8x512x512xf32, #tpu.memory_space<vmem>> -> memref<1x512x512xf32, #tpu.memory_space<vmem>>
    %dma_start3A_487 = tpu.memref_squeeze %dma_start3A_486 : memref<1x512x512xf32, #tpu.memory_space<vmem>> -> memref<512x512xf32, #tpu.memory_space<vmem>>
    tpu.enqueue_dma source(%dma_start3A_487 : memref<512x512xf32, #tpu.memory_space<vmem>>) target(%dma_start3A_483 : memref<512x512xf32, #tpu.memory_space<any>>) target_semaphore(%arg3 : memref<!tpu.dma_semaphore, #tpu.memory_space<semaphore_mem>>)
    %dma_start3A_488 = arith.constant 2 : i32
    %dma_start3A_489 = arith.constant 2 : i32
    %dma_start3A_490 = arith.constant 7 : i32
    %dma_start3A_491 = arith.constant 0 : i32
    %dma_start3A_492 = arith.constant 0 : i32
    %dma_start3A_493 = tpu.memref_slice %arg1[%dma_start3A_489, %dma_start3A_490, %dma_start3A_491, %dma_start3A_492] : memref<8x16x512x512xf32, #tpu.memory_space<any>> -> memref<1x1x512x512xf32, #tpu.memory_space<any>>
    %dma_start3A_494 = tpu.memref_squeeze %dma_start3A_493 : memref<1x1x512x512xf32, #tpu.memory_space<any>> -> memref<512x512xf32, #tpu.memory_space<any>>
    %dma_start3A_495 = arith.constant 0 : i32
    %dma_start3A_496 = arith.constant 0 : i32
    %dma_start3A_497 = tpu.memref_slice %arg2[%dma_start3A_488, %dma_start3A_495, %dma_start3A_496] : memref<8x512x512xf32, #tpu.memory_space<vmem>> -> memref<1x512x512xf32, #tpu.memory_space<vmem>>
    %dma_start3A_498 = tpu.memref_squeeze %dma_start3A_497 : memref<1x512x512xf32, #tpu.memory_space<vmem>> -> memref<512x512xf32, #tpu.memory_space<vmem>>
    tpu.enqueue_dma source(%dma_start3A_498 : memref<512x512xf32, #tpu.memory_space<vmem>>) target(%dma_start3A_494 : memref<512x512xf32, #tpu.memory_space<any>>) target_semaphore(%arg3 : memref<!tpu.dma_semaphore, #tpu.memory_space<semaphore_mem>>)
    %dma_start3A_499 = arith.constant 2 : i32
    %dma_start3A_500 = arith.constant 2 : i32
    %dma_start3A_501 = arith.constant 8 : i32
    %dma_start3A_502 = arith.constant 0 : i32
    %dma_start3A_503 = arith.constant 0 : i32
    %dma_start3A_504 = tpu.memref_slice %arg1[%dma_start3A_500, %dma_start3A_501, %dma_start3A_502, %dma_start3A_503] : memref<8x16x512x512xf32, #tpu.memory_space<any>> -> memref<1x1x512x512xf32, #tpu.memory_space<any>>
    %dma_start3A_505 = tpu.memref_squeeze %dma_start3A_504 : memref<1x1x512x512xf32, #tpu.memory_space<any>> -> memref<512x512xf32, #tpu.memory_space<any>>
    %dma_start3A_506 = arith.constant 0 : i32
    %dma_start3A_507 = arith.constant 0 : i32
    %dma_start3A_508 = tpu.memref_slice %arg2[%dma_start3A_499, %dma_start3A_506, %dma_start3A_507] : memref<8x512x512xf32, #tpu.memory_space<vmem>> -> memref<1x512x512xf32, #tpu.memory_space<vmem>>
    %dma_start3A_509 = tpu.memref_squeeze %dma_start3A_508 : memref<1x512x512xf32, #tpu.memory_space<vmem>> -> memref<512x512xf32, #tpu.memory_space<vmem>>
    tpu.enqueue_dma source(%dma_start3A_509 : memref<512x512xf32, #tpu.memory_space<vmem>>) target(%dma_start3A_505 : memref<512x512xf32, #tpu.memory_space<any>>) target_semaphore(%arg3 : memref<!tpu.dma_semaphore, #tpu.memory_space<semaphore_mem>>)
    %dma_start3A_510 = arith.constant 2 : i32
    %dma_start3A_511 = arith.constant 2 : i32
    %dma_start3A_512 = arith.constant 9 : i32
    %dma_start3A_513 = arith.constant 0 : i32
    %dma_start3A_514 = arith.constant 0 : i32
    %dma_start3A_515 = tpu.memref_slice %arg1[%dma_start3A_511, %dma_start3A_512, %dma_start3A_513, %dma_start3A_514] : memref<8x16x512x512xf32, #tpu.memory_space<any>> -> memref<1x1x512x512xf32, #tpu.memory_space<any>>
    %dma_start3A_516 = tpu.memref_squeeze %dma_start3A_515 : memref<1x1x512x512xf32, #tpu.memory_space<any>> -> memref<512x512xf32, #tpu.memory_space<any>>
    %dma_start3A_517 = arith.constant 0 : i32
    %dma_start3A_518 = arith.constant 0 : i32
    %dma_start3A_519 = tpu.memref_slice %arg2[%dma_start3A_510, %dma_start3A_517, %dma_start3A_518] : memref<8x512x512xf32, #tpu.memory_space<vmem>> -> memref<1x512x512xf32, #tpu.memory_space<vmem>>
    %dma_start3A_520 = tpu.memref_squeeze %dma_start3A_519 : memref<1x512x512xf32, #tpu.memory_space<vmem>> -> memref<512x512xf32, #tpu.memory_space<vmem>>
    tpu.enqueue_dma source(%dma_start3A_520 : memref<512x512xf32, #tpu.memory_space<vmem>>) target(%dma_start3A_516 : memref<512x512xf32, #tpu.memory_space<any>>) target_semaphore(%arg3 : memref<!tpu.dma_semaphore, #tpu.memory_space<semaphore_mem>>)
    %dma_start3A_521 = arith.constant 2 : i32
    %dma_start3A_522 = arith.constant 2 : i32
    %dma_start3A_523 = arith.constant 10 : i32
    %dma_start3A_524 = arith.constant 0 : i32
    %dma_start3A_525 = arith.constant 0 : i32
    %dma_start3A_526 = tpu.memref_slice %arg1[%dma_start3A_522, %dma_start3A_523, %dma_start3A_524, %dma_start3A_525] : memref<8x16x512x512xf32, #tpu.memory_space<any>> -> memref<1x1x512x512xf32, #tpu.memory_space<any>>
    %dma_start3A_527 = tpu.memref_squeeze %dma_start3A_526 : memref<1x1x512x512xf32, #tpu.memory_space<any>> -> memref<512x512xf32, #tpu.memory_space<any>>
    %dma_start3A_528 = arith.constant 0 : i32
    %dma_start3A_529 = arith.constant 0 : i32
    %dma_start3A_530 = tpu.memref_slice %arg2[%dma_start3A_521, %dma_start3A_528, %dma_start3A_529] : memref<8x512x512xf32, #tpu.memory_space<vmem>> -> memref<1x512x512xf32, #tpu.memory_space<vmem>>
    %dma_start3A_531 = tpu.memref_squeeze %dma_start3A_530 : memref<1x512x512xf32, #tpu.memory_space<vmem>> -> memref<512x512xf32, #tpu.memory_space<vmem>>
    tpu.enqueue_dma source(%dma_start3A_531 : memref<512x512xf32, #tpu.memory_space<vmem>>) target(%dma_start3A_527 : memref<512x512xf32, #tpu.memory_space<any>>) target_semaphore(%arg3 : memref<!tpu.dma_semaphore, #tpu.memory_space<semaphore_mem>>)
    %dma_start3A_532 = arith.constant 2 : i32
    %dma_start3A_533 = arith.constant 2 : i32
    %dma_start3A_534 = arith.constant 11 : i32
    %dma_start3A_535 = arith.constant 0 : i32
    %dma_start3A_536 = arith.constant 0 : i32
    %dma_start3A_537 = tpu.memref_slice %arg1[%dma_start3A_533, %dma_start3A_534, %dma_start3A_535, %dma_start3A_536] : memref<8x16x512x512xf32, #tpu.memory_space<any>> -> memref<1x1x512x512xf32, #tpu.memory_space<any>>
    %dma_start3A_538 = tpu.memref_squeeze %dma_start3A_537 : memref<1x1x512x512xf32, #tpu.memory_space<any>> -> memref<512x512xf32, #tpu.memory_space<any>>
    %dma_start3A_539 = arith.constant 0 : i32
    %dma_start3A_540 = arith.constant 0 : i32
    %dma_start3A_541 = tpu.memref_slice %arg2[%dma_start3A_532, %dma_start3A_539, %dma_start3A_540] : memref<8x512x512xf32, #tpu.memory_space<vmem>> -> memref<1x512x512xf32, #tpu.memory_space<vmem>>
    %dma_start3A_542 = tpu.memref_squeeze %dma_start3A_541 : memref<1x512x512xf32, #tpu.memory_space<vmem>> -> memref<512x512xf32, #tpu.memory_space<vmem>>
    tpu.enqueue_dma source(%dma_start3A_542 : memref<512x512xf32, #tpu.memory_space<vmem>>) target(%dma_start3A_538 : memref<512x512xf32, #tpu.memory_space<any>>) target_semaphore(%arg3 : memref<!tpu.dma_semaphore, #tpu.memory_space<semaphore_mem>>)
    %dma_start3A_543 = arith.constant 2 : i32
    %dma_start3A_544 = arith.constant 2 : i32
    %dma_start3A_545 = arith.constant 12 : i32
    %dma_start3A_546 = arith.constant 0 : i32
    %dma_start3A_547 = arith.constant 0 : i32
    %dma_start3A_548 = tpu.memref_slice %arg1[%dma_start3A_544, %dma_start3A_545, %dma_start3A_546, %dma_start3A_547] : memref<8x16x512x512xf32, #tpu.memory_space<any>> -> memref<1x1x512x512xf32, #tpu.memory_space<any>>
    %dma_start3A_549 = tpu.memref_squeeze %dma_start3A_548 : memref<1x1x512x512xf32, #tpu.memory_space<any>> -> memref<512x512xf32, #tpu.memory_space<any>>
    %dma_start3A_550 = arith.constant 0 : i32
    %dma_start3A_551 = arith.constant 0 : i32
    %dma_start3A_552 = tpu.memref_slice %arg2[%dma_start3A_543, %dma_start3A_550, %dma_start3A_551] : memref<8x512x512xf32, #tpu.memory_space<vmem>> -> memref<1x512x512xf32, #tpu.memory_space<vmem>>
    %dma_start3A_553 = tpu.memref_squeeze %dma_start3A_552 : memref<1x512x512xf32, #tpu.memory_space<vmem>> -> memref<512x512xf32, #tpu.memory_space<vmem>>
    tpu.enqueue_dma source(%dma_start3A_553 : memref<512x512xf32, #tpu.memory_space<vmem>>) target(%dma_start3A_549 : memref<512x512xf32, #tpu.memory_space<any>>) target_semaphore(%arg3 : memref<!tpu.dma_semaphore, #tpu.memory_space<semaphore_mem>>)
    %dma_start3A_554 = arith.constant 2 : i32
    %dma_start3A_555 = arith.constant 2 : i32
    %dma_start3A_556 = arith.constant 13 : i32
    %dma_start3A_557 = arith.constant 0 : i32
    %dma_start3A_558 = arith.constant 0 : i32
    %dma_start3A_559 = tpu.memref_slice %arg1[%dma_start3A_555, %dma_start3A_556, %dma_start3A_557, %dma_start3A_558] : memref<8x16x512x512xf32, #tpu.memory_space<any>> -> memref<1x1x512x512xf32, #tpu.memory_space<any>>
    %dma_start3A_560 = tpu.memref_squeeze %dma_start3A_559 : memref<1x1x512x512xf32, #tpu.memory_space<any>> -> memref<512x512xf32, #tpu.memory_space<any>>
    %dma_start3A_561 = arith.constant 0 : i32
    %dma_start3A_562 = arith.constant 0 : i32
    %dma_start3A_563 = tpu.memref_slice %arg2[%dma_start3A_554, %dma_start3A_561, %dma_start3A_562] : memref<8x512x512xf32, #tpu.memory_space<vmem>> -> memref<1x512x512xf32, #tpu.memory_space<vmem>>
    %dma_start3A_564 = tpu.memref_squeeze %dma_start3A_563 : memref<1x512x512xf32, #tpu.memory_space<vmem>> -> memref<512x512xf32, #tpu.memory_space<vmem>>
    tpu.enqueue_dma source(%dma_start3A_564 : memref<512x512xf32, #tpu.memory_space<vmem>>) target(%dma_start3A_560 : memref<512x512xf32, #tpu.memory_space<any>>) target_semaphore(%arg3 : memref<!tpu.dma_semaphore, #tpu.memory_space<semaphore_mem>>)
    %dma_start3A_565 = arith.constant 2 : i32
    %dma_start3A_566 = arith.constant 2 : i32
    %dma_start3A_567 = arith.constant 14 : i32
    %dma_start3A_568 = arith.constant 0 : i32
    %dma_start3A_569 = arith.constant 0 : i32
    %dma_start3A_570 = tpu.memref_slice %arg1[%dma_start3A_566, %dma_start3A_567, %dma_start3A_568, %dma_start3A_569] : memref<8x16x512x512xf32, #tpu.memory_space<any>> -> memref<1x1x512x512xf32, #tpu.memory_space<any>>
    %dma_start3A_571 = tpu.memref_squeeze %dma_start3A_570 : memref<1x1x512x512xf32, #tpu.memory_space<any>> -> memref<512x512xf32, #tpu.memory_space<any>>
    %dma_start3A_572 = arith.constant 0 : i32
    %dma_start3A_573 = arith.constant 0 : i32
    %dma_start3A_574 = tpu.memref_slice %arg2[%dma_start3A_565, %dma_start3A_572, %dma_start3A_573] : memref<8x512x512xf32, #tpu.memory_space<vmem>> -> memref<1x512x512xf32, #tpu.memory_space<vmem>>
    %dma_start3A_575 = tpu.memref_squeeze %dma_start3A_574 : memref<1x512x512xf32, #tpu.memory_space<vmem>> -> memref<512x512xf32, #tpu.memory_space<vmem>>
    tpu.enqueue_dma source(%dma_start3A_575 : memref<512x512xf32, #tpu.memory_space<vmem>>) target(%dma_start3A_571 : memref<512x512xf32, #tpu.memory_space<any>>) target_semaphore(%arg3 : memref<!tpu.dma_semaphore, #tpu.memory_space<semaphore_mem>>)
    %dma_start3A_576 = arith.constant 2 : i32
    %dma_start3A_577 = arith.constant 2 : i32
    %dma_start3A_578 = arith.constant 15 : i32
    %dma_start3A_579 = arith.constant 0 : i32
    %dma_start3A_580 = arith.constant 0 : i32
    %dma_start3A_581 = tpu.memref_slice %arg1[%dma_start3A_577, %dma_start3A_578, %dma_start3A_579, %dma_start3A_580] : memref<8x16x512x512xf32, #tpu.memory_space<any>> -> memref<1x1x512x512xf32, #tpu.memory_space<any>>
    %dma_start3A_582 = tpu.memref_squeeze %dma_start3A_581 : memref<1x1x512x512xf32, #tpu.memory_space<any>> -> memref<512x512xf32, #tpu.memory_space<any>>
    %dma_start3A_583 = arith.constant 0 : i32
    %dma_start3A_584 = arith.constant 0 : i32
    %dma_start3A_585 = tpu.memref_slice %arg2[%dma_start3A_576, %dma_start3A_583, %dma_start3A_584] : memref<8x512x512xf32, #tpu.memory_space<vmem>> -> memref<1x512x512xf32, #tpu.memory_space<vmem>>
    %dma_start3A_586 = tpu.memref_squeeze %dma_start3A_585 : memref<1x512x512xf32, #tpu.memory_space<vmem>> -> memref<512x512xf32, #tpu.memory_space<vmem>>
    tpu.enqueue_dma source(%dma_start3A_586 : memref<512x512xf32, #tpu.memory_space<vmem>>) target(%dma_start3A_582 : memref<512x512xf32, #tpu.memory_space<any>>) target_semaphore(%arg3 : memref<!tpu.dma_semaphore, #tpu.memory_space<semaphore_mem>>)
    %eq3A_587 = arith.constant 3 : i32
    %eq3A_588 = vector.broadcast %eq3A_587 : i32 to vector<16x128xi32>
    %eq3A_589 = arith.cmpi eq, %get3A_1, %eq3A_588 : vector<16x128xi32>
    %convert_element_type3A_590 = arith.extui %eq3A_589 : vector<16x128xi1> to vector<16x128xi32>
    %reduce_sum3A_591 = vector.shape_cast %convert_element_type3A_590 : vector<16x128xi32> to vector<1x16x128xi32>
    %reduce_sum3A_592 = arith.constant dense<0> : vector<1xi32>
    %reduce_sum3A_593 = vector.multi_reduction <add>, %reduce_sum3A_591, %reduce_sum3A_592 [1, 2] : vector<1x16x128xi32> to vector<1xi32>
    %reduce_sum3A_594 = vector.shape_cast %reduce_sum3A_593 : vector<1xi32> to vector<1x1x1xi32>
    %reduce_sum3A_595 = vector.extract %reduce_sum3A_594[0, 0, 0] : i32 from vector<1x1x1xi32>
    %ge3A_596 = vector.broadcast %reduce_sum3A_595 : i32 to vector<512x512xi32>
    %ge3A_597 = arith.cmpi sge, %iota3A, %ge3A_596 : vector<512x512xi32>
    %jit3A_598 = arith.constant -1.000000e+09 : f32
    %jit3A_599 = arith.constant 0.000000e+00 : f32
    %broadcast_in_dim3A_600 = vector.broadcast %jit3A_598 : f32 to vector<512x512xf32>
    %broadcast_in_dim3A_601 = vector.broadcast %jit3A_599 : f32 to vector<512x512xf32>
    %select_n3A_602 = arith.select %ge3A_597, %broadcast_in_dim3A_600, %broadcast_in_dim3A_601 : vector<512x512xi1>, vector<512x512xf32>
    %swap3A_603 = arith.constant 3 : index
    %swap3A_604 = arith.constant 0 : index
    %swap3A_605 = arith.constant 0 : index
    %swap3A_606 = vector.load %arg2[%swap3A_603, %swap3A_604, %swap3A_605] : memref<8x512x512xf32, #tpu.memory_space<vmem>>, vector<1x512x512xf32>
    %swap3A_607 = vector.shape_cast %swap3A_606 : vector<1x512x512xf32> to vector<512x512xf32>
    %swap3A_608 = vector.shape_cast %select_n3A_602 : vector<512x512xf32> to vector<1x512x512xf32>
    tpu.vector_store %arg2[%swap3A_603, %swap3A_604, %swap3A_605], %swap3A_608 {strides = array<i32>} : memref<8x512x512xf32, #tpu.memory_space<vmem>>, vector<1x512x512xf32>,
    %dma_start3A_609 = arith.constant 3 : i32
    %dma_start3A_610 = arith.constant 3 : i32
    %dma_start3A_611 = arith.constant 0 : i32
    %dma_start3A_612 = arith.constant 0 : i32
    %dma_start3A_613 = arith.constant 0 : i32
    %dma_start3A_614 = tpu.memref_slice %arg1[%dma_start3A_610, %dma_start3A_611, %dma_start3A_612, %dma_start3A_613] : memref<8x16x512x512xf32, #tpu.memory_space<any>> -> memref<1x1x512x512xf32, #tpu.memory_space<any>>
    %dma_start3A_615 = tpu.memref_squeeze %dma_start3A_614 : memref<1x1x512x512xf32, #tpu.memory_space<any>> -> memref<512x512xf32, #tpu.memory_space<any>>
    %dma_start3A_616 = arith.constant 0 : i32
    %dma_start3A_617 = arith.constant 0 : i32
    %dma_start3A_618 = tpu.memref_slice %arg2[%dma_start3A_609, %dma_start3A_616, %dma_start3A_617] : memref<8x512x512xf32, #tpu.memory_space<vmem>> -> memref<1x512x512xf32, #tpu.memory_space<vmem>>
    %dma_start3A_619 = tpu.memref_squeeze %dma_start3A_618 : memref<1x512x512xf32, #tpu.memory_space<vmem>> -> memref<512x512xf32, #tpu.memory_space<vmem>>
    tpu.enqueue_dma source(%dma_start3A_619 : memref<512x512xf32, #tpu.memory_space<vmem>>) target(%dma_start3A_615 : memref<512x512xf32, #tpu.memory_space<any>>) target_semaphore(%arg3 : memref<!tpu.dma_semaphore, #tpu.memory_space<semaphore_mem>>)
    %dma_start3A_620 = arith.constant 3 : i32
    %dma_start3A_621 = arith.constant 3 : i32
    %dma_start3A_622 = arith.constant 1 : i32
    %dma_start3A_623 = arith.constant 0 : i32
    %dma_start3A_624 = arith.constant 0 : i32
    %dma_start3A_625 = tpu.memref_slice %arg1[%dma_start3A_621, %dma_start3A_622, %dma_start3A_623, %dma_start3A_624] : memref<8x16x512x512xf32, #tpu.memory_space<any>> -> memref<1x1x512x512xf32, #tpu.memory_space<any>>
    %dma_start3A_626 = tpu.memref_squeeze %dma_start3A_625 : memref<1x1x512x512xf32, #tpu.memory_space<any>> -> memref<512x512xf32, #tpu.memory_space<any>>
    %dma_start3A_627 = arith.constant 0 : i32
    %dma_start3A_628 = arith.constant 0 : i32
    %dma_start3A_629 = tpu.memref_slice %arg2[%dma_start3A_620, %dma_start3A_627, %dma_start3A_628] : memref<8x512x512xf32, #tpu.memory_space<vmem>> -> memref<1x512x512xf32, #tpu.memory_space<vmem>>
    %dma_start3A_630 = tpu.memref_squeeze %dma_start3A_629 : memref<1x512x512xf32, #tpu.memory_space<vmem>> -> memref<512x512xf32, #tpu.memory_space<vmem>>
    tpu.enqueue_dma source(%dma_start3A_630 : memref<512x512xf32, #tpu.memory_space<vmem>>) target(%dma_start3A_626 : memref<512x512xf32, #tpu.memory_space<any>>) target_semaphore(%arg3 : memref<!tpu.dma_semaphore, #tpu.memory_space<semaphore_mem>>)
    %dma_start3A_631 = arith.constant 3 : i32
    %dma_start3A_632 = arith.constant 3 : i32
    %dma_start3A_633 = arith.constant 2 : i32
    %dma_start3A_634 = arith.constant 0 : i32
    %dma_start3A_635 = arith.constant 0 : i32
    %dma_start3A_636 = tpu.memref_slice %arg1[%dma_start3A_632, %dma_start3A_633, %dma_start3A_634, %dma_start3A_635] : memref<8x16x512x512xf32, #tpu.memory_space<any>> -> memref<1x1x512x512xf32, #tpu.memory_space<any>>
    %dma_start3A_637 = tpu.memref_squeeze %dma_start3A_636 : memref<1x1x512x512xf32, #tpu.memory_space<any>> -> memref<512x512xf32, #tpu.memory_space<any>>
    %dma_start3A_638 = arith.constant 0 : i32
    %dma_start3A_639 = arith.constant 0 : i32
    %dma_start3A_640 = tpu.memref_slice %arg2[%dma_start3A_631, %dma_start3A_638, %dma_start3A_639] : memref<8x512x512xf32, #tpu.memory_space<vmem>> -> memref<1x512x512xf32, #tpu.memory_space<vmem>>
    %dma_start3A_641 = tpu.memref_squeeze %dma_start3A_640 : memref<1x512x512xf32, #tpu.memory_space<vmem>> -> memref<512x512xf32, #tpu.memory_space<vmem>>
    tpu.enqueue_dma source(%dma_start3A_641 : memref<512x512xf32, #tpu.memory_space<vmem>>) target(%dma_start3A_637 : memref<512x512xf32, #tpu.memory_space<any>>) target_semaphore(%arg3 : memref<!tpu.dma_semaphore, #tpu.memory_space<semaphore_mem>>)
    %dma_start3A_642 = arith.constant 3 : i32
    %dma_start3A_643 = arith.constant 3 : i32
    %dma_start3A_644 = arith.constant 3 : i32
    %dma_start3A_645 = arith.constant 0 : i32
    %dma_start3A_646 = arith.constant 0 : i32
    %dma_start3A_647 = tpu.memref_slice %arg1[%dma_start3A_643, %dma_start3A_644, %dma_start3A_645, %dma_start3A_646] : memref<8x16x512x512xf32, #tpu.memory_space<any>> -> memref<1x1x512x512xf32, #tpu.memory_space<any>>
    %dma_start3A_648 = tpu.memref_squeeze %dma_start3A_647 : memref<1x1x512x512xf32, #tpu.memory_space<any>> -> memref<512x512xf32, #tpu.memory_space<any>>
    %dma_start3A_649 = arith.constant 0 : i32
    %dma_start3A_650 = arith.constant 0 : i32
    %dma_start3A_651 = tpu.memref_slice %arg2[%dma_start3A_642, %dma_start3A_649, %dma_start3A_650] : memref<8x512x512xf32, #tpu.memory_space<vmem>> -> memref<1x512x512xf32, #tpu.memory_space<vmem>>
    %dma_start3A_652 = tpu.memref_squeeze %dma_start3A_651 : memref<1x512x512xf32, #tpu.memory_space<vmem>> -> memref<512x512xf32, #tpu.memory_space<vmem>>
    tpu.enqueue_dma source(%dma_start3A_652 : memref<512x512xf32, #tpu.memory_space<vmem>>) target(%dma_start3A_648 : memref<512x512xf32, #tpu.memory_space<any>>) target_semaphore(%arg3 : memref<!tpu.dma_semaphore, #tpu.memory_space<semaphore_mem>>)
    %dma_start3A_653 = arith.constant 3 : i32
    %dma_start3A_654 = arith.constant 3 : i32
    %dma_start3A_655 = arith.constant 4 : i32
    %dma_start3A_656 = arith.constant 0 : i32
    %dma_start3A_657 = arith.constant 0 : i32
    %dma_start3A_658 = tpu.memref_slice %arg1[%dma_start3A_654, %dma_start3A_655, %dma_start3A_656, %dma_start3A_657] : memref<8x16x512x512xf32, #tpu.memory_space<any>> -> memref<1x1x512x512xf32, #tpu.memory_space<any>>
    %dma_start3A_659 = tpu.memref_squeeze %dma_start3A_658 : memref<1x1x512x512xf32, #tpu.memory_space<any>> -> memref<512x512xf32, #tpu.memory_space<any>>
    %dma_start3A_660 = arith.constant 0 : i32
    %dma_start3A_661 = arith.constant 0 : i32
    %dma_start3A_662 = tpu.memref_slice %arg2[%dma_start3A_653, %dma_start3A_660, %dma_start3A_661] : memref<8x512x512xf32, #tpu.memory_space<vmem>> -> memref<1x512x512xf32, #tpu.memory_space<vmem>>
    %dma_start3A_663 = tpu.memref_squeeze %dma_start3A_662 : memref<1x512x512xf32, #tpu.memory_space<vmem>> -> memref<512x512xf32, #tpu.memory_space<vmem>>
    tpu.enqueue_dma source(%dma_start3A_663 : memref<512x512xf32, #tpu.memory_space<vmem>>) target(%dma_start3A_659 : memref<512x512xf32, #tpu.memory_space<any>>) target_semaphore(%arg3 : memref<!tpu.dma_semaphore, #tpu.memory_space<semaphore_mem>>)
    %dma_start3A_664 = arith.constant 3 : i32
    %dma_start3A_665 = arith.constant 3 : i32
    %dma_start3A_666 = arith.constant 5 : i32
    %dma_start3A_667 = arith.constant 0 : i32
    %dma_start3A_668 = arith.constant 0 : i32
    %dma_start3A_669 = tpu.memref_slice %arg1[%dma_start3A_665, %dma_start3A_666, %dma_start3A_667, %dma_start3A_668] : memref<8x16x512x512xf32, #tpu.memory_space<any>> -> memref<1x1x512x512xf32, #tpu.memory_space<any>>
    %dma_start3A_670 = tpu.memref_squeeze %dma_start3A_669 : memref<1x1x512x512xf32, #tpu.memory_space<any>> -> memref<512x512xf32, #tpu.memory_space<any>>
    %dma_start3A_671 = arith.constant 0 : i32
    %dma_start3A_672 = arith.constant 0 : i32
    %dma_start3A_673 = tpu.memref_slice %arg2[%dma_start3A_664, %dma_start3A_671, %dma_start3A_672] : memref<8x512x512xf32, #tpu.memory_space<vmem>> -> memref<1x512x512xf32, #tpu.memory_space<vmem>>
    %dma_start3A_674 = tpu.memref_squeeze %dma_start3A_673 : memref<1x512x512xf32, #tpu.memory_space<vmem>> -> memref<512x512xf32, #tpu.memory_space<vmem>>
    tpu.enqueue_dma source(%dma_start3A_674 : memref<512x512xf32, #tpu.memory_space<vmem>>) target(%dma_start3A_670 : memref<512x512xf32, #tpu.memory_space<any>>) target_semaphore(%arg3 : memref<!tpu.dma_semaphore, #tpu.memory_space<semaphore_mem>>)
    %dma_start3A_675 = arith.constant 3 : i32
    %dma_start3A_676 = arith.constant 3 : i32
    %dma_start3A_677 = arith.constant 6 : i32
    %dma_start3A_678 = arith.constant 0 : i32
    %dma_start3A_679 = arith.constant 0 : i32
    %dma_start3A_680 = tpu.memref_slice %arg1[%dma_start3A_676, %dma_start3A_677, %dma_start3A_678, %dma_start3A_679] : memref<8x16x512x512xf32, #tpu.memory_space<any>> -> memref<1x1x512x512xf32, #tpu.memory_space<any>>
    %dma_start3A_681 = tpu.memref_squeeze %dma_start3A_680 : memref<1x1x512x512xf32, #tpu.memory_space<any>> -> memref<512x512xf32, #tpu.memory_space<any>>
    %dma_start3A_682 = arith.constant 0 : i32
    %dma_start3A_683 = arith.constant 0 : i32
    %dma_start3A_684 = tpu.memref_slice %arg2[%dma_start3A_675, %dma_start3A_682, %dma_start3A_683] : memref<8x512x512xf32, #tpu.memory_space<vmem>> -> memref<1x512x512xf32, #tpu.memory_space<vmem>>
    %dma_start3A_685 = tpu.memref_squeeze %dma_start3A_684 : memref<1x512x512xf32, #tpu.memory_space<vmem>> -> memref<512x512xf32, #tpu.memory_space<vmem>>
    tpu.enqueue_dma source(%dma_start3A_685 : memref<512x512xf32, #tpu.memory_space<vmem>>) target(%dma_start3A_681 : memref<512x512xf32, #tpu.memory_space<any>>) target_semaphore(%arg3 : memref<!tpu.dma_semaphore, #tpu.memory_space<semaphore_mem>>)
    %dma_start3A_686 = arith.constant 3 : i32
    %dma_start3A_687 = arith.constant 3 : i32
    %dma_start3A_688 = arith.constant 7 : i32
    %dma_start3A_689 = arith.constant 0 : i32
    %dma_start3A_690 = arith.constant 0 : i32
    %dma_start3A_691 = tpu.memref_slice %arg1[%dma_start3A_687, %dma_start3A_688, %dma_start3A_689, %dma_start3A_690] : memref<8x16x512x512xf32, #tpu.memory_space<any>> -> memref<1x1x512x512xf32, #tpu.memory_space<any>>
    %dma_start3A_692 = tpu.memref_squeeze %dma_start3A_691 : memref<1x1x512x512xf32, #tpu.memory_space<any>> -> memref<512x512xf32, #tpu.memory_space<any>>
    %dma_start3A_693 = arith.constant 0 : i32
    %dma_start3A_694 = arith.constant 0 : i32
    %dma_start3A_695 = tpu.memref_slice %arg2[%dma_start3A_686, %dma_start3A_693, %dma_start3A_694] : memref<8x512x512xf32, #tpu.memory_space<vmem>> -> memref<1x512x512xf32, #tpu.memory_space<vmem>>
    %dma_start3A_696 = tpu.memref_squeeze %dma_start3A_695 : memref<1x512x512xf32, #tpu.memory_space<vmem>> -> memref<512x512xf32, #tpu.memory_space<vmem>>
    tpu.enqueue_dma source(%dma_start3A_696 : memref<512x512xf32, #tpu.memory_space<vmem>>) target(%dma_start3A_692 : memref<512x512xf32, #tpu.memory_space<any>>) target_semaphore(%arg3 : memref<!tpu.dma_semaphore, #tpu.memory_space<semaphore_mem>>)
    %dma_start3A_697 = arith.constant 3 : i32
    %dma_start3A_698 = arith.constant 3 : i32
    %dma_start3A_699 = arith.constant 8 : i32
    %dma_start3A_700 = arith.constant 0 : i32
    %dma_start3A_701 = arith.constant 0 : i32
    %dma_start3A_702 = tpu.memref_slice %arg1[%dma_start3A_698, %dma_start3A_699, %dma_start3A_700, %dma_start3A_701] : memref<8x16x512x512xf32, #tpu.memory_space<any>> -> memref<1x1x512x512xf32, #tpu.memory_space<any>>
    %dma_start3A_703 = tpu.memref_squeeze %dma_start3A_702 : memref<1x1x512x512xf32, #tpu.memory_space<any>> -> memref<512x512xf32, #tpu.memory_space<any>>
    %dma_start3A_704 = arith.constant 0 : i32
    %dma_start3A_705 = arith.constant 0 : i32
    %dma_start3A_706 = tpu.memref_slice %arg2[%dma_start3A_697, %dma_start3A_704, %dma_start3A_705] : memref<8x512x512xf32, #tpu.memory_space<vmem>> -> memref<1x512x512xf32, #tpu.memory_space<vmem>>
    %dma_start3A_707 = tpu.memref_squeeze %dma_start3A_706 : memref<1x512x512xf32, #tpu.memory_space<vmem>> -> memref<512x512xf32, #tpu.memory_space<vmem>>
    tpu.enqueue_dma source(%dma_start3A_707 : memref<512x512xf32, #tpu.memory_space<vmem>>) target(%dma_start3A_703 : memref<512x512xf32, #tpu.memory_space<any>>) target_semaphore(%arg3 : memref<!tpu.dma_semaphore, #tpu.memory_space<semaphore_mem>>)
    %dma_start3A_708 = arith.constant 3 : i32
    %dma_start3A_709 = arith.constant 3 : i32
    %dma_start3A_710 = arith.constant 9 : i32
    %dma_start3A_711 = arith.constant 0 : i32
    %dma_start3A_712 = arith.constant 0 : i32
    %dma_start3A_713 = tpu.memref_slice %arg1[%dma_start3A_709, %dma_start3A_710, %dma_start3A_711, %dma_start3A_712] : memref<8x16x512x512xf32, #tpu.memory_space<any>> -> memref<1x1x512x512xf32, #tpu.memory_space<any>>
    %dma_start3A_714 = tpu.memref_squeeze %dma_start3A_713 : memref<1x1x512x512xf32, #tpu.memory_space<any>> -> memref<512x512xf32, #tpu.memory_space<any>>
    %dma_start3A_715 = arith.constant 0 : i32
    %dma_start3A_716 = arith.constant 0 : i32
    %dma_start3A_717 = tpu.memref_slice %arg2[%dma_start3A_708, %dma_start3A_715, %dma_start3A_716] : memref<8x512x512xf32, #tpu.memory_space<vmem>> -> memref<1x512x512xf32, #tpu.memory_space<vmem>>
    %dma_start3A_718 = tpu.memref_squeeze %dma_start3A_717 : memref<1x512x512xf32, #tpu.memory_space<vmem>> -> memref<512x512xf32, #tpu.memory_space<vmem>>
    tpu.enqueue_dma source(%dma_start3A_718 : memref<512x512xf32, #tpu.memory_space<vmem>>) target(%dma_start3A_714 : memref<512x512xf32, #tpu.memory_space<any>>) target_semaphore(%arg3 : memref<!tpu.dma_semaphore, #tpu.memory_space<semaphore_mem>>)
    %dma_start3A_719 = arith.constant 3 : i32
    %dma_start3A_720 = arith.constant 3 : i32
    %dma_start3A_721 = arith.constant 10 : i32
    %dma_start3A_722 = arith.constant 0 : i32
    %dma_start3A_723 = arith.constant 0 : i32
    %dma_start3A_724 = tpu.memref_slice %arg1[%dma_start3A_720, %dma_start3A_721, %dma_start3A_722, %dma_start3A_723] : memref<8x16x512x512xf32, #tpu.memory_space<any>> -> memref<1x1x512x512xf32, #tpu.memory_space<any>>
    %dma_start3A_725 = tpu.memref_squeeze %dma_start3A_724 : memref<1x1x512x512xf32, #tpu.memory_space<any>> -> memref<512x512xf32, #tpu.memory_space<any>>
    %dma_start3A_726 = arith.constant 0 : i32
    %dma_start3A_727 = arith.constant 0 : i32
    %dma_start3A_728 = tpu.memref_slice %arg2[%dma_start3A_719, %dma_start3A_726, %dma_start3A_727] : memref<8x512x512xf32, #tpu.memory_space<vmem>> -> memref<1x512x512xf32, #tpu.memory_space<vmem>>
    %dma_start3A_729 = tpu.memref_squeeze %dma_start3A_728 : memref<1x512x512xf32, #tpu.memory_space<vmem>> -> memref<512x512xf32, #tpu.memory_space<vmem>>
    tpu.enqueue_dma source(%dma_start3A_729 : memref<512x512xf32, #tpu.memory_space<vmem>>) target(%dma_start3A_725 : memref<512x512xf32, #tpu.memory_space<any>>) target_semaphore(%arg3 : memref<!tpu.dma_semaphore, #tpu.memory_space<semaphore_mem>>)
    %dma_start3A_730 = arith.constant 3 : i32
    %dma_start3A_731 = arith.constant 3 : i32
    %dma_start3A_732 = arith.constant 11 : i32
    %dma_start3A_733 = arith.constant 0 : i32
    %dma_start3A_734 = arith.constant 0 : i32
    %dma_start3A_735 = tpu.memref_slice %arg1[%dma_start3A_731, %dma_start3A_732, %dma_start3A_733, %dma_start3A_734] : memref<8x16x512x512xf32, #tpu.memory_space<any>> -> memref<1x1x512x512xf32, #tpu.memory_space<any>>
    %dma_start3A_736 = tpu.memref_squeeze %dma_start3A_735 : memref<1x1x512x512xf32, #tpu.memory_space<any>> -> memref<512x512xf32, #tpu.memory_space<any>>
    %dma_start3A_737 = arith.constant 0 : i32
    %dma_start3A_738 = arith.constant 0 : i32
    %dma_start3A_739 = tpu.memref_slice %arg2[%dma_start3A_730, %dma_start3A_737, %dma_start3A_738] : memref<8x512x512xf32, #tpu.memory_space<vmem>> -> memref<1x512x512xf32, #tpu.memory_space<vmem>>
    %dma_start3A_740 = tpu.memref_squeeze %dma_start3A_739 : memref<1x512x512xf32, #tpu.memory_space<vmem>> -> memref<512x512xf32, #tpu.memory_space<vmem>>
    tpu.enqueue_dma source(%dma_start3A_740 : memref<512x512xf32, #tpu.memory_space<vmem>>) target(%dma_start3A_736 : memref<512x512xf32, #tpu.memory_space<any>>) target_semaphore(%arg3 : memref<!tpu.dma_semaphore, #tpu.memory_space<semaphore_mem>>)
    %dma_start3A_741 = arith.constant 3 : i32
    %dma_start3A_742 = arith.constant 3 : i32
    %dma_start3A_743 = arith.constant 12 : i32
    %dma_start3A_744 = arith.constant 0 : i32
    %dma_start3A_745 = arith.constant 0 : i32
    %dma_start3A_746 = tpu.memref_slice %arg1[%dma_start3A_742, %dma_start3A_743, %dma_start3A_744, %dma_start3A_745] : memref<8x16x512x512xf32, #tpu.memory_space<any>> -> memref<1x1x512x512xf32, #tpu.memory_space<any>>
    %dma_start3A_747 = tpu.memref_squeeze %dma_start3A_746 : memref<1x1x512x512xf32, #tpu.memory_space<any>> -> memref<512x512xf32, #tpu.memory_space<any>>
    %dma_start3A_748 = arith.constant 0 : i32
    %dma_start3A_749 = arith.constant 0 : i32
    %dma_start3A_750 = tpu.memref_slice %arg2[%dma_start3A_741, %dma_start3A_748, %dma_start3A_749] : memref<8x512x512xf32, #tpu.memory_space<vmem>> -> memref<1x512x512xf32, #tpu.memory_space<vmem>>
    %dma_start3A_751 = tpu.memref_squeeze %dma_start3A_750 : memref<1x512x512xf32, #tpu.memory_space<vmem>> -> memref<512x512xf32, #tpu.memory_space<vmem>>
    tpu.enqueue_dma source(%dma_start3A_751 : memref<512x512xf32, #tpu.memory_space<vmem>>) target(%dma_start3A_747 : memref<512x512xf32, #tpu.memory_space<any>>) target_semaphore(%arg3 : memref<!tpu.dma_semaphore, #tpu.memory_space<semaphore_mem>>)
    %dma_start3A_752 = arith.constant 3 : i32
    %dma_start3A_753 = arith.constant 3 : i32
    %dma_start3A_754 = arith.constant 13 : i32
    %dma_start3A_755 = arith.constant 0 : i32
    %dma_start3A_756 = arith.constant 0 : i32
    %dma_start3A_757 = tpu.memref_slice %arg1[%dma_start3A_753, %dma_start3A_754, %dma_start3A_755, %dma_start3A_756] : memref<8x16x512x512xf32, #tpu.memory_space<any>> -> memref<1x1x512x512xf32, #tpu.memory_space<any>>
    %dma_start3A_758 = tpu.memref_squeeze %dma_start3A_757 : memref<1x1x512x512xf32, #tpu.memory_space<any>> -> memref<512x512xf32, #tpu.memory_space<any>>
    %dma_start3A_759 = arith.constant 0 : i32
    %dma_start3A_760 = arith.constant 0 : i32
    %dma_start3A_761 = tpu.memref_slice %arg2[%dma_start3A_752, %dma_start3A_759, %dma_start3A_760] : memref<8x512x512xf32, #tpu.memory_space<vmem>> -> memref<1x512x512xf32, #tpu.memory_space<vmem>>
    %dma_start3A_762 = tpu.memref_squeeze %dma_start3A_761 : memref<1x512x512xf32, #tpu.memory_space<vmem>> -> memref<512x512xf32, #tpu.memory_space<vmem>>
    tpu.enqueue_dma source(%dma_start3A_762 : memref<512x512xf32, #tpu.memory_space<vmem>>) target(%dma_start3A_758 : memref<512x512xf32, #tpu.memory_space<any>>) target_semaphore(%arg3 : memref<!tpu.dma_semaphore, #tpu.memory_space<semaphore_mem>>)
    %dma_start3A_763 = arith.constant 3 : i32
    %dma_start3A_764 = arith.constant 3 : i32
    %dma_start3A_765 = arith.constant 14 : i32
    %dma_start3A_766 = arith.constant 0 : i32
    %dma_start3A_767 = arith.constant 0 : i32
    %dma_start3A_768 = tpu.memref_slice %arg1[%dma_start3A_764, %dma_start3A_765, %dma_start3A_766, %dma_start3A_767] : memref<8x16x512x512xf32, #tpu.memory_space<any>> -> memref<1x1x512x512xf32, #tpu.memory_space<any>>
    %dma_start3A_769 = tpu.memref_squeeze %dma_start3A_768 : memref<1x1x512x512xf32, #tpu.memory_space<any>> -> memref<512x512xf32, #tpu.memory_space<any>>
    %dma_start3A_770 = arith.constant 0 : i32
    %dma_start3A_771 = arith.constant 0 : i32
    %dma_start3A_772 = tpu.memref_slice %arg2[%dma_start3A_763, %dma_start3A_770, %dma_start3A_771] : memref<8x512x512xf32, #tpu.memory_space<vmem>> -> memref<1x512x512xf32, #tpu.memory_space<vmem>>
    %dma_start3A_773 = tpu.memref_squeeze %dma_start3A_772 : memref<1x512x512xf32, #tpu.memory_space<vmem>> -> memref<512x512xf32, #tpu.memory_space<vmem>>
    tpu.enqueue_dma source(%dma_start3A_773 : memref<512x512xf32, #tpu.memory_space<vmem>>) target(%dma_start3A_769 : memref<512x512xf32, #tpu.memory_space<any>>) target_semaphore(%arg3 : memref<!tpu.dma_semaphore, #tpu.memory_space<semaphore_mem>>)
    %dma_start3A_774 = arith.constant 3 : i32
    %dma_start3A_775 = arith.constant 3 : i32
    %dma_start3A_776 = arith.constant 15 : i32
    %dma_start3A_777 = arith.constant 0 : i32
    %dma_start3A_778 = arith.constant 0 : i32
    %dma_start3A_779 = tpu.memref_slice %arg1[%dma_start3A_775, %dma_start3A_776, %dma_start3A_777, %dma_start3A_778] : memref<8x16x512x512xf32, #tpu.memory_space<any>> -> memref<1x1x512x512xf32, #tpu.memory_space<any>>
    %dma_start3A_780 = tpu.memref_squeeze %dma_start3A_779 : memref<1x1x512x512xf32, #tpu.memory_space<any>> -> memref<512x512xf32, #tpu.memory_space<any>>
    %dma_start3A_781 = arith.constant 0 : i32
    %dma_start3A_782 = arith.constant 0 : i32
    %dma_start3A_783 = tpu.memref_slice %arg2[%dma_start3A_774, %dma_start3A_781, %dma_start3A_782] : memref<8x512x512xf32, #tpu.memory_space<vmem>> -> memref<1x512x512xf32, #tpu.memory_space<vmem>>
    %dma_start3A_784 = tpu.memref_squeeze %dma_start3A_783 : memref<1x512x512xf32, #tpu.memory_space<vmem>> -> memref<512x512xf32, #tpu.memory_space<vmem>>
    tpu.enqueue_dma source(%dma_start3A_784 : memref<512x512xf32, #tpu.memory_space<vmem>>) target(%dma_start3A_780 : memref<512x512xf32, #tpu.memory_space<any>>) target_semaphore(%arg3 : memref<!tpu.dma_semaphore, #tpu.memory_space<semaphore_mem>>)
    %eq3A_785 = arith.constant 4 : i32
    %eq3A_786 = vector.broadcast %eq3A_785 : i32 to vector<16x128xi32>
    %eq3A_787 = arith.cmpi eq, %get3A_1, %eq3A_786 : vector<16x128xi32>
    %convert_element_type3A_788 = arith.extui %eq3A_787 : vector<16x128xi1> to vector<16x128xi32>
    %reduce_sum3A_789 = vector.shape_cast %convert_element_type3A_788 : vector<16x128xi32> to vector<1x16x128xi32>
    %reduce_sum3A_790 = arith.constant dense<0> : vector<1xi32>
    %reduce_sum3A_791 = vector.multi_reduction <add>, %reduce_sum3A_789, %reduce_sum3A_790 [1, 2] : vector<1x16x128xi32> to vector<1xi32>
    %reduce_sum3A_792 = vector.shape_cast %reduce_sum3A_791 : vector<1xi32> to vector<1x1x1xi32>
    %reduce_sum3A_793 = vector.extract %reduce_sum3A_792[0, 0, 0] : i32 from vector<1x1x1xi32>
    %ge3A_794 = vector.broadcast %reduce_sum3A_793 : i32 to vector<512x512xi32>
    %ge3A_795 = arith.cmpi sge, %iota3A, %ge3A_794 : vector<512x512xi32>
    %jit3A_796 = arith.constant -1.000000e+09 : f32
    %jit3A_797 = arith.constant 0.000000e+00 : f32
    %broadcast_in_dim3A_798 = vector.broadcast %jit3A_796 : f32 to vector<512x512xf32>
    %broadcast_in_dim3A_799 = vector.broadcast %jit3A_797 : f32 to vector<512x512xf32>
    %select_n3A_800 = arith.select %ge3A_795, %broadcast_in_dim3A_798, %broadcast_in_dim3A_799 : vector<512x512xi1>, vector<512x512xf32>
    %swap3A_801 = arith.constant 4 : index
    %swap3A_802 = arith.constant 0 : index
    %swap3A_803 = arith.constant 0 : index
    %swap3A_804 = vector.load %arg2[%swap3A_801, %swap3A_802, %swap3A_803] : memref<8x512x512xf32, #tpu.memory_space<vmem>>, vector<1x512x512xf32>
    %swap3A_805 = vector.shape_cast %swap3A_804 : vector<1x512x512xf32> to vector<512x512xf32>
    %swap3A_806 = vector.shape_cast %select_n3A_800 : vector<512x512xf32> to vector<1x512x512xf32>
    tpu.vector_store %arg2[%swap3A_801, %swap3A_802, %swap3A_803], %swap3A_806 {strides = array<i32>} : memref<8x512x512xf32, #tpu.memory_space<vmem>>, vector<1x512x512xf32>,
    %dma_start3A_807 = arith.constant 4 : i32
    %dma_start3A_808 = arith.constant 4 : i32
    %dma_start3A_809 = arith.constant 0 : i32
    %dma_start3A_810 = arith.constant 0 : i32
    %dma_start3A_811 = arith.constant 0 : i32
    %dma_start3A_812 = tpu.memref_slice %arg1[%dma_start3A_808, %dma_start3A_809, %dma_start3A_810, %dma_start3A_811] : memref<8x16x512x512xf32, #tpu.memory_space<any>> -> memref<1x1x512x512xf32, #tpu.memory_space<any>>
    %dma_start3A_813 = tpu.memref_squeeze %dma_start3A_812 : memref<1x1x512x512xf32, #tpu.memory_space<any>> -> memref<512x512xf32, #tpu.memory_space<any>>
    %dma_start3A_814 = arith.constant 0 : i32
    %dma_start3A_815 = arith.constant 0 : i32
    %dma_start3A_816 = tpu.memref_slice %arg2[%dma_start3A_807, %dma_start3A_814, %dma_start3A_815] : memref<8x512x512xf32, #tpu.memory_space<vmem>> -> memref<1x512x512xf32, #tpu.memory_space<vmem>>
    %dma_start3A_817 = tpu.memref_squeeze %dma_start3A_816 : memref<1x512x512xf32, #tpu.memory_space<vmem>> -> memref<512x512xf32, #tpu.memory_space<vmem>>
    tpu.enqueue_dma source(%dma_start3A_817 : memref<512x512xf32, #tpu.memory_space<vmem>>) target(%dma_start3A_813 : memref<512x512xf32, #tpu.memory_space<any>>) target_semaphore(%arg3 : memref<!tpu.dma_semaphore, #tpu.memory_space<semaphore_mem>>)
    %dma_start3A_818 = arith.constant 4 : i32
    %dma_start3A_819 = arith.constant 4 : i32
    %dma_start3A_820 = arith.constant 1 : i32
    %dma_start3A_821 = arith.constant 0 : i32
    %dma_start3A_822 = arith.constant 0 : i32
    %dma_start3A_823 = tpu.memref_slice %arg1[%dma_start3A_819, %dma_start3A_820, %dma_start3A_821, %dma_start3A_822] : memref<8x16x512x512xf32, #tpu.memory_space<any>> -> memref<1x1x512x512xf32, #tpu.memory_space<any>>
    %dma_start3A_824 = tpu.memref_squeeze %dma_start3A_823 : memref<1x1x512x512xf32, #tpu.memory_space<any>> -> memref<512x512xf32, #tpu.memory_space<any>>
    %dma_start3A_825 = arith.constant 0 : i32
    %dma_start3A_826 = arith.constant 0 : i32
    %dma_start3A_827 = tpu.memref_slice %arg2[%dma_start3A_818, %dma_start3A_825, %dma_start3A_826] : memref<8x512x512xf32, #tpu.memory_space<vmem>> -> memref<1x512x512xf32, #tpu.memory_space<vmem>>
    %dma_start3A_828 = tpu.memref_squeeze %dma_start3A_827 : memref<1x512x512xf32, #tpu.memory_space<vmem>> -> memref<512x512xf32, #tpu.memory_space<vmem>>
    tpu.enqueue_dma source(%dma_start3A_828 : memref<512x512xf32, #tpu.memory_space<vmem>>) target(%dma_start3A_824 : memref<512x512xf32, #tpu.memory_space<any>>) target_semaphore(%arg3 : memref<!tpu.dma_semaphore, #tpu.memory_space<semaphore_mem>>)
    %dma_start3A_829 = arith.constant 4 : i32
    %dma_start3A_830 = arith.constant 4 : i32
    %dma_start3A_831 = arith.constant 2 : i32
    %dma_start3A_832 = arith.constant 0 : i32
    %dma_start3A_833 = arith.constant 0 : i32
    %dma_start3A_834 = tpu.memref_slice %arg1[%dma_start3A_830, %dma_start3A_831, %dma_start3A_832, %dma_start3A_833] : memref<8x16x512x512xf32, #tpu.memory_space<any>> -> memref<1x1x512x512xf32, #tpu.memory_space<any>>
    %dma_start3A_835 = tpu.memref_squeeze %dma_start3A_834 : memref<1x1x512x512xf32, #tpu.memory_space<any>> -> memref<512x512xf32, #tpu.memory_space<any>>
    %dma_start3A_836 = arith.constant 0 : i32
    %dma_start3A_837 = arith.constant 0 : i32
    %dma_start3A_838 = tpu.memref_slice %arg2[%dma_start3A_829, %dma_start3A_836, %dma_start3A_837] : memref<8x512x512xf32, #tpu.memory_space<vmem>> -> memref<1x512x512xf32, #tpu.memory_space<vmem>>
    %dma_start3A_839 = tpu.memref_squeeze %dma_start3A_838 : memref<1x512x512xf32, #tpu.memory_space<vmem>> -> memref<512x512xf32, #tpu.memory_space<vmem>>
    tpu.enqueue_dma source(%dma_start3A_839 : memref<512x512xf32, #tpu.memory_space<vmem>>) target(%dma_start3A_835 : memref<512x512xf32, #tpu.memory_space<any>>) target_semaphore(%arg3 : memref<!tpu.dma_semaphore, #tpu.memory_space<semaphore_mem>>)
    %dma_start3A_840 = arith.constant 4 : i32
    %dma_start3A_841 = arith.constant 4 : i32
    %dma_start3A_842 = arith.constant 3 : i32
    %dma_start3A_843 = arith.constant 0 : i32
    %dma_start3A_844 = arith.constant 0 : i32
    %dma_start3A_845 = tpu.memref_slice %arg1[%dma_start3A_841, %dma_start3A_842, %dma_start3A_843, %dma_start3A_844] : memref<8x16x512x512xf32, #tpu.memory_space<any>> -> memref<1x1x512x512xf32, #tpu.memory_space<any>>
    %dma_start3A_846 = tpu.memref_squeeze %dma_start3A_845 : memref<1x1x512x512xf32, #tpu.memory_space<any>> -> memref<512x512xf32, #tpu.memory_space<any>>
    %dma_start3A_847 = arith.constant 0 : i32
    %dma_start3A_848 = arith.constant 0 : i32
    %dma_start3A_849 = tpu.memref_slice %arg2[%dma_start3A_840, %dma_start3A_847, %dma_start3A_848] : memref<8x512x512xf32, #tpu.memory_space<vmem>> -> memref<1x512x512xf32, #tpu.memory_space<vmem>>
    %dma_start3A_850 = tpu.memref_squeeze %dma_start3A_849 : memref<1x512x512xf32, #tpu.memory_space<vmem>> -> memref<512x512xf32, #tpu.memory_space<vmem>>
    tpu.enqueue_dma source(%dma_start3A_850 : memref<512x512xf32, #tpu.memory_space<vmem>>) target(%dma_start3A_846 : memref<512x512xf32, #tpu.memory_space<any>>) target_semaphore(%arg3 : memref<!tpu.dma_semaphore, #tpu.memory_space<semaphore_mem>>)
    %dma_start3A_851 = arith.constant 4 : i32
    %dma_start3A_852 = arith.constant 4 : i32
    %dma_start3A_853 = arith.constant 4 : i32
    %dma_start3A_854 = arith.constant 0 : i32
    %dma_start3A_855 = arith.constant 0 : i32
    %dma_start3A_856 = tpu.memref_slice %arg1[%dma_start3A_852, %dma_start3A_853, %dma_start3A_854, %dma_start3A_855] : memref<8x16x512x512xf32, #tpu.memory_space<any>> -> memref<1x1x512x512xf32, #tpu.memory_space<any>>
    %dma_start3A_857 = tpu.memref_squeeze %dma_start3A_856 : memref<1x1x512x512xf32, #tpu.memory_space<any>> -> memref<512x512xf32, #tpu.memory_space<any>>
    %dma_start3A_858 = arith.constant 0 : i32
    %dma_start3A_859 = arith.constant 0 : i32
    %dma_start3A_860 = tpu.memref_slice %arg2[%dma_start3A_851, %dma_start3A_858, %dma_start3A_859] : memref<8x512x512xf32, #tpu.memory_space<vmem>> -> memref<1x512x512xf32, #tpu.memory_space<vmem>>
    %dma_start3A_861 = tpu.memref_squeeze %dma_start3A_860 : memref<1x512x512xf32, #tpu.memory_space<vmem>> -> memref<512x512xf32, #tpu.memory_space<vmem>>
    tpu.enqueue_dma source(%dma_start3A_861 : memref<512x512xf32, #tpu.memory_space<vmem>>) target(%dma_start3A_857 : memref<512x512xf32, #tpu.memory_space<any>>) target_semaphore(%arg3 : memref<!tpu.dma_semaphore, #tpu.memory_space<semaphore_mem>>)
    %dma_start3A_862 = arith.constant 4 : i32
    %dma_start3A_863 = arith.constant 4 : i32
    %dma_start3A_864 = arith.constant 5 : i32
    %dma_start3A_865 = arith.constant 0 : i32
    %dma_start3A_866 = arith.constant 0 : i32
    %dma_start3A_867 = tpu.memref_slice %arg1[%dma_start3A_863, %dma_start3A_864, %dma_start3A_865, %dma_start3A_866] : memref<8x16x512x512xf32, #tpu.memory_space<any>> -> memref<1x1x512x512xf32, #tpu.memory_space<any>>
    %dma_start3A_868 = tpu.memref_squeeze %dma_start3A_867 : memref<1x1x512x512xf32, #tpu.memory_space<any>> -> memref<512x512xf32, #tpu.memory_space<any>>
    %dma_start3A_869 = arith.constant 0 : i32
    %dma_start3A_870 = arith.constant 0 : i32
    %dma_start3A_871 = tpu.memref_slice %arg2[%dma_start3A_862, %dma_start3A_869, %dma_start3A_870] : memref<8x512x512xf32, #tpu.memory_space<vmem>> -> memref<1x512x512xf32, #tpu.memory_space<vmem>>
    %dma_start3A_872 = tpu.memref_squeeze %dma_start3A_871 : memref<1x512x512xf32, #tpu.memory_space<vmem>> -> memref<512x512xf32, #tpu.memory_space<vmem>>
    tpu.enqueue_dma source(%dma_start3A_872 : memref<512x512xf32, #tpu.memory_space<vmem>>) target(%dma_start3A_868 : memref<512x512xf32, #tpu.memory_space<any>>) target_semaphore(%arg3 : memref<!tpu.dma_semaphore, #tpu.memory_space<semaphore_mem>>)
    %dma_start3A_873 = arith.constant 4 : i32
    %dma_start3A_874 = arith.constant 4 : i32
    %dma_start3A_875 = arith.constant 6 : i32
    %dma_start3A_876 = arith.constant 0 : i32
    %dma_start3A_877 = arith.constant 0 : i32
    %dma_start3A_878 = tpu.memref_slice %arg1[%dma_start3A_874, %dma_start3A_875, %dma_start3A_876, %dma_start3A_877] : memref<8x16x512x512xf32, #tpu.memory_space<any>> -> memref<1x1x512x512xf32, #tpu.memory_space<any>>
    %dma_start3A_879 = tpu.memref_squeeze %dma_start3A_878 : memref<1x1x512x512xf32, #tpu.memory_space<any>> -> memref<512x512xf32, #tpu.memory_space<any>>
    %dma_start3A_880 = arith.constant 0 : i32
    %dma_start3A_881 = arith.constant 0 : i32
    %dma_start3A_882 = tpu.memref_slice %arg2[%dma_start3A_873, %dma_start3A_880, %dma_start3A_881] : memref<8x512x512xf32, #tpu.memory_space<vmem>> -> memref<1x512x512xf32, #tpu.memory_space<vmem>>
    %dma_start3A_883 = tpu.memref_squeeze %dma_start3A_882 : memref<1x512x512xf32, #tpu.memory_space<vmem>> -> memref<512x512xf32, #tpu.memory_space<vmem>>
    tpu.enqueue_dma source(%dma_start3A_883 : memref<512x512xf32, #tpu.memory_space<vmem>>) target(%dma_start3A_879 : memref<512x512xf32, #tpu.memory_space<any>>) target_semaphore(%arg3 : memref<!tpu.dma_semaphore, #tpu.memory_space<semaphore_mem>>)
    %dma_start3A_884 = arith.constant 4 : i32
    %dma_start3A_885 = arith.constant 4 : i32
    %dma_start3A_886 = arith.constant 7 : i32
    %dma_start3A_887 = arith.constant 0 : i32
    %dma_start3A_888 = arith.constant 0 : i32
    %dma_start3A_889 = tpu.memref_slice %arg1[%dma_start3A_885, %dma_start3A_886, %dma_start3A_887, %dma_start3A_888] : memref<8x16x512x512xf32, #tpu.memory_space<any>> -> memref<1x1x512x512xf32, #tpu.memory_space<any>>
    %dma_start3A_890 = tpu.memref_squeeze %dma_start3A_889 : memref<1x1x512x512xf32, #tpu.memory_space<any>> -> memref<512x512xf32, #tpu.memory_space<any>>
    %dma_start3A_891 = arith.constant 0 : i32
    %dma_start3A_892 = arith.constant 0 : i32
    %dma_start3A_893 = tpu.memref_slice %arg2[%dma_start3A_884, %dma_start3A_891, %dma_start3A_892] : memref<8x512x512xf32, #tpu.memory_space<vmem>> -> memref<1x512x512xf32, #tpu.memory_space<vmem>>
    %dma_start3A_894 = tpu.memref_squeeze %dma_start3A_893 : memref<1x512x512xf32, #tpu.memory_space<vmem>> -> memref<512x512xf32, #tpu.memory_space<vmem>>
    tpu.enqueue_dma source(%dma_start3A_894 : memref<512x512xf32, #tpu.memory_space<vmem>>) target(%dma_start3A_890 : memref<512x512xf32, #tpu.memory_space<any>>) target_semaphore(%arg3 : memref<!tpu.dma_semaphore, #tpu.memory_space<semaphore_mem>>)
    %dma_start3A_895 = arith.constant 4 : i32
    %dma_start3A_896 = arith.constant 4 : i32
    %dma_start3A_897 = arith.constant 8 : i32
    %dma_start3A_898 = arith.constant 0 : i32
    %dma_start3A_899 = arith.constant 0 : i32
    %dma_start3A_900 = tpu.memref_slice %arg1[%dma_start3A_896, %dma_start3A_897, %dma_start3A_898, %dma_start3A_899] : memref<8x16x512x512xf32, #tpu.memory_space<any>> -> memref<1x1x512x512xf32, #tpu.memory_space<any>>
    %dma_start3A_901 = tpu.memref_squeeze %dma_start3A_900 : memref<1x1x512x512xf32, #tpu.memory_space<any>> -> memref<512x512xf32, #tpu.memory_space<any>>
    %dma_start3A_902 = arith.constant 0 : i32
    %dma_start3A_903 = arith.constant 0 : i32
    %dma_start3A_904 = tpu.memref_slice %arg2[%dma_start3A_895, %dma_start3A_902, %dma_start3A_903] : memref<8x512x512xf32, #tpu.memory_space<vmem>> -> memref<1x512x512xf32, #tpu.memory_space<vmem>>
    %dma_start3A_905 = tpu.memref_squeeze %dma_start3A_904 : memref<1x512x512xf32, #tpu.memory_space<vmem>> -> memref<512x512xf32, #tpu.memory_space<vmem>>
    tpu.enqueue_dma source(%dma_start3A_905 : memref<512x512xf32, #tpu.memory_space<vmem>>) target(%dma_start3A_901 : memref<512x512xf32, #tpu.memory_space<any>>) target_semaphore(%arg3 : memref<!tpu.dma_semaphore, #tpu.memory_space<semaphore_mem>>)
    %dma_start3A_906 = arith.constant 4 : i32
    %dma_start3A_907 = arith.constant 4 : i32
    %dma_start3A_908 = arith.constant 9 : i32
    %dma_start3A_909 = arith.constant 0 : i32
    %dma_start3A_910 = arith.constant 0 : i32
    %dma_start3A_911 = tpu.memref_slice %arg1[%dma_start3A_907, %dma_start3A_908, %dma_start3A_909, %dma_start3A_910] : memref<8x16x512x512xf32, #tpu.memory_space<any>> -> memref<1x1x512x512xf32, #tpu.memory_space<any>>
    %dma_start3A_912 = tpu.memref_squeeze %dma_start3A_911 : memref<1x1x512x512xf32, #tpu.memory_space<any>> -> memref<512x512xf32, #tpu.memory_space<any>>
    %dma_start3A_913 = arith.constant 0 : i32
    %dma_start3A_914 = arith.constant 0 : i32
    %dma_start3A_915 = tpu.memref_slice %arg2[%dma_start3A_906, %dma_start3A_913, %dma_start3A_914] : memref<8x512x512xf32, #tpu.memory_space<vmem>> -> memref<1x512x512xf32, #tpu.memory_space<vmem>>
    %dma_start3A_916 = tpu.memref_squeeze %dma_start3A_915 : memref<1x512x512xf32, #tpu.memory_space<vmem>> -> memref<512x512xf32, #tpu.memory_space<vmem>>
    tpu.enqueue_dma source(%dma_start3A_916 : memref<512x512xf32, #tpu.memory_space<vmem>>) target(%dma_start3A_912 : memref<512x512xf32, #tpu.memory_space<any>>) target_semaphore(%arg3 : memref<!tpu.dma_semaphore, #tpu.memory_space<semaphore_mem>>)
    %dma_start3A_917 = arith.constant 4 : i32
    %dma_start3A_918 = arith.constant 4 : i32
    %dma_start3A_919 = arith.constant 10 : i32
    %dma_start3A_920 = arith.constant 0 : i32
    %dma_start3A_921 = arith.constant 0 : i32
    %dma_start3A_922 = tpu.memref_slice %arg1[%dma_start3A_918, %dma_start3A_919, %dma_start3A_920, %dma_start3A_921] : memref<8x16x512x512xf32, #tpu.memory_space<any>> -> memref<1x1x512x512xf32, #tpu.memory_space<any>>
    %dma_start3A_923 = tpu.memref_squeeze %dma_start3A_922 : memref<1x1x512x512xf32, #tpu.memory_space<any>> -> memref<512x512xf32, #tpu.memory_space<any>>
    %dma_start3A_924 = arith.constant 0 : i32
    %dma_start3A_925 = arith.constant 0 : i32
    %dma_start3A_926 = tpu.memref_slice %arg2[%dma_start3A_917, %dma_start3A_924, %dma_start3A_925] : memref<8x512x512xf32, #tpu.memory_space<vmem>> -> memref<1x512x512xf32, #tpu.memory_space<vmem>>
    %dma_start3A_927 = tpu.memref_squeeze %dma_start3A_926 : memref<1x512x512xf32, #tpu.memory_space<vmem>> -> memref<512x512xf32, #tpu.memory_space<vmem>>
    tpu.enqueue_dma source(%dma_start3A_927 : memref<512x512xf32, #tpu.memory_space<vmem>>) target(%dma_start3A_923 : memref<512x512xf32, #tpu.memory_space<any>>) target_semaphore(%arg3 : memref<!tpu.dma_semaphore, #tpu.memory_space<semaphore_mem>>)
    %dma_start3A_928 = arith.constant 4 : i32
    %dma_start3A_929 = arith.constant 4 : i32
    %dma_start3A_930 = arith.constant 11 : i32
    %dma_start3A_931 = arith.constant 0 : i32
    %dma_start3A_932 = arith.constant 0 : i32
    %dma_start3A_933 = tpu.memref_slice %arg1[%dma_start3A_929, %dma_start3A_930, %dma_start3A_931, %dma_start3A_932] : memref<8x16x512x512xf32, #tpu.memory_space<any>> -> memref<1x1x512x512xf32, #tpu.memory_space<any>>
    %dma_start3A_934 = tpu.memref_squeeze %dma_start3A_933 : memref<1x1x512x512xf32, #tpu.memory_space<any>> -> memref<512x512xf32, #tpu.memory_space<any>>
    %dma_start3A_935 = arith.constant 0 : i32
    %dma_start3A_936 = arith.constant 0 : i32
    %dma_start3A_937 = tpu.memref_slice %arg2[%dma_start3A_928, %dma_start3A_935, %dma_start3A_936] : memref<8x512x512xf32, #tpu.memory_space<vmem>> -> memref<1x512x512xf32, #tpu.memory_space<vmem>>
    %dma_start3A_938 = tpu.memref_squeeze %dma_start3A_937 : memref<1x512x512xf32, #tpu.memory_space<vmem>> -> memref<512x512xf32, #tpu.memory_space<vmem>>
    tpu.enqueue_dma source(%dma_start3A_938 : memref<512x512xf32, #tpu.memory_space<vmem>>) target(%dma_start3A_934 : memref<512x512xf32, #tpu.memory_space<any>>) target_semaphore(%arg3 : memref<!tpu.dma_semaphore, #tpu.memory_space<semaphore_mem>>)
    %dma_start3A_939 = arith.constant 4 : i32
    %dma_start3A_940 = arith.constant 4 : i32
    %dma_start3A_941 = arith.constant 12 : i32
    %dma_start3A_942 = arith.constant 0 : i32
    %dma_start3A_943 = arith.constant 0 : i32
    %dma_start3A_944 = tpu.memref_slice %arg1[%dma_start3A_940, %dma_start3A_941, %dma_start3A_942, %dma_start3A_943] : memref<8x16x512x512xf32, #tpu.memory_space<any>> -> memref<1x1x512x512xf32, #tpu.memory_space<any>>
    %dma_start3A_945 = tpu.memref_squeeze %dma_start3A_944 : memref<1x1x512x512xf32, #tpu.memory_space<any>> -> memref<512x512xf32, #tpu.memory_space<any>>
    %dma_start3A_946 = arith.constant 0 : i32
    %dma_start3A_947 = arith.constant 0 : i32
    %dma_start3A_948 = tpu.memref_slice %arg2[%dma_start3A_939, %dma_start3A_946, %dma_start3A_947] : memref<8x512x512xf32, #tpu.memory_space<vmem>> -> memref<1x512x512xf32, #tpu.memory_space<vmem>>
    %dma_start3A_949 = tpu.memref_squeeze %dma_start3A_948 : memref<1x512x512xf32, #tpu.memory_space<vmem>> -> memref<512x512xf32, #tpu.memory_space<vmem>>
    tpu.enqueue_dma source(%dma_start3A_949 : memref<512x512xf32, #tpu.memory_space<vmem>>) target(%dma_start3A_945 : memref<512x512xf32, #tpu.memory_space<any>>) target_semaphore(%arg3 : memref<!tpu.dma_semaphore, #tpu.memory_space<semaphore_mem>>)
    %dma_start3A_950 = arith.constant 4 : i32
    %dma_start3A_951 = arith.constant 4 : i32
    %dma_start3A_952 = arith.constant 13 : i32
    %dma_start3A_953 = arith.constant 0 : i32
    %dma_start3A_954 = arith.constant 0 : i32
    %dma_start3A_955 = tpu.memref_slice %arg1[%dma_start3A_951, %dma_start3A_952, %dma_start3A_953, %dma_start3A_954] : memref<8x16x512x512xf32, #tpu.memory_space<any>> -> memref<1x1x512x512xf32, #tpu.memory_space<any>>
    %dma_start3A_956 = tpu.memref_squeeze %dma_start3A_955 : memref<1x1x512x512xf32, #tpu.memory_space<any>> -> memref<512x512xf32, #tpu.memory_space<any>>
    %dma_start3A_957 = arith.constant 0 : i32
    %dma_start3A_958 = arith.constant 0 : i32
    %dma_start3A_959 = tpu.memref_slice %arg2[%dma_start3A_950, %dma_start3A_957, %dma_start3A_958] : memref<8x512x512xf32, #tpu.memory_space<vmem>> -> memref<1x512x512xf32, #tpu.memory_space<vmem>>
    %dma_start3A_960 = tpu.memref_squeeze %dma_start3A_959 : memref<1x512x512xf32, #tpu.memory_space<vmem>> -> memref<512x512xf32, #tpu.memory_space<vmem>>
    tpu.enqueue_dma source(%dma_start3A_960 : memref<512x512xf32, #tpu.memory_space<vmem>>) target(%dma_start3A_956 : memref<512x512xf32, #tpu.memory_space<any>>) target_semaphore(%arg3 : memref<!tpu.dma_semaphore, #tpu.memory_space<semaphore_mem>>)
    %dma_start3A_961 = arith.constant 4 : i32
    %dma_start3A_962 = arith.constant 4 : i32
    %dma_start3A_963 = arith.constant 14 : i32
    %dma_start3A_964 = arith.constant 0 : i32
    %dma_start3A_965 = arith.constant 0 : i32
    %dma_start3A_966 = tpu.memref_slice %arg1[%dma_start3A_962, %dma_start3A_963, %dma_start3A_964, %dma_start3A_965] : memref<8x16x512x512xf32, #tpu.memory_space<any>> -> memref<1x1x512x512xf32, #tpu.memory_space<any>>
    %dma_start3A_967 = tpu.memref_squeeze %dma_start3A_966 : memref<1x1x512x512xf32, #tpu.memory_space<any>> -> memref<512x512xf32, #tpu.memory_space<any>>
    %dma_start3A_968 = arith.constant 0 : i32
    %dma_start3A_969 = arith.constant 0 : i32
    %dma_start3A_970 = tpu.memref_slice %arg2[%dma_start3A_961, %dma_start3A_968, %dma_start3A_969] : memref<8x512x512xf32, #tpu.memory_space<vmem>> -> memref<1x512x512xf32, #tpu.memory_space<vmem>>
    %dma_start3A_971 = tpu.memref_squeeze %dma_start3A_970 : memref<1x512x512xf32, #tpu.memory_space<vmem>> -> memref<512x512xf32, #tpu.memory_space<vmem>>
    tpu.enqueue_dma source(%dma_start3A_971 : memref<512x512xf32, #tpu.memory_space<vmem>>) target(%dma_start3A_967 : memref<512x512xf32, #tpu.memory_space<any>>) target_semaphore(%arg3 : memref<!tpu.dma_semaphore, #tpu.memory_space<semaphore_mem>>)
    %dma_start3A_972 = arith.constant 4 : i32
    %dma_start3A_973 = arith.constant 4 : i32
    %dma_start3A_974 = arith.constant 15 : i32
    %dma_start3A_975 = arith.constant 0 : i32
    %dma_start3A_976 = arith.constant 0 : i32
    %dma_start3A_977 = tpu.memref_slice %arg1[%dma_start3A_973, %dma_start3A_974, %dma_start3A_975, %dma_start3A_976] : memref<8x16x512x512xf32, #tpu.memory_space<any>> -> memref<1x1x512x512xf32, #tpu.memory_space<any>>
    %dma_start3A_978 = tpu.memref_squeeze %dma_start3A_977 : memref<1x1x512x512xf32, #tpu.memory_space<any>> -> memref<512x512xf32, #tpu.memory_space<any>>
    %dma_start3A_979 = arith.constant 0 : i32
    %dma_start3A_980 = arith.constant 0 : i32
    %dma_start3A_981 = tpu.memref_slice %arg2[%dma_start3A_972, %dma_start3A_979, %dma_start3A_980] : memref<8x512x512xf32, #tpu.memory_space<vmem>> -> memref<1x512x512xf32, #tpu.memory_space<vmem>>
    %dma_start3A_982 = tpu.memref_squeeze %dma_start3A_981 : memref<1x512x512xf32, #tpu.memory_space<vmem>> -> memref<512x512xf32, #tpu.memory_space<vmem>>
    tpu.enqueue_dma source(%dma_start3A_982 : memref<512x512xf32, #tpu.memory_space<vmem>>) target(%dma_start3A_978 : memref<512x512xf32, #tpu.memory_space<any>>) target_semaphore(%arg3 : memref<!tpu.dma_semaphore, #tpu.memory_space<semaphore_mem>>)
    %eq3A_983 = arith.constant 5 : i32
    %eq3A_984 = vector.broadcast %eq3A_983 : i32 to vector<16x128xi32>
    %eq3A_985 = arith.cmpi eq, %get3A_1, %eq3A_984 : vector<16x128xi32>
    %convert_element_type3A_986 = arith.extui %eq3A_985 : vector<16x128xi1> to vector<16x128xi32>
    %reduce_sum3A_987 = vector.shape_cast %convert_element_type3A_986 : vector<16x128xi32> to vector<1x16x128xi32>
    %reduce_sum3A_988 = arith.constant dense<0> : vector<1xi32>
    %reduce_sum3A_989 = vector.multi_reduction <add>, %reduce_sum3A_987, %reduce_sum3A_988 [1, 2] : vector<1x16x128xi32> to vector<1xi32>
    %reduce_sum3A_990 = vector.shape_cast %reduce_sum3A_989 : vector<1xi32> to vector<1x1x1xi32>
    %reduce_sum3A_991 = vector.extract %reduce_sum3A_990[0, 0, 0] : i32 from vector<1x1x1xi32>
    %ge3A_992 = vector.broadcast %reduce_sum3A_991 : i32 to vector<512x512xi32>
    %ge3A_993 = arith.cmpi sge, %iota3A, %ge3A_992 : vector<512x512xi32>
    %jit3A_994 = arith.constant -1.000000e+09 : f32
    %jit3A_995 = arith.constant 0.000000e+00 : f32
    %broadcast_in_dim3A_996 = vector.broadcast %jit3A_994 : f32 to vector<512x512xf32>
    %broadcast_in_dim3A_997 = vector.broadcast %jit3A_995 : f32 to vector<512x512xf32>
    %select_n3A_998 = arith.select %ge3A_993, %broadcast_in_dim3A_996, %broadcast_in_dim3A_997 : vector<512x512xi1>, vector<512x512xf32>
    %swap3A_999 = arith.constant 5 : index
    %swap3A_1000 = arith.constant 0 : index
    %swap3A_1001 = arith.constant 0 : index
    %swap3A_1002 = vector.load %arg2[%swap3A_999, %swap3A_1000, %swap3A_1001] : memref<8x512x512xf32, #tpu.memory_space<vmem>>, vector<1x512x512xf32>
    %swap3A_1003 = vector.shape_cast %swap3A_1002 : vector<1x512x512xf32> to vector<512x512xf32>
    %swap3A_1004 = vector.shape_cast %select_n3A_998 : vector<512x512xf32> to vector<1x512x512xf32>
    tpu.vector_store %arg2[%swap3A_999, %swap3A_1000, %swap3A_1001], %swap3A_1004 {strides = array<i32>} : memref<8x512x512xf32, #tpu.memory_space<vmem>>, vector<1x512x512xf32>,
    %dma_start3A_1005 = arith.constant 5 : i32
    %dma_start3A_1006 = arith.constant 5 : i32
    %dma_start3A_1007 = arith.constant 0 : i32
    %dma_start3A_1008 = arith.constant 0 : i32
    %dma_start3A_1009 = arith.constant 0 : i32
    %dma_start3A_1010 = tpu.memref_slice %arg1[%dma_start3A_1006, %dma_start3A_1007, %dma_start3A_1008, %dma_start3A_1009] : memref<8x16x512x512xf32, #tpu.memory_space<any>> -> memref<1x1x512x512xf32, #tpu.memory_space<any>>
    %dma_start3A_1011 = tpu.memref_squeeze %dma_start3A_1010 : memref<1x1x512x512xf32, #tpu.memory_space<any>> -> memref<512x512xf32, #tpu.memory_space<any>>
    %dma_start3A_1012 = arith.constant 0 : i32
    %dma_start3A_1013 = arith.constant 0 : i32
    %dma_start3A_1014 = tpu.memref_slice %arg2[%dma_start3A_1005, %dma_start3A_1012, %dma_start3A_1013] : memref<8x512x512xf32, #tpu.memory_space<vmem>> -> memref<1x512x512xf32, #tpu.memory_space<vmem>>
    %dma_start3A_1015 = tpu.memref_squeeze %dma_start3A_1014 : memref<1x512x512xf32, #tpu.memory_space<vmem>> -> memref<512x512xf32, #tpu.memory_space<vmem>>
    tpu.enqueue_dma source(%dma_start3A_1015 : memref<512x512xf32, #tpu.memory_space<vmem>>) target(%dma_start3A_1011 : memref<512x512xf32, #tpu.memory_space<any>>) target_semaphore(%arg3 : memref<!tpu.dma_semaphore, #tpu.memory_space<semaphore_mem>>)
    %dma_start3A_1016 = arith.constant 5 : i32
    %dma_start3A_1017 = arith.constant 5 : i32
    %dma_start3A_1018 = arith.constant 1 : i32
    %dma_start3A_1019 = arith.constant 0 : i32
    %dma_start3A_1020 = arith.constant 0 : i32
    %dma_start3A_1021 = tpu.memref_slice %arg1[%dma_start3A_1017, %dma_start3A_1018, %dma_start3A_1019, %dma_start3A_1020] : memref<8x16x512x512xf32, #tpu.memory_space<any>> -> memref<1x1x512x512xf32, #tpu.memory_space<any>>
    %dma_start3A_1022 = tpu.memref_squeeze %dma_start3A_1021 : memref<1x1x512x512xf32, #tpu.memory_space<any>> -> memref<512x512xf32, #tpu.memory_space<any>>
    %dma_start3A_1023 = arith.constant 0 : i32
    %dma_start3A_1024 = arith.constant 0 : i32
    %dma_start3A_1025 = tpu.memref_slice %arg2[%dma_start3A_1016, %dma_start3A_1023, %dma_start3A_1024] : memref<8x512x512xf32, #tpu.memory_space<vmem>> -> memref<1x512x512xf32, #tpu.memory_space<vmem>>
    %dma_start3A_1026 = tpu.memref_squeeze %dma_start3A_1025 : memref<1x512x512xf32, #tpu.memory_space<vmem>> -> memref<512x512xf32, #tpu.memory_space<vmem>>
    tpu.enqueue_dma source(%dma_start3A_1026 : memref<512x512xf32, #tpu.memory_space<vmem>>) target(%dma_start3A_1022 : memref<512x512xf32, #tpu.memory_space<any>>) target_semaphore(%arg3 : memref<!tpu.dma_semaphore, #tpu.memory_space<semaphore_mem>>)
    %dma_start3A_1027 = arith.constant 5 : i32
    %dma_start3A_1028 = arith.constant 5 : i32
    %dma_start3A_1029 = arith.constant 2 : i32
    %dma_start3A_1030 = arith.constant 0 : i32
    %dma_start3A_1031 = arith.constant 0 : i32
    %dma_start3A_1032 = tpu.memref_slice %arg1[%dma_start3A_1028, %dma_start3A_1029, %dma_start3A_1030, %dma_start3A_1031] : memref<8x16x512x512xf32, #tpu.memory_space<any>> -> memref<1x1x512x512xf32, #tpu.memory_space<any>>
    %dma_start3A_1033 = tpu.memref_squeeze %dma_start3A_1032 : memref<1x1x512x512xf32, #tpu.memory_space<any>> -> memref<512x512xf32, #tpu.memory_space<any>>
    %dma_start3A_1034 = arith.constant 0 : i32
    %dma_start3A_1035 = arith.constant 0 : i32
    %dma_start3A_1036 = tpu.memref_slice %arg2[%dma_start3A_1027, %dma_start3A_1034, %dma_start3A_1035] : memref<8x512x512xf32, #tpu.memory_space<vmem>> -> memref<1x512x512xf32, #tpu.memory_space<vmem>>
    %dma_start3A_1037 = tpu.memref_squeeze %dma_start3A_1036 : memref<1x512x512xf32, #tpu.memory_space<vmem>> -> memref<512x512xf32, #tpu.memory_space<vmem>>
    tpu.enqueue_dma source(%dma_start3A_1037 : memref<512x512xf32, #tpu.memory_space<vmem>>) target(%dma_start3A_1033 : memref<512x512xf32, #tpu.memory_space<any>>) target_semaphore(%arg3 : memref<!tpu.dma_semaphore, #tpu.memory_space<semaphore_mem>>)
    %dma_start3A_1038 = arith.constant 5 : i32
    %dma_start3A_1039 = arith.constant 5 : i32
    %dma_start3A_1040 = arith.constant 3 : i32
    %dma_start3A_1041 = arith.constant 0 : i32
    %dma_start3A_1042 = arith.constant 0 : i32
    %dma_start3A_1043 = tpu.memref_slice %arg1[%dma_start3A_1039, %dma_start3A_1040, %dma_start3A_1041, %dma_start3A_1042] : memref<8x16x512x512xf32, #tpu.memory_space<any>> -> memref<1x1x512x512xf32, #tpu.memory_space<any>>
    %dma_start3A_1044 = tpu.memref_squeeze %dma_start3A_1043 : memref<1x1x512x512xf32, #tpu.memory_space<any>> -> memref<512x512xf32, #tpu.memory_space<any>>
    %dma_start3A_1045 = arith.constant 0 : i32
    %dma_start3A_1046 = arith.constant 0 : i32
    %dma_start3A_1047 = tpu.memref_slice %arg2[%dma_start3A_1038, %dma_start3A_1045, %dma_start3A_1046] : memref<8x512x512xf32, #tpu.memory_space<vmem>> -> memref<1x512x512xf32, #tpu.memory_space<vmem>>
    %dma_start3A_1048 = tpu.memref_squeeze %dma_start3A_1047 : memref<1x512x512xf32, #tpu.memory_space<vmem>> -> memref<512x512xf32, #tpu.memory_space<vmem>>
    tpu.enqueue_dma source(%dma_start3A_1048 : memref<512x512xf32, #tpu.memory_space<vmem>>) target(%dma_start3A_1044 : memref<512x512xf32, #tpu.memory_space<any>>) target_semaphore(%arg3 : memref<!tpu.dma_semaphore, #tpu.memory_space<semaphore_mem>>)
    %dma_start3A_1049 = arith.constant 5 : i32
    %dma_start3A_1050 = arith.constant 5 : i32
    %dma_start3A_1051 = arith.constant 4 : i32
    %dma_start3A_1052 = arith.constant 0 : i32
    %dma_start3A_1053 = arith.constant 0 : i32
    %dma_start3A_1054 = tpu.memref_slice %arg1[%dma_start3A_1050, %dma_start3A_1051, %dma_start3A_1052, %dma_start3A_1053] : memref<8x16x512x512xf32, #tpu.memory_space<any>> -> memref<1x1x512x512xf32, #tpu.memory_space<any>>
    %dma_start3A_1055 = tpu.memref_squeeze %dma_start3A_1054 : memref<1x1x512x512xf32, #tpu.memory_space<any>> -> memref<512x512xf32, #tpu.memory_space<any>>
    %dma_start3A_1056 = arith.constant 0 : i32
    %dma_start3A_1057 = arith.constant 0 : i32
    %dma_start3A_1058 = tpu.memref_slice %arg2[%dma_start3A_1049, %dma_start3A_1056, %dma_start3A_1057] : memref<8x512x512xf32, #tpu.memory_space<vmem>> -> memref<1x512x512xf32, #tpu.memory_space<vmem>>
    %dma_start3A_1059 = tpu.memref_squeeze %dma_start3A_1058 : memref<1x512x512xf32, #tpu.memory_space<vmem>> -> memref<512x512xf32, #tpu.memory_space<vmem>>
    tpu.enqueue_dma source(%dma_start3A_1059 : memref<512x512xf32, #tpu.memory_space<vmem>>) target(%dma_start3A_1055 : memref<512x512xf32, #tpu.memory_space<any>>) target_semaphore(%arg3 : memref<!tpu.dma_semaphore, #tpu.memory_space<semaphore_mem>>)
    %dma_start3A_1060 = arith.constant 5 : i32
    %dma_start3A_1061 = arith.constant 5 : i32
    %dma_start3A_1062 = arith.constant 5 : i32
    %dma_start3A_1063 = arith.constant 0 : i32
    %dma_start3A_1064 = arith.constant 0 : i32
    %dma_start3A_1065 = tpu.memref_slice %arg1[%dma_start3A_1061, %dma_start3A_1062, %dma_start3A_1063, %dma_start3A_1064] : memref<8x16x512x512xf32, #tpu.memory_space<any>> -> memref<1x1x512x512xf32, #tpu.memory_space<any>>
    %dma_start3A_1066 = tpu.memref_squeeze %dma_start3A_1065 : memref<1x1x512x512xf32, #tpu.memory_space<any>> -> memref<512x512xf32, #tpu.memory_space<any>>
    %dma_start3A_1067 = arith.constant 0 : i32
    %dma_start3A_1068 = arith.constant 0 : i32
    %dma_start3A_1069 = tpu.memref_slice %arg2[%dma_start3A_1060, %dma_start3A_1067, %dma_start3A_1068] : memref<8x512x512xf32, #tpu.memory_space<vmem>> -> memref<1x512x512xf32, #tpu.memory_space<vmem>>
    %dma_start3A_1070 = tpu.memref_squeeze %dma_start3A_1069 : memref<1x512x512xf32, #tpu.memory_space<vmem>> -> memref<512x512xf32, #tpu.memory_space<vmem>>
    tpu.enqueue_dma source(%dma_start3A_1070 : memref<512x512xf32, #tpu.memory_space<vmem>>) target(%dma_start3A_1066 : memref<512x512xf32, #tpu.memory_space<any>>) target_semaphore(%arg3 : memref<!tpu.dma_semaphore, #tpu.memory_space<semaphore_mem>>)
    %dma_start3A_1071 = arith.constant 5 : i32
    %dma_start3A_1072 = arith.constant 5 : i32
    %dma_start3A_1073 = arith.constant 6 : i32
    %dma_start3A_1074 = arith.constant 0 : i32
    %dma_start3A_1075 = arith.constant 0 : i32
    %dma_start3A_1076 = tpu.memref_slice %arg1[%dma_start3A_1072, %dma_start3A_1073, %dma_start3A_1074, %dma_start3A_1075] : memref<8x16x512x512xf32, #tpu.memory_space<any>> -> memref<1x1x512x512xf32, #tpu.memory_space<any>>
    %dma_start3A_1077 = tpu.memref_squeeze %dma_start3A_1076 : memref<1x1x512x512xf32, #tpu.memory_space<any>> -> memref<512x512xf32, #tpu.memory_space<any>>
    %dma_start3A_1078 = arith.constant 0 : i32
    %dma_start3A_1079 = arith.constant 0 : i32
    %dma_start3A_1080 = tpu.memref_slice %arg2[%dma_start3A_1071, %dma_start3A_1078, %dma_start3A_1079] : memref<8x512x512xf32, #tpu.memory_space<vmem>> -> memref<1x512x512xf32, #tpu.memory_space<vmem>>
    %dma_start3A_1081 = tpu.memref_squeeze %dma_start3A_1080 : memref<1x512x512xf32, #tpu.memory_space<vmem>> -> memref<512x512xf32, #tpu.memory_space<vmem>>
    tpu.enqueue_dma source(%dma_start3A_1081 : memref<512x512xf32, #tpu.memory_space<vmem>>) target(%dma_start3A_1077 : memref<512x512xf32, #tpu.memory_space<any>>) target_semaphore(%arg3 : memref<!tpu.dma_semaphore, #tpu.memory_space<semaphore_mem>>)
    %dma_start3A_1082 = arith.constant 5 : i32
    %dma_start3A_1083 = arith.constant 5 : i32
    %dma_start3A_1084 = arith.constant 7 : i32
    %dma_start3A_1085 = arith.constant 0 : i32
    %dma_start3A_1086 = arith.constant 0 : i32
    %dma_start3A_1087 = tpu.memref_slice %arg1[%dma_start3A_1083, %dma_start3A_1084, %dma_start3A_1085, %dma_start3A_1086] : memref<8x16x512x512xf32, #tpu.memory_space<any>> -> memref<1x1x512x512xf32, #tpu.memory_space<any>>
    %dma_start3A_1088 = tpu.memref_squeeze %dma_start3A_1087 : memref<1x1x512x512xf32, #tpu.memory_space<any>> -> memref<512x512xf32, #tpu.memory_space<any>>
    %dma_start3A_1089 = arith.constant 0 : i32
    %dma_start3A_1090 = arith.constant 0 : i32
    %dma_start3A_1091 = tpu.memref_slice %arg2[%dma_start3A_1082, %dma_start3A_1089, %dma_start3A_1090] : memref<8x512x512xf32, #tpu.memory_space<vmem>> -> memref<1x512x512xf32, #tpu.memory_space<vmem>>
    %dma_start3A_1092 = tpu.memref_squeeze %dma_start3A_1091 : memref<1x512x512xf32, #tpu.memory_space<vmem>> -> memref<512x512xf32, #tpu.memory_space<vmem>>
    tpu.enqueue_dma source(%dma_start3A_1092 : memref<512x512xf32, #tpu.memory_space<vmem>>) target(%dma_start3A_1088 : memref<512x512xf32, #tpu.memory_space<any>>) target_semaphore(%arg3 : memref<!tpu.dma_semaphore, #tpu.memory_space<semaphore_mem>>)
    %dma_start3A_1093 = arith.constant 5 : i32
    %dma_start3A_1094 = arith.constant 5 : i32
    %dma_start3A_1095 = arith.constant 8 : i32
    %dma_start3A_1096 = arith.constant 0 : i32
    %dma_start3A_1097 = arith.constant 0 : i32
    %dma_start3A_1098 = tpu.memref_slice %arg1[%dma_start3A_1094, %dma_start3A_1095, %dma_start3A_1096, %dma_start3A_1097] : memref<8x16x512x512xf32, #tpu.memory_space<any>> -> memref<1x1x512x512xf32, #tpu.memory_space<any>>
    %dma_start3A_1099 = tpu.memref_squeeze %dma_start3A_1098 : memref<1x1x512x512xf32, #tpu.memory_space<any>> -> memref<512x512xf32, #tpu.memory_space<any>>
    %dma_start3A_1100 = arith.constant 0 : i32
    %dma_start3A_1101 = arith.constant 0 : i32
    %dma_start3A_1102 = tpu.memref_slice %arg2[%dma_start3A_1093, %dma_start3A_1100, %dma_start3A_1101] : memref<8x512x512xf32, #tpu.memory_space<vmem>> -> memref<1x512x512xf32, #tpu.memory_space<vmem>>
    %dma_start3A_1103 = tpu.memref_squeeze %dma_start3A_1102 : memref<1x512x512xf32, #tpu.memory_space<vmem>> -> memref<512x512xf32, #tpu.memory_space<vmem>>
    tpu.enqueue_dma source(%dma_start3A_1103 : memref<512x512xf32, #tpu.memory_space<vmem>>) target(%dma_start3A_1099 : memref<512x512xf32, #tpu.memory_space<any>>) target_semaphore(%arg3 : memref<!tpu.dma_semaphore, #tpu.memory_space<semaphore_mem>>)
    %dma_start3A_1104 = arith.constant 5 : i32
    %dma_start3A_1105 = arith.constant 5 : i32
    %dma_start3A_1106 = arith.constant 9 : i32
    %dma_start3A_1107 = arith.constant 0 : i32
    %dma_start3A_1108 = arith.constant 0 : i32
    %dma_start3A_1109 = tpu.memref_slice %arg1[%dma_start3A_1105, %dma_start3A_1106, %dma_start3A_1107, %dma_start3A_1108] : memref<8x16x512x512xf32, #tpu.memory_space<any>> -> memref<1x1x512x512xf32, #tpu.memory_space<any>>
    %dma_start3A_1110 = tpu.memref_squeeze %dma_start3A_1109 : memref<1x1x512x512xf32, #tpu.memory_space<any>> -> memref<512x512xf32, #tpu.memory_space<any>>
    %dma_start3A_1111 = arith.constant 0 : i32
    %dma_start3A_1112 = arith.constant 0 : i32
    %dma_start3A_1113 = tpu.memref_slice %arg2[%dma_start3A_1104, %dma_start3A_1111, %dma_start3A_1112] : memref<8x512x512xf32, #tpu.memory_space<vmem>> -> memref<1x512x512xf32, #tpu.memory_space<vmem>>
    %dma_start3A_1114 = tpu.memref_squeeze %dma_start3A_1113 : memref<1x512x512xf32, #tpu.memory_space<vmem>> -> memref<512x512xf32, #tpu.memory_space<vmem>>
    tpu.enqueue_dma source(%dma_start3A_1114 : memref<512x512xf32, #tpu.memory_space<vmem>>) target(%dma_start3A_1110 : memref<512x512xf32, #tpu.memory_space<any>>) target_semaphore(%arg3 : memref<!tpu.dma_semaphore, #tpu.memory_space<semaphore_mem>>)
    %dma_start3A_1115 = arith.constant 5 : i32
    %dma_start3A_1116 = arith.constant 5 : i32
    %dma_start3A_1117 = arith.constant 10 : i32
    %dma_start3A_1118 = arith.constant 0 : i32
    %dma_start3A_1119 = arith.constant 0 : i32
    %dma_start3A_1120 = tpu.memref_slice %arg1[%dma_start3A_1116, %dma_start3A_1117, %dma_start3A_1118, %dma_start3A_1119] : memref<8x16x512x512xf32, #tpu.memory_space<any>> -> memref<1x1x512x512xf32, #tpu.memory_space<any>>
    %dma_start3A_1121 = tpu.memref_squeeze %dma_start3A_1120 : memref<1x1x512x512xf32, #tpu.memory_space<any>> -> memref<512x512xf32, #tpu.memory_space<any>>
    %dma_start3A_1122 = arith.constant 0 : i32
    %dma_start3A_1123 = arith.constant 0 : i32
    %dma_start3A_1124 = tpu.memref_slice %arg2[%dma_start3A_1115, %dma_start3A_1122, %dma_start3A_1123] : memref<8x512x512xf32, #tpu.memory_space<vmem>> -> memref<1x512x512xf32, #tpu.memory_space<vmem>>
    %dma_start3A_1125 = tpu.memref_squeeze %dma_start3A_1124 : memref<1x512x512xf32, #tpu.memory_space<vmem>> -> memref<512x512xf32, #tpu.memory_space<vmem>>
    tpu.enqueue_dma source(%dma_start3A_1125 : memref<512x512xf32, #tpu.memory_space<vmem>>) target(%dma_start3A_1121 : memref<512x512xf32, #tpu.memory_space<any>>) target_semaphore(%arg3 : memref<!tpu.dma_semaphore, #tpu.memory_space<semaphore_mem>>)
    %dma_start3A_1126 = arith.constant 5 : i32
    %dma_start3A_1127 = arith.constant 5 : i32
    %dma_start3A_1128 = arith.constant 11 : i32
    %dma_start3A_1129 = arith.constant 0 : i32
    %dma_start3A_1130 = arith.constant 0 : i32
    %dma_start3A_1131 = tpu.memref_slice %arg1[%dma_start3A_1127, %dma_start3A_1128, %dma_start3A_1129, %dma_start3A_1130] : memref<8x16x512x512xf32, #tpu.memory_space<any>> -> memref<1x1x512x512xf32, #tpu.memory_space<any>>
    %dma_start3A_1132 = tpu.memref_squeeze %dma_start3A_1131 : memref<1x1x512x512xf32, #tpu.memory_space<any>> -> memref<512x512xf32, #tpu.memory_space<any>>
    %dma_start3A_1133 = arith.constant 0 : i32
    %dma_start3A_1134 = arith.constant 0 : i32
    %dma_start3A_1135 = tpu.memref_slice %arg2[%dma_start3A_1126, %dma_start3A_1133, %dma_start3A_1134] : memref<8x512x512xf32, #tpu.memory_space<vmem>> -> memref<1x512x512xf32, #tpu.memory_space<vmem>>
    %dma_start3A_1136 = tpu.memref_squeeze %dma_start3A_1135 : memref<1x512x512xf32, #tpu.memory_space<vmem>> -> memref<512x512xf32, #tpu.memory_space<vmem>>
    tpu.enqueue_dma source(%dma_start3A_1136 : memref<512x512xf32, #tpu.memory_space<vmem>>) target(%dma_start3A_1132 : memref<512x512xf32, #tpu.memory_space<any>>) target_semaphore(%arg3 : memref<!tpu.dma_semaphore, #tpu.memory_space<semaphore_mem>>)
    %dma_start3A_1137 = arith.constant 5 : i32
    %dma_start3A_1138 = arith.constant 5 : i32
    %dma_start3A_1139 = arith.constant 12 : i32
    %dma_start3A_1140 = arith.constant 0 : i32
    %dma_start3A_1141 = arith.constant 0 : i32
    %dma_start3A_1142 = tpu.memref_slice %arg1[%dma_start3A_1138, %dma_start3A_1139, %dma_start3A_1140, %dma_start3A_1141] : memref<8x16x512x512xf32, #tpu.memory_space<any>> -> memref<1x1x512x512xf32, #tpu.memory_space<any>>
    %dma_start3A_1143 = tpu.memref_squeeze %dma_start3A_1142 : memref<1x1x512x512xf32, #tpu.memory_space<any>> -> memref<512x512xf32, #tpu.memory_space<any>>
    %dma_start3A_1144 = arith.constant 0 : i32
    %dma_start3A_1145 = arith.constant 0 : i32
    %dma_start3A_1146 = tpu.memref_slice %arg2[%dma_start3A_1137, %dma_start3A_1144, %dma_start3A_1145] : memref<8x512x512xf32, #tpu.memory_space<vmem>> -> memref<1x512x512xf32, #tpu.memory_space<vmem>>
    %dma_start3A_1147 = tpu.memref_squeeze %dma_start3A_1146 : memref<1x512x512xf32, #tpu.memory_space<vmem>> -> memref<512x512xf32, #tpu.memory_space<vmem>>
    tpu.enqueue_dma source(%dma_start3A_1147 : memref<512x512xf32, #tpu.memory_space<vmem>>) target(%dma_start3A_1143 : memref<512x512xf32, #tpu.memory_space<any>>) target_semaphore(%arg3 : memref<!tpu.dma_semaphore, #tpu.memory_space<semaphore_mem>>)
    %dma_start3A_1148 = arith.constant 5 : i32
    %dma_start3A_1149 = arith.constant 5 : i32
    %dma_start3A_1150 = arith.constant 13 : i32
    %dma_start3A_1151 = arith.constant 0 : i32
    %dma_start3A_1152 = arith.constant 0 : i32
    %dma_start3A_1153 = tpu.memref_slice %arg1[%dma_start3A_1149, %dma_start3A_1150, %dma_start3A_1151, %dma_start3A_1152] : memref<8x16x512x512xf32, #tpu.memory_space<any>> -> memref<1x1x512x512xf32, #tpu.memory_space<any>>
    %dma_start3A_1154 = tpu.memref_squeeze %dma_start3A_1153 : memref<1x1x512x512xf32, #tpu.memory_space<any>> -> memref<512x512xf32, #tpu.memory_space<any>>
    %dma_start3A_1155 = arith.constant 0 : i32
    %dma_start3A_1156 = arith.constant 0 : i32
    %dma_start3A_1157 = tpu.memref_slice %arg2[%dma_start3A_1148, %dma_start3A_1155, %dma_start3A_1156] : memref<8x512x512xf32, #tpu.memory_space<vmem>> -> memref<1x512x512xf32, #tpu.memory_space<vmem>>
    %dma_start3A_1158 = tpu.memref_squeeze %dma_start3A_1157 : memref<1x512x512xf32, #tpu.memory_space<vmem>> -> memref<512x512xf32, #tpu.memory_space<vmem>>
    tpu.enqueue_dma source(%dma_start3A_1158 : memref<512x512xf32, #tpu.memory_space<vmem>>) target(%dma_start3A_1154 : memref<512x512xf32, #tpu.memory_space<any>>) target_semaphore(%arg3 : memref<!tpu.dma_semaphore, #tpu.memory_space<semaphore_mem>>)
    %dma_start3A_1159 = arith.constant 5 : i32
    %dma_start3A_1160 = arith.constant 5 : i32
    %dma_start3A_1161 = arith.constant 14 : i32
    %dma_start3A_1162 = arith.constant 0 : i32
    %dma_start3A_1163 = arith.constant 0 : i32
    %dma_start3A_1164 = tpu.memref_slice %arg1[%dma_start3A_1160, %dma_start3A_1161, %dma_start3A_1162, %dma_start3A_1163] : memref<8x16x512x512xf32, #tpu.memory_space<any>> -> memref<1x1x512x512xf32, #tpu.memory_space<any>>
    %dma_start3A_1165 = tpu.memref_squeeze %dma_start3A_1164 : memref<1x1x512x512xf32, #tpu.memory_space<any>> -> memref<512x512xf32, #tpu.memory_space<any>>
    %dma_start3A_1166 = arith.constant 0 : i32
    %dma_start3A_1167 = arith.constant 0 : i32
    %dma_start3A_1168 = tpu.memref_slice %arg2[%dma_start3A_1159, %dma_start3A_1166, %dma_start3A_1167] : memref<8x512x512xf32, #tpu.memory_space<vmem>> -> memref<1x512x512xf32, #tpu.memory_space<vmem>>
    %dma_start3A_1169 = tpu.memref_squeeze %dma_start3A_1168 : memref<1x512x512xf32, #tpu.memory_space<vmem>> -> memref<512x512xf32, #tpu.memory_space<vmem>>
    tpu.enqueue_dma source(%dma_start3A_1169 : memref<512x512xf32, #tpu.memory_space<vmem>>) target(%dma_start3A_1165 : memref<512x512xf32, #tpu.memory_space<any>>) target_semaphore(%arg3 : memref<!tpu.dma_semaphore, #tpu.memory_space<semaphore_mem>>)
    %dma_start3A_1170 = arith.constant 5 : i32
    %dma_start3A_1171 = arith.constant 5 : i32
    %dma_start3A_1172 = arith.constant 15 : i32
    %dma_start3A_1173 = arith.constant 0 : i32
    %dma_start3A_1174 = arith.constant 0 : i32
    %dma_start3A_1175 = tpu.memref_slice %arg1[%dma_start3A_1171, %dma_start3A_1172, %dma_start3A_1173, %dma_start3A_1174] : memref<8x16x512x512xf32, #tpu.memory_space<any>> -> memref<1x1x512x512xf32, #tpu.memory_space<any>>
    %dma_start3A_1176 = tpu.memref_squeeze %dma_start3A_1175 : memref<1x1x512x512xf32, #tpu.memory_space<any>> -> memref<512x512xf32, #tpu.memory_space<any>>
    %dma_start3A_1177 = arith.constant 0 : i32
    %dma_start3A_1178 = arith.constant 0 : i32
    %dma_start3A_1179 = tpu.memref_slice %arg2[%dma_start3A_1170, %dma_start3A_1177, %dma_start3A_1178] : memref<8x512x512xf32, #tpu.memory_space<vmem>> -> memref<1x512x512xf32, #tpu.memory_space<vmem>>
    %dma_start3A_1180 = tpu.memref_squeeze %dma_start3A_1179 : memref<1x512x512xf32, #tpu.memory_space<vmem>> -> memref<512x512xf32, #tpu.memory_space<vmem>>
    tpu.enqueue_dma source(%dma_start3A_1180 : memref<512x512xf32, #tpu.memory_space<vmem>>) target(%dma_start3A_1176 : memref<512x512xf32, #tpu.memory_space<any>>) target_semaphore(%arg3 : memref<!tpu.dma_semaphore, #tpu.memory_space<semaphore_mem>>)
    %eq3A_1181 = arith.constant 6 : i32
    %eq3A_1182 = vector.broadcast %eq3A_1181 : i32 to vector<16x128xi32>
    %eq3A_1183 = arith.cmpi eq, %get3A_1, %eq3A_1182 : vector<16x128xi32>
    %convert_element_type3A_1184 = arith.extui %eq3A_1183 : vector<16x128xi1> to vector<16x128xi32>
    %reduce_sum3A_1185 = vector.shape_cast %convert_element_type3A_1184 : vector<16x128xi32> to vector<1x16x128xi32>
    %reduce_sum3A_1186 = arith.constant dense<0> : vector<1xi32>
    %reduce_sum3A_1187 = vector.multi_reduction <add>, %reduce_sum3A_1185, %reduce_sum3A_1186 [1, 2] : vector<1x16x128xi32> to vector<1xi32>
    %reduce_sum3A_1188 = vector.shape_cast %reduce_sum3A_1187 : vector<1xi32> to vector<1x1x1xi32>
    %reduce_sum3A_1189 = vector.extract %reduce_sum3A_1188[0, 0, 0] : i32 from vector<1x1x1xi32>
    %ge3A_1190 = vector.broadcast %reduce_sum3A_1189 : i32 to vector<512x512xi32>
    %ge3A_1191 = arith.cmpi sge, %iota3A, %ge3A_1190 : vector<512x512xi32>
    %jit3A_1192 = arith.constant -1.000000e+09 : f32
    %jit3A_1193 = arith.constant 0.000000e+00 : f32
    %broadcast_in_dim3A_1194 = vector.broadcast %jit3A_1192 : f32 to vector<512x512xf32>
    %broadcast_in_dim3A_1195 = vector.broadcast %jit3A_1193 : f32 to vector<512x512xf32>
    %select_n3A_1196 = arith.select %ge3A_1191, %broadcast_in_dim3A_1194, %broadcast_in_dim3A_1195 : vector<512x512xi1>, vector<512x512xf32>
    %swap3A_1197 = arith.constant 6 : index
    %swap3A_1198 = arith.constant 0 : index
    %swap3A_1199 = arith.constant 0 : index
    %swap3A_1200 = vector.load %arg2[%swap3A_1197, %swap3A_1198, %swap3A_1199] : memref<8x512x512xf32, #tpu.memory_space<vmem>>, vector<1x512x512xf32>
    %swap3A_1201 = vector.shape_cast %swap3A_1200 : vector<1x512x512xf32> to vector<512x512xf32>
    %swap3A_1202 = vector.shape_cast %select_n3A_1196 : vector<512x512xf32> to vector<1x512x512xf32>
    tpu.vector_store %arg2[%swap3A_1197, %swap3A_1198, %swap3A_1199], %swap3A_1202 {strides = array<i32>} : memref<8x512x512xf32, #tpu.memory_space<vmem>>, vector<1x512x512xf32>,
    %dma_start3A_1203 = arith.constant 6 : i32
    %dma_start3A_1204 = arith.constant 6 : i32
    %dma_start3A_1205 = arith.constant 0 : i32
    %dma_start3A_1206 = arith.constant 0 : i32
    %dma_start3A_1207 = arith.constant 0 : i32
    %dma_start3A_1208 = tpu.memref_slice %arg1[%dma_start3A_1204, %dma_start3A_1205, %dma_start3A_1206, %dma_start3A_1207] : memref<8x16x512x512xf32, #tpu.memory_space<any>> -> memref<1x1x512x512xf32, #tpu.memory_space<any>>
    %dma_start3A_1209 = tpu.memref_squeeze %dma_start3A_1208 : memref<1x1x512x512xf32, #tpu.memory_space<any>> -> memref<512x512xf32, #tpu.memory_space<any>>
    %dma_start3A_1210 = arith.constant 0 : i32
    %dma_start3A_1211 = arith.constant 0 : i32
    %dma_start3A_1212 = tpu.memref_slice %arg2[%dma_start3A_1203, %dma_start3A_1210, %dma_start3A_1211] : memref<8x512x512xf32, #tpu.memory_space<vmem>> -> memref<1x512x512xf32, #tpu.memory_space<vmem>>
    %dma_start3A_1213 = tpu.memref_squeeze %dma_start3A_1212 : memref<1x512x512xf32, #tpu.memory_space<vmem>> -> memref<512x512xf32, #tpu.memory_space<vmem>>
    tpu.enqueue_dma source(%dma_start3A_1213 : memref<512x512xf32, #tpu.memory_space<vmem>>) target(%dma_start3A_1209 : memref<512x512xf32, #tpu.memory_space<any>>) target_semaphore(%arg3 : memref<!tpu.dma_semaphore, #tpu.memory_space<semaphore_mem>>)
    %dma_start3A_1214 = arith.constant 6 : i32
    %dma_start3A_1215 = arith.constant 6 : i32
    %dma_start3A_1216 = arith.constant 1 : i32
    %dma_start3A_1217 = arith.constant 0 : i32
    %dma_start3A_1218 = arith.constant 0 : i32
    %dma_start3A_1219 = tpu.memref_slice %arg1[%dma_start3A_1215, %dma_start3A_1216, %dma_start3A_1217, %dma_start3A_1218] : memref<8x16x512x512xf32, #tpu.memory_space<any>> -> memref<1x1x512x512xf32, #tpu.memory_space<any>>
    %dma_start3A_1220 = tpu.memref_squeeze %dma_start3A_1219 : memref<1x1x512x512xf32, #tpu.memory_space<any>> -> memref<512x512xf32, #tpu.memory_space<any>>
    %dma_start3A_1221 = arith.constant 0 : i32
    %dma_start3A_1222 = arith.constant 0 : i32
    %dma_start3A_1223 = tpu.memref_slice %arg2[%dma_start3A_1214, %dma_start3A_1221, %dma_start3A_1222] : memref<8x512x512xf32, #tpu.memory_space<vmem>> -> memref<1x512x512xf32, #tpu.memory_space<vmem>>
    %dma_start3A_1224 = tpu.memref_squeeze %dma_start3A_1223 : memref<1x512x512xf32, #tpu.memory_space<vmem>> -> memref<512x512xf32, #tpu.memory_space<vmem>>
    tpu.enqueue_dma source(%dma_start3A_1224 : memref<512x512xf32, #tpu.memory_space<vmem>>) target(%dma_start3A_1220 : memref<512x512xf32, #tpu.memory_space<any>>) target_semaphore(%arg3 : memref<!tpu.dma_semaphore, #tpu.memory_space<semaphore_mem>>)
    %dma_start3A_1225 = arith.constant 6 : i32
    %dma_start3A_1226 = arith.constant 6 : i32
    %dma_start3A_1227 = arith.constant 2 : i32
    %dma_start3A_1228 = arith.constant 0 : i32
    %dma_start3A_1229 = arith.constant 0 : i32
    %dma_start3A_1230 = tpu.memref_slice %arg1[%dma_start3A_1226, %dma_start3A_1227, %dma_start3A_1228, %dma_start3A_1229] : memref<8x16x512x512xf32, #tpu.memory_space<any>> -> memref<1x1x512x512xf32, #tpu.memory_space<any>>
    %dma_start3A_1231 = tpu.memref_squeeze %dma_start3A_1230 : memref<1x1x512x512xf32, #tpu.memory_space<any>> -> memref<512x512xf32, #tpu.memory_space<any>>
    %dma_start3A_1232 = arith.constant 0 : i32
    %dma_start3A_1233 = arith.constant 0 : i32
    %dma_start3A_1234 = tpu.memref_slice %arg2[%dma_start3A_1225, %dma_start3A_1232, %dma_start3A_1233] : memref<8x512x512xf32, #tpu.memory_space<vmem>> -> memref<1x512x512xf32, #tpu.memory_space<vmem>>
    %dma_start3A_1235 = tpu.memref_squeeze %dma_start3A_1234 : memref<1x512x512xf32, #tpu.memory_space<vmem>> -> memref<512x512xf32, #tpu.memory_space<vmem>>
    tpu.enqueue_dma source(%dma_start3A_1235 : memref<512x512xf32, #tpu.memory_space<vmem>>) target(%dma_start3A_1231 : memref<512x512xf32, #tpu.memory_space<any>>) target_semaphore(%arg3 : memref<!tpu.dma_semaphore, #tpu.memory_space<semaphore_mem>>)
    %dma_start3A_1236 = arith.constant 6 : i32
    %dma_start3A_1237 = arith.constant 6 : i32
    %dma_start3A_1238 = arith.constant 3 : i32
    %dma_start3A_1239 = arith.constant 0 : i32
    %dma_start3A_1240 = arith.constant 0 : i32
    %dma_start3A_1241 = tpu.memref_slice %arg1[%dma_start3A_1237, %dma_start3A_1238, %dma_start3A_1239, %dma_start3A_1240] : memref<8x16x512x512xf32, #tpu.memory_space<any>> -> memref<1x1x512x512xf32, #tpu.memory_space<any>>
    %dma_start3A_1242 = tpu.memref_squeeze %dma_start3A_1241 : memref<1x1x512x512xf32, #tpu.memory_space<any>> -> memref<512x512xf32, #tpu.memory_space<any>>
    %dma_start3A_1243 = arith.constant 0 : i32
    %dma_start3A_1244 = arith.constant 0 : i32
    %dma_start3A_1245 = tpu.memref_slice %arg2[%dma_start3A_1236, %dma_start3A_1243, %dma_start3A_1244] : memref<8x512x512xf32, #tpu.memory_space<vmem>> -> memref<1x512x512xf32, #tpu.memory_space<vmem>>
    %dma_start3A_1246 = tpu.memref_squeeze %dma_start3A_1245 : memref<1x512x512xf32, #tpu.memory_space<vmem>> -> memref<512x512xf32, #tpu.memory_space<vmem>>
    tpu.enqueue_dma source(%dma_start3A_1246 : memref<512x512xf32, #tpu.memory_space<vmem>>) target(%dma_start3A_1242 : memref<512x512xf32, #tpu.memory_space<any>>) target_semaphore(%arg3 : memref<!tpu.dma_semaphore, #tpu.memory_space<semaphore_mem>>)
    %dma_start3A_1247 = arith.constant 6 : i32
    %dma_start3A_1248 = arith.constant 6 : i32
    %dma_start3A_1249 = arith.constant 4 : i32
    %dma_start3A_1250 = arith.constant 0 : i32
    %dma_start3A_1251 = arith.constant 0 : i32
    %dma_start3A_1252 = tpu.memref_slice %arg1[%dma_start3A_1248, %dma_start3A_1249, %dma_start3A_1250, %dma_start3A_1251] : memref<8x16x512x512xf32, #tpu.memory_space<any>> -> memref<1x1x512x512xf32, #tpu.memory_space<any>>
    %dma_start3A_1253 = tpu.memref_squeeze %dma_start3A_1252 : memref<1x1x512x512xf32, #tpu.memory_space<any>> -> memref<512x512xf32, #tpu.memory_space<any>>
    %dma_start3A_1254 = arith.constant 0 : i32
    %dma_start3A_1255 = arith.constant 0 : i32
    %dma_start3A_1256 = tpu.memref_slice %arg2[%dma_start3A_1247, %dma_start3A_1254, %dma_start3A_1255] : memref<8x512x512xf32, #tpu.memory_space<vmem>> -> memref<1x512x512xf32, #tpu.memory_space<vmem>>
    %dma_start3A_1257 = tpu.memref_squeeze %dma_start3A_1256 : memref<1x512x512xf32, #tpu.memory_space<vmem>> -> memref<512x512xf32, #tpu.memory_space<vmem>>
    tpu.enqueue_dma source(%dma_start3A_1257 : memref<512x512xf32, #tpu.memory_space<vmem>>) target(%dma_start3A_1253 : memref<512x512xf32, #tpu.memory_space<any>>) target_semaphore(%arg3 : memref<!tpu.dma_semaphore, #tpu.memory_space<semaphore_mem>>)
    %dma_start3A_1258 = arith.constant 6 : i32
    %dma_start3A_1259 = arith.constant 6 : i32
    %dma_start3A_1260 = arith.constant 5 : i32
    %dma_start3A_1261 = arith.constant 0 : i32
    %dma_start3A_1262 = arith.constant 0 : i32
    %dma_start3A_1263 = tpu.memref_slice %arg1[%dma_start3A_1259, %dma_start3A_1260, %dma_start3A_1261, %dma_start3A_1262] : memref<8x16x512x512xf32, #tpu.memory_space<any>> -> memref<1x1x512x512xf32, #tpu.memory_space<any>>
    %dma_start3A_1264 = tpu.memref_squeeze %dma_start3A_1263 : memref<1x1x512x512xf32, #tpu.memory_space<any>> -> memref<512x512xf32, #tpu.memory_space<any>>
    %dma_start3A_1265 = arith.constant 0 : i32
    %dma_start3A_1266 = arith.constant 0 : i32
    %dma_start3A_1267 = tpu.memref_slice %arg2[%dma_start3A_1258, %dma_start3A_1265, %dma_start3A_1266] : memref<8x512x512xf32, #tpu.memory_space<vmem>> -> memref<1x512x512xf32, #tpu.memory_space<vmem>>
    %dma_start3A_1268 = tpu.memref_squeeze %dma_start3A_1267 : memref<1x512x512xf32, #tpu.memory_space<vmem>> -> memref<512x512xf32, #tpu.memory_space<vmem>>
    tpu.enqueue_dma source(%dma_start3A_1268 : memref<512x512xf32, #tpu.memory_space<vmem>>) target(%dma_start3A_1264 : memref<512x512xf32, #tpu.memory_space<any>>) target_semaphore(%arg3 : memref<!tpu.dma_semaphore, #tpu.memory_space<semaphore_mem>>)
    %dma_start3A_1269 = arith.constant 6 : i32
    %dma_start3A_1270 = arith.constant 6 : i32
    %dma_start3A_1271 = arith.constant 6 : i32
    %dma_start3A_1272 = arith.constant 0 : i32
    %dma_start3A_1273 = arith.constant 0 : i32
    %dma_start3A_1274 = tpu.memref_slice %arg1[%dma_start3A_1270, %dma_start3A_1271, %dma_start3A_1272, %dma_start3A_1273] : memref<8x16x512x512xf32, #tpu.memory_space<any>> -> memref<1x1x512x512xf32, #tpu.memory_space<any>>
    %dma_start3A_1275 = tpu.memref_squeeze %dma_start3A_1274 : memref<1x1x512x512xf32, #tpu.memory_space<any>> -> memref<512x512xf32, #tpu.memory_space<any>>
    %dma_start3A_1276 = arith.constant 0 : i32
    %dma_start3A_1277 = arith.constant 0 : i32
    %dma_start3A_1278 = tpu.memref_slice %arg2[%dma_start3A_1269, %dma_start3A_1276, %dma_start3A_1277] : memref<8x512x512xf32, #tpu.memory_space<vmem>> -> memref<1x512x512xf32, #tpu.memory_space<vmem>>
    %dma_start3A_1279 = tpu.memref_squeeze %dma_start3A_1278 : memref<1x512x512xf32, #tpu.memory_space<vmem>> -> memref<512x512xf32, #tpu.memory_space<vmem>>
    tpu.enqueue_dma source(%dma_start3A_1279 : memref<512x512xf32, #tpu.memory_space<vmem>>) target(%dma_start3A_1275 : memref<512x512xf32, #tpu.memory_space<any>>) target_semaphore(%arg3 : memref<!tpu.dma_semaphore, #tpu.memory_space<semaphore_mem>>)
    %dma_start3A_1280 = arith.constant 6 : i32
    %dma_start3A_1281 = arith.constant 6 : i32
    %dma_start3A_1282 = arith.constant 7 : i32
    %dma_start3A_1283 = arith.constant 0 : i32
    %dma_start3A_1284 = arith.constant 0 : i32
    %dma_start3A_1285 = tpu.memref_slice %arg1[%dma_start3A_1281, %dma_start3A_1282, %dma_start3A_1283, %dma_start3A_1284] : memref<8x16x512x512xf32, #tpu.memory_space<any>> -> memref<1x1x512x512xf32, #tpu.memory_space<any>>
    %dma_start3A_1286 = tpu.memref_squeeze %dma_start3A_1285 : memref<1x1x512x512xf32, #tpu.memory_space<any>> -> memref<512x512xf32, #tpu.memory_space<any>>
    %dma_start3A_1287 = arith.constant 0 : i32
    %dma_start3A_1288 = arith.constant 0 : i32
    %dma_start3A_1289 = tpu.memref_slice %arg2[%dma_start3A_1280, %dma_start3A_1287, %dma_start3A_1288] : memref<8x512x512xf32, #tpu.memory_space<vmem>> -> memref<1x512x512xf32, #tpu.memory_space<vmem>>
    %dma_start3A_1290 = tpu.memref_squeeze %dma_start3A_1289 : memref<1x512x512xf32, #tpu.memory_space<vmem>> -> memref<512x512xf32, #tpu.memory_space<vmem>>
    tpu.enqueue_dma source(%dma_start3A_1290 : memref<512x512xf32, #tpu.memory_space<vmem>>) target(%dma_start3A_1286 : memref<512x512xf32, #tpu.memory_space<any>>) target_semaphore(%arg3 : memref<!tpu.dma_semaphore, #tpu.memory_space<semaphore_mem>>)
    %dma_start3A_1291 = arith.constant 6 : i32
    %dma_start3A_1292 = arith.constant 6 : i32
    %dma_start3A_1293 = arith.constant 8 : i32
    %dma_start3A_1294 = arith.constant 0 : i32
    %dma_start3A_1295 = arith.constant 0 : i32
    %dma_start3A_1296 = tpu.memref_slice %arg1[%dma_start3A_1292, %dma_start3A_1293, %dma_start3A_1294, %dma_start3A_1295] : memref<8x16x512x512xf32, #tpu.memory_space<any>> -> memref<1x1x512x512xf32, #tpu.memory_space<any>>
    %dma_start3A_1297 = tpu.memref_squeeze %dma_start3A_1296 : memref<1x1x512x512xf32, #tpu.memory_space<any>> -> memref<512x512xf32, #tpu.memory_space<any>>
    %dma_start3A_1298 = arith.constant 0 : i32
    %dma_start3A_1299 = arith.constant 0 : i32
    %dma_start3A_1300 = tpu.memref_slice %arg2[%dma_start3A_1291, %dma_start3A_1298, %dma_start3A_1299] : memref<8x512x512xf32, #tpu.memory_space<vmem>> -> memref<1x512x512xf32, #tpu.memory_space<vmem>>
    %dma_start3A_1301 = tpu.memref_squeeze %dma_start3A_1300 : memref<1x512x512xf32, #tpu.memory_space<vmem>> -> memref<512x512xf32, #tpu.memory_space<vmem>>
    tpu.enqueue_dma source(%dma_start3A_1301 : memref<512x512xf32, #tpu.memory_space<vmem>>) target(%dma_start3A_1297 : memref<512x512xf32, #tpu.memory_space<any>>) target_semaphore(%arg3 : memref<!tpu.dma_semaphore, #tpu.memory_space<semaphore_mem>>)
    %dma_start3A_1302 = arith.constant 6 : i32
    %dma_start3A_1303 = arith.constant 6 : i32
    %dma_start3A_1304 = arith.constant 9 : i32
    %dma_start3A_1305 = arith.constant 0 : i32
    %dma_start3A_1306 = arith.constant 0 : i32
    %dma_start3A_1307 = tpu.memref_slice %arg1[%dma_start3A_1303, %dma_start3A_1304, %dma_start3A_1305, %dma_start3A_1306] : memref<8x16x512x512xf32, #tpu.memory_space<any>> -> memref<1x1x512x512xf32, #tpu.memory_space<any>>
    %dma_start3A_1308 = tpu.memref_squeeze %dma_start3A_1307 : memref<1x1x512x512xf32, #tpu.memory_space<any>> -> memref<512x512xf32, #tpu.memory_space<any>>
    %dma_start3A_1309 = arith.constant 0 : i32
    %dma_start3A_1310 = arith.constant 0 : i32
    %dma_start3A_1311 = tpu.memref_slice %arg2[%dma_start3A_1302, %dma_start3A_1309, %dma_start3A_1310] : memref<8x512x512xf32, #tpu.memory_space<vmem>> -> memref<1x512x512xf32, #tpu.memory_space<vmem>>
    %dma_start3A_1312 = tpu.memref_squeeze %dma_start3A_1311 : memref<1x512x512xf32, #tpu.memory_space<vmem>> -> memref<512x512xf32, #tpu.memory_space<vmem>>
    tpu.enqueue_dma source(%dma_start3A_1312 : memref<512x512xf32, #tpu.memory_space<vmem>>) target(%dma_start3A_1308 : memref<512x512xf32, #tpu.memory_space<any>>) target_semaphore(%arg3 : memref<!tpu.dma_semaphore, #tpu.memory_space<semaphore_mem>>)
    %dma_start3A_1313 = arith.constant 6 : i32
    %dma_start3A_1314 = arith.constant 6 : i32
    %dma_start3A_1315 = arith.constant 10 : i32
    %dma_start3A_1316 = arith.constant 0 : i32
    %dma_start3A_1317 = arith.constant 0 : i32
    %dma_start3A_1318 = tpu.memref_slice %arg1[%dma_start3A_1314, %dma_start3A_1315, %dma_start3A_1316, %dma_start3A_1317] : memref<8x16x512x512xf32, #tpu.memory_space<any>> -> memref<1x1x512x512xf32, #tpu.memory_space<any>>
    %dma_start3A_1319 = tpu.memref_squeeze %dma_start3A_1318 : memref<1x1x512x512xf32, #tpu.memory_space<any>> -> memref<512x512xf32, #tpu.memory_space<any>>
    %dma_start3A_1320 = arith.constant 0 : i32
    %dma_start3A_1321 = arith.constant 0 : i32
    %dma_start3A_1322 = tpu.memref_slice %arg2[%dma_start3A_1313, %dma_start3A_1320, %dma_start3A_1321] : memref<8x512x512xf32, #tpu.memory_space<vmem>> -> memref<1x512x512xf32, #tpu.memory_space<vmem>>
    %dma_start3A_1323 = tpu.memref_squeeze %dma_start3A_1322 : memref<1x512x512xf32, #tpu.memory_space<vmem>> -> memref<512x512xf32, #tpu.memory_space<vmem>>
    tpu.enqueue_dma source(%dma_start3A_1323 : memref<512x512xf32, #tpu.memory_space<vmem>>) target(%dma_start3A_1319 : memref<512x512xf32, #tpu.memory_space<any>>) target_semaphore(%arg3 : memref<!tpu.dma_semaphore, #tpu.memory_space<semaphore_mem>>)
    %dma_start3A_1324 = arith.constant 6 : i32
    %dma_start3A_1325 = arith.constant 6 : i32
    %dma_start3A_1326 = arith.constant 11 : i32
    %dma_start3A_1327 = arith.constant 0 : i32
    %dma_start3A_1328 = arith.constant 0 : i32
    %dma_start3A_1329 = tpu.memref_slice %arg1[%dma_start3A_1325, %dma_start3A_1326, %dma_start3A_1327, %dma_start3A_1328] : memref<8x16x512x512xf32, #tpu.memory_space<any>> -> memref<1x1x512x512xf32, #tpu.memory_space<any>>
    %dma_start3A_1330 = tpu.memref_squeeze %dma_start3A_1329 : memref<1x1x512x512xf32, #tpu.memory_space<any>> -> memref<512x512xf32, #tpu.memory_space<any>>
    %dma_start3A_1331 = arith.constant 0 : i32
    %dma_start3A_1332 = arith.constant 0 : i32
    %dma_start3A_1333 = tpu.memref_slice %arg2[%dma_start3A_1324, %dma_start3A_1331, %dma_start3A_1332] : memref<8x512x512xf32, #tpu.memory_space<vmem>> -> memref<1x512x512xf32, #tpu.memory_space<vmem>>
    %dma_start3A_1334 = tpu.memref_squeeze %dma_start3A_1333 : memref<1x512x512xf32, #tpu.memory_space<vmem>> -> memref<512x512xf32, #tpu.memory_space<vmem>>
    tpu.enqueue_dma source(%dma_start3A_1334 : memref<512x512xf32, #tpu.memory_space<vmem>>) target(%dma_start3A_1330 : memref<512x512xf32, #tpu.memory_space<any>>) target_semaphore(%arg3 : memref<!tpu.dma_semaphore, #tpu.memory_space<semaphore_mem>>)
    %dma_start3A_1335 = arith.constant 6 : i32
    %dma_start3A_1336 = arith.constant 6 : i32
    %dma_start3A_1337 = arith.constant 12 : i32
    %dma_start3A_1338 = arith.constant 0 : i32
    %dma_start3A_1339 = arith.constant 0 : i32
    %dma_start3A_1340 = tpu.memref_slice %arg1[%dma_start3A_1336, %dma_start3A_1337, %dma_start3A_1338, %dma_start3A_1339] : memref<8x16x512x512xf32, #tpu.memory_space<any>> -> memref<1x1x512x512xf32, #tpu.memory_space<any>>
    %dma_start3A_1341 = tpu.memref_squeeze %dma_start3A_1340 : memref<1x1x512x512xf32, #tpu.memory_space<any>> -> memref<512x512xf32, #tpu.memory_space<any>>
    %dma_start3A_1342 = arith.constant 0 : i32
    %dma_start3A_1343 = arith.constant 0 : i32
    %dma_start3A_1344 = tpu.memref_slice %arg2[%dma_start3A_1335, %dma_start3A_1342, %dma_start3A_1343] : memref<8x512x512xf32, #tpu.memory_space<vmem>> -> memref<1x512x512xf32, #tpu.memory_space<vmem>>
    %dma_start3A_1345 = tpu.memref_squeeze %dma_start3A_1344 : memref<1x512x512xf32, #tpu.memory_space<vmem>> -> memref<512x512xf32, #tpu.memory_space<vmem>>
    tpu.enqueue_dma source(%dma_start3A_1345 : memref<512x512xf32, #tpu.memory_space<vmem>>) target(%dma_start3A_1341 : memref<512x512xf32, #tpu.memory_space<any>>) target_semaphore(%arg3 : memref<!tpu.dma_semaphore, #tpu.memory_space<semaphore_mem>>)
    %dma_start3A_1346 = arith.constant 6 : i32
    %dma_start3A_1347 = arith.constant 6 : i32
    %dma_start3A_1348 = arith.constant 13 : i32
    %dma_start3A_1349 = arith.constant 0 : i32
    %dma_start3A_1350 = arith.constant 0 : i32
    %dma_start3A_1351 = tpu.memref_slice %arg1[%dma_start3A_1347, %dma_start3A_1348, %dma_start3A_1349, %dma_start3A_1350] : memref<8x16x512x512xf32, #tpu.memory_space<any>> -> memref<1x1x512x512xf32, #tpu.memory_space<any>>
    %dma_start3A_1352 = tpu.memref_squeeze %dma_start3A_1351 : memref<1x1x512x512xf32, #tpu.memory_space<any>> -> memref<512x512xf32, #tpu.memory_space<any>>
    %dma_start3A_1353 = arith.constant 0 : i32
    %dma_start3A_1354 = arith.constant 0 : i32
    %dma_start3A_1355 = tpu.memref_slice %arg2[%dma_start3A_1346, %dma_start3A_1353, %dma_start3A_1354] : memref<8x512x512xf32, #tpu.memory_space<vmem>> -> memref<1x512x512xf32, #tpu.memory_space<vmem>>
    %dma_start3A_1356 = tpu.memref_squeeze %dma_start3A_1355 : memref<1x512x512xf32, #tpu.memory_space<vmem>> -> memref<512x512xf32, #tpu.memory_space<vmem>>
    tpu.enqueue_dma source(%dma_start3A_1356 : memref<512x512xf32, #tpu.memory_space<vmem>>) target(%dma_start3A_1352 : memref<512x512xf32, #tpu.memory_space<any>>) target_semaphore(%arg3 : memref<!tpu.dma_semaphore, #tpu.memory_space<semaphore_mem>>)
    %dma_start3A_1357 = arith.constant 6 : i32
    %dma_start3A_1358 = arith.constant 6 : i32
    %dma_start3A_1359 = arith.constant 14 : i32
    %dma_start3A_1360 = arith.constant 0 : i32
    %dma_start3A_1361 = arith.constant 0 : i32
    %dma_start3A_1362 = tpu.memref_slice %arg1[%dma_start3A_1358, %dma_start3A_1359, %dma_start3A_1360, %dma_start3A_1361] : memref<8x16x512x512xf32, #tpu.memory_space<any>> -> memref<1x1x512x512xf32, #tpu.memory_space<any>>
    %dma_start3A_1363 = tpu.memref_squeeze %dma_start3A_1362 : memref<1x1x512x512xf32, #tpu.memory_space<any>> -> memref<512x512xf32, #tpu.memory_space<any>>
    %dma_start3A_1364 = arith.constant 0 : i32
    %dma_start3A_1365 = arith.constant 0 : i32
    %dma_start3A_1366 = tpu.memref_slice %arg2[%dma_start3A_1357, %dma_start3A_1364, %dma_start3A_1365] : memref<8x512x512xf32, #tpu.memory_space<vmem>> -> memref<1x512x512xf32, #tpu.memory_space<vmem>>
    %dma_start3A_1367 = tpu.memref_squeeze %dma_start3A_1366 : memref<1x512x512xf32, #tpu.memory_space<vmem>> -> memref<512x512xf32, #tpu.memory_space<vmem>>
    tpu.enqueue_dma source(%dma_start3A_1367 : memref<512x512xf32, #tpu.memory_space<vmem>>) target(%dma_start3A_1363 : memref<512x512xf32, #tpu.memory_space<any>>) target_semaphore(%arg3 : memref<!tpu.dma_semaphore, #tpu.memory_space<semaphore_mem>>)
    %dma_start3A_1368 = arith.constant 6 : i32
    %dma_start3A_1369 = arith.constant 6 : i32
    %dma_start3A_1370 = arith.constant 15 : i32
    %dma_start3A_1371 = arith.constant 0 : i32
    %dma_start3A_1372 = arith.constant 0 : i32
    %dma_start3A_1373 = tpu.memref_slice %arg1[%dma_start3A_1369, %dma_start3A_1370, %dma_start3A_1371, %dma_start3A_1372] : memref<8x16x512x512xf32, #tpu.memory_space<any>> -> memref<1x1x512x512xf32, #tpu.memory_space<any>>
    %dma_start3A_1374 = tpu.memref_squeeze %dma_start3A_1373 : memref<1x1x512x512xf32, #tpu.memory_space<any>> -> memref<512x512xf32, #tpu.memory_space<any>>
    %dma_start3A_1375 = arith.constant 0 : i32
    %dma_start3A_1376 = arith.constant 0 : i32
    %dma_start3A_1377 = tpu.memref_slice %arg2[%dma_start3A_1368, %dma_start3A_1375, %dma_start3A_1376] : memref<8x512x512xf32, #tpu.memory_space<vmem>> -> memref<1x512x512xf32, #tpu.memory_space<vmem>>
    %dma_start3A_1378 = tpu.memref_squeeze %dma_start3A_1377 : memref<1x512x512xf32, #tpu.memory_space<vmem>> -> memref<512x512xf32, #tpu.memory_space<vmem>>
    tpu.enqueue_dma source(%dma_start3A_1378 : memref<512x512xf32, #tpu.memory_space<vmem>>) target(%dma_start3A_1374 : memref<512x512xf32, #tpu.memory_space<any>>) target_semaphore(%arg3 : memref<!tpu.dma_semaphore, #tpu.memory_space<semaphore_mem>>)
    %eq3A_1379 = arith.constant 7 : i32
    %eq3A_1380 = vector.broadcast %eq3A_1379 : i32 to vector<16x128xi32>
    %eq3A_1381 = arith.cmpi eq, %get3A_1, %eq3A_1380 : vector<16x128xi32>
    %convert_element_type3A_1382 = arith.extui %eq3A_1381 : vector<16x128xi1> to vector<16x128xi32>
    %reduce_sum3A_1383 = vector.shape_cast %convert_element_type3A_1382 : vector<16x128xi32> to vector<1x16x128xi32>
    %reduce_sum3A_1384 = arith.constant dense<0> : vector<1xi32>
    %reduce_sum3A_1385 = vector.multi_reduction <add>, %reduce_sum3A_1383, %reduce_sum3A_1384 [1, 2] : vector<1x16x128xi32> to vector<1xi32>
    %reduce_sum3A_1386 = vector.shape_cast %reduce_sum3A_1385 : vector<1xi32> to vector<1x1x1xi32>
    %reduce_sum3A_1387 = vector.extract %reduce_sum3A_1386[0, 0, 0] : i32 from vector<1x1x1xi32>
    %ge3A_1388 = vector.broadcast %reduce_sum3A_1387 : i32 to vector<512x512xi32>
    %ge3A_1389 = arith.cmpi sge, %iota3A, %ge3A_1388 : vector<512x512xi32>
    %jit3A_1390 = arith.constant -1.000000e+09 : f32
    %jit3A_1391 = arith.constant 0.000000e+00 : f32
    %broadcast_in_dim3A_1392 = vector.broadcast %jit3A_1390 : f32 to vector<512x512xf32>
    %broadcast_in_dim3A_1393 = vector.broadcast %jit3A_1391 : f32 to vector<512x512xf32>
    %select_n3A_1394 = arith.select %ge3A_1389, %broadcast_in_dim3A_1392, %broadcast_in_dim3A_1393 : vector<512x512xi1>, vector<512x512xf32>
    %swap3A_1395 = arith.constant 7 : index
    %swap3A_1396 = arith.constant 0 : index
    %swap3A_1397 = arith.constant 0 : index
    %swap3A_1398 = vector.load %arg2[%swap3A_1395, %swap3A_1396, %swap3A_1397] : memref<8x512x512xf32, #tpu.memory_space<vmem>>, vector<1x512x512xf32>
    %swap3A_1399 = vector.shape_cast %swap3A_1398 : vector<1x512x512xf32> to vector<512x512xf32>
    %swap3A_1400 = vector.shape_cast %select_n3A_1394 : vector<512x512xf32> to vector<1x512x512xf32>
    tpu.vector_store %arg2[%swap3A_1395, %swap3A_1396, %swap3A_1397], %swap3A_1400 {strides = array<i32>} : memref<8x512x512xf32, #tpu.memory_space<vmem>>, vector<1x512x512xf32>,
    %dma_start3A_1401 = arith.constant 7 : i32
    %dma_start3A_1402 = arith.constant 7 : i32
    %dma_start3A_1403 = arith.constant 0 : i32
    %dma_start3A_1404 = arith.constant 0 : i32
    %dma_start3A_1405 = arith.constant 0 : i32
    %dma_start3A_1406 = tpu.memref_slice %arg1[%dma_start3A_1402, %dma_start3A_1403, %dma_start3A_1404, %dma_start3A_1405] : memref<8x16x512x512xf32, #tpu.memory_space<any>> -> memref<1x1x512x512xf32, #tpu.memory_space<any>>
    %dma_start3A_1407 = tpu.memref_squeeze %dma_start3A_1406 : memref<1x1x512x512xf32, #tpu.memory_space<any>> -> memref<512x512xf32, #tpu.memory_space<any>>
    %dma_start3A_1408 = arith.constant 0 : i32
    %dma_start3A_1409 = arith.constant 0 : i32
    %dma_start3A_1410 = tpu.memref_slice %arg2[%dma_start3A_1401, %dma_start3A_1408, %dma_start3A_1409] : memref<8x512x512xf32, #tpu.memory_space<vmem>> -> memref<1x512x512xf32, #tpu.memory_space<vmem>>
    %dma_start3A_1411 = tpu.memref_squeeze %dma_start3A_1410 : memref<1x512x512xf32, #tpu.memory_space<vmem>> -> memref<512x512xf32, #tpu.memory_space<vmem>>
    tpu.enqueue_dma source(%dma_start3A_1411 : memref<512x512xf32, #tpu.memory_space<vmem>>) target(%dma_start3A_1407 : memref<512x512xf32, #tpu.memory_space<any>>) target_semaphore(%arg3 : memref<!tpu.dma_semaphore, #tpu.memory_space<semaphore_mem>>)
    %dma_start3A_1412 = arith.constant 7 : i32
    %dma_start3A_1413 = arith.constant 7 : i32
    %dma_start3A_1414 = arith.constant 1 : i32
    %dma_start3A_1415 = arith.constant 0 : i32
    %dma_start3A_1416 = arith.constant 0 : i32
    %dma_start3A_1417 = tpu.memref_slice %arg1[%dma_start3A_1413, %dma_start3A_1414, %dma_start3A_1415, %dma_start3A_1416] : memref<8x16x512x512xf32, #tpu.memory_space<any>> -> memref<1x1x512x512xf32, #tpu.memory_space<any>>
    %dma_start3A_1418 = tpu.memref_squeeze %dma_start3A_1417 : memref<1x1x512x512xf32, #tpu.memory_space<any>> -> memref<512x512xf32, #tpu.memory_space<any>>
    %dma_start3A_1419 = arith.constant 0 : i32
    %dma_start3A_1420 = arith.constant 0 : i32
    %dma_start3A_1421 = tpu.memref_slice %arg2[%dma_start3A_1412, %dma_start3A_1419, %dma_start3A_1420] : memref<8x512x512xf32, #tpu.memory_space<vmem>> -> memref<1x512x512xf32, #tpu.memory_space<vmem>>
    %dma_start3A_1422 = tpu.memref_squeeze %dma_start3A_1421 : memref<1x512x512xf32, #tpu.memory_space<vmem>> -> memref<512x512xf32, #tpu.memory_space<vmem>>
    tpu.enqueue_dma source(%dma_start3A_1422 : memref<512x512xf32, #tpu.memory_space<vmem>>) target(%dma_start3A_1418 : memref<512x512xf32, #tpu.memory_space<any>>) target_semaphore(%arg3 : memref<!tpu.dma_semaphore, #tpu.memory_space<semaphore_mem>>)
    %dma_start3A_1423 = arith.constant 7 : i32
    %dma_start3A_1424 = arith.constant 7 : i32
    %dma_start3A_1425 = arith.constant 2 : i32
    %dma_start3A_1426 = arith.constant 0 : i32
    %dma_start3A_1427 = arith.constant 0 : i32
    %dma_start3A_1428 = tpu.memref_slice %arg1[%dma_start3A_1424, %dma_start3A_1425, %dma_start3A_1426, %dma_start3A_1427] : memref<8x16x512x512xf32, #tpu.memory_space<any>> -> memref<1x1x512x512xf32, #tpu.memory_space<any>>
    %dma_start3A_1429 = tpu.memref_squeeze %dma_start3A_1428 : memref<1x1x512x512xf32, #tpu.memory_space<any>> -> memref<512x512xf32, #tpu.memory_space<any>>
    %dma_start3A_1430 = arith.constant 0 : i32
    %dma_start3A_1431 = arith.constant 0 : i32
    %dma_start3A_1432 = tpu.memref_slice %arg2[%dma_start3A_1423, %dma_start3A_1430, %dma_start3A_1431] : memref<8x512x512xf32, #tpu.memory_space<vmem>> -> memref<1x512x512xf32, #tpu.memory_space<vmem>>
    %dma_start3A_1433 = tpu.memref_squeeze %dma_start3A_1432 : memref<1x512x512xf32, #tpu.memory_space<vmem>> -> memref<512x512xf32, #tpu.memory_space<vmem>>
    tpu.enqueue_dma source(%dma_start3A_1433 : memref<512x512xf32, #tpu.memory_space<vmem>>) target(%dma_start3A_1429 : memref<512x512xf32, #tpu.memory_space<any>>) target_semaphore(%arg3 : memref<!tpu.dma_semaphore, #tpu.memory_space<semaphore_mem>>)
    %dma_start3A_1434 = arith.constant 7 : i32
    %dma_start3A_1435 = arith.constant 7 : i32
    %dma_start3A_1436 = arith.constant 3 : i32
    %dma_start3A_1437 = arith.constant 0 : i32
    %dma_start3A_1438 = arith.constant 0 : i32
    %dma_start3A_1439 = tpu.memref_slice %arg1[%dma_start3A_1435, %dma_start3A_1436, %dma_start3A_1437, %dma_start3A_1438] : memref<8x16x512x512xf32, #tpu.memory_space<any>> -> memref<1x1x512x512xf32, #tpu.memory_space<any>>
    %dma_start3A_1440 = tpu.memref_squeeze %dma_start3A_1439 : memref<1x1x512x512xf32, #tpu.memory_space<any>> -> memref<512x512xf32, #tpu.memory_space<any>>
    %dma_start3A_1441 = arith.constant 0 : i32
    %dma_start3A_1442 = arith.constant 0 : i32
    %dma_start3A_1443 = tpu.memref_slice %arg2[%dma_start3A_1434, %dma_start3A_1441, %dma_start3A_1442] : memref<8x512x512xf32, #tpu.memory_space<vmem>> -> memref<1x512x512xf32, #tpu.memory_space<vmem>>
    %dma_start3A_1444 = tpu.memref_squeeze %dma_start3A_1443 : memref<1x512x512xf32, #tpu.memory_space<vmem>> -> memref<512x512xf32, #tpu.memory_space<vmem>>
    tpu.enqueue_dma source(%dma_start3A_1444 : memref<512x512xf32, #tpu.memory_space<vmem>>) target(%dma_start3A_1440 : memref<512x512xf32, #tpu.memory_space<any>>) target_semaphore(%arg3 : memref<!tpu.dma_semaphore, #tpu.memory_space<semaphore_mem>>)
    %dma_start3A_1445 = arith.constant 7 : i32
    %dma_start3A_1446 = arith.constant 7 : i32
    %dma_start3A_1447 = arith.constant 4 : i32
    %dma_start3A_1448 = arith.constant 0 : i32
    %dma_start3A_1449 = arith.constant 0 : i32
    %dma_start3A_1450 = tpu.memref_slice %arg1[%dma_start3A_1446, %dma_start3A_1447, %dma_start3A_1448, %dma_start3A_1449] : memref<8x16x512x512xf32, #tpu.memory_space<any>> -> memref<1x1x512x512xf32, #tpu.memory_space<any>>
    %dma_start3A_1451 = tpu.memref_squeeze %dma_start3A_1450 : memref<1x1x512x512xf32, #tpu.memory_space<any>> -> memref<512x512xf32, #tpu.memory_space<any>>
    %dma_start3A_1452 = arith.constant 0 : i32
    %dma_start3A_1453 = arith.constant 0 : i32
    %dma_start3A_1454 = tpu.memref_slice %arg2[%dma_start3A_1445, %dma_start3A_1452, %dma_start3A_1453] : memref<8x512x512xf32, #tpu.memory_space<vmem>> -> memref<1x512x512xf32, #tpu.memory_space<vmem>>
    %dma_start3A_1455 = tpu.memref_squeeze %dma_start3A_1454 : memref<1x512x512xf32, #tpu.memory_space<vmem>> -> memref<512x512xf32, #tpu.memory_space<vmem>>
    tpu.enqueue_dma source(%dma_start3A_1455 : memref<512x512xf32, #tpu.memory_space<vmem>>) target(%dma_start3A_1451 : memref<512x512xf32, #tpu.memory_space<any>>) target_semaphore(%arg3 : memref<!tpu.dma_semaphore, #tpu.memory_space<semaphore_mem>>)
    %dma_start3A_1456 = arith.constant 7 : i32
    %dma_start3A_1457 = arith.constant 7 : i32
    %dma_start3A_1458 = arith.constant 5 : i32
    %dma_start3A_1459 = arith.constant 0 : i32
    %dma_start3A_1460 = arith.constant 0 : i32
    %dma_start3A_1461 = tpu.memref_slice %arg1[%dma_start3A_1457, %dma_start3A_1458, %dma_start3A_1459, %dma_start3A_1460] : memref<8x16x512x512xf32, #tpu.memory_space<any>> -> memref<1x1x512x512xf32, #tpu.memory_space<any>>
    %dma_start3A_1462 = tpu.memref_squeeze %dma_start3A_1461 : memref<1x1x512x512xf32, #tpu.memory_space<any>> -> memref<512x512xf32, #tpu.memory_space<any>>
    %dma_start3A_1463 = arith.constant 0 : i32
    %dma_start3A_1464 = arith.constant 0 : i32
    %dma_start3A_1465 = tpu.memref_slice %arg2[%dma_start3A_1456, %dma_start3A_1463, %dma_start3A_1464] : memref<8x512x512xf32, #tpu.memory_space<vmem>> -> memref<1x512x512xf32, #tpu.memory_space<vmem>>
    %dma_start3A_1466 = tpu.memref_squeeze %dma_start3A_1465 : memref<1x512x512xf32, #tpu.memory_space<vmem>> -> memref<512x512xf32, #tpu.memory_space<vmem>>
    tpu.enqueue_dma source(%dma_start3A_1466 : memref<512x512xf32, #tpu.memory_space<vmem>>) target(%dma_start3A_1462 : memref<512x512xf32, #tpu.memory_space<any>>) target_semaphore(%arg3 : memref<!tpu.dma_semaphore, #tpu.memory_space<semaphore_mem>>)
    %dma_start3A_1467 = arith.constant 7 : i32
    %dma_start3A_1468 = arith.constant 7 : i32
    %dma_start3A_1469 = arith.constant 6 : i32
    %dma_start3A_1470 = arith.constant 0 : i32
    %dma_start3A_1471 = arith.constant 0 : i32
    %dma_start3A_1472 = tpu.memref_slice %arg1[%dma_start3A_1468, %dma_start3A_1469, %dma_start3A_1470, %dma_start3A_1471] : memref<8x16x512x512xf32, #tpu.memory_space<any>> -> memref<1x1x512x512xf32, #tpu.memory_space<any>>
    %dma_start3A_1473 = tpu.memref_squeeze %dma_start3A_1472 : memref<1x1x512x512xf32, #tpu.memory_space<any>> -> memref<512x512xf32, #tpu.memory_space<any>>
    %dma_start3A_1474 = arith.constant 0 : i32
    %dma_start3A_1475 = arith.constant 0 : i32
    %dma_start3A_1476 = tpu.memref_slice %arg2[%dma_start3A_1467, %dma_start3A_1474, %dma_start3A_1475] : memref<8x512x512xf32, #tpu.memory_space<vmem>> -> memref<1x512x512xf32, #tpu.memory_space<vmem>>
    %dma_start3A_1477 = tpu.memref_squeeze %dma_start3A_1476 : memref<1x512x512xf32, #tpu.memory_space<vmem>> -> memref<512x512xf32, #tpu.memory_space<vmem>>
    tpu.enqueue_dma source(%dma_start3A_1477 : memref<512x512xf32, #tpu.memory_space<vmem>>) target(%dma_start3A_1473 : memref<512x512xf32, #tpu.memory_space<any>>) target_semaphore(%arg3 : memref<!tpu.dma_semaphore, #tpu.memory_space<semaphore_mem>>)
    %dma_start3A_1478 = arith.constant 7 : i32
    %dma_start3A_1479 = arith.constant 7 : i32
    %dma_start3A_1480 = arith.constant 7 : i32
    %dma_start3A_1481 = arith.constant 0 : i32
    %dma_start3A_1482 = arith.constant 0 : i32
    %dma_start3A_1483 = tpu.memref_slice %arg1[%dma_start3A_1479, %dma_start3A_1480, %dma_start3A_1481, %dma_start3A_1482] : memref<8x16x512x512xf32, #tpu.memory_space<any>> -> memref<1x1x512x512xf32, #tpu.memory_space<any>>
    %dma_start3A_1484 = tpu.memref_squeeze %dma_start3A_1483 : memref<1x1x512x512xf32, #tpu.memory_space<any>> -> memref<512x512xf32, #tpu.memory_space<any>>
    %dma_start3A_1485 = arith.constant 0 : i32
    %dma_start3A_1486 = arith.constant 0 : i32
    %dma_start3A_1487 = tpu.memref_slice %arg2[%dma_start3A_1478, %dma_start3A_1485, %dma_start3A_1486] : memref<8x512x512xf32, #tpu.memory_space<vmem>> -> memref<1x512x512xf32, #tpu.memory_space<vmem>>
    %dma_start3A_1488 = tpu.memref_squeeze %dma_start3A_1487 : memref<1x512x512xf32, #tpu.memory_space<vmem>> -> memref<512x512xf32, #tpu.memory_space<vmem>>
    tpu.enqueue_dma source(%dma_start3A_1488 : memref<512x512xf32, #tpu.memory_space<vmem>>) target(%dma_start3A_1484 : memref<512x512xf32, #tpu.memory_space<any>>) target_semaphore(%arg3 : memref<!tpu.dma_semaphore, #tpu.memory_space<semaphore_mem>>)
    %dma_start3A_1489 = arith.constant 7 : i32
    %dma_start3A_1490 = arith.constant 7 : i32
    %dma_start3A_1491 = arith.constant 8 : i32
    %dma_start3A_1492 = arith.constant 0 : i32
    %dma_start3A_1493 = arith.constant 0 : i32
    %dma_start3A_1494 = tpu.memref_slice %arg1[%dma_start3A_1490, %dma_start3A_1491, %dma_start3A_1492, %dma_start3A_1493] : memref<8x16x512x512xf32, #tpu.memory_space<any>> -> memref<1x1x512x512xf32, #tpu.memory_space<any>>
    %dma_start3A_1495 = tpu.memref_squeeze %dma_start3A_1494 : memref<1x1x512x512xf32, #tpu.memory_space<any>> -> memref<512x512xf32, #tpu.memory_space<any>>
    %dma_start3A_1496 = arith.constant 0 : i32
    %dma_start3A_1497 = arith.constant 0 : i32
    %dma_start3A_1498 = tpu.memref_slice %arg2[%dma_start3A_1489, %dma_start3A_1496, %dma_start3A_1497] : memref<8x512x512xf32, #tpu.memory_space<vmem>> -> memref<1x512x512xf32, #tpu.memory_space<vmem>>
    %dma_start3A_1499 = tpu.memref_squeeze %dma_start3A_1498 : memref<1x512x512xf32, #tpu.memory_space<vmem>> -> memref<512x512xf32, #tpu.memory_space<vmem>>
    tpu.enqueue_dma source(%dma_start3A_1499 : memref<512x512xf32, #tpu.memory_space<vmem>>) target(%dma_start3A_1495 : memref<512x512xf32, #tpu.memory_space<any>>) target_semaphore(%arg3 : memref<!tpu.dma_semaphore, #tpu.memory_space<semaphore_mem>>)
    %dma_start3A_1500 = arith.constant 7 : i32
    %dma_start3A_1501 = arith.constant 7 : i32
    %dma_start3A_1502 = arith.constant 9 : i32
    %dma_start3A_1503 = arith.constant 0 : i32
    %dma_start3A_1504 = arith.constant 0 : i32
    %dma_start3A_1505 = tpu.memref_slice %arg1[%dma_start3A_1501, %dma_start3A_1502, %dma_start3A_1503, %dma_start3A_1504] : memref<8x16x512x512xf32, #tpu.memory_space<any>> -> memref<1x1x512x512xf32, #tpu.memory_space<any>>
    %dma_start3A_1506 = tpu.memref_squeeze %dma_start3A_1505 : memref<1x1x512x512xf32, #tpu.memory_space<any>> -> memref<512x512xf32, #tpu.memory_space<any>>
    %dma_start3A_1507 = arith.constant 0 : i32
    %dma_start3A_1508 = arith.constant 0 : i32
    %dma_start3A_1509 = tpu.memref_slice %arg2[%dma_start3A_1500, %dma_start3A_1507, %dma_start3A_1508] : memref<8x512x512xf32, #tpu.memory_space<vmem>> -> memref<1x512x512xf32, #tpu.memory_space<vmem>>
    %dma_start3A_1510 = tpu.memref_squeeze %dma_start3A_1509 : memref<1x512x512xf32, #tpu.memory_space<vmem>> -> memref<512x512xf32, #tpu.memory_space<vmem>>
    tpu.enqueue_dma source(%dma_start3A_1510 : memref<512x512xf32, #tpu.memory_space<vmem>>) target(%dma_start3A_1506 : memref<512x512xf32, #tpu.memory_space<any>>) target_semaphore(%arg3 : memref<!tpu.dma_semaphore, #tpu.memory_space<semaphore_mem>>)
    %dma_start3A_1511 = arith.constant 7 : i32
    %dma_start3A_1512 = arith.constant 7 : i32
    %dma_start3A_1513 = arith.constant 10 : i32
    %dma_start3A_1514 = arith.constant 0 : i32
    %dma_start3A_1515 = arith.constant 0 : i32
    %dma_start3A_1516 = tpu.memref_slice %arg1[%dma_start3A_1512, %dma_start3A_1513, %dma_start3A_1514, %dma_start3A_1515] : memref<8x16x512x512xf32, #tpu.memory_space<any>> -> memref<1x1x512x512xf32, #tpu.memory_space<any>>
    %dma_start3A_1517 = tpu.memref_squeeze %dma_start3A_1516 : memref<1x1x512x512xf32, #tpu.memory_space<any>> -> memref<512x512xf32, #tpu.memory_space<any>>
    %dma_start3A_1518 = arith.constant 0 : i32
    %dma_start3A_1519 = arith.constant 0 : i32
    %dma_start3A_1520 = tpu.memref_slice %arg2[%dma_start3A_1511, %dma_start3A_1518, %dma_start3A_1519] : memref<8x512x512xf32, #tpu.memory_space<vmem>> -> memref<1x512x512xf32, #tpu.memory_space<vmem>>
    %dma_start3A_1521 = tpu.memref_squeeze %dma_start3A_1520 : memref<1x512x512xf32, #tpu.memory_space<vmem>> -> memref<512x512xf32, #tpu.memory_space<vmem>>
    tpu.enqueue_dma source(%dma_start3A_1521 : memref<512x512xf32, #tpu.memory_space<vmem>>) target(%dma_start3A_1517 : memref<512x512xf32, #tpu.memory_space<any>>) target_semaphore(%arg3 : memref<!tpu.dma_semaphore, #tpu.memory_space<semaphore_mem>>)
    %dma_start3A_1522 = arith.constant 7 : i32
    %dma_start3A_1523 = arith.constant 7 : i32
    %dma_start3A_1524 = arith.constant 11 : i32
    %dma_start3A_1525 = arith.constant 0 : i32
    %dma_start3A_1526 = arith.constant 0 : i32
    %dma_start3A_1527 = tpu.memref_slice %arg1[%dma_start3A_1523, %dma_start3A_1524, %dma_start3A_1525, %dma_start3A_1526] : memref<8x16x512x512xf32, #tpu.memory_space<any>> -> memref<1x1x512x512xf32, #tpu.memory_space<any>>
    %dma_start3A_1528 = tpu.memref_squeeze %dma_start3A_1527 : memref<1x1x512x512xf32, #tpu.memory_space<any>> -> memref<512x512xf32, #tpu.memory_space<any>>
    %dma_start3A_1529 = arith.constant 0 : i32
    %dma_start3A_1530 = arith.constant 0 : i32
    %dma_start3A_1531 = tpu.memref_slice %arg2[%dma_start3A_1522, %dma_start3A_1529, %dma_start3A_1530] : memref<8x512x512xf32, #tpu.memory_space<vmem>> -> memref<1x512x512xf32, #tpu.memory_space<vmem>>
    %dma_start3A_1532 = tpu.memref_squeeze %dma_start3A_1531 : memref<1x512x512xf32, #tpu.memory_space<vmem>> -> memref<512x512xf32, #tpu.memory_space<vmem>>
    tpu.enqueue_dma source(%dma_start3A_1532 : memref<512x512xf32, #tpu.memory_space<vmem>>) target(%dma_start3A_1528 : memref<512x512xf32, #tpu.memory_space<any>>) target_semaphore(%arg3 : memref<!tpu.dma_semaphore, #tpu.memory_space<semaphore_mem>>)
    %dma_start3A_1533 = arith.constant 7 : i32
    %dma_start3A_1534 = arith.constant 7 : i32
    %dma_start3A_1535 = arith.constant 12 : i32
    %dma_start3A_1536 = arith.constant 0 : i32
    %dma_start3A_1537 = arith.constant 0 : i32
    %dma_start3A_1538 = tpu.memref_slice %arg1[%dma_start3A_1534, %dma_start3A_1535, %dma_start3A_1536, %dma_start3A_1537] : memref<8x16x512x512xf32, #tpu.memory_space<any>> -> memref<1x1x512x512xf32, #tpu.memory_space<any>>
    %dma_start3A_1539 = tpu.memref_squeeze %dma_start3A_1538 : memref<1x1x512x512xf32, #tpu.memory_space<any>> -> memref<512x512xf32, #tpu.memory_space<any>>
    %dma_start3A_1540 = arith.constant 0 : i32
    %dma_start3A_1541 = arith.constant 0 : i32
    %dma_start3A_1542 = tpu.memref_slice %arg2[%dma_start3A_1533, %dma_start3A_1540, %dma_start3A_1541] : memref<8x512x512xf32, #tpu.memory_space<vmem>> -> memref<1x512x512xf32, #tpu.memory_space<vmem>>
    %dma_start3A_1543 = tpu.memref_squeeze %dma_start3A_1542 : memref<1x512x512xf32, #tpu.memory_space<vmem>> -> memref<512x512xf32, #tpu.memory_space<vmem>>
    tpu.enqueue_dma source(%dma_start3A_1543 : memref<512x512xf32, #tpu.memory_space<vmem>>) target(%dma_start3A_1539 : memref<512x512xf32, #tpu.memory_space<any>>) target_semaphore(%arg3 : memref<!tpu.dma_semaphore, #tpu.memory_space<semaphore_mem>>)
    %dma_start3A_1544 = arith.constant 7 : i32
    %dma_start3A_1545 = arith.constant 7 : i32
    %dma_start3A_1546 = arith.constant 13 : i32
    %dma_start3A_1547 = arith.constant 0 : i32
    %dma_start3A_1548 = arith.constant 0 : i32
    %dma_start3A_1549 = tpu.memref_slice %arg1[%dma_start3A_1545, %dma_start3A_1546, %dma_start3A_1547, %dma_start3A_1548] : memref<8x16x512x512xf32, #tpu.memory_space<any>> -> memref<1x1x512x512xf32, #tpu.memory_space<any>>
    %dma_start3A_1550 = tpu.memref_squeeze %dma_start3A_1549 : memref<1x1x512x512xf32, #tpu.memory_space<any>> -> memref<512x512xf32, #tpu.memory_space<any>>
    %dma_start3A_1551 = arith.constant 0 : i32
    %dma_start3A_1552 = arith.constant 0 : i32
    %dma_start3A_1553 = tpu.memref_slice %arg2[%dma_start3A_1544, %dma_start3A_1551, %dma_start3A_1552] : memref<8x512x512xf32, #tpu.memory_space<vmem>> -> memref<1x512x512xf32, #tpu.memory_space<vmem>>
    %dma_start3A_1554 = tpu.memref_squeeze %dma_start3A_1553 : memref<1x512x512xf32, #tpu.memory_space<vmem>> -> memref<512x512xf32, #tpu.memory_space<vmem>>
    tpu.enqueue_dma source(%dma_start3A_1554 : memref<512x512xf32, #tpu.memory_space<vmem>>) target(%dma_start3A_1550 : memref<512x512xf32, #tpu.memory_space<any>>) target_semaphore(%arg3 : memref<!tpu.dma_semaphore, #tpu.memory_space<semaphore_mem>>)
    %dma_start3A_1555 = arith.constant 7 : i32
    %dma_start3A_1556 = arith.constant 7 : i32
    %dma_start3A_1557 = arith.constant 14 : i32
    %dma_start3A_1558 = arith.constant 0 : i32
    %dma_start3A_1559 = arith.constant 0 : i32
    %dma_start3A_1560 = tpu.memref_slice %arg1[%dma_start3A_1556, %dma_start3A_1557, %dma_start3A_1558, %dma_start3A_1559] : memref<8x16x512x512xf32, #tpu.memory_space<any>> -> memref<1x1x512x512xf32, #tpu.memory_space<any>>
    %dma_start3A_1561 = tpu.memref_squeeze %dma_start3A_1560 : memref<1x1x512x512xf32, #tpu.memory_space<any>> -> memref<512x512xf32, #tpu.memory_space<any>>
    %dma_start3A_1562 = arith.constant 0 : i32
    %dma_start3A_1563 = arith.constant 0 : i32
    %dma_start3A_1564 = tpu.memref_slice %arg2[%dma_start3A_1555, %dma_start3A_1562, %dma_start3A_1563] : memref<8x512x512xf32, #tpu.memory_space<vmem>> -> memref<1x512x512xf32, #tpu.memory_space<vmem>>
    %dma_start3A_1565 = tpu.memref_squeeze %dma_start3A_1564 : memref<1x512x512xf32, #tpu.memory_space<vmem>> -> memref<512x512xf32, #tpu.memory_space<vmem>>
    tpu.enqueue_dma source(%dma_start3A_1565 : memref<512x512xf32, #tpu.memory_space<vmem>>) target(%dma_start3A_1561 : memref<512x512xf32, #tpu.memory_space<any>>) target_semaphore(%arg3 : memref<!tpu.dma_semaphore, #tpu.memory_space<semaphore_mem>>)
    %dma_start3A_1566 = arith.constant 7 : i32
    %dma_start3A_1567 = arith.constant 7 : i32
    %dma_start3A_1568 = arith.constant 15 : i32
    %dma_start3A_1569 = arith.constant 0 : i32
    %dma_start3A_1570 = arith.constant 0 : i32
    %dma_start3A_1571 = tpu.memref_slice %arg1[%dma_start3A_1567, %dma_start3A_1568, %dma_start3A_1569, %dma_start3A_1570] : memref<8x16x512x512xf32, #tpu.memory_space<any>> -> memref<1x1x512x512xf32, #tpu.memory_space<any>>
    %dma_start3A_1572 = tpu.memref_squeeze %dma_start3A_1571 : memref<1x1x512x512xf32, #tpu.memory_space<any>> -> memref<512x512xf32, #tpu.memory_space<any>>
    %dma_start3A_1573 = arith.constant 0 : i32
    %dma_start3A_1574 = arith.constant 0 : i32
    %dma_start3A_1575 = tpu.memref_slice %arg2[%dma_start3A_1566, %dma_start3A_1573, %dma_start3A_1574] : memref<8x512x512xf32, #tpu.memory_space<vmem>> -> memref<1x512x512xf32, #tpu.memory_space<vmem>>
    %dma_start3A_1576 = tpu.memref_squeeze %dma_start3A_1575 : memref<1x512x512xf32, #tpu.memory_space<vmem>> -> memref<512x512xf32, #tpu.memory_space<vmem>>
    tpu.enqueue_dma source(%dma_start3A_1576 : memref<512x512xf32, #tpu.memory_space<vmem>>) target(%dma_start3A_1572 : memref<512x512xf32, #tpu.memory_space<any>>) target_semaphore(%arg3 : memref<!tpu.dma_semaphore, #tpu.memory_space<semaphore_mem>>)
    %dma_wait3A = arith.constant 0 : i32
    %dma_wait3A_1577 = arith.constant 0 : i32
    %dma_wait3A_1578 = arith.constant 0 : i32
    %dma_wait3A_1579 = arith.constant 0 : i32
    %dma_wait3A_1580 = arith.constant 0 : i32
    %dma_wait3A_1581 = tpu.memref_slice %arg1[%dma_wait3A_1577, %dma_wait3A_1578, %dma_wait3A_1579, %dma_wait3A_1580] : memref<8x16x512x512xf32, #tpu.memory_space<any>> -> memref<1x1x512x512xf32, #tpu.memory_space<any>>
    %dma_wait3A_1582 = tpu.memref_squeeze %dma_wait3A_1581 : memref<1x1x512x512xf32, #tpu.memory_space<any>> -> memref<512x512xf32, #tpu.memory_space<any>>
    %dma_wait3A_1583 = arith.constant 0 : i32
    %dma_wait3A_1584 = arith.constant 0 : i32
    %dma_wait3A_1585 = tpu.memref_slice %arg2[%dma_wait3A, %dma_wait3A_1583, %dma_wait3A_1584] : memref<8x512x512xf32, #tpu.memory_space<vmem>> -> memref<1x512x512xf32, #tpu.memory_space<vmem>>
    %dma_wait3A_1586 = tpu.memref_squeeze %dma_wait3A_1585 : memref<1x512x512xf32, #tpu.memory_space<vmem>> -> memref<512x512xf32, #tpu.memory_space<vmem>>
    tpu.wait_dma2 semaphore(%arg3 : memref<!tpu.dma_semaphore, #tpu.memory_space<semaphore_mem>>) src(%dma_wait3A_1586 : memref<512x512xf32, #tpu.memory_space<vmem>>) dst(%dma_wait3A_1582 : memref<512x512xf32, #tpu.memory_space<any>>)
    %dma_wait3A_1587 = arith.constant 0 : i32
    %dma_wait3A_1588 = arith.constant 0 : i32
    %dma_wait3A_1589 = arith.constant 1 : i32
    %dma_wait3A_1590 = arith.constant 0 : i32
    %dma_wait3A_1591 = arith.constant 0 : i32
    %dma_wait3A_1592 = tpu.memref_slice %arg1[%dma_wait3A_1588, %dma_wait3A_1589, %dma_wait3A_1590, %dma_wait3A_1591] : memref<8x16x512x512xf32, #tpu.memory_space<any>> -> memref<1x1x512x512xf32, #tpu.memory_space<any>>
    %dma_wait3A_1593 = tpu.memref_squeeze %dma_wait3A_1592 : memref<1x1x512x512xf32, #tpu.memory_space<any>> -> memref<512x512xf32, #tpu.memory_space<any>>
    %dma_wait3A_1594 = arith.constant 0 : i32
    %dma_wait3A_1595 = arith.constant 0 : i32
    %dma_wait3A_1596 = tpu.memref_slice %arg2[%dma_wait3A_1587, %dma_wait3A_1594, %dma_wait3A_1595] : memref<8x512x512xf32, #tpu.memory_space<vmem>> -> memref<1x512x512xf32, #tpu.memory_space<vmem>>
    %dma_wait3A_1597 = tpu.memref_squeeze %dma_wait3A_1596 : memref<1x512x512xf32, #tpu.memory_space<vmem>> -> memref<512x512xf32, #tpu.memory_space<vmem>>
    tpu.wait_dma2 semaphore(%arg3 : memref<!tpu.dma_semaphore, #tpu.memory_space<semaphore_mem>>) src(%dma_wait3A_1597 : memref<512x512xf32, #tpu.memory_space<vmem>>) dst(%dma_wait3A_1593 : memref<512x512xf32, #tpu.memory_space<any>>)
    %dma_wait3A_1598 = arith.constant 0 : i32
    %dma_wait3A_1599 = arith.constant 0 : i32
    %dma_wait3A_1600 = arith.constant 2 : i32
    %dma_wait3A_1601 = arith.constant 0 : i32
    %dma_wait3A_1602 = arith.constant 0 : i32
    %dma_wait3A_1603 = tpu.memref_slice %arg1[%dma_wait3A_1599, %dma_wait3A_1600, %dma_wait3A_1601, %dma_wait3A_1602] : memref<8x16x512x512xf32, #tpu.memory_space<any>> -> memref<1x1x512x512xf32, #tpu.memory_space<any>>
    %dma_wait3A_1604 = tpu.memref_squeeze %dma_wait3A_1603 : memref<1x1x512x512xf32, #tpu.memory_space<any>> -> memref<512x512xf32, #tpu.memory_space<any>>
    %dma_wait3A_1605 = arith.constant 0 : i32
    %dma_wait3A_1606 = arith.constant 0 : i32
    %dma_wait3A_1607 = tpu.memref_slice %arg2[%dma_wait3A_1598, %dma_wait3A_1605, %dma_wait3A_1606] : memref<8x512x512xf32, #tpu.memory_space<vmem>> -> memref<1x512x512xf32, #tpu.memory_space<vmem>>
    %dma_wait3A_1608 = tpu.memref_squeeze %dma_wait3A_1607 : memref<1x512x512xf32, #tpu.memory_space<vmem>> -> memref<512x512xf32, #tpu.memory_space<vmem>>
    tpu.wait_dma2 semaphore(%arg3 : memref<!tpu.dma_semaphore, #tpu.memory_space<semaphore_mem>>) src(%dma_wait3A_1608 : memref<512x512xf32, #tpu.memory_space<vmem>>) dst(%dma_wait3A_1604 : memref<512x512xf32, #tpu.memory_space<any>>)
    %dma_wait3A_1609 = arith.constant 0 : i32
    %dma_wait3A_1610 = arith.constant 0 : i32
    %dma_wait3A_1611 = arith.constant 3 : i32
    %dma_wait3A_1612 = arith.constant 0 : i32
    %dma_wait3A_1613 = arith.constant 0 : i32
    %dma_wait3A_1614 = tpu.memref_slice %arg1[%dma_wait3A_1610, %dma_wait3A_1611, %dma_wait3A_1612, %dma_wait3A_1613] : memref<8x16x512x512xf32, #tpu.memory_space<any>> -> memref<1x1x512x512xf32, #tpu.memory_space<any>>
    %dma_wait3A_1615 = tpu.memref_squeeze %dma_wait3A_1614 : memref<1x1x512x512xf32, #tpu.memory_space<any>> -> memref<512x512xf32, #tpu.memory_space<any>>
    %dma_wait3A_1616 = arith.constant 0 : i32
    %dma_wait3A_1617 = arith.constant 0 : i32
    %dma_wait3A_1618 = tpu.memref_slice %arg2[%dma_wait3A_1609, %dma_wait3A_1616, %dma_wait3A_1617] : memref<8x512x512xf32, #tpu.memory_space<vmem>> -> memref<1x512x512xf32, #tpu.memory_space<vmem>>
    %dma_wait3A_1619 = tpu.memref_squeeze %dma_wait3A_1618 : memref<1x512x512xf32, #tpu.memory_space<vmem>> -> memref<512x512xf32, #tpu.memory_space<vmem>>
    tpu.wait_dma2 semaphore(%arg3 : memref<!tpu.dma_semaphore, #tpu.memory_space<semaphore_mem>>) src(%dma_wait3A_1619 : memref<512x512xf32, #tpu.memory_space<vmem>>) dst(%dma_wait3A_1615 : memref<512x512xf32, #tpu.memory_space<any>>)
    %dma_wait3A_1620 = arith.constant 0 : i32
    %dma_wait3A_1621 = arith.constant 0 : i32
    %dma_wait3A_1622 = arith.constant 4 : i32
    %dma_wait3A_1623 = arith.constant 0 : i32
    %dma_wait3A_1624 = arith.constant 0 : i32
    %dma_wait3A_1625 = tpu.memref_slice %arg1[%dma_wait3A_1621, %dma_wait3A_1622, %dma_wait3A_1623, %dma_wait3A_1624] : memref<8x16x512x512xf32, #tpu.memory_space<any>> -> memref<1x1x512x512xf32, #tpu.memory_space<any>>
    %dma_wait3A_1626 = tpu.memref_squeeze %dma_wait3A_1625 : memref<1x1x512x512xf32, #tpu.memory_space<any>> -> memref<512x512xf32, #tpu.memory_space<any>>
    %dma_wait3A_1627 = arith.constant 0 : i32
    %dma_wait3A_1628 = arith.constant 0 : i32
    %dma_wait3A_1629 = tpu.memref_slice %arg2[%dma_wait3A_1620, %dma_wait3A_1627, %dma_wait3A_1628] : memref<8x512x512xf32, #tpu.memory_space<vmem>> -> memref<1x512x512xf32, #tpu.memory_space<vmem>>
    %dma_wait3A_1630 = tpu.memref_squeeze %dma_wait3A_1629 : memref<1x512x512xf32, #tpu.memory_space<vmem>> -> memref<512x512xf32, #tpu.memory_space<vmem>>
    tpu.wait_dma2 semaphore(%arg3 : memref<!tpu.dma_semaphore, #tpu.memory_space<semaphore_mem>>) src(%dma_wait3A_1630 : memref<512x512xf32, #tpu.memory_space<vmem>>) dst(%dma_wait3A_1626 : memref<512x512xf32, #tpu.memory_space<any>>)
    %dma_wait3A_1631 = arith.constant 0 : i32
    %dma_wait3A_1632 = arith.constant 0 : i32
    %dma_wait3A_1633 = arith.constant 5 : i32
    %dma_wait3A_1634 = arith.constant 0 : i32
    %dma_wait3A_1635 = arith.constant 0 : i32
    %dma_wait3A_1636 = tpu.memref_slice %arg1[%dma_wait3A_1632, %dma_wait3A_1633, %dma_wait3A_1634, %dma_wait3A_1635] : memref<8x16x512x512xf32, #tpu.memory_space<any>> -> memref<1x1x512x512xf32, #tpu.memory_space<any>>
    %dma_wait3A_1637 = tpu.memref_squeeze %dma_wait3A_1636 : memref<1x1x512x512xf32, #tpu.memory_space<any>> -> memref<512x512xf32, #tpu.memory_space<any>>
    %dma_wait3A_1638 = arith.constant 0 : i32
    %dma_wait3A_1639 = arith.constant 0 : i32
    %dma_wait3A_1640 = tpu.memref_slice %arg2[%dma_wait3A_1631, %dma_wait3A_1638, %dma_wait3A_1639] : memref<8x512x512xf32, #tpu.memory_space<vmem>> -> memref<1x512x512xf32, #tpu.memory_space<vmem>>
    %dma_wait3A_1641 = tpu.memref_squeeze %dma_wait3A_1640 : memref<1x512x512xf32, #tpu.memory_space<vmem>> -> memref<512x512xf32, #tpu.memory_space<vmem>>
    tpu.wait_dma2 semaphore(%arg3 : memref<!tpu.dma_semaphore, #tpu.memory_space<semaphore_mem>>) src(%dma_wait3A_1641 : memref<512x512xf32, #tpu.memory_space<vmem>>) dst(%dma_wait3A_1637 : memref<512x512xf32, #tpu.memory_space<any>>)
    %dma_wait3A_1642 = arith.constant 0 : i32
    %dma_wait3A_1643 = arith.constant 0 : i32
    %dma_wait3A_1644 = arith.constant 6 : i32
    %dma_wait3A_1645 = arith.constant 0 : i32
    %dma_wait3A_1646 = arith.constant 0 : i32
    %dma_wait3A_1647 = tpu.memref_slice %arg1[%dma_wait3A_1643, %dma_wait3A_1644, %dma_wait3A_1645, %dma_wait3A_1646] : memref<8x16x512x512xf32, #tpu.memory_space<any>> -> memref<1x1x512x512xf32, #tpu.memory_space<any>>
    %dma_wait3A_1648 = tpu.memref_squeeze %dma_wait3A_1647 : memref<1x1x512x512xf32, #tpu.memory_space<any>> -> memref<512x512xf32, #tpu.memory_space<any>>
    %dma_wait3A_1649 = arith.constant 0 : i32
    %dma_wait3A_1650 = arith.constant 0 : i32
    %dma_wait3A_1651 = tpu.memref_slice %arg2[%dma_wait3A_1642, %dma_wait3A_1649, %dma_wait3A_1650] : memref<8x512x512xf32, #tpu.memory_space<vmem>> -> memref<1x512x512xf32, #tpu.memory_space<vmem>>
    %dma_wait3A_1652 = tpu.memref_squeeze %dma_wait3A_1651 : memref<1x512x512xf32, #tpu.memory_space<vmem>> -> memref<512x512xf32, #tpu.memory_space<vmem>>
    tpu.wait_dma2 semaphore(%arg3 : memref<!tpu.dma_semaphore, #tpu.memory_space<semaphore_mem>>) src(%dma_wait3A_1652 : memref<512x512xf32, #tpu.memory_space<vmem>>) dst(%dma_wait3A_1648 : memref<512x512xf32, #tpu.memory_space<any>>)
    %dma_wait3A_1653 = arith.constant 0 : i32
    %dma_wait3A_1654 = arith.constant 0 : i32
    %dma_wait3A_1655 = arith.constant 7 : i32
    %dma_wait3A_1656 = arith.constant 0 : i32
    %dma_wait3A_1657 = arith.constant 0 : i32
    %dma_wait3A_1658 = tpu.memref_slice %arg1[%dma_wait3A_1654, %dma_wait3A_1655, %dma_wait3A_1656, %dma_wait3A_1657] : memref<8x16x512x512xf32, #tpu.memory_space<any>> -> memref<1x1x512x512xf32, #tpu.memory_space<any>>
    %dma_wait3A_1659 = tpu.memref_squeeze %dma_wait3A_1658 : memref<1x1x512x512xf32, #tpu.memory_space<any>> -> memref<512x512xf32, #tpu.memory_space<any>>
    %dma_wait3A_1660 = arith.constant 0 : i32
    %dma_wait3A_1661 = arith.constant 0 : i32
    %dma_wait3A_1662 = tpu.memref_slice %arg2[%dma_wait3A_1653, %dma_wait3A_1660, %dma_wait3A_1661] : memref<8x512x512xf32, #tpu.memory_space<vmem>> -> memref<1x512x512xf32, #tpu.memory_space<vmem>>
    %dma_wait3A_1663 = tpu.memref_squeeze %dma_wait3A_1662 : memref<1x512x512xf32, #tpu.memory_space<vmem>> -> memref<512x512xf32, #tpu.memory_space<vmem>>
    tpu.wait_dma2 semaphore(%arg3 : memref<!tpu.dma_semaphore, #tpu.memory_space<semaphore_mem>>) src(%dma_wait3A_1663 : memref<512x512xf32, #tpu.memory_space<vmem>>) dst(%dma_wait3A_1659 : memref<512x512xf32, #tpu.memory_space<any>>)
    %dma_wait3A_1664 = arith.constant 0 : i32
    %dma_wait3A_1665 = arith.constant 0 : i32
    %dma_wait3A_1666 = arith.constant 8 : i32
    %dma_wait3A_1667 = arith.constant 0 : i32
    %dma_wait3A_1668 = arith.constant 0 : i32
    %dma_wait3A_1669 = tpu.memref_slice %arg1[%dma_wait3A_1665, %dma_wait3A_1666, %dma_wait3A_1667, %dma_wait3A_1668] : memref<8x16x512x512xf32, #tpu.memory_space<any>> -> memref<1x1x512x512xf32, #tpu.memory_space<any>>
    %dma_wait3A_1670 = tpu.memref_squeeze %dma_wait3A_1669 : memref<1x1x512x512xf32, #tpu.memory_space<any>> -> memref<512x512xf32, #tpu.memory_space<any>>
    %dma_wait3A_1671 = arith.constant 0 : i32
    %dma_wait3A_1672 = arith.constant 0 : i32
    %dma_wait3A_1673 = tpu.memref_slice %arg2[%dma_wait3A_1664, %dma_wait3A_1671, %dma_wait3A_1672] : memref<8x512x512xf32, #tpu.memory_space<vmem>> -> memref<1x512x512xf32, #tpu.memory_space<vmem>>
    %dma_wait3A_1674 = tpu.memref_squeeze %dma_wait3A_1673 : memref<1x512x512xf32, #tpu.memory_space<vmem>> -> memref<512x512xf32, #tpu.memory_space<vmem>>
    tpu.wait_dma2 semaphore(%arg3 : memref<!tpu.dma_semaphore, #tpu.memory_space<semaphore_mem>>) src(%dma_wait3A_1674 : memref<512x512xf32, #tpu.memory_space<vmem>>) dst(%dma_wait3A_1670 : memref<512x512xf32, #tpu.memory_space<any>>)
    %dma_wait3A_1675 = arith.constant 0 : i32
    %dma_wait3A_1676 = arith.constant 0 : i32
    %dma_wait3A_1677 = arith.constant 9 : i32
    %dma_wait3A_1678 = arith.constant 0 : i32
    %dma_wait3A_1679 = arith.constant 0 : i32
    %dma_wait3A_1680 = tpu.memref_slice %arg1[%dma_wait3A_1676, %dma_wait3A_1677, %dma_wait3A_1678, %dma_wait3A_1679] : memref<8x16x512x512xf32, #tpu.memory_space<any>> -> memref<1x1x512x512xf32, #tpu.memory_space<any>>
    %dma_wait3A_1681 = tpu.memref_squeeze %dma_wait3A_1680 : memref<1x1x512x512xf32, #tpu.memory_space<any>> -> memref<512x512xf32, #tpu.memory_space<any>>
    %dma_wait3A_1682 = arith.constant 0 : i32
    %dma_wait3A_1683 = arith.constant 0 : i32
    %dma_wait3A_1684 = tpu.memref_slice %arg2[%dma_wait3A_1675, %dma_wait3A_1682, %dma_wait3A_1683] : memref<8x512x512xf32, #tpu.memory_space<vmem>> -> memref<1x512x512xf32, #tpu.memory_space<vmem>>
    %dma_wait3A_1685 = tpu.memref_squeeze %dma_wait3A_1684 : memref<1x512x512xf32, #tpu.memory_space<vmem>> -> memref<512x512xf32, #tpu.memory_space<vmem>>
    tpu.wait_dma2 semaphore(%arg3 : memref<!tpu.dma_semaphore, #tpu.memory_space<semaphore_mem>>) src(%dma_wait3A_1685 : memref<512x512xf32, #tpu.memory_space<vmem>>) dst(%dma_wait3A_1681 : memref<512x512xf32, #tpu.memory_space<any>>)
    %dma_wait3A_1686 = arith.constant 0 : i32
    %dma_wait3A_1687 = arith.constant 0 : i32
    %dma_wait3A_1688 = arith.constant 10 : i32
    %dma_wait3A_1689 = arith.constant 0 : i32
    %dma_wait3A_1690 = arith.constant 0 : i32
    %dma_wait3A_1691 = tpu.memref_slice %arg1[%dma_wait3A_1687, %dma_wait3A_1688, %dma_wait3A_1689, %dma_wait3A_1690] : memref<8x16x512x512xf32, #tpu.memory_space<any>> -> memref<1x1x512x512xf32, #tpu.memory_space<any>>
    %dma_wait3A_1692 = tpu.memref_squeeze %dma_wait3A_1691 : memref<1x1x512x512xf32, #tpu.memory_space<any>> -> memref<512x512xf32, #tpu.memory_space<any>>
    %dma_wait3A_1693 = arith.constant 0 : i32
    %dma_wait3A_1694 = arith.constant 0 : i32
    %dma_wait3A_1695 = tpu.memref_slice %arg2[%dma_wait3A_1686, %dma_wait3A_1693, %dma_wait3A_1694] : memref<8x512x512xf32, #tpu.memory_space<vmem>> -> memref<1x512x512xf32, #tpu.memory_space<vmem>>
    %dma_wait3A_1696 = tpu.memref_squeeze %dma_wait3A_1695 : memref<1x512x512xf32, #tpu.memory_space<vmem>> -> memref<512x512xf32, #tpu.memory_space<vmem>>
    tpu.wait_dma2 semaphore(%arg3 : memref<!tpu.dma_semaphore, #tpu.memory_space<semaphore_mem>>) src(%dma_wait3A_1696 : memref<512x512xf32, #tpu.memory_space<vmem>>) dst(%dma_wait3A_1692 : memref<512x512xf32, #tpu.memory_space<any>>)
    %dma_wait3A_1697 = arith.constant 0 : i32
    %dma_wait3A_1698 = arith.constant 0 : i32
    %dma_wait3A_1699 = arith.constant 11 : i32
    %dma_wait3A_1700 = arith.constant 0 : i32
    %dma_wait3A_1701 = arith.constant 0 : i32
    %dma_wait3A_1702 = tpu.memref_slice %arg1[%dma_wait3A_1698, %dma_wait3A_1699, %dma_wait3A_1700, %dma_wait3A_1701] : memref<8x16x512x512xf32, #tpu.memory_space<any>> -> memref<1x1x512x512xf32, #tpu.memory_space<any>>
    %dma_wait3A_1703 = tpu.memref_squeeze %dma_wait3A_1702 : memref<1x1x512x512xf32, #tpu.memory_space<any>> -> memref<512x512xf32, #tpu.memory_space<any>>
    %dma_wait3A_1704 = arith.constant 0 : i32
    %dma_wait3A_1705 = arith.constant 0 : i32
    %dma_wait3A_1706 = tpu.memref_slice %arg2[%dma_wait3A_1697, %dma_wait3A_1704, %dma_wait3A_1705] : memref<8x512x512xf32, #tpu.memory_space<vmem>> -> memref<1x512x512xf32, #tpu.memory_space<vmem>>
    %dma_wait3A_1707 = tpu.memref_squeeze %dma_wait3A_1706 : memref<1x512x512xf32, #tpu.memory_space<vmem>> -> memref<512x512xf32, #tpu.memory_space<vmem>>
    tpu.wait_dma2 semaphore(%arg3 : memref<!tpu.dma_semaphore, #tpu.memory_space<semaphore_mem>>) src(%dma_wait3A_1707 : memref<512x512xf32, #tpu.memory_space<vmem>>) dst(%dma_wait3A_1703 : memref<512x512xf32, #tpu.memory_space<any>>)
    %dma_wait3A_1708 = arith.constant 0 : i32
    %dma_wait3A_1709 = arith.constant 0 : i32
    %dma_wait3A_1710 = arith.constant 12 : i32
    %dma_wait3A_1711 = arith.constant 0 : i32
    %dma_wait3A_1712 = arith.constant 0 : i32
    %dma_wait3A_1713 = tpu.memref_slice %arg1[%dma_wait3A_1709, %dma_wait3A_1710, %dma_wait3A_1711, %dma_wait3A_1712] : memref<8x16x512x512xf32, #tpu.memory_space<any>> -> memref<1x1x512x512xf32, #tpu.memory_space<any>>
    %dma_wait3A_1714 = tpu.memref_squeeze %dma_wait3A_1713 : memref<1x1x512x512xf32, #tpu.memory_space<any>> -> memref<512x512xf32, #tpu.memory_space<any>>
    %dma_wait3A_1715 = arith.constant 0 : i32
    %dma_wait3A_1716 = arith.constant 0 : i32
    %dma_wait3A_1717 = tpu.memref_slice %arg2[%dma_wait3A_1708, %dma_wait3A_1715, %dma_wait3A_1716] : memref<8x512x512xf32, #tpu.memory_space<vmem>> -> memref<1x512x512xf32, #tpu.memory_space<vmem>>
    %dma_wait3A_1718 = tpu.memref_squeeze %dma_wait3A_1717 : memref<1x512x512xf32, #tpu.memory_space<vmem>> -> memref<512x512xf32, #tpu.memory_space<vmem>>
    tpu.wait_dma2 semaphore(%arg3 : memref<!tpu.dma_semaphore, #tpu.memory_space<semaphore_mem>>) src(%dma_wait3A_1718 : memref<512x512xf32, #tpu.memory_space<vmem>>) dst(%dma_wait3A_1714 : memref<512x512xf32, #tpu.memory_space<any>>)
    %dma_wait3A_1719 = arith.constant 0 : i32
    %dma_wait3A_1720 = arith.constant 0 : i32
    %dma_wait3A_1721 = arith.constant 13 : i32
    %dma_wait3A_1722 = arith.constant 0 : i32
    %dma_wait3A_1723 = arith.constant 0 : i32
    %dma_wait3A_1724 = tpu.memref_slice %arg1[%dma_wait3A_1720, %dma_wait3A_1721, %dma_wait3A_1722, %dma_wait3A_1723] : memref<8x16x512x512xf32, #tpu.memory_space<any>> -> memref<1x1x512x512xf32, #tpu.memory_space<any>>
    %dma_wait3A_1725 = tpu.memref_squeeze %dma_wait3A_1724 : memref<1x1x512x512xf32, #tpu.memory_space<any>> -> memref<512x512xf32, #tpu.memory_space<any>>
    %dma_wait3A_1726 = arith.constant 0 : i32
    %dma_wait3A_1727 = arith.constant 0 : i32
    %dma_wait3A_1728 = tpu.memref_slice %arg2[%dma_wait3A_1719, %dma_wait3A_1726, %dma_wait3A_1727] : memref<8x512x512xf32, #tpu.memory_space<vmem>> -> memref<1x512x512xf32, #tpu.memory_space<vmem>>
    %dma_wait3A_1729 = tpu.memref_squeeze %dma_wait3A_1728 : memref<1x512x512xf32, #tpu.memory_space<vmem>> -> memref<512x512xf32, #tpu.memory_space<vmem>>
    tpu.wait_dma2 semaphore(%arg3 : memref<!tpu.dma_semaphore, #tpu.memory_space<semaphore_mem>>) src(%dma_wait3A_1729 : memref<512x512xf32, #tpu.memory_space<vmem>>) dst(%dma_wait3A_1725 : memref<512x512xf32, #tpu.memory_space<any>>)
    %dma_wait3A_1730 = arith.constant 0 : i32
    %dma_wait3A_1731 = arith.constant 0 : i32
    %dma_wait3A_1732 = arith.constant 14 : i32
    %dma_wait3A_1733 = arith.constant 0 : i32
    %dma_wait3A_1734 = arith.constant 0 : i32
    %dma_wait3A_1735 = tpu.memref_slice %arg1[%dma_wait3A_1731, %dma_wait3A_1732, %dma_wait3A_1733, %dma_wait3A_1734] : memref<8x16x512x512xf32, #tpu.memory_space<any>> -> memref<1x1x512x512xf32, #tpu.memory_space<any>>
    %dma_wait3A_1736 = tpu.memref_squeeze %dma_wait3A_1735 : memref<1x1x512x512xf32, #tpu.memory_space<any>> -> memref<512x512xf32, #tpu.memory_space<any>>
    %dma_wait3A_1737 = arith.constant 0 : i32
    %dma_wait3A_1738 = arith.constant 0 : i32
    %dma_wait3A_1739 = tpu.memref_slice %arg2[%dma_wait3A_1730, %dma_wait3A_1737, %dma_wait3A_1738] : memref<8x512x512xf32, #tpu.memory_space<vmem>> -> memref<1x512x512xf32, #tpu.memory_space<vmem>>
    %dma_wait3A_1740 = tpu.memref_squeeze %dma_wait3A_1739 : memref<1x512x512xf32, #tpu.memory_space<vmem>> -> memref<512x512xf32, #tpu.memory_space<vmem>>
    tpu.wait_dma2 semaphore(%arg3 : memref<!tpu.dma_semaphore, #tpu.memory_space<semaphore_mem>>) src(%dma_wait3A_1740 : memref<512x512xf32, #tpu.memory_space<vmem>>) dst(%dma_wait3A_1736 : memref<512x512xf32, #tpu.memory_space<any>>)
    %dma_wait3A_1741 = arith.constant 0 : i32
    %dma_wait3A_1742 = arith.constant 0 : i32
    %dma_wait3A_1743 = arith.constant 15 : i32
    %dma_wait3A_1744 = arith.constant 0 : i32
    %dma_wait3A_1745 = arith.constant 0 : i32
    %dma_wait3A_1746 = tpu.memref_slice %arg1[%dma_wait3A_1742, %dma_wait3A_1743, %dma_wait3A_1744, %dma_wait3A_1745] : memref<8x16x512x512xf32, #tpu.memory_space<any>> -> memref<1x1x512x512xf32, #tpu.memory_space<any>>
    %dma_wait3A_1747 = tpu.memref_squeeze %dma_wait3A_1746 : memref<1x1x512x512xf32, #tpu.memory_space<any>> -> memref<512x512xf32, #tpu.memory_space<any>>
    %dma_wait3A_1748 = arith.constant 0 : i32
    %dma_wait3A_1749 = arith.constant 0 : i32
    %dma_wait3A_1750 = tpu.memref_slice %arg2[%dma_wait3A_1741, %dma_wait3A_1748, %dma_wait3A_1749] : memref<8x512x512xf32, #tpu.memory_space<vmem>> -> memref<1x512x512xf32, #tpu.memory_space<vmem>>
    %dma_wait3A_1751 = tpu.memref_squeeze %dma_wait3A_1750 : memref<1x512x512xf32, #tpu.memory_space<vmem>> -> memref<512x512xf32, #tpu.memory_space<vmem>>
    tpu.wait_dma2 semaphore(%arg3 : memref<!tpu.dma_semaphore, #tpu.memory_space<semaphore_mem>>) src(%dma_wait3A_1751 : memref<512x512xf32, #tpu.memory_space<vmem>>) dst(%dma_wait3A_1747 : memref<512x512xf32, #tpu.memory_space<any>>)
    %dma_wait3A_1752 = arith.constant 1 : i32
    %dma_wait3A_1753 = arith.constant 1 : i32
    %dma_wait3A_1754 = arith.constant 0 : i32
    %dma_wait3A_1755 = arith.constant 0 : i32
    %dma_wait3A_1756 = arith.constant 0 : i32
    %dma_wait3A_1757 = tpu.memref_slice %arg1[%dma_wait3A_1753, %dma_wait3A_1754, %dma_wait3A_1755, %dma_wait3A_1756] : memref<8x16x512x512xf32, #tpu.memory_space<any>> -> memref<1x1x512x512xf32, #tpu.memory_space<any>>
    %dma_wait3A_1758 = tpu.memref_squeeze %dma_wait3A_1757 : memref<1x1x512x512xf32, #tpu.memory_space<any>> -> memref<512x512xf32, #tpu.memory_space<any>>
    %dma_wait3A_1759 = arith.constant 0 : i32
    %dma_wait3A_1760 = arith.constant 0 : i32
    %dma_wait3A_1761 = tpu.memref_slice %arg2[%dma_wait3A_1752, %dma_wait3A_1759, %dma_wait3A_1760] : memref<8x512x512xf32, #tpu.memory_space<vmem>> -> memref<1x512x512xf32, #tpu.memory_space<vmem>>
    %dma_wait3A_1762 = tpu.memref_squeeze %dma_wait3A_1761 : memref<1x512x512xf32, #tpu.memory_space<vmem>> -> memref<512x512xf32, #tpu.memory_space<vmem>>
    tpu.wait_dma2 semaphore(%arg3 : memref<!tpu.dma_semaphore, #tpu.memory_space<semaphore_mem>>) src(%dma_wait3A_1762 : memref<512x512xf32, #tpu.memory_space<vmem>>) dst(%dma_wait3A_1758 : memref<512x512xf32, #tpu.memory_space<any>>)
    %dma_wait3A_1763 = arith.constant 1 : i32
    %dma_wait3A_1764 = arith.constant 1 : i32
    %dma_wait3A_1765 = arith.constant 1 : i32
    %dma_wait3A_1766 = arith.constant 0 : i32
    %dma_wait3A_1767 = arith.constant 0 : i32
    %dma_wait3A_1768 = tpu.memref_slice %arg1[%dma_wait3A_1764, %dma_wait3A_1765, %dma_wait3A_1766, %dma_wait3A_1767] : memref<8x16x512x512xf32, #tpu.memory_space<any>> -> memref<1x1x512x512xf32, #tpu.memory_space<any>>
    %dma_wait3A_1769 = tpu.memref_squeeze %dma_wait3A_1768 : memref<1x1x512x512xf32, #tpu.memory_space<any>> -> memref<512x512xf32, #tpu.memory_space<any>>
    %dma_wait3A_1770 = arith.constant 0 : i32
    %dma_wait3A_1771 = arith.constant 0 : i32
    %dma_wait3A_1772 = tpu.memref_slice %arg2[%dma_wait3A_1763, %dma_wait3A_1770, %dma_wait3A_1771] : memref<8x512x512xf32, #tpu.memory_space<vmem>> -> memref<1x512x512xf32, #tpu.memory_space<vmem>>
    %dma_wait3A_1773 = tpu.memref_squeeze %dma_wait3A_1772 : memref<1x512x512xf32, #tpu.memory_space<vmem>> -> memref<512x512xf32, #tpu.memory_space<vmem>>
    tpu.wait_dma2 semaphore(%arg3 : memref<!tpu.dma_semaphore, #tpu.memory_space<semaphore_mem>>) src(%dma_wait3A_1773 : memref<512x512xf32, #tpu.memory_space<vmem>>) dst(%dma_wait3A_1769 : memref<512x512xf32, #tpu.memory_space<any>>)
    %dma_wait3A_1774 = arith.constant 1 : i32
    %dma_wait3A_1775 = arith.constant 1 : i32
    %dma_wait3A_1776 = arith.constant 2 : i32
    %dma_wait3A_1777 = arith.constant 0 : i32
    %dma_wait3A_1778 = arith.constant 0 : i32
    %dma_wait3A_1779 = tpu.memref_slice %arg1[%dma_wait3A_1775, %dma_wait3A_1776, %dma_wait3A_1777, %dma_wait3A_1778] : memref<8x16x512x512xf32, #tpu.memory_space<any>> -> memref<1x1x512x512xf32, #tpu.memory_space<any>>
    %dma_wait3A_1780 = tpu.memref_squeeze %dma_wait3A_1779 : memref<1x1x512x512xf32, #tpu.memory_space<any>> -> memref<512x512xf32, #tpu.memory_space<any>>
    %dma_wait3A_1781 = arith.constant 0 : i32
    %dma_wait3A_1782 = arith.constant 0 : i32
    %dma_wait3A_1783 = tpu.memref_slice %arg2[%dma_wait3A_1774, %dma_wait3A_1781, %dma_wait3A_1782] : memref<8x512x512xf32, #tpu.memory_space<vmem>> -> memref<1x512x512xf32, #tpu.memory_space<vmem>>
    %dma_wait3A_1784 = tpu.memref_squeeze %dma_wait3A_1783 : memref<1x512x512xf32, #tpu.memory_space<vmem>> -> memref<512x512xf32, #tpu.memory_space<vmem>>
    tpu.wait_dma2 semaphore(%arg3 : memref<!tpu.dma_semaphore, #tpu.memory_space<semaphore_mem>>) src(%dma_wait3A_1784 : memref<512x512xf32, #tpu.memory_space<vmem>>) dst(%dma_wait3A_1780 : memref<512x512xf32, #tpu.memory_space<any>>)
    %dma_wait3A_1785 = arith.constant 1 : i32
    %dma_wait3A_1786 = arith.constant 1 : i32
    %dma_wait3A_1787 = arith.constant 3 : i32
    %dma_wait3A_1788 = arith.constant 0 : i32
    %dma_wait3A_1789 = arith.constant 0 : i32
    %dma_wait3A_1790 = tpu.memref_slice %arg1[%dma_wait3A_1786, %dma_wait3A_1787, %dma_wait3A_1788, %dma_wait3A_1789] : memref<8x16x512x512xf32, #tpu.memory_space<any>> -> memref<1x1x512x512xf32, #tpu.memory_space<any>>
    %dma_wait3A_1791 = tpu.memref_squeeze %dma_wait3A_1790 : memref<1x1x512x512xf32, #tpu.memory_space<any>> -> memref<512x512xf32, #tpu.memory_space<any>>
    %dma_wait3A_1792 = arith.constant 0 : i32
    %dma_wait3A_1793 = arith.constant 0 : i32
    %dma_wait3A_1794 = tpu.memref_slice %arg2[%dma_wait3A_1785, %dma_wait3A_1792, %dma_wait3A_1793] : memref<8x512x512xf32, #tpu.memory_space<vmem>> -> memref<1x512x512xf32, #tpu.memory_space<vmem>>
    %dma_wait3A_1795 = tpu.memref_squeeze %dma_wait3A_1794 : memref<1x512x512xf32, #tpu.memory_space<vmem>> -> memref<512x512xf32, #tpu.memory_space<vmem>>
    tpu.wait_dma2 semaphore(%arg3 : memref<!tpu.dma_semaphore, #tpu.memory_space<semaphore_mem>>) src(%dma_wait3A_1795 : memref<512x512xf32, #tpu.memory_space<vmem>>) dst(%dma_wait3A_1791 : memref<512x512xf32, #tpu.memory_space<any>>)
    %dma_wait3A_1796 = arith.constant 1 : i32
    %dma_wait3A_1797 = arith.constant 1 : i32
    %dma_wait3A_1798 = arith.constant 4 : i32
    %dma_wait3A_1799 = arith.constant 0 : i32
    %dma_wait3A_1800 = arith.constant 0 : i32
    %dma_wait3A_1801 = tpu.memref_slice %arg1[%dma_wait3A_1797, %dma_wait3A_1798, %dma_wait3A_1799, %dma_wait3A_1800] : memref<8x16x512x512xf32, #tpu.memory_space<any>> -> memref<1x1x512x512xf32, #tpu.memory_space<any>>
    %dma_wait3A_1802 = tpu.memref_squeeze %dma_wait3A_1801 : memref<1x1x512x512xf32, #tpu.memory_space<any>> -> memref<512x512xf32, #tpu.memory_space<any>>
    %dma_wait3A_1803 = arith.constant 0 : i32
    %dma_wait3A_1804 = arith.constant 0 : i32
    %dma_wait3A_1805 = tpu.memref_slice %arg2[%dma_wait3A_1796, %dma_wait3A_1803, %dma_wait3A_1804] : memref<8x512x512xf32, #tpu.memory_space<vmem>> -> memref<1x512x512xf32, #tpu.memory_space<vmem>>
    %dma_wait3A_1806 = tpu.memref_squeeze %dma_wait3A_1805 : memref<1x512x512xf32, #tpu.memory_space<vmem>> -> memref<512x512xf32, #tpu.memory_space<vmem>>
    tpu.wait_dma2 semaphore(%arg3 : memref<!tpu.dma_semaphore, #tpu.memory_space<semaphore_mem>>) src(%dma_wait3A_1806 : memref<512x512xf32, #tpu.memory_space<vmem>>) dst(%dma_wait3A_1802 : memref<512x512xf32, #tpu.memory_space<any>>)
    %dma_wait3A_1807 = arith.constant 1 : i32
    %dma_wait3A_1808 = arith.constant 1 : i32
    %dma_wait3A_1809 = arith.constant 5 : i32
    %dma_wait3A_1810 = arith.constant 0 : i32
    %dma_wait3A_1811 = arith.constant 0 : i32
    %dma_wait3A_1812 = tpu.memref_slice %arg1[%dma_wait3A_1808, %dma_wait3A_1809, %dma_wait3A_1810, %dma_wait3A_1811] : memref<8x16x512x512xf32, #tpu.memory_space<any>> -> memref<1x1x512x512xf32, #tpu.memory_space<any>>
    %dma_wait3A_1813 = tpu.memref_squeeze %dma_wait3A_1812 : memref<1x1x512x512xf32, #tpu.memory_space<any>> -> memref<512x512xf32, #tpu.memory_space<any>>
    %dma_wait3A_1814 = arith.constant 0 : i32
    %dma_wait3A_1815 = arith.constant 0 : i32
    %dma_wait3A_1816 = tpu.memref_slice %arg2[%dma_wait3A_1807, %dma_wait3A_1814, %dma_wait3A_1815] : memref<8x512x512xf32, #tpu.memory_space<vmem>> -> memref<1x512x512xf32, #tpu.memory_space<vmem>>
    %dma_wait3A_1817 = tpu.memref_squeeze %dma_wait3A_1816 : memref<1x512x512xf32, #tpu.memory_space<vmem>> -> memref<512x512xf32, #tpu.memory_space<vmem>>
    tpu.wait_dma2 semaphore(%arg3 : memref<!tpu.dma_semaphore, #tpu.memory_space<semaphore_mem>>) src(%dma_wait3A_1817 : memref<512x512xf32, #tpu.memory_space<vmem>>) dst(%dma_wait3A_1813 : memref<512x512xf32, #tpu.memory_space<any>>)
    %dma_wait3A_1818 = arith.constant 1 : i32
    %dma_wait3A_1819 = arith.constant 1 : i32
    %dma_wait3A_1820 = arith.constant 6 : i32
    %dma_wait3A_1821 = arith.constant 0 : i32
    %dma_wait3A_1822 = arith.constant 0 : i32
    %dma_wait3A_1823 = tpu.memref_slice %arg1[%dma_wait3A_1819, %dma_wait3A_1820, %dma_wait3A_1821, %dma_wait3A_1822] : memref<8x16x512x512xf32, #tpu.memory_space<any>> -> memref<1x1x512x512xf32, #tpu.memory_space<any>>
    %dma_wait3A_1824 = tpu.memref_squeeze %dma_wait3A_1823 : memref<1x1x512x512xf32, #tpu.memory_space<any>> -> memref<512x512xf32, #tpu.memory_space<any>>
    %dma_wait3A_1825 = arith.constant 0 : i32
    %dma_wait3A_1826 = arith.constant 0 : i32
    %dma_wait3A_1827 = tpu.memref_slice %arg2[%dma_wait3A_1818, %dma_wait3A_1825, %dma_wait3A_1826] : memref<8x512x512xf32, #tpu.memory_space<vmem>> -> memref<1x512x512xf32, #tpu.memory_space<vmem>>
    %dma_wait3A_1828 = tpu.memref_squeeze %dma_wait3A_1827 : memref<1x512x512xf32, #tpu.memory_space<vmem>> -> memref<512x512xf32, #tpu.memory_space<vmem>>
    tpu.wait_dma2 semaphore(%arg3 : memref<!tpu.dma_semaphore, #tpu.memory_space<semaphore_mem>>) src(%dma_wait3A_1828 : memref<512x512xf32, #tpu.memory_space<vmem>>) dst(%dma_wait3A_1824 : memref<512x512xf32, #tpu.memory_space<any>>)
    %dma_wait3A_1829 = arith.constant 1 : i32
    %dma_wait3A_1830 = arith.constant 1 : i32
    %dma_wait3A_1831 = arith.constant 7 : i32
    %dma_wait3A_1832 = arith.constant 0 : i32
    %dma_wait3A_1833 = arith.constant 0 : i32
    %dma_wait3A_1834 = tpu.memref_slice %arg1[%dma_wait3A_1830, %dma_wait3A_1831, %dma_wait3A_1832, %dma_wait3A_1833] : memref<8x16x512x512xf32, #tpu.memory_space<any>> -> memref<1x1x512x512xf32, #tpu.memory_space<any>>
    %dma_wait3A_1835 = tpu.memref_squeeze %dma_wait3A_1834 : memref<1x1x512x512xf32, #tpu.memory_space<any>> -> memref<512x512xf32, #tpu.memory_space<any>>
    %dma_wait3A_1836 = arith.constant 0 : i32
    %dma_wait3A_1837 = arith.constant 0 : i32
    %dma_wait3A_1838 = tpu.memref_slice %arg2[%dma_wait3A_1829, %dma_wait3A_1836, %dma_wait3A_1837] : memref<8x512x512xf32, #tpu.memory_space<vmem>> -> memref<1x512x512xf32, #tpu.memory_space<vmem>>
    %dma_wait3A_1839 = tpu.memref_squeeze %dma_wait3A_1838 : memref<1x512x512xf32, #tpu.memory_space<vmem>> -> memref<512x512xf32, #tpu.memory_space<vmem>>
    tpu.wait_dma2 semaphore(%arg3 : memref<!tpu.dma_semaphore, #tpu.memory_space<semaphore_mem>>) src(%dma_wait3A_1839 : memref<512x512xf32, #tpu.memory_space<vmem>>) dst(%dma_wait3A_1835 : memref<512x512xf32, #tpu.memory_space<any>>)
    %dma_wait3A_1840 = arith.constant 1 : i32
    %dma_wait3A_1841 = arith.constant 1 : i32
    %dma_wait3A_1842 = arith.constant 8 : i32
    %dma_wait3A_1843 = arith.constant 0 : i32
    %dma_wait3A_1844 = arith.constant 0 : i32
    %dma_wait3A_1845 = tpu.memref_slice %arg1[%dma_wait3A_1841, %dma_wait3A_1842, %dma_wait3A_1843, %dma_wait3A_1844] : memref<8x16x512x512xf32, #tpu.memory_space<any>> -> memref<1x1x512x512xf32, #tpu.memory_space<any>>
    %dma_wait3A_1846 = tpu.memref_squeeze %dma_wait3A_1845 : memref<1x1x512x512xf32, #tpu.memory_space<any>> -> memref<512x512xf32, #tpu.memory_space<any>>
    %dma_wait3A_1847 = arith.constant 0 : i32
    %dma_wait3A_1848 = arith.constant 0 : i32
    %dma_wait3A_1849 = tpu.memref_slice %arg2[%dma_wait3A_1840, %dma_wait3A_1847, %dma_wait3A_1848] : memref<8x512x512xf32, #tpu.memory_space<vmem>> -> memref<1x512x512xf32, #tpu.memory_space<vmem>>
    %dma_wait3A_1850 = tpu.memref_squeeze %dma_wait3A_1849 : memref<1x512x512xf32, #tpu.memory_space<vmem>> -> memref<512x512xf32, #tpu.memory_space<vmem>>
    tpu.wait_dma2 semaphore(%arg3 : memref<!tpu.dma_semaphore, #tpu.memory_space<semaphore_mem>>) src(%dma_wait3A_1850 : memref<512x512xf32, #tpu.memory_space<vmem>>) dst(%dma_wait3A_1846 : memref<512x512xf32, #tpu.memory_space<any>>)
    %dma_wait3A_1851 = arith.constant 1 : i32
    %dma_wait3A_1852 = arith.constant 1 : i32
    %dma_wait3A_1853 = arith.constant 9 : i32
    %dma_wait3A_1854 = arith.constant 0 : i32
    %dma_wait3A_1855 = arith.constant 0 : i32
    %dma_wait3A_1856 = tpu.memref_slice %arg1[%dma_wait3A_1852, %dma_wait3A_1853, %dma_wait3A_1854, %dma_wait3A_1855] : memref<8x16x512x512xf32, #tpu.memory_space<any>> -> memref<1x1x512x512xf32, #tpu.memory_space<any>>
    %dma_wait3A_1857 = tpu.memref_squeeze %dma_wait3A_1856 : memref<1x1x512x512xf32, #tpu.memory_space<any>> -> memref<512x512xf32, #tpu.memory_space<any>>
    %dma_wait3A_1858 = arith.constant 0 : i32
    %dma_wait3A_1859 = arith.constant 0 : i32
    %dma_wait3A_1860 = tpu.memref_slice %arg2[%dma_wait3A_1851, %dma_wait3A_1858, %dma_wait3A_1859] : memref<8x512x512xf32, #tpu.memory_space<vmem>> -> memref<1x512x512xf32, #tpu.memory_space<vmem>>
    %dma_wait3A_1861 = tpu.memref_squeeze %dma_wait3A_1860 : memref<1x512x512xf32, #tpu.memory_space<vmem>> -> memref<512x512xf32, #tpu.memory_space<vmem>>
    tpu.wait_dma2 semaphore(%arg3 : memref<!tpu.dma_semaphore, #tpu.memory_space<semaphore_mem>>) src(%dma_wait3A_1861 : memref<512x512xf32, #tpu.memory_space<vmem>>) dst(%dma_wait3A_1857 : memref<512x512xf32, #tpu.memory_space<any>>)
    %dma_wait3A_1862 = arith.constant 1 : i32
    %dma_wait3A_1863 = arith.constant 1 : i32
    %dma_wait3A_1864 = arith.constant 10 : i32
    %dma_wait3A_1865 = arith.constant 0 : i32
    %dma_wait3A_1866 = arith.constant 0 : i32
    %dma_wait3A_1867 = tpu.memref_slice %arg1[%dma_wait3A_1863, %dma_wait3A_1864, %dma_wait3A_1865, %dma_wait3A_1866] : memref<8x16x512x512xf32, #tpu.memory_space<any>> -> memref<1x1x512x512xf32, #tpu.memory_space<any>>
    %dma_wait3A_1868 = tpu.memref_squeeze %dma_wait3A_1867 : memref<1x1x512x512xf32, #tpu.memory_space<any>> -> memref<512x512xf32, #tpu.memory_space<any>>
    %dma_wait3A_1869 = arith.constant 0 : i32
    %dma_wait3A_1870 = arith.constant 0 : i32
    %dma_wait3A_1871 = tpu.memref_slice %arg2[%dma_wait3A_1862, %dma_wait3A_1869, %dma_wait3A_1870] : memref<8x512x512xf32, #tpu.memory_space<vmem>> -> memref<1x512x512xf32, #tpu.memory_space<vmem>>
    %dma_wait3A_1872 = tpu.memref_squeeze %dma_wait3A_1871 : memref<1x512x512xf32, #tpu.memory_space<vmem>> -> memref<512x512xf32, #tpu.memory_space<vmem>>
    tpu.wait_dma2 semaphore(%arg3 : memref<!tpu.dma_semaphore, #tpu.memory_space<semaphore_mem>>) src(%dma_wait3A_1872 : memref<512x512xf32, #tpu.memory_space<vmem>>) dst(%dma_wait3A_1868 : memref<512x512xf32, #tpu.memory_space<any>>)
    %dma_wait3A_1873 = arith.constant 1 : i32
    %dma_wait3A_1874 = arith.constant 1 : i32
    %dma_wait3A_1875 = arith.constant 11 : i32
    %dma_wait3A_1876 = arith.constant 0 : i32
    %dma_wait3A_1877 = arith.constant 0 : i32
    %dma_wait3A_1878 = tpu.memref_slice %arg1[%dma_wait3A_1874, %dma_wait3A_1875, %dma_wait3A_1876, %dma_wait3A_1877] : memref<8x16x512x512xf32, #tpu.memory_space<any>> -> memref<1x1x512x512xf32, #tpu.memory_space<any>>
    %dma_wait3A_1879 = tpu.memref_squeeze %dma_wait3A_1878 : memref<1x1x512x512xf32, #tpu.memory_space<any>> -> memref<512x512xf32, #tpu.memory_space<any>>
    %dma_wait3A_1880 = arith.constant 0 : i32
    %dma_wait3A_1881 = arith.constant 0 : i32
    %dma_wait3A_1882 = tpu.memref_slice %arg2[%dma_wait3A_1873, %dma_wait3A_1880, %dma_wait3A_1881] : memref<8x512x512xf32, #tpu.memory_space<vmem>> -> memref<1x512x512xf32, #tpu.memory_space<vmem>>
    %dma_wait3A_1883 = tpu.memref_squeeze %dma_wait3A_1882 : memref<1x512x512xf32, #tpu.memory_space<vmem>> -> memref<512x512xf32, #tpu.memory_space<vmem>>
    tpu.wait_dma2 semaphore(%arg3 : memref<!tpu.dma_semaphore, #tpu.memory_space<semaphore_mem>>) src(%dma_wait3A_1883 : memref<512x512xf32, #tpu.memory_space<vmem>>) dst(%dma_wait3A_1879 : memref<512x512xf32, #tpu.memory_space<any>>)
    %dma_wait3A_1884 = arith.constant 1 : i32
    %dma_wait3A_1885 = arith.constant 1 : i32
    %dma_wait3A_1886 = arith.constant 12 : i32
    %dma_wait3A_1887 = arith.constant 0 : i32
    %dma_wait3A_1888 = arith.constant 0 : i32
    %dma_wait3A_1889 = tpu.memref_slice %arg1[%dma_wait3A_1885, %dma_wait3A_1886, %dma_wait3A_1887, %dma_wait3A_1888] : memref<8x16x512x512xf32, #tpu.memory_space<any>> -> memref<1x1x512x512xf32, #tpu.memory_space<any>>
    %dma_wait3A_1890 = tpu.memref_squeeze %dma_wait3A_1889 : memref<1x1x512x512xf32, #tpu.memory_space<any>> -> memref<512x512xf32, #tpu.memory_space<any>>
    %dma_wait3A_1891 = arith.constant 0 : i32
    %dma_wait3A_1892 = arith.constant 0 : i32
    %dma_wait3A_1893 = tpu.memref_slice %arg2[%dma_wait3A_1884, %dma_wait3A_1891, %dma_wait3A_1892] : memref<8x512x512xf32, #tpu.memory_space<vmem>> -> memref<1x512x512xf32, #tpu.memory_space<vmem>>
    %dma_wait3A_1894 = tpu.memref_squeeze %dma_wait3A_1893 : memref<1x512x512xf32, #tpu.memory_space<vmem>> -> memref<512x512xf32, #tpu.memory_space<vmem>>
    tpu.wait_dma2 semaphore(%arg3 : memref<!tpu.dma_semaphore, #tpu.memory_space<semaphore_mem>>) src(%dma_wait3A_1894 : memref<512x512xf32, #tpu.memory_space<vmem>>) dst(%dma_wait3A_1890 : memref<512x512xf32, #tpu.memory_space<any>>)
    %dma_wait3A_1895 = arith.constant 1 : i32
    %dma_wait3A_1896 = arith.constant 1 : i32
    %dma_wait3A_1897 = arith.constant 13 : i32
    %dma_wait3A_1898 = arith.constant 0 : i32
    %dma_wait3A_1899 = arith.constant 0 : i32
    %dma_wait3A_1900 = tpu.memref_slice %arg1[%dma_wait3A_1896, %dma_wait3A_1897, %dma_wait3A_1898, %dma_wait3A_1899] : memref<8x16x512x512xf32, #tpu.memory_space<any>> -> memref<1x1x512x512xf32, #tpu.memory_space<any>>
    %dma_wait3A_1901 = tpu.memref_squeeze %dma_wait3A_1900 : memref<1x1x512x512xf32, #tpu.memory_space<any>> -> memref<512x512xf32, #tpu.memory_space<any>>
    %dma_wait3A_1902 = arith.constant 0 : i32
    %dma_wait3A_1903 = arith.constant 0 : i32
    %dma_wait3A_1904 = tpu.memref_slice %arg2[%dma_wait3A_1895, %dma_wait3A_1902, %dma_wait3A_1903] : memref<8x512x512xf32, #tpu.memory_space<vmem>> -> memref<1x512x512xf32, #tpu.memory_space<vmem>>
    %dma_wait3A_1905 = tpu.memref_squeeze %dma_wait3A_1904 : memref<1x512x512xf32, #tpu.memory_space<vmem>> -> memref<512x512xf32, #tpu.memory_space<vmem>>
    tpu.wait_dma2 semaphore(%arg3 : memref<!tpu.dma_semaphore, #tpu.memory_space<semaphore_mem>>) src(%dma_wait3A_1905 : memref<512x512xf32, #tpu.memory_space<vmem>>) dst(%dma_wait3A_1901 : memref<512x512xf32, #tpu.memory_space<any>>)
    %dma_wait3A_1906 = arith.constant 1 : i32
    %dma_wait3A_1907 = arith.constant 1 : i32
    %dma_wait3A_1908 = arith.constant 14 : i32
    %dma_wait3A_1909 = arith.constant 0 : i32
    %dma_wait3A_1910 = arith.constant 0 : i32
    %dma_wait3A_1911 = tpu.memref_slice %arg1[%dma_wait3A_1907, %dma_wait3A_1908, %dma_wait3A_1909, %dma_wait3A_1910] : memref<8x16x512x512xf32, #tpu.memory_space<any>> -> memref<1x1x512x512xf32, #tpu.memory_space<any>>
    %dma_wait3A_1912 = tpu.memref_squeeze %dma_wait3A_1911 : memref<1x1x512x512xf32, #tpu.memory_space<any>> -> memref<512x512xf32, #tpu.memory_space<any>>
    %dma_wait3A_1913 = arith.constant 0 : i32
    %dma_wait3A_1914 = arith.constant 0 : i32
    %dma_wait3A_1915 = tpu.memref_slice %arg2[%dma_wait3A_1906, %dma_wait3A_1913, %dma_wait3A_1914] : memref<8x512x512xf32, #tpu.memory_space<vmem>> -> memref<1x512x512xf32, #tpu.memory_space<vmem>>
    %dma_wait3A_1916 = tpu.memref_squeeze %dma_wait3A_1915 : memref<1x512x512xf32, #tpu.memory_space<vmem>> -> memref<512x512xf32, #tpu.memory_space<vmem>>
    tpu.wait_dma2 semaphore(%arg3 : memref<!tpu.dma_semaphore, #tpu.memory_space<semaphore_mem>>) src(%dma_wait3A_1916 : memref<512x512xf32, #tpu.memory_space<vmem>>) dst(%dma_wait3A_1912 : memref<512x512xf32, #tpu.memory_space<any>>)
    %dma_wait3A_1917 = arith.constant 1 : i32
    %dma_wait3A_1918 = arith.constant 1 : i32
    %dma_wait3A_1919 = arith.constant 15 : i32
    %dma_wait3A_1920 = arith.constant 0 : i32
    %dma_wait3A_1921 = arith.constant 0 : i32
    %dma_wait3A_1922 = tpu.memref_slice %arg1[%dma_wait3A_1918, %dma_wait3A_1919, %dma_wait3A_1920, %dma_wait3A_1921] : memref<8x16x512x512xf32, #tpu.memory_space<any>> -> memref<1x1x512x512xf32, #tpu.memory_space<any>>
    %dma_wait3A_1923 = tpu.memref_squeeze %dma_wait3A_1922 : memref<1x1x512x512xf32, #tpu.memory_space<any>> -> memref<512x512xf32, #tpu.memory_space<any>>
    %dma_wait3A_1924 = arith.constant 0 : i32
    %dma_wait3A_1925 = arith.constant 0 : i32
    %dma_wait3A_1926 = tpu.memref_slice %arg2[%dma_wait3A_1917, %dma_wait3A_1924, %dma_wait3A_1925] : memref<8x512x512xf32, #tpu.memory_space<vmem>> -> memref<1x512x512xf32, #tpu.memory_space<vmem>>
    %dma_wait3A_1927 = tpu.memref_squeeze %dma_wait3A_1926 : memref<1x512x512xf32, #tpu.memory_space<vmem>> -> memref<512x512xf32, #tpu.memory_space<vmem>>
    tpu.wait_dma2 semaphore(%arg3 : memref<!tpu.dma_semaphore, #tpu.memory_space<semaphore_mem>>) src(%dma_wait3A_1927 : memref<512x512xf32, #tpu.memory_space<vmem>>) dst(%dma_wait3A_1923 : memref<512x512xf32, #tpu.memory_space<any>>)
    %dma_wait3A_1928 = arith.constant 2 : i32
    %dma_wait3A_1929 = arith.constant 2 : i32
    %dma_wait3A_1930 = arith.constant 0 : i32
    %dma_wait3A_1931 = arith.constant 0 : i32
    %dma_wait3A_1932 = arith.constant 0 : i32
    %dma_wait3A_1933 = tpu.memref_slice %arg1[%dma_wait3A_1929, %dma_wait3A_1930, %dma_wait3A_1931, %dma_wait3A_1932] : memref<8x16x512x512xf32, #tpu.memory_space<any>> -> memref<1x1x512x512xf32, #tpu.memory_space<any>>
    %dma_wait3A_1934 = tpu.memref_squeeze %dma_wait3A_1933 : memref<1x1x512x512xf32, #tpu.memory_space<any>> -> memref<512x512xf32, #tpu.memory_space<any>>
    %dma_wait3A_1935 = arith.constant 0 : i32
    %dma_wait3A_1936 = arith.constant 0 : i32
    %dma_wait3A_1937 = tpu.memref_slice %arg2[%dma_wait3A_1928, %dma_wait3A_1935, %dma_wait3A_1936] : memref<8x512x512xf32, #tpu.memory_space<vmem>> -> memref<1x512x512xf32, #tpu.memory_space<vmem>>
    %dma_wait3A_1938 = tpu.memref_squeeze %dma_wait3A_1937 : memref<1x512x512xf32, #tpu.memory_space<vmem>> -> memref<512x512xf32, #tpu.memory_space<vmem>>
    tpu.wait_dma2 semaphore(%arg3 : memref<!tpu.dma_semaphore, #tpu.memory_space<semaphore_mem>>) src(%dma_wait3A_1938 : memref<512x512xf32, #tpu.memory_space<vmem>>) dst(%dma_wait3A_1934 : memref<512x512xf32, #tpu.memory_space<any>>)
    %dma_wait3A_1939 = arith.constant 2 : i32
    %dma_wait3A_1940 = arith.constant 2 : i32
    %dma_wait3A_1941 = arith.constant 1 : i32
    %dma_wait3A_1942 = arith.constant 0 : i32
    %dma_wait3A_1943 = arith.constant 0 : i32
    %dma_wait3A_1944 = tpu.memref_slice %arg1[%dma_wait3A_1940, %dma_wait3A_1941, %dma_wait3A_1942, %dma_wait3A_1943] : memref<8x16x512x512xf32, #tpu.memory_space<any>> -> memref<1x1x512x512xf32, #tpu.memory_space<any>>
    %dma_wait3A_1945 = tpu.memref_squeeze %dma_wait3A_1944 : memref<1x1x512x512xf32, #tpu.memory_space<any>> -> memref<512x512xf32, #tpu.memory_space<any>>
    %dma_wait3A_1946 = arith.constant 0 : i32
    %dma_wait3A_1947 = arith.constant 0 : i32
    %dma_wait3A_1948 = tpu.memref_slice %arg2[%dma_wait3A_1939, %dma_wait3A_1946, %dma_wait3A_1947] : memref<8x512x512xf32, #tpu.memory_space<vmem>> -> memref<1x512x512xf32, #tpu.memory_space<vmem>>
    %dma_wait3A_1949 = tpu.memref_squeeze %dma_wait3A_1948 : memref<1x512x512xf32, #tpu.memory_space<vmem>> -> memref<512x512xf32, #tpu.memory_space<vmem>>
    tpu.wait_dma2 semaphore(%arg3 : memref<!tpu.dma_semaphore, #tpu.memory_space<semaphore_mem>>) src(%dma_wait3A_1949 : memref<512x512xf32, #tpu.memory_space<vmem>>) dst(%dma_wait3A_1945 : memref<512x512xf32, #tpu.memory_space<any>>)
    %dma_wait3A_1950 = arith.constant 2 : i32
    %dma_wait3A_1951 = arith.constant 2 : i32
    %dma_wait3A_1952 = arith.constant 2 : i32
    %dma_wait3A_1953 = arith.constant 0 : i32
    %dma_wait3A_1954 = arith.constant 0 : i32
    %dma_wait3A_1955 = tpu.memref_slice %arg1[%dma_wait3A_1951, %dma_wait3A_1952, %dma_wait3A_1953, %dma_wait3A_1954] : memref<8x16x512x512xf32, #tpu.memory_space<any>> -> memref<1x1x512x512xf32, #tpu.memory_space<any>>
    %dma_wait3A_1956 = tpu.memref_squeeze %dma_wait3A_1955 : memref<1x1x512x512xf32, #tpu.memory_space<any>> -> memref<512x512xf32, #tpu.memory_space<any>>
    %dma_wait3A_1957 = arith.constant 0 : i32
    %dma_wait3A_1958 = arith.constant 0 : i32
    %dma_wait3A_1959 = tpu.memref_slice %arg2[%dma_wait3A_1950, %dma_wait3A_1957, %dma_wait3A_1958] : memref<8x512x512xf32, #tpu.memory_space<vmem>> -> memref<1x512x512xf32, #tpu.memory_space<vmem>>
    %dma_wait3A_1960 = tpu.memref_squeeze %dma_wait3A_1959 : memref<1x512x512xf32, #tpu.memory_space<vmem>> -> memref<512x512xf32, #tpu.memory_space<vmem>>
    tpu.wait_dma2 semaphore(%arg3 : memref<!tpu.dma_semaphore, #tpu.memory_space<semaphore_mem>>) src(%dma_wait3A_1960 : memref<512x512xf32, #tpu.memory_space<vmem>>) dst(%dma_wait3A_1956 : memref<512x512xf32, #tpu.memory_space<any>>)
    %dma_wait3A_1961 = arith.constant 2 : i32
    %dma_wait3A_1962 = arith.constant 2 : i32
    %dma_wait3A_1963 = arith.constant 3 : i32
    %dma_wait3A_1964 = arith.constant 0 : i32
    %dma_wait3A_1965 = arith.constant 0 : i32
    %dma_wait3A_1966 = tpu.memref_slice %arg1[%dma_wait3A_1962, %dma_wait3A_1963, %dma_wait3A_1964, %dma_wait3A_1965] : memref<8x16x512x512xf32, #tpu.memory_space<any>> -> memref<1x1x512x512xf32, #tpu.memory_space<any>>
    %dma_wait3A_1967 = tpu.memref_squeeze %dma_wait3A_1966 : memref<1x1x512x512xf32, #tpu.memory_space<any>> -> memref<512x512xf32, #tpu.memory_space<any>>
    %dma_wait3A_1968 = arith.constant 0 : i32
    %dma_wait3A_1969 = arith.constant 0 : i32
    %dma_wait3A_1970 = tpu.memref_slice %arg2[%dma_wait3A_1961, %dma_wait3A_1968, %dma_wait3A_1969] : memref<8x512x512xf32, #tpu.memory_space<vmem>> -> memref<1x512x512xf32, #tpu.memory_space<vmem>>
    %dma_wait3A_1971 = tpu.memref_squeeze %dma_wait3A_1970 : memref<1x512x512xf32, #tpu.memory_space<vmem>> -> memref<512x512xf32, #tpu.memory_space<vmem>>
    tpu.wait_dma2 semaphore(%arg3 : memref<!tpu.dma_semaphore, #tpu.memory_space<semaphore_mem>>) src(%dma_wait3A_1971 : memref<512x512xf32, #tpu.memory_space<vmem>>) dst(%dma_wait3A_1967 : memref<512x512xf32, #tpu.memory_space<any>>)
    %dma_wait3A_1972 = arith.constant 2 : i32
    %dma_wait3A_1973 = arith.constant 2 : i32
    %dma_wait3A_1974 = arith.constant 4 : i32
    %dma_wait3A_1975 = arith.constant 0 : i32
    %dma_wait3A_1976 = arith.constant 0 : i32
    %dma_wait3A_1977 = tpu.memref_slice %arg1[%dma_wait3A_1973, %dma_wait3A_1974, %dma_wait3A_1975, %dma_wait3A_1976] : memref<8x16x512x512xf32, #tpu.memory_space<any>> -> memref<1x1x512x512xf32, #tpu.memory_space<any>>
    %dma_wait3A_1978 = tpu.memref_squeeze %dma_wait3A_1977 : memref<1x1x512x512xf32, #tpu.memory_space<any>> -> memref<512x512xf32, #tpu.memory_space<any>>
    %dma_wait3A_1979 = arith.constant 0 : i32
    %dma_wait3A_1980 = arith.constant 0 : i32
    %dma_wait3A_1981 = tpu.memref_slice %arg2[%dma_wait3A_1972, %dma_wait3A_1979, %dma_wait3A_1980] : memref<8x512x512xf32, #tpu.memory_space<vmem>> -> memref<1x512x512xf32, #tpu.memory_space<vmem>>
    %dma_wait3A_1982 = tpu.memref_squeeze %dma_wait3A_1981 : memref<1x512x512xf32, #tpu.memory_space<vmem>> -> memref<512x512xf32, #tpu.memory_space<vmem>>
    tpu.wait_dma2 semaphore(%arg3 : memref<!tpu.dma_semaphore, #tpu.memory_space<semaphore_mem>>) src(%dma_wait3A_1982 : memref<512x512xf32, #tpu.memory_space<vmem>>) dst(%dma_wait3A_1978 : memref<512x512xf32, #tpu.memory_space<any>>)
    %dma_wait3A_1983 = arith.constant 2 : i32
    %dma_wait3A_1984 = arith.constant 2 : i32
    %dma_wait3A_1985 = arith.constant 5 : i32
    %dma_wait3A_1986 = arith.constant 0 : i32
    %dma_wait3A_1987 = arith.constant 0 : i32
    %dma_wait3A_1988 = tpu.memref_slice %arg1[%dma_wait3A_1984, %dma_wait3A_1985, %dma_wait3A_1986, %dma_wait3A_1987] : memref<8x16x512x512xf32, #tpu.memory_space<any>> -> memref<1x1x512x512xf32, #tpu.memory_space<any>>
    %dma_wait3A_1989 = tpu.memref_squeeze %dma_wait3A_1988 : memref<1x1x512x512xf32, #tpu.memory_space<any>> -> memref<512x512xf32, #tpu.memory_space<any>>
    %dma_wait3A_1990 = arith.constant 0 : i32
    %dma_wait3A_1991 = arith.constant 0 : i32
    %dma_wait3A_1992 = tpu.memref_slice %arg2[%dma_wait3A_1983, %dma_wait3A_1990, %dma_wait3A_1991] : memref<8x512x512xf32, #tpu.memory_space<vmem>> -> memref<1x512x512xf32, #tpu.memory_space<vmem>>
    %dma_wait3A_1993 = tpu.memref_squeeze %dma_wait3A_1992 : memref<1x512x512xf32, #tpu.memory_space<vmem>> -> memref<512x512xf32, #tpu.memory_space<vmem>>
    tpu.wait_dma2 semaphore(%arg3 : memref<!tpu.dma_semaphore, #tpu.memory_space<semaphore_mem>>) src(%dma_wait3A_1993 : memref<512x512xf32, #tpu.memory_space<vmem>>) dst(%dma_wait3A_1989 : memref<512x512xf32, #tpu.memory_space<any>>)
    %dma_wait3A_1994 = arith.constant 2 : i32
    %dma_wait3A_1995 = arith.constant 2 : i32
    %dma_wait3A_1996 = arith.constant 6 : i32
    %dma_wait3A_1997 = arith.constant 0 : i32
    %dma_wait3A_1998 = arith.constant 0 : i32
    %dma_wait3A_1999 = tpu.memref_slice %arg1[%dma_wait3A_1995, %dma_wait3A_1996, %dma_wait3A_1997, %dma_wait3A_1998] : memref<8x16x512x512xf32, #tpu.memory_space<any>> -> memref<1x1x512x512xf32, #tpu.memory_space<any>>
    %dma_wait3A_2000 = tpu.memref_squeeze %dma_wait3A_1999 : memref<1x1x512x512xf32, #tpu.memory_space<any>> -> memref<512x512xf32, #tpu.memory_space<any>>
    %dma_wait3A_2001 = arith.constant 0 : i32
    %dma_wait3A_2002 = arith.constant 0 : i32
    %dma_wait3A_2003 = tpu.memref_slice %arg2[%dma_wait3A_1994, %dma_wait3A_2001, %dma_wait3A_2002] : memref<8x512x512xf32, #tpu.memory_space<vmem>> -> memref<1x512x512xf32, #tpu.memory_space<vmem>>
    %dma_wait3A_2004 = tpu.memref_squeeze %dma_wait3A_2003 : memref<1x512x512xf32, #tpu.memory_space<vmem>> -> memref<512x512xf32, #tpu.memory_space<vmem>>
    tpu.wait_dma2 semaphore(%arg3 : memref<!tpu.dma_semaphore, #tpu.memory_space<semaphore_mem>>) src(%dma_wait3A_2004 : memref<512x512xf32, #tpu.memory_space<vmem>>) dst(%dma_wait3A_2000 : memref<512x512xf32, #tpu.memory_space<any>>)
    %dma_wait3A_2005 = arith.constant 2 : i32
    %dma_wait3A_2006 = arith.constant 2 : i32
    %dma_wait3A_2007 = arith.constant 7 : i32
    %dma_wait3A_2008 = arith.constant 0 : i32
    %dma_wait3A_2009 = arith.constant 0 : i32
    %dma_wait3A_2010 = tpu.memref_slice %arg1[%dma_wait3A_2006, %dma_wait3A_2007, %dma_wait3A_2008, %dma_wait3A_2009] : memref<8x16x512x512xf32, #tpu.memory_space<any>> -> memref<1x1x512x512xf32, #tpu.memory_space<any>>
    %dma_wait3A_2011 = tpu.memref_squeeze %dma_wait3A_2010 : memref<1x1x512x512xf32, #tpu.memory_space<any>> -> memref<512x512xf32, #tpu.memory_space<any>>
    %dma_wait3A_2012 = arith.constant 0 : i32
    %dma_wait3A_2013 = arith.constant 0 : i32
    %dma_wait3A_2014 = tpu.memref_slice %arg2[%dma_wait3A_2005, %dma_wait3A_2012, %dma_wait3A_2013] : memref<8x512x512xf32, #tpu.memory_space<vmem>> -> memref<1x512x512xf32, #tpu.memory_space<vmem>>
    %dma_wait3A_2015 = tpu.memref_squeeze %dma_wait3A_2014 : memref<1x512x512xf32, #tpu.memory_space<vmem>> -> memref<512x512xf32, #tpu.memory_space<vmem>>
    tpu.wait_dma2 semaphore(%arg3 : memref<!tpu.dma_semaphore, #tpu.memory_space<semaphore_mem>>) src(%dma_wait3A_2015 : memref<512x512xf32, #tpu.memory_space<vmem>>) dst(%dma_wait3A_2011 : memref<512x512xf32, #tpu.memory_space<any>>)
    %dma_wait3A_2016 = arith.constant 2 : i32
    %dma_wait3A_2017 = arith.constant 2 : i32
    %dma_wait3A_2018 = arith.constant 8 : i32
    %dma_wait3A_2019 = arith.constant 0 : i32
    %dma_wait3A_2020 = arith.constant 0 : i32
    %dma_wait3A_2021 = tpu.memref_slice %arg1[%dma_wait3A_2017, %dma_wait3A_2018, %dma_wait3A_2019, %dma_wait3A_2020] : memref<8x16x512x512xf32, #tpu.memory_space<any>> -> memref<1x1x512x512xf32, #tpu.memory_space<any>>
    %dma_wait3A_2022 = tpu.memref_squeeze %dma_wait3A_2021 : memref<1x1x512x512xf32, #tpu.memory_space<any>> -> memref<512x512xf32, #tpu.memory_space<any>>
    %dma_wait3A_2023 = arith.constant 0 : i32
    %dma_wait3A_2024 = arith.constant 0 : i32
    %dma_wait3A_2025 = tpu.memref_slice %arg2[%dma_wait3A_2016, %dma_wait3A_2023, %dma_wait3A_2024] : memref<8x512x512xf32, #tpu.memory_space<vmem>> -> memref<1x512x512xf32, #tpu.memory_space<vmem>>
    %dma_wait3A_2026 = tpu.memref_squeeze %dma_wait3A_2025 : memref<1x512x512xf32, #tpu.memory_space<vmem>> -> memref<512x512xf32, #tpu.memory_space<vmem>>
    tpu.wait_dma2 semaphore(%arg3 : memref<!tpu.dma_semaphore, #tpu.memory_space<semaphore_mem>>) src(%dma_wait3A_2026 : memref<512x512xf32, #tpu.memory_space<vmem>>) dst(%dma_wait3A_2022 : memref<512x512xf32, #tpu.memory_space<any>>)
    %dma_wait3A_2027 = arith.constant 2 : i32
    %dma_wait3A_2028 = arith.constant 2 : i32
    %dma_wait3A_2029 = arith.constant 9 : i32
    %dma_wait3A_2030 = arith.constant 0 : i32
    %dma_wait3A_2031 = arith.constant 0 : i32
    %dma_wait3A_2032 = tpu.memref_slice %arg1[%dma_wait3A_2028, %dma_wait3A_2029, %dma_wait3A_2030, %dma_wait3A_2031] : memref<8x16x512x512xf32, #tpu.memory_space<any>> -> memref<1x1x512x512xf32, #tpu.memory_space<any>>
    %dma_wait3A_2033 = tpu.memref_squeeze %dma_wait3A_2032 : memref<1x1x512x512xf32, #tpu.memory_space<any>> -> memref<512x512xf32, #tpu.memory_space<any>>
    %dma_wait3A_2034 = arith.constant 0 : i32
    %dma_wait3A_2035 = arith.constant 0 : i32
    %dma_wait3A_2036 = tpu.memref_slice %arg2[%dma_wait3A_2027, %dma_wait3A_2034, %dma_wait3A_2035] : memref<8x512x512xf32, #tpu.memory_space<vmem>> -> memref<1x512x512xf32, #tpu.memory_space<vmem>>
    %dma_wait3A_2037 = tpu.memref_squeeze %dma_wait3A_2036 : memref<1x512x512xf32, #tpu.memory_space<vmem>> -> memref<512x512xf32, #tpu.memory_space<vmem>>
    tpu.wait_dma2 semaphore(%arg3 : memref<!tpu.dma_semaphore, #tpu.memory_space<semaphore_mem>>) src(%dma_wait3A_2037 : memref<512x512xf32, #tpu.memory_space<vmem>>) dst(%dma_wait3A_2033 : memref<512x512xf32, #tpu.memory_space<any>>)
    %dma_wait3A_2038 = arith.constant 2 : i32
    %dma_wait3A_2039 = arith.constant 2 : i32
    %dma_wait3A_2040 = arith.constant 10 : i32
    %dma_wait3A_2041 = arith.constant 0 : i32
    %dma_wait3A_2042 = arith.constant 0 : i32
    %dma_wait3A_2043 = tpu.memref_slice %arg1[%dma_wait3A_2039, %dma_wait3A_2040, %dma_wait3A_2041, %dma_wait3A_2042] : memref<8x16x512x512xf32, #tpu.memory_space<any>> -> memref<1x1x512x512xf32, #tpu.memory_space<any>>
    %dma_wait3A_2044 = tpu.memref_squeeze %dma_wait3A_2043 : memref<1x1x512x512xf32, #tpu.memory_space<any>> -> memref<512x512xf32, #tpu.memory_space<any>>
    %dma_wait3A_2045 = arith.constant 0 : i32
    %dma_wait3A_2046 = arith.constant 0 : i32
    %dma_wait3A_2047 = tpu.memref_slice %arg2[%dma_wait3A_2038, %dma_wait3A_2045, %dma_wait3A_2046] : memref<8x512x512xf32, #tpu.memory_space<vmem>> -> memref<1x512x512xf32, #tpu.memory_space<vmem>>
    %dma_wait3A_2048 = tpu.memref_squeeze %dma_wait3A_2047 : memref<1x512x512xf32, #tpu.memory_space<vmem>> -> memref<512x512xf32, #tpu.memory_space<vmem>>
    tpu.wait_dma2 semaphore(%arg3 : memref<!tpu.dma_semaphore, #tpu.memory_space<semaphore_mem>>) src(%dma_wait3A_2048 : memref<512x512xf32, #tpu.memory_space<vmem>>) dst(%dma_wait3A_2044 : memref<512x512xf32, #tpu.memory_space<any>>)
    %dma_wait3A_2049 = arith.constant 2 : i32
    %dma_wait3A_2050 = arith.constant 2 : i32
    %dma_wait3A_2051 = arith.constant 11 : i32
    %dma_wait3A_2052 = arith.constant 0 : i32
    %dma_wait3A_2053 = arith.constant 0 : i32
    %dma_wait3A_2054 = tpu.memref_slice %arg1[%dma_wait3A_2050, %dma_wait3A_2051, %dma_wait3A_2052, %dma_wait3A_2053] : memref<8x16x512x512xf32, #tpu.memory_space<any>> -> memref<1x1x512x512xf32, #tpu.memory_space<any>>
    %dma_wait3A_2055 = tpu.memref_squeeze %dma_wait3A_2054 : memref<1x1x512x512xf32, #tpu.memory_space<any>> -> memref<512x512xf32, #tpu.memory_space<any>>
    %dma_wait3A_2056 = arith.constant 0 : i32
    %dma_wait3A_2057 = arith.constant 0 : i32
    %dma_wait3A_2058 = tpu.memref_slice %arg2[%dma_wait3A_2049, %dma_wait3A_2056, %dma_wait3A_2057] : memref<8x512x512xf32, #tpu.memory_space<vmem>> -> memref<1x512x512xf32, #tpu.memory_space<vmem>>
    %dma_wait3A_2059 = tpu.memref_squeeze %dma_wait3A_2058 : memref<1x512x512xf32, #tpu.memory_space<vmem>> -> memref<512x512xf32, #tpu.memory_space<vmem>>
    tpu.wait_dma2 semaphore(%arg3 : memref<!tpu.dma_semaphore, #tpu.memory_space<semaphore_mem>>) src(%dma_wait3A_2059 : memref<512x512xf32, #tpu.memory_space<vmem>>) dst(%dma_wait3A_2055 : memref<512x512xf32, #tpu.memory_space<any>>)
    %dma_wait3A_2060 = arith.constant 2 : i32
    %dma_wait3A_2061 = arith.constant 2 : i32
    %dma_wait3A_2062 = arith.constant 12 : i32
    %dma_wait3A_2063 = arith.constant 0 : i32
    %dma_wait3A_2064 = arith.constant 0 : i32
    %dma_wait3A_2065 = tpu.memref_slice %arg1[%dma_wait3A_2061, %dma_wait3A_2062, %dma_wait3A_2063, %dma_wait3A_2064] : memref<8x16x512x512xf32, #tpu.memory_space<any>> -> memref<1x1x512x512xf32, #tpu.memory_space<any>>
    %dma_wait3A_2066 = tpu.memref_squeeze %dma_wait3A_2065 : memref<1x1x512x512xf32, #tpu.memory_space<any>> -> memref<512x512xf32, #tpu.memory_space<any>>
    %dma_wait3A_2067 = arith.constant 0 : i32
    %dma_wait3A_2068 = arith.constant 0 : i32
    %dma_wait3A_2069 = tpu.memref_slice %arg2[%dma_wait3A_2060, %dma_wait3A_2067, %dma_wait3A_2068] : memref<8x512x512xf32, #tpu.memory_space<vmem>> -> memref<1x512x512xf32, #tpu.memory_space<vmem>>
    %dma_wait3A_2070 = tpu.memref_squeeze %dma_wait3A_2069 : memref<1x512x512xf32, #tpu.memory_space<vmem>> -> memref<512x512xf32, #tpu.memory_space<vmem>>
    tpu.wait_dma2 semaphore(%arg3 : memref<!tpu.dma_semaphore, #tpu.memory_space<semaphore_mem>>) src(%dma_wait3A_2070 : memref<512x512xf32, #tpu.memory_space<vmem>>) dst(%dma_wait3A_2066 : memref<512x512xf32, #tpu.memory_space<any>>)
    %dma_wait3A_2071 = arith.constant 2 : i32
    %dma_wait3A_2072 = arith.constant 2 : i32
    %dma_wait3A_2073 = arith.constant 13 : i32
    %dma_wait3A_2074 = arith.constant 0 : i32
    %dma_wait3A_2075 = arith.constant 0 : i32
    %dma_wait3A_2076 = tpu.memref_slice %arg1[%dma_wait3A_2072, %dma_wait3A_2073, %dma_wait3A_2074, %dma_wait3A_2075] : memref<8x16x512x512xf32, #tpu.memory_space<any>> -> memref<1x1x512x512xf32, #tpu.memory_space<any>>
    %dma_wait3A_2077 = tpu.memref_squeeze %dma_wait3A_2076 : memref<1x1x512x512xf32, #tpu.memory_space<any>> -> memref<512x512xf32, #tpu.memory_space<any>>
    %dma_wait3A_2078 = arith.constant 0 : i32
    %dma_wait3A_2079 = arith.constant 0 : i32
    %dma_wait3A_2080 = tpu.memref_slice %arg2[%dma_wait3A_2071, %dma_wait3A_2078, %dma_wait3A_2079] : memref<8x512x512xf32, #tpu.memory_space<vmem>> -> memref<1x512x512xf32, #tpu.memory_space<vmem>>
    %dma_wait3A_2081 = tpu.memref_squeeze %dma_wait3A_2080 : memref<1x512x512xf32, #tpu.memory_space<vmem>> -> memref<512x512xf32, #tpu.memory_space<vmem>>
    tpu.wait_dma2 semaphore(%arg3 : memref<!tpu.dma_semaphore, #tpu.memory_space<semaphore_mem>>) src(%dma_wait3A_2081 : memref<512x512xf32, #tpu.memory_space<vmem>>) dst(%dma_wait3A_2077 : memref<512x512xf32, #tpu.memory_space<any>>)
    %dma_wait3A_2082 = arith.constant 2 : i32
    %dma_wait3A_2083 = arith.constant 2 : i32
    %dma_wait3A_2084 = arith.constant 14 : i32
    %dma_wait3A_2085 = arith.constant 0 : i32
    %dma_wait3A_2086 = arith.constant 0 : i32
    %dma_wait3A_2087 = tpu.memref_slice %arg1[%dma_wait3A_2083, %dma_wait3A_2084, %dma_wait3A_2085, %dma_wait3A_2086] : memref<8x16x512x512xf32, #tpu.memory_space<any>> -> memref<1x1x512x512xf32, #tpu.memory_space<any>>
    %dma_wait3A_2088 = tpu.memref_squeeze %dma_wait3A_2087 : memref<1x1x512x512xf32, #tpu.memory_space<any>> -> memref<512x512xf32, #tpu.memory_space<any>>
    %dma_wait3A_2089 = arith.constant 0 : i32
    %dma_wait3A_2090 = arith.constant 0 : i32
    %dma_wait3A_2091 = tpu.memref_slice %arg2[%dma_wait3A_2082, %dma_wait3A_2089, %dma_wait3A_2090] : memref<8x512x512xf32, #tpu.memory_space<vmem>> -> memref<1x512x512xf32, #tpu.memory_space<vmem>>
    %dma_wait3A_2092 = tpu.memref_squeeze %dma_wait3A_2091 : memref<1x512x512xf32, #tpu.memory_space<vmem>> -> memref<512x512xf32, #tpu.memory_space<vmem>>
    tpu.wait_dma2 semaphore(%arg3 : memref<!tpu.dma_semaphore, #tpu.memory_space<semaphore_mem>>) src(%dma_wait3A_2092 : memref<512x512xf32, #tpu.memory_space<vmem>>) dst(%dma_wait3A_2088 : memref<512x512xf32, #tpu.memory_space<any>>)
    %dma_wait3A_2093 = arith.constant 2 : i32
    %dma_wait3A_2094 = arith.constant 2 : i32
    %dma_wait3A_2095 = arith.constant 15 : i32
    %dma_wait3A_2096 = arith.constant 0 : i32
    %dma_wait3A_2097 = arith.constant 0 : i32
    %dma_wait3A_2098 = tpu.memref_slice %arg1[%dma_wait3A_2094, %dma_wait3A_2095, %dma_wait3A_2096, %dma_wait3A_2097] : memref<8x16x512x512xf32, #tpu.memory_space<any>> -> memref<1x1x512x512xf32, #tpu.memory_space<any>>
    %dma_wait3A_2099 = tpu.memref_squeeze %dma_wait3A_2098 : memref<1x1x512x512xf32, #tpu.memory_space<any>> -> memref<512x512xf32, #tpu.memory_space<any>>
    %dma_wait3A_2100 = arith.constant 0 : i32
    %dma_wait3A_2101 = arith.constant 0 : i32
    %dma_wait3A_2102 = tpu.memref_slice %arg2[%dma_wait3A_2093, %dma_wait3A_2100, %dma_wait3A_2101] : memref<8x512x512xf32, #tpu.memory_space<vmem>> -> memref<1x512x512xf32, #tpu.memory_space<vmem>>
    %dma_wait3A_2103 = tpu.memref_squeeze %dma_wait3A_2102 : memref<1x512x512xf32, #tpu.memory_space<vmem>> -> memref<512x512xf32, #tpu.memory_space<vmem>>
    tpu.wait_dma2 semaphore(%arg3 : memref<!tpu.dma_semaphore, #tpu.memory_space<semaphore_mem>>) src(%dma_wait3A_2103 : memref<512x512xf32, #tpu.memory_space<vmem>>) dst(%dma_wait3A_2099 : memref<512x512xf32, #tpu.memory_space<any>>)
    %dma_wait3A_2104 = arith.constant 3 : i32
    %dma_wait3A_2105 = arith.constant 3 : i32
    %dma_wait3A_2106 = arith.constant 0 : i32
    %dma_wait3A_2107 = arith.constant 0 : i32
    %dma_wait3A_2108 = arith.constant 0 : i32
    %dma_wait3A_2109 = tpu.memref_slice %arg1[%dma_wait3A_2105, %dma_wait3A_2106, %dma_wait3A_2107, %dma_wait3A_2108] : memref<8x16x512x512xf32, #tpu.memory_space<any>> -> memref<1x1x512x512xf32, #tpu.memory_space<any>>
    %dma_wait3A_2110 = tpu.memref_squeeze %dma_wait3A_2109 : memref<1x1x512x512xf32, #tpu.memory_space<any>> -> memref<512x512xf32, #tpu.memory_space<any>>
    %dma_wait3A_2111 = arith.constant 0 : i32
    %dma_wait3A_2112 = arith.constant 0 : i32
    %dma_wait3A_2113 = tpu.memref_slice %arg2[%dma_wait3A_2104, %dma_wait3A_2111, %dma_wait3A_2112] : memref<8x512x512xf32, #tpu.memory_space<vmem>> -> memref<1x512x512xf32, #tpu.memory_space<vmem>>
    %dma_wait3A_2114 = tpu.memref_squeeze %dma_wait3A_2113 : memref<1x512x512xf32, #tpu.memory_space<vmem>> -> memref<512x512xf32, #tpu.memory_space<vmem>>
    tpu.wait_dma2 semaphore(%arg3 : memref<!tpu.dma_semaphore, #tpu.memory_space<semaphore_mem>>) src(%dma_wait3A_2114 : memref<512x512xf32, #tpu.memory_space<vmem>>) dst(%dma_wait3A_2110 : memref<512x512xf32, #tpu.memory_space<any>>)
    %dma_wait3A_2115 = arith.constant 3 : i32
    %dma_wait3A_2116 = arith.constant 3 : i32
    %dma_wait3A_2117 = arith.constant 1 : i32
    %dma_wait3A_2118 = arith.constant 0 : i32
    %dma_wait3A_2119 = arith.constant 0 : i32
    %dma_wait3A_2120 = tpu.memref_slice %arg1[%dma_wait3A_2116, %dma_wait3A_2117, %dma_wait3A_2118, %dma_wait3A_2119] : memref<8x16x512x512xf32, #tpu.memory_space<any>> -> memref<1x1x512x512xf32, #tpu.memory_space<any>>
    %dma_wait3A_2121 = tpu.memref_squeeze %dma_wait3A_2120 : memref<1x1x512x512xf32, #tpu.memory_space<any>> -> memref<512x512xf32, #tpu.memory_space<any>>
    %dma_wait3A_2122 = arith.constant 0 : i32
    %dma_wait3A_2123 = arith.constant 0 : i32
    %dma_wait3A_2124 = tpu.memref_slice %arg2[%dma_wait3A_2115, %dma_wait3A_2122, %dma_wait3A_2123] : memref<8x512x512xf32, #tpu.memory_space<vmem>> -> memref<1x512x512xf32, #tpu.memory_space<vmem>>
    %dma_wait3A_2125 = tpu.memref_squeeze %dma_wait3A_2124 : memref<1x512x512xf32, #tpu.memory_space<vmem>> -> memref<512x512xf32, #tpu.memory_space<vmem>>
    tpu.wait_dma2 semaphore(%arg3 : memref<!tpu.dma_semaphore, #tpu.memory_space<semaphore_mem>>) src(%dma_wait3A_2125 : memref<512x512xf32, #tpu.memory_space<vmem>>) dst(%dma_wait3A_2121 : memref<512x512xf32, #tpu.memory_space<any>>)
    %dma_wait3A_2126 = arith.constant 3 : i32
    %dma_wait3A_2127 = arith.constant 3 : i32
    %dma_wait3A_2128 = arith.constant 2 : i32
    %dma_wait3A_2129 = arith.constant 0 : i32
    %dma_wait3A_2130 = arith.constant 0 : i32
    %dma_wait3A_2131 = tpu.memref_slice %arg1[%dma_wait3A_2127, %dma_wait3A_2128, %dma_wait3A_2129, %dma_wait3A_2130] : memref<8x16x512x512xf32, #tpu.memory_space<any>> -> memref<1x1x512x512xf32, #tpu.memory_space<any>>
    %dma_wait3A_2132 = tpu.memref_squeeze %dma_wait3A_2131 : memref<1x1x512x512xf32, #tpu.memory_space<any>> -> memref<512x512xf32, #tpu.memory_space<any>>
    %dma_wait3A_2133 = arith.constant 0 : i32
    %dma_wait3A_2134 = arith.constant 0 : i32
    %dma_wait3A_2135 = tpu.memref_slice %arg2[%dma_wait3A_2126, %dma_wait3A_2133, %dma_wait3A_2134] : memref<8x512x512xf32, #tpu.memory_space<vmem>> -> memref<1x512x512xf32, #tpu.memory_space<vmem>>
    %dma_wait3A_2136 = tpu.memref_squeeze %dma_wait3A_2135 : memref<1x512x512xf32, #tpu.memory_space<vmem>> -> memref<512x512xf32, #tpu.memory_space<vmem>>
    tpu.wait_dma2 semaphore(%arg3 : memref<!tpu.dma_semaphore, #tpu.memory_space<semaphore_mem>>) src(%dma_wait3A_2136 : memref<512x512xf32, #tpu.memory_space<vmem>>) dst(%dma_wait3A_2132 : memref<512x512xf32, #tpu.memory_space<any>>)
    %dma_wait3A_2137 = arith.constant 3 : i32
    %dma_wait3A_2138 = arith.constant 3 : i32
    %dma_wait3A_2139 = arith.constant 3 : i32
    %dma_wait3A_2140 = arith.constant 0 : i32
    %dma_wait3A_2141 = arith.constant 0 : i32
    %dma_wait3A_2142 = tpu.memref_slice %arg1[%dma_wait3A_2138, %dma_wait3A_2139, %dma_wait3A_2140, %dma_wait3A_2141] : memref<8x16x512x512xf32, #tpu.memory_space<any>> -> memref<1x1x512x512xf32, #tpu.memory_space<any>>
    %dma_wait3A_2143 = tpu.memref_squeeze %dma_wait3A_2142 : memref<1x1x512x512xf32, #tpu.memory_space<any>> -> memref<512x512xf32, #tpu.memory_space<any>>
    %dma_wait3A_2144 = arith.constant 0 : i32
    %dma_wait3A_2145 = arith.constant 0 : i32
    %dma_wait3A_2146 = tpu.memref_slice %arg2[%dma_wait3A_2137, %dma_wait3A_2144, %dma_wait3A_2145] : memref<8x512x512xf32, #tpu.memory_space<vmem>> -> memref<1x512x512xf32, #tpu.memory_space<vmem>>
    %dma_wait3A_2147 = tpu.memref_squeeze %dma_wait3A_2146 : memref<1x512x512xf32, #tpu.memory_space<vmem>> -> memref<512x512xf32, #tpu.memory_space<vmem>>
    tpu.wait_dma2 semaphore(%arg3 : memref<!tpu.dma_semaphore, #tpu.memory_space<semaphore_mem>>) src(%dma_wait3A_2147 : memref<512x512xf32, #tpu.memory_space<vmem>>) dst(%dma_wait3A_2143 : memref<512x512xf32, #tpu.memory_space<any>>)
    %dma_wait3A_2148 = arith.constant 3 : i32
    %dma_wait3A_2149 = arith.constant 3 : i32
    %dma_wait3A_2150 = arith.constant 4 : i32
    %dma_wait3A_2151 = arith.constant 0 : i32
    %dma_wait3A_2152 = arith.constant 0 : i32
    %dma_wait3A_2153 = tpu.memref_slice %arg1[%dma_wait3A_2149, %dma_wait3A_2150, %dma_wait3A_2151, %dma_wait3A_2152] : memref<8x16x512x512xf32, #tpu.memory_space<any>> -> memref<1x1x512x512xf32, #tpu.memory_space<any>>
    %dma_wait3A_2154 = tpu.memref_squeeze %dma_wait3A_2153 : memref<1x1x512x512xf32, #tpu.memory_space<any>> -> memref<512x512xf32, #tpu.memory_space<any>>
    %dma_wait3A_2155 = arith.constant 0 : i32
    %dma_wait3A_2156 = arith.constant 0 : i32
    %dma_wait3A_2157 = tpu.memref_slice %arg2[%dma_wait3A_2148, %dma_wait3A_2155, %dma_wait3A_2156] : memref<8x512x512xf32, #tpu.memory_space<vmem>> -> memref<1x512x512xf32, #tpu.memory_space<vmem>>
    %dma_wait3A_2158 = tpu.memref_squeeze %dma_wait3A_2157 : memref<1x512x512xf32, #tpu.memory_space<vmem>> -> memref<512x512xf32, #tpu.memory_space<vmem>>
    tpu.wait_dma2 semaphore(%arg3 : memref<!tpu.dma_semaphore, #tpu.memory_space<semaphore_mem>>) src(%dma_wait3A_2158 : memref<512x512xf32, #tpu.memory_space<vmem>>) dst(%dma_wait3A_2154 : memref<512x512xf32, #tpu.memory_space<any>>)
    %dma_wait3A_2159 = arith.constant 3 : i32
    %dma_wait3A_2160 = arith.constant 3 : i32
    %dma_wait3A_2161 = arith.constant 5 : i32
    %dma_wait3A_2162 = arith.constant 0 : i32
    %dma_wait3A_2163 = arith.constant 0 : i32
    %dma_wait3A_2164 = tpu.memref_slice %arg1[%dma_wait3A_2160, %dma_wait3A_2161, %dma_wait3A_2162, %dma_wait3A_2163] : memref<8x16x512x512xf32, #tpu.memory_space<any>> -> memref<1x1x512x512xf32, #tpu.memory_space<any>>
    %dma_wait3A_2165 = tpu.memref_squeeze %dma_wait3A_2164 : memref<1x1x512x512xf32, #tpu.memory_space<any>> -> memref<512x512xf32, #tpu.memory_space<any>>
    %dma_wait3A_2166 = arith.constant 0 : i32
    %dma_wait3A_2167 = arith.constant 0 : i32
    %dma_wait3A_2168 = tpu.memref_slice %arg2[%dma_wait3A_2159, %dma_wait3A_2166, %dma_wait3A_2167] : memref<8x512x512xf32, #tpu.memory_space<vmem>> -> memref<1x512x512xf32, #tpu.memory_space<vmem>>
    %dma_wait3A_2169 = tpu.memref_squeeze %dma_wait3A_2168 : memref<1x512x512xf32, #tpu.memory_space<vmem>> -> memref<512x512xf32, #tpu.memory_space<vmem>>
    tpu.wait_dma2 semaphore(%arg3 : memref<!tpu.dma_semaphore, #tpu.memory_space<semaphore_mem>>) src(%dma_wait3A_2169 : memref<512x512xf32, #tpu.memory_space<vmem>>) dst(%dma_wait3A_2165 : memref<512x512xf32, #tpu.memory_space<any>>)
    %dma_wait3A_2170 = arith.constant 3 : i32
    %dma_wait3A_2171 = arith.constant 3 : i32
    %dma_wait3A_2172 = arith.constant 6 : i32
    %dma_wait3A_2173 = arith.constant 0 : i32
    %dma_wait3A_2174 = arith.constant 0 : i32
    %dma_wait3A_2175 = tpu.memref_slice %arg1[%dma_wait3A_2171, %dma_wait3A_2172, %dma_wait3A_2173, %dma_wait3A_2174] : memref<8x16x512x512xf32, #tpu.memory_space<any>> -> memref<1x1x512x512xf32, #tpu.memory_space<any>>
    %dma_wait3A_2176 = tpu.memref_squeeze %dma_wait3A_2175 : memref<1x1x512x512xf32, #tpu.memory_space<any>> -> memref<512x512xf32, #tpu.memory_space<any>>
    %dma_wait3A_2177 = arith.constant 0 : i32
    %dma_wait3A_2178 = arith.constant 0 : i32
    %dma_wait3A_2179 = tpu.memref_slice %arg2[%dma_wait3A_2170, %dma_wait3A_2177, %dma_wait3A_2178] : memref<8x512x512xf32, #tpu.memory_space<vmem>> -> memref<1x512x512xf32, #tpu.memory_space<vmem>>
    %dma_wait3A_2180 = tpu.memref_squeeze %dma_wait3A_2179 : memref<1x512x512xf32, #tpu.memory_space<vmem>> -> memref<512x512xf32, #tpu.memory_space<vmem>>
    tpu.wait_dma2 semaphore(%arg3 : memref<!tpu.dma_semaphore, #tpu.memory_space<semaphore_mem>>) src(%dma_wait3A_2180 : memref<512x512xf32, #tpu.memory_space<vmem>>) dst(%dma_wait3A_2176 : memref<512x512xf32, #tpu.memory_space<any>>)
    %dma_wait3A_2181 = arith.constant 3 : i32
    %dma_wait3A_2182 = arith.constant 3 : i32
    %dma_wait3A_2183 = arith.constant 7 : i32
    %dma_wait3A_2184 = arith.constant 0 : i32
    %dma_wait3A_2185 = arith.constant 0 : i32
    %dma_wait3A_2186 = tpu.memref_slice %arg1[%dma_wait3A_2182, %dma_wait3A_2183, %dma_wait3A_2184, %dma_wait3A_2185] : memref<8x16x512x512xf32, #tpu.memory_space<any>> -> memref<1x1x512x512xf32, #tpu.memory_space<any>>
    %dma_wait3A_2187 = tpu.memref_squeeze %dma_wait3A_2186 : memref<1x1x512x512xf32, #tpu.memory_space<any>> -> memref<512x512xf32, #tpu.memory_space<any>>
    %dma_wait3A_2188 = arith.constant 0 : i32
    %dma_wait3A_2189 = arith.constant 0 : i32
    %dma_wait3A_2190 = tpu.memref_slice %arg2[%dma_wait3A_2181, %dma_wait3A_2188, %dma_wait3A_2189] : memref<8x512x512xf32, #tpu.memory_space<vmem>> -> memref<1x512x512xf32, #tpu.memory_space<vmem>>
    %dma_wait3A_2191 = tpu.memref_squeeze %dma_wait3A_2190 : memref<1x512x512xf32, #tpu.memory_space<vmem>> -> memref<512x512xf32, #tpu.memory_space<vmem>>
    tpu.wait_dma2 semaphore(%arg3 : memref<!tpu.dma_semaphore, #tpu.memory_space<semaphore_mem>>) src(%dma_wait3A_2191 : memref<512x512xf32, #tpu.memory_space<vmem>>) dst(%dma_wait3A_2187 : memref<512x512xf32, #tpu.memory_space<any>>)
    %dma_wait3A_2192 = arith.constant 3 : i32
    %dma_wait3A_2193 = arith.constant 3 : i32
    %dma_wait3A_2194 = arith.constant 8 : i32
    %dma_wait3A_2195 = arith.constant 0 : i32
    %dma_wait3A_2196 = arith.constant 0 : i32
    %dma_wait3A_2197 = tpu.memref_slice %arg1[%dma_wait3A_2193, %dma_wait3A_2194, %dma_wait3A_2195, %dma_wait3A_2196] : memref<8x16x512x512xf32, #tpu.memory_space<any>> -> memref<1x1x512x512xf32, #tpu.memory_space<any>>
    %dma_wait3A_2198 = tpu.memref_squeeze %dma_wait3A_2197 : memref<1x1x512x512xf32, #tpu.memory_space<any>> -> memref<512x512xf32, #tpu.memory_space<any>>
    %dma_wait3A_2199 = arith.constant 0 : i32
    %dma_wait3A_2200 = arith.constant 0 : i32
    %dma_wait3A_2201 = tpu.memref_slice %arg2[%dma_wait3A_2192, %dma_wait3A_2199, %dma_wait3A_2200] : memref<8x512x512xf32, #tpu.memory_space<vmem>> -> memref<1x512x512xf32, #tpu.memory_space<vmem>>
    %dma_wait3A_2202 = tpu.memref_squeeze %dma_wait3A_2201 : memref<1x512x512xf32, #tpu.memory_space<vmem>> -> memref<512x512xf32, #tpu.memory_space<vmem>>
    tpu.wait_dma2 semaphore(%arg3 : memref<!tpu.dma_semaphore, #tpu.memory_space<semaphore_mem>>) src(%dma_wait3A_2202 : memref<512x512xf32, #tpu.memory_space<vmem>>) dst(%dma_wait3A_2198 : memref<512x512xf32, #tpu.memory_space<any>>)
    %dma_wait3A_2203 = arith.constant 3 : i32
    %dma_wait3A_2204 = arith.constant 3 : i32
    %dma_wait3A_2205 = arith.constant 9 : i32
    %dma_wait3A_2206 = arith.constant 0 : i32
    %dma_wait3A_2207 = arith.constant 0 : i32
    %dma_wait3A_2208 = tpu.memref_slice %arg1[%dma_wait3A_2204, %dma_wait3A_2205, %dma_wait3A_2206, %dma_wait3A_2207] : memref<8x16x512x512xf32, #tpu.memory_space<any>> -> memref<1x1x512x512xf32, #tpu.memory_space<any>>
    %dma_wait3A_2209 = tpu.memref_squeeze %dma_wait3A_2208 : memref<1x1x512x512xf32, #tpu.memory_space<any>> -> memref<512x512xf32, #tpu.memory_space<any>>
    %dma_wait3A_2210 = arith.constant 0 : i32
    %dma_wait3A_2211 = arith.constant 0 : i32
    %dma_wait3A_2212 = tpu.memref_slice %arg2[%dma_wait3A_2203, %dma_wait3A_2210, %dma_wait3A_2211] : memref<8x512x512xf32, #tpu.memory_space<vmem>> -> memref<1x512x512xf32, #tpu.memory_space<vmem>>
    %dma_wait3A_2213 = tpu.memref_squeeze %dma_wait3A_2212 : memref<1x512x512xf32, #tpu.memory_space<vmem>> -> memref<512x512xf32, #tpu.memory_space<vmem>>
    tpu.wait_dma2 semaphore(%arg3 : memref<!tpu.dma_semaphore, #tpu.memory_space<semaphore_mem>>) src(%dma_wait3A_2213 : memref<512x512xf32, #tpu.memory_space<vmem>>) dst(%dma_wait3A_2209 : memref<512x512xf32, #tpu.memory_space<any>>)
    %dma_wait3A_2214 = arith.constant 3 : i32
    %dma_wait3A_2215 = arith.constant 3 : i32
    %dma_wait3A_2216 = arith.constant 10 : i32
    %dma_wait3A_2217 = arith.constant 0 : i32
    %dma_wait3A_2218 = arith.constant 0 : i32
    %dma_wait3A_2219 = tpu.memref_slice %arg1[%dma_wait3A_2215, %dma_wait3A_2216, %dma_wait3A_2217, %dma_wait3A_2218] : memref<8x16x512x512xf32, #tpu.memory_space<any>> -> memref<1x1x512x512xf32, #tpu.memory_space<any>>
    %dma_wait3A_2220 = tpu.memref_squeeze %dma_wait3A_2219 : memref<1x1x512x512xf32, #tpu.memory_space<any>> -> memref<512x512xf32, #tpu.memory_space<any>>
    %dma_wait3A_2221 = arith.constant 0 : i32
    %dma_wait3A_2222 = arith.constant 0 : i32
    %dma_wait3A_2223 = tpu.memref_slice %arg2[%dma_wait3A_2214, %dma_wait3A_2221, %dma_wait3A_2222] : memref<8x512x512xf32, #tpu.memory_space<vmem>> -> memref<1x512x512xf32, #tpu.memory_space<vmem>>
    %dma_wait3A_2224 = tpu.memref_squeeze %dma_wait3A_2223 : memref<1x512x512xf32, #tpu.memory_space<vmem>> -> memref<512x512xf32, #tpu.memory_space<vmem>>
    tpu.wait_dma2 semaphore(%arg3 : memref<!tpu.dma_semaphore, #tpu.memory_space<semaphore_mem>>) src(%dma_wait3A_2224 : memref<512x512xf32, #tpu.memory_space<vmem>>) dst(%dma_wait3A_2220 : memref<512x512xf32, #tpu.memory_space<any>>)
    %dma_wait3A_2225 = arith.constant 3 : i32
    %dma_wait3A_2226 = arith.constant 3 : i32
    %dma_wait3A_2227 = arith.constant 11 : i32
    %dma_wait3A_2228 = arith.constant 0 : i32
    %dma_wait3A_2229 = arith.constant 0 : i32
    %dma_wait3A_2230 = tpu.memref_slice %arg1[%dma_wait3A_2226, %dma_wait3A_2227, %dma_wait3A_2228, %dma_wait3A_2229] : memref<8x16x512x512xf32, #tpu.memory_space<any>> -> memref<1x1x512x512xf32, #tpu.memory_space<any>>
    %dma_wait3A_2231 = tpu.memref_squeeze %dma_wait3A_2230 : memref<1x1x512x512xf32, #tpu.memory_space<any>> -> memref<512x512xf32, #tpu.memory_space<any>>
    %dma_wait3A_2232 = arith.constant 0 : i32
    %dma_wait3A_2233 = arith.constant 0 : i32
    %dma_wait3A_2234 = tpu.memref_slice %arg2[%dma_wait3A_2225, %dma_wait3A_2232, %dma_wait3A_2233] : memref<8x512x512xf32, #tpu.memory_space<vmem>> -> memref<1x512x512xf32, #tpu.memory_space<vmem>>
    %dma_wait3A_2235 = tpu.memref_squeeze %dma_wait3A_2234 : memref<1x512x512xf32, #tpu.memory_space<vmem>> -> memref<512x512xf32, #tpu.memory_space<vmem>>
    tpu.wait_dma2 semaphore(%arg3 : memref<!tpu.dma_semaphore, #tpu.memory_space<semaphore_mem>>) src(%dma_wait3A_2235 : memref<512x512xf32, #tpu.memory_space<vmem>>) dst(%dma_wait3A_2231 : memref<512x512xf32, #tpu.memory_space<any>>)
    %dma_wait3A_2236 = arith.constant 3 : i32
    %dma_wait3A_2237 = arith.constant 3 : i32
    %dma_wait3A_2238 = arith.constant 12 : i32
    %dma_wait3A_2239 = arith.constant 0 : i32
    %dma_wait3A_2240 = arith.constant 0 : i32
    %dma_wait3A_2241 = tpu.memref_slice %arg1[%dma_wait3A_2237, %dma_wait3A_2238, %dma_wait3A_2239, %dma_wait3A_2240] : memref<8x16x512x512xf32, #tpu.memory_space<any>> -> memref<1x1x512x512xf32, #tpu.memory_space<any>>
    %dma_wait3A_2242 = tpu.memref_squeeze %dma_wait3A_2241 : memref<1x1x512x512xf32, #tpu.memory_space<any>> -> memref<512x512xf32, #tpu.memory_space<any>>
    %dma_wait3A_2243 = arith.constant 0 : i32
    %dma_wait3A_2244 = arith.constant 0 : i32
    %dma_wait3A_2245 = tpu.memref_slice %arg2[%dma_wait3A_2236, %dma_wait3A_2243, %dma_wait3A_2244] : memref<8x512x512xf32, #tpu.memory_space<vmem>> -> memref<1x512x512xf32, #tpu.memory_space<vmem>>
    %dma_wait3A_2246 = tpu.memref_squeeze %dma_wait3A_2245 : memref<1x512x512xf32, #tpu.memory_space<vmem>> -> memref<512x512xf32, #tpu.memory_space<vmem>>
    tpu.wait_dma2 semaphore(%arg3 : memref<!tpu.dma_semaphore, #tpu.memory_space<semaphore_mem>>) src(%dma_wait3A_2246 : memref<512x512xf32, #tpu.memory_space<vmem>>) dst(%dma_wait3A_2242 : memref<512x512xf32, #tpu.memory_space<any>>)
    %dma_wait3A_2247 = arith.constant 3 : i32
    %dma_wait3A_2248 = arith.constant 3 : i32
    %dma_wait3A_2249 = arith.constant 13 : i32
    %dma_wait3A_2250 = arith.constant 0 : i32
    %dma_wait3A_2251 = arith.constant 0 : i32
    %dma_wait3A_2252 = tpu.memref_slice %arg1[%dma_wait3A_2248, %dma_wait3A_2249, %dma_wait3A_2250, %dma_wait3A_2251] : memref<8x16x512x512xf32, #tpu.memory_space<any>> -> memref<1x1x512x512xf32, #tpu.memory_space<any>>
    %dma_wait3A_2253 = tpu.memref_squeeze %dma_wait3A_2252 : memref<1x1x512x512xf32, #tpu.memory_space<any>> -> memref<512x512xf32, #tpu.memory_space<any>>
    %dma_wait3A_2254 = arith.constant 0 : i32
    %dma_wait3A_2255 = arith.constant 0 : i32
    %dma_wait3A_2256 = tpu.memref_slice %arg2[%dma_wait3A_2247, %dma_wait3A_2254, %dma_wait3A_2255] : memref<8x512x512xf32, #tpu.memory_space<vmem>> -> memref<1x512x512xf32, #tpu.memory_space<vmem>>
    %dma_wait3A_2257 = tpu.memref_squeeze %dma_wait3A_2256 : memref<1x512x512xf32, #tpu.memory_space<vmem>> -> memref<512x512xf32, #tpu.memory_space<vmem>>
    tpu.wait_dma2 semaphore(%arg3 : memref<!tpu.dma_semaphore, #tpu.memory_space<semaphore_mem>>) src(%dma_wait3A_2257 : memref<512x512xf32, #tpu.memory_space<vmem>>) dst(%dma_wait3A_2253 : memref<512x512xf32, #tpu.memory_space<any>>)
    %dma_wait3A_2258 = arith.constant 3 : i32
    %dma_wait3A_2259 = arith.constant 3 : i32
    %dma_wait3A_2260 = arith.constant 14 : i32
    %dma_wait3A_2261 = arith.constant 0 : i32
    %dma_wait3A_2262 = arith.constant 0 : i32
    %dma_wait3A_2263 = tpu.memref_slice %arg1[%dma_wait3A_2259, %dma_wait3A_2260, %dma_wait3A_2261, %dma_wait3A_2262] : memref<8x16x512x512xf32, #tpu.memory_space<any>> -> memref<1x1x512x512xf32, #tpu.memory_space<any>>
    %dma_wait3A_2264 = tpu.memref_squeeze %dma_wait3A_2263 : memref<1x1x512x512xf32, #tpu.memory_space<any>> -> memref<512x512xf32, #tpu.memory_space<any>>
    %dma_wait3A_2265 = arith.constant 0 : i32
    %dma_wait3A_2266 = arith.constant 0 : i32
    %dma_wait3A_2267 = tpu.memref_slice %arg2[%dma_wait3A_2258, %dma_wait3A_2265, %dma_wait3A_2266] : memref<8x512x512xf32, #tpu.memory_space<vmem>> -> memref<1x512x512xf32, #tpu.memory_space<vmem>>
    %dma_wait3A_2268 = tpu.memref_squeeze %dma_wait3A_2267 : memref<1x512x512xf32, #tpu.memory_space<vmem>> -> memref<512x512xf32, #tpu.memory_space<vmem>>
    tpu.wait_dma2 semaphore(%arg3 : memref<!tpu.dma_semaphore, #tpu.memory_space<semaphore_mem>>) src(%dma_wait3A_2268 : memref<512x512xf32, #tpu.memory_space<vmem>>) dst(%dma_wait3A_2264 : memref<512x512xf32, #tpu.memory_space<any>>)
    %dma_wait3A_2269 = arith.constant 3 : i32
    %dma_wait3A_2270 = arith.constant 3 : i32
    %dma_wait3A_2271 = arith.constant 15 : i32
    %dma_wait3A_2272 = arith.constant 0 : i32
    %dma_wait3A_2273 = arith.constant 0 : i32
    %dma_wait3A_2274 = tpu.memref_slice %arg1[%dma_wait3A_2270, %dma_wait3A_2271, %dma_wait3A_2272, %dma_wait3A_2273] : memref<8x16x512x512xf32, #tpu.memory_space<any>> -> memref<1x1x512x512xf32, #tpu.memory_space<any>>
    %dma_wait3A_2275 = tpu.memref_squeeze %dma_wait3A_2274 : memref<1x1x512x512xf32, #tpu.memory_space<any>> -> memref<512x512xf32, #tpu.memory_space<any>>
    %dma_wait3A_2276 = arith.constant 0 : i32
    %dma_wait3A_2277 = arith.constant 0 : i32
    %dma_wait3A_2278 = tpu.memref_slice %arg2[%dma_wait3A_2269, %dma_wait3A_2276, %dma_wait3A_2277] : memref<8x512x512xf32, #tpu.memory_space<vmem>> -> memref<1x512x512xf32, #tpu.memory_space<vmem>>
    %dma_wait3A_2279 = tpu.memref_squeeze %dma_wait3A_2278 : memref<1x512x512xf32, #tpu.memory_space<vmem>> -> memref<512x512xf32, #tpu.memory_space<vmem>>
    tpu.wait_dma2 semaphore(%arg3 : memref<!tpu.dma_semaphore, #tpu.memory_space<semaphore_mem>>) src(%dma_wait3A_2279 : memref<512x512xf32, #tpu.memory_space<vmem>>) dst(%dma_wait3A_2275 : memref<512x512xf32, #tpu.memory_space<any>>)
    %dma_wait3A_2280 = arith.constant 4 : i32
    %dma_wait3A_2281 = arith.constant 4 : i32
    %dma_wait3A_2282 = arith.constant 0 : i32
    %dma_wait3A_2283 = arith.constant 0 : i32
    %dma_wait3A_2284 = arith.constant 0 : i32
    %dma_wait3A_2285 = tpu.memref_slice %arg1[%dma_wait3A_2281, %dma_wait3A_2282, %dma_wait3A_2283, %dma_wait3A_2284] : memref<8x16x512x512xf32, #tpu.memory_space<any>> -> memref<1x1x512x512xf32, #tpu.memory_space<any>>
    %dma_wait3A_2286 = tpu.memref_squeeze %dma_wait3A_2285 : memref<1x1x512x512xf32, #tpu.memory_space<any>> -> memref<512x512xf32, #tpu.memory_space<any>>
    %dma_wait3A_2287 = arith.constant 0 : i32
    %dma_wait3A_2288 = arith.constant 0 : i32
    %dma_wait3A_2289 = tpu.memref_slice %arg2[%dma_wait3A_2280, %dma_wait3A_2287, %dma_wait3A_2288] : memref<8x512x512xf32, #tpu.memory_space<vmem>> -> memref<1x512x512xf32, #tpu.memory_space<vmem>>
    %dma_wait3A_2290 = tpu.memref_squeeze %dma_wait3A_2289 : memref<1x512x512xf32, #tpu.memory_space<vmem>> -> memref<512x512xf32, #tpu.memory_space<vmem>>
    tpu.wait_dma2 semaphore(%arg3 : memref<!tpu.dma_semaphore, #tpu.memory_space<semaphore_mem>>) src(%dma_wait3A_2290 : memref<512x512xf32, #tpu.memory_space<vmem>>) dst(%dma_wait3A_2286 : memref<512x512xf32, #tpu.memory_space<any>>)
    %dma_wait3A_2291 = arith.constant 4 : i32
    %dma_wait3A_2292 = arith.constant 4 : i32
    %dma_wait3A_2293 = arith.constant 1 : i32
    %dma_wait3A_2294 = arith.constant 0 : i32
    %dma_wait3A_2295 = arith.constant 0 : i32
    %dma_wait3A_2296 = tpu.memref_slice %arg1[%dma_wait3A_2292, %dma_wait3A_2293, %dma_wait3A_2294, %dma_wait3A_2295] : memref<8x16x512x512xf32, #tpu.memory_space<any>> -> memref<1x1x512x512xf32, #tpu.memory_space<any>>
    %dma_wait3A_2297 = tpu.memref_squeeze %dma_wait3A_2296 : memref<1x1x512x512xf32, #tpu.memory_space<any>> -> memref<512x512xf32, #tpu.memory_space<any>>
    %dma_wait3A_2298 = arith.constant 0 : i32
    %dma_wait3A_2299 = arith.constant 0 : i32
    %dma_wait3A_2300 = tpu.memref_slice %arg2[%dma_wait3A_2291, %dma_wait3A_2298, %dma_wait3A_2299] : memref<8x512x512xf32, #tpu.memory_space<vmem>> -> memref<1x512x512xf32, #tpu.memory_space<vmem>>
    %dma_wait3A_2301 = tpu.memref_squeeze %dma_wait3A_2300 : memref<1x512x512xf32, #tpu.memory_space<vmem>> -> memref<512x512xf32, #tpu.memory_space<vmem>>
    tpu.wait_dma2 semaphore(%arg3 : memref<!tpu.dma_semaphore, #tpu.memory_space<semaphore_mem>>) src(%dma_wait3A_2301 : memref<512x512xf32, #tpu.memory_space<vmem>>) dst(%dma_wait3A_2297 : memref<512x512xf32, #tpu.memory_space<any>>)
    %dma_wait3A_2302 = arith.constant 4 : i32
    %dma_wait3A_2303 = arith.constant 4 : i32
    %dma_wait3A_2304 = arith.constant 2 : i32
    %dma_wait3A_2305 = arith.constant 0 : i32
    %dma_wait3A_2306 = arith.constant 0 : i32
    %dma_wait3A_2307 = tpu.memref_slice %arg1[%dma_wait3A_2303, %dma_wait3A_2304, %dma_wait3A_2305, %dma_wait3A_2306] : memref<8x16x512x512xf32, #tpu.memory_space<any>> -> memref<1x1x512x512xf32, #tpu.memory_space<any>>
    %dma_wait3A_2308 = tpu.memref_squeeze %dma_wait3A_2307 : memref<1x1x512x512xf32, #tpu.memory_space<any>> -> memref<512x512xf32, #tpu.memory_space<any>>
    %dma_wait3A_2309 = arith.constant 0 : i32
    %dma_wait3A_2310 = arith.constant 0 : i32
    %dma_wait3A_2311 = tpu.memref_slice %arg2[%dma_wait3A_2302, %dma_wait3A_2309, %dma_wait3A_2310] : memref<8x512x512xf32, #tpu.memory_space<vmem>> -> memref<1x512x512xf32, #tpu.memory_space<vmem>>
    %dma_wait3A_2312 = tpu.memref_squeeze %dma_wait3A_2311 : memref<1x512x512xf32, #tpu.memory_space<vmem>> -> memref<512x512xf32, #tpu.memory_space<vmem>>
    tpu.wait_dma2 semaphore(%arg3 : memref<!tpu.dma_semaphore, #tpu.memory_space<semaphore_mem>>) src(%dma_wait3A_2312 : memref<512x512xf32, #tpu.memory_space<vmem>>) dst(%dma_wait3A_2308 : memref<512x512xf32, #tpu.memory_space<any>>)
    %dma_wait3A_2313 = arith.constant 4 : i32
    %dma_wait3A_2314 = arith.constant 4 : i32
    %dma_wait3A_2315 = arith.constant 3 : i32
    %dma_wait3A_2316 = arith.constant 0 : i32
    %dma_wait3A_2317 = arith.constant 0 : i32
    %dma_wait3A_2318 = tpu.memref_slice %arg1[%dma_wait3A_2314, %dma_wait3A_2315, %dma_wait3A_2316, %dma_wait3A_2317] : memref<8x16x512x512xf32, #tpu.memory_space<any>> -> memref<1x1x512x512xf32, #tpu.memory_space<any>>
    %dma_wait3A_2319 = tpu.memref_squeeze %dma_wait3A_2318 : memref<1x1x512x512xf32, #tpu.memory_space<any>> -> memref<512x512xf32, #tpu.memory_space<any>>
    %dma_wait3A_2320 = arith.constant 0 : i32
    %dma_wait3A_2321 = arith.constant 0 : i32
    %dma_wait3A_2322 = tpu.memref_slice %arg2[%dma_wait3A_2313, %dma_wait3A_2320, %dma_wait3A_2321] : memref<8x512x512xf32, #tpu.memory_space<vmem>> -> memref<1x512x512xf32, #tpu.memory_space<vmem>>
    %dma_wait3A_2323 = tpu.memref_squeeze %dma_wait3A_2322 : memref<1x512x512xf32, #tpu.memory_space<vmem>> -> memref<512x512xf32, #tpu.memory_space<vmem>>
    tpu.wait_dma2 semaphore(%arg3 : memref<!tpu.dma_semaphore, #tpu.memory_space<semaphore_mem>>) src(%dma_wait3A_2323 : memref<512x512xf32, #tpu.memory_space<vmem>>) dst(%dma_wait3A_2319 : memref<512x512xf32, #tpu.memory_space<any>>)
    %dma_wait3A_2324 = arith.constant 4 : i32
    %dma_wait3A_2325 = arith.constant 4 : i32
    %dma_wait3A_2326 = arith.constant 4 : i32
    %dma_wait3A_2327 = arith.constant 0 : i32
    %dma_wait3A_2328 = arith.constant 0 : i32
    %dma_wait3A_2329 = tpu.memref_slice %arg1[%dma_wait3A_2325, %dma_wait3A_2326, %dma_wait3A_2327, %dma_wait3A_2328] : memref<8x16x512x512xf32, #tpu.memory_space<any>> -> memref<1x1x512x512xf32, #tpu.memory_space<any>>
    %dma_wait3A_2330 = tpu.memref_squeeze %dma_wait3A_2329 : memref<1x1x512x512xf32, #tpu.memory_space<any>> -> memref<512x512xf32, #tpu.memory_space<any>>
    %dma_wait3A_2331 = arith.constant 0 : i32
    %dma_wait3A_2332 = arith.constant 0 : i32
    %dma_wait3A_2333 = tpu.memref_slice %arg2[%dma_wait3A_2324, %dma_wait3A_2331, %dma_wait3A_2332] : memref<8x512x512xf32, #tpu.memory_space<vmem>> -> memref<1x512x512xf32, #tpu.memory_space<vmem>>
    %dma_wait3A_2334 = tpu.memref_squeeze %dma_wait3A_2333 : memref<1x512x512xf32, #tpu.memory_space<vmem>> -> memref<512x512xf32, #tpu.memory_space<vmem>>
    tpu.wait_dma2 semaphore(%arg3 : memref<!tpu.dma_semaphore, #tpu.memory_space<semaphore_mem>>) src(%dma_wait3A_2334 : memref<512x512xf32, #tpu.memory_space<vmem>>) dst(%dma_wait3A_2330 : memref<512x512xf32, #tpu.memory_space<any>>)
    %dma_wait3A_2335 = arith.constant 4 : i32
    %dma_wait3A_2336 = arith.constant 4 : i32
    %dma_wait3A_2337 = arith.constant 5 : i32
    %dma_wait3A_2338 = arith.constant 0 : i32
    %dma_wait3A_2339 = arith.constant 0 : i32
    %dma_wait3A_2340 = tpu.memref_slice %arg1[%dma_wait3A_2336, %dma_wait3A_2337, %dma_wait3A_2338, %dma_wait3A_2339] : memref<8x16x512x512xf32, #tpu.memory_space<any>> -> memref<1x1x512x512xf32, #tpu.memory_space<any>>
    %dma_wait3A_2341 = tpu.memref_squeeze %dma_wait3A_2340 : memref<1x1x512x512xf32, #tpu.memory_space<any>> -> memref<512x512xf32, #tpu.memory_space<any>>
    %dma_wait3A_2342 = arith.constant 0 : i32
    %dma_wait3A_2343 = arith.constant 0 : i32
    %dma_wait3A_2344 = tpu.memref_slice %arg2[%dma_wait3A_2335, %dma_wait3A_2342, %dma_wait3A_2343] : memref<8x512x512xf32, #tpu.memory_space<vmem>> -> memref<1x512x512xf32, #tpu.memory_space<vmem>>
    %dma_wait3A_2345 = tpu.memref_squeeze %dma_wait3A_2344 : memref<1x512x512xf32, #tpu.memory_space<vmem>> -> memref<512x512xf32, #tpu.memory_space<vmem>>
    tpu.wait_dma2 semaphore(%arg3 : memref<!tpu.dma_semaphore, #tpu.memory_space<semaphore_mem>>) src(%dma_wait3A_2345 : memref<512x512xf32, #tpu.memory_space<vmem>>) dst(%dma_wait3A_2341 : memref<512x512xf32, #tpu.memory_space<any>>)
    %dma_wait3A_2346 = arith.constant 4 : i32
    %dma_wait3A_2347 = arith.constant 4 : i32
    %dma_wait3A_2348 = arith.constant 6 : i32
    %dma_wait3A_2349 = arith.constant 0 : i32
    %dma_wait3A_2350 = arith.constant 0 : i32
    %dma_wait3A_2351 = tpu.memref_slice %arg1[%dma_wait3A_2347, %dma_wait3A_2348, %dma_wait3A_2349, %dma_wait3A_2350] : memref<8x16x512x512xf32, #tpu.memory_space<any>> -> memref<1x1x512x512xf32, #tpu.memory_space<any>>
    %dma_wait3A_2352 = tpu.memref_squeeze %dma_wait3A_2351 : memref<1x1x512x512xf32, #tpu.memory_space<any>> -> memref<512x512xf32, #tpu.memory_space<any>>
    %dma_wait3A_2353 = arith.constant 0 : i32
    %dma_wait3A_2354 = arith.constant 0 : i32
    %dma_wait3A_2355 = tpu.memref_slice %arg2[%dma_wait3A_2346, %dma_wait3A_2353, %dma_wait3A_2354] : memref<8x512x512xf32, #tpu.memory_space<vmem>> -> memref<1x512x512xf32, #tpu.memory_space<vmem>>
    %dma_wait3A_2356 = tpu.memref_squeeze %dma_wait3A_2355 : memref<1x512x512xf32, #tpu.memory_space<vmem>> -> memref<512x512xf32, #tpu.memory_space<vmem>>
    tpu.wait_dma2 semaphore(%arg3 : memref<!tpu.dma_semaphore, #tpu.memory_space<semaphore_mem>>) src(%dma_wait3A_2356 : memref<512x512xf32, #tpu.memory_space<vmem>>) dst(%dma_wait3A_2352 : memref<512x512xf32, #tpu.memory_space<any>>)
    %dma_wait3A_2357 = arith.constant 4 : i32
    %dma_wait3A_2358 = arith.constant 4 : i32
    %dma_wait3A_2359 = arith.constant 7 : i32
    %dma_wait3A_2360 = arith.constant 0 : i32
    %dma_wait3A_2361 = arith.constant 0 : i32
    %dma_wait3A_2362 = tpu.memref_slice %arg1[%dma_wait3A_2358, %dma_wait3A_2359, %dma_wait3A_2360, %dma_wait3A_2361] : memref<8x16x512x512xf32, #tpu.memory_space<any>> -> memref<1x1x512x512xf32, #tpu.memory_space<any>>
    %dma_wait3A_2363 = tpu.memref_squeeze %dma_wait3A_2362 : memref<1x1x512x512xf32, #tpu.memory_space<any>> -> memref<512x512xf32, #tpu.memory_space<any>>
    %dma_wait3A_2364 = arith.constant 0 : i32
    %dma_wait3A_2365 = arith.constant 0 : i32
    %dma_wait3A_2366 = tpu.memref_slice %arg2[%dma_wait3A_2357, %dma_wait3A_2364, %dma_wait3A_2365] : memref<8x512x512xf32, #tpu.memory_space<vmem>> -> memref<1x512x512xf32, #tpu.memory_space<vmem>>
    %dma_wait3A_2367 = tpu.memref_squeeze %dma_wait3A_2366 : memref<1x512x512xf32, #tpu.memory_space<vmem>> -> memref<512x512xf32, #tpu.memory_space<vmem>>
    tpu.wait_dma2 semaphore(%arg3 : memref<!tpu.dma_semaphore, #tpu.memory_space<semaphore_mem>>) src(%dma_wait3A_2367 : memref<512x512xf32, #tpu.memory_space<vmem>>) dst(%dma_wait3A_2363 : memref<512x512xf32, #tpu.memory_space<any>>)
    %dma_wait3A_2368 = arith.constant 4 : i32
    %dma_wait3A_2369 = arith.constant 4 : i32
    %dma_wait3A_2370 = arith.constant 8 : i32
    %dma_wait3A_2371 = arith.constant 0 : i32
    %dma_wait3A_2372 = arith.constant 0 : i32
    %dma_wait3A_2373 = tpu.memref_slice %arg1[%dma_wait3A_2369, %dma_wait3A_2370, %dma_wait3A_2371, %dma_wait3A_2372] : memref<8x16x512x512xf32, #tpu.memory_space<any>> -> memref<1x1x512x512xf32, #tpu.memory_space<any>>
    %dma_wait3A_2374 = tpu.memref_squeeze %dma_wait3A_2373 : memref<1x1x512x512xf32, #tpu.memory_space<any>> -> memref<512x512xf32, #tpu.memory_space<any>>
    %dma_wait3A_2375 = arith.constant 0 : i32
    %dma_wait3A_2376 = arith.constant 0 : i32
    %dma_wait3A_2377 = tpu.memref_slice %arg2[%dma_wait3A_2368, %dma_wait3A_2375, %dma_wait3A_2376] : memref<8x512x512xf32, #tpu.memory_space<vmem>> -> memref<1x512x512xf32, #tpu.memory_space<vmem>>
    %dma_wait3A_2378 = tpu.memref_squeeze %dma_wait3A_2377 : memref<1x512x512xf32, #tpu.memory_space<vmem>> -> memref<512x512xf32, #tpu.memory_space<vmem>>
    tpu.wait_dma2 semaphore(%arg3 : memref<!tpu.dma_semaphore, #tpu.memory_space<semaphore_mem>>) src(%dma_wait3A_2378 : memref<512x512xf32, #tpu.memory_space<vmem>>) dst(%dma_wait3A_2374 : memref<512x512xf32, #tpu.memory_space<any>>)
    %dma_wait3A_2379 = arith.constant 4 : i32
    %dma_wait3A_2380 = arith.constant 4 : i32
    %dma_wait3A_2381 = arith.constant 9 : i32
    %dma_wait3A_2382 = arith.constant 0 : i32
    %dma_wait3A_2383 = arith.constant 0 : i32
    %dma_wait3A_2384 = tpu.memref_slice %arg1[%dma_wait3A_2380, %dma_wait3A_2381, %dma_wait3A_2382, %dma_wait3A_2383] : memref<8x16x512x512xf32, #tpu.memory_space<any>> -> memref<1x1x512x512xf32, #tpu.memory_space<any>>
    %dma_wait3A_2385 = tpu.memref_squeeze %dma_wait3A_2384 : memref<1x1x512x512xf32, #tpu.memory_space<any>> -> memref<512x512xf32, #tpu.memory_space<any>>
    %dma_wait3A_2386 = arith.constant 0 : i32
    %dma_wait3A_2387 = arith.constant 0 : i32
    %dma_wait3A_2388 = tpu.memref_slice %arg2[%dma_wait3A_2379, %dma_wait3A_2386, %dma_wait3A_2387] : memref<8x512x512xf32, #tpu.memory_space<vmem>> -> memref<1x512x512xf32, #tpu.memory_space<vmem>>
    %dma_wait3A_2389 = tpu.memref_squeeze %dma_wait3A_2388 : memref<1x512x512xf32, #tpu.memory_space<vmem>> -> memref<512x512xf32, #tpu.memory_space<vmem>>
    tpu.wait_dma2 semaphore(%arg3 : memref<!tpu.dma_semaphore, #tpu.memory_space<semaphore_mem>>) src(%dma_wait3A_2389 : memref<512x512xf32, #tpu.memory_space<vmem>>) dst(%dma_wait3A_2385 : memref<512x512xf32, #tpu.memory_space<any>>)
    %dma_wait3A_2390 = arith.constant 4 : i32
    %dma_wait3A_2391 = arith.constant 4 : i32
    %dma_wait3A_2392 = arith.constant 10 : i32
    %dma_wait3A_2393 = arith.constant 0 : i32
    %dma_wait3A_2394 = arith.constant 0 : i32
    %dma_wait3A_2395 = tpu.memref_slice %arg1[%dma_wait3A_2391, %dma_wait3A_2392, %dma_wait3A_2393, %dma_wait3A_2394] : memref<8x16x512x512xf32, #tpu.memory_space<any>> -> memref<1x1x512x512xf32, #tpu.memory_space<any>>
    %dma_wait3A_2396 = tpu.memref_squeeze %dma_wait3A_2395 : memref<1x1x512x512xf32, #tpu.memory_space<any>> -> memref<512x512xf32, #tpu.memory_space<any>>
    %dma_wait3A_2397 = arith.constant 0 : i32
    %dma_wait3A_2398 = arith.constant 0 : i32
    %dma_wait3A_2399 = tpu.memref_slice %arg2[%dma_wait3A_2390, %dma_wait3A_2397, %dma_wait3A_2398] : memref<8x512x512xf32, #tpu.memory_space<vmem>> -> memref<1x512x512xf32, #tpu.memory_space<vmem>>
    %dma_wait3A_2400 = tpu.memref_squeeze %dma_wait3A_2399 : memref<1x512x512xf32, #tpu.memory_space<vmem>> -> memref<512x512xf32, #tpu.memory_space<vmem>>
    tpu.wait_dma2 semaphore(%arg3 : memref<!tpu.dma_semaphore, #tpu.memory_space<semaphore_mem>>) src(%dma_wait3A_2400 : memref<512x512xf32, #tpu.memory_space<vmem>>) dst(%dma_wait3A_2396 : memref<512x512xf32, #tpu.memory_space<any>>)
    %dma_wait3A_2401 = arith.constant 4 : i32
    %dma_wait3A_2402 = arith.constant 4 : i32
    %dma_wait3A_2403 = arith.constant 11 : i32
    %dma_wait3A_2404 = arith.constant 0 : i32
    %dma_wait3A_2405 = arith.constant 0 : i32
    %dma_wait3A_2406 = tpu.memref_slice %arg1[%dma_wait3A_2402, %dma_wait3A_2403, %dma_wait3A_2404, %dma_wait3A_2405] : memref<8x16x512x512xf32, #tpu.memory_space<any>> -> memref<1x1x512x512xf32, #tpu.memory_space<any>>
    %dma_wait3A_2407 = tpu.memref_squeeze %dma_wait3A_2406 : memref<1x1x512x512xf32, #tpu.memory_space<any>> -> memref<512x512xf32, #tpu.memory_space<any>>
    %dma_wait3A_2408 = arith.constant 0 : i32
    %dma_wait3A_2409 = arith.constant 0 : i32
    %dma_wait3A_2410 = tpu.memref_slice %arg2[%dma_wait3A_2401, %dma_wait3A_2408, %dma_wait3A_2409] : memref<8x512x512xf32, #tpu.memory_space<vmem>> -> memref<1x512x512xf32, #tpu.memory_space<vmem>>
    %dma_wait3A_2411 = tpu.memref_squeeze %dma_wait3A_2410 : memref<1x512x512xf32, #tpu.memory_space<vmem>> -> memref<512x512xf32, #tpu.memory_space<vmem>>
    tpu.wait_dma2 semaphore(%arg3 : memref<!tpu.dma_semaphore, #tpu.memory_space<semaphore_mem>>) src(%dma_wait3A_2411 : memref<512x512xf32, #tpu.memory_space<vmem>>) dst(%dma_wait3A_2407 : memref<512x512xf32, #tpu.memory_space<any>>)
    %dma_wait3A_2412 = arith.constant 4 : i32
    %dma_wait3A_2413 = arith.constant 4 : i32
    %dma_wait3A_2414 = arith.constant 12 : i32
    %dma_wait3A_2415 = arith.constant 0 : i32
    %dma_wait3A_2416 = arith.constant 0 : i32
    %dma_wait3A_2417 = tpu.memref_slice %arg1[%dma_wait3A_2413, %dma_wait3A_2414, %dma_wait3A_2415, %dma_wait3A_2416] : memref<8x16x512x512xf32, #tpu.memory_space<any>> -> memref<1x1x512x512xf32, #tpu.memory_space<any>>
    %dma_wait3A_2418 = tpu.memref_squeeze %dma_wait3A_2417 : memref<1x1x512x512xf32, #tpu.memory_space<any>> -> memref<512x512xf32, #tpu.memory_space<any>>
    %dma_wait3A_2419 = arith.constant 0 : i32
    %dma_wait3A_2420 = arith.constant 0 : i32
    %dma_wait3A_2421 = tpu.memref_slice %arg2[%dma_wait3A_2412, %dma_wait3A_2419, %dma_wait3A_2420] : memref<8x512x512xf32, #tpu.memory_space<vmem>> -> memref<1x512x512xf32, #tpu.memory_space<vmem>>
    %dma_wait3A_2422 = tpu.memref_squeeze %dma_wait3A_2421 : memref<1x512x512xf32, #tpu.memory_space<vmem>> -> memref<512x512xf32, #tpu.memory_space<vmem>>
    tpu.wait_dma2 semaphore(%arg3 : memref<!tpu.dma_semaphore, #tpu.memory_space<semaphore_mem>>) src(%dma_wait3A_2422 : memref<512x512xf32, #tpu.memory_space<vmem>>) dst(%dma_wait3A_2418 : memref<512x512xf32, #tpu.memory_space<any>>)
    %dma_wait3A_2423 = arith.constant 4 : i32
    %dma_wait3A_2424 = arith.constant 4 : i32
    %dma_wait3A_2425 = arith.constant 13 : i32
    %dma_wait3A_2426 = arith.constant 0 : i32
    %dma_wait3A_2427 = arith.constant 0 : i32
    %dma_wait3A_2428 = tpu.memref_slice %arg1[%dma_wait3A_2424, %dma_wait3A_2425, %dma_wait3A_2426, %dma_wait3A_2427] : memref<8x16x512x512xf32, #tpu.memory_space<any>> -> memref<1x1x512x512xf32, #tpu.memory_space<any>>
    %dma_wait3A_2429 = tpu.memref_squeeze %dma_wait3A_2428 : memref<1x1x512x512xf32, #tpu.memory_space<any>> -> memref<512x512xf32, #tpu.memory_space<any>>
    %dma_wait3A_2430 = arith.constant 0 : i32
    %dma_wait3A_2431 = arith.constant 0 : i32
    %dma_wait3A_2432 = tpu.memref_slice %arg2[%dma_wait3A_2423, %dma_wait3A_2430, %dma_wait3A_2431] : memref<8x512x512xf32, #tpu.memory_space<vmem>> -> memref<1x512x512xf32, #tpu.memory_space<vmem>>
    %dma_wait3A_2433 = tpu.memref_squeeze %dma_wait3A_2432 : memref<1x512x512xf32, #tpu.memory_space<vmem>> -> memref<512x512xf32, #tpu.memory_space<vmem>>
    tpu.wait_dma2 semaphore(%arg3 : memref<!tpu.dma_semaphore, #tpu.memory_space<semaphore_mem>>) src(%dma_wait3A_2433 : memref<512x512xf32, #tpu.memory_space<vmem>>) dst(%dma_wait3A_2429 : memref<512x512xf32, #tpu.memory_space<any>>)
    %dma_wait3A_2434 = arith.constant 4 : i32
    %dma_wait3A_2435 = arith.constant 4 : i32
    %dma_wait3A_2436 = arith.constant 14 : i32
    %dma_wait3A_2437 = arith.constant 0 : i32
    %dma_wait3A_2438 = arith.constant 0 : i32
    %dma_wait3A_2439 = tpu.memref_slice %arg1[%dma_wait3A_2435, %dma_wait3A_2436, %dma_wait3A_2437, %dma_wait3A_2438] : memref<8x16x512x512xf32, #tpu.memory_space<any>> -> memref<1x1x512x512xf32, #tpu.memory_space<any>>
    %dma_wait3A_2440 = tpu.memref_squeeze %dma_wait3A_2439 : memref<1x1x512x512xf32, #tpu.memory_space<any>> -> memref<512x512xf32, #tpu.memory_space<any>>
    %dma_wait3A_2441 = arith.constant 0 : i32
    %dma_wait3A_2442 = arith.constant 0 : i32
    %dma_wait3A_2443 = tpu.memref_slice %arg2[%dma_wait3A_2434, %dma_wait3A_2441, %dma_wait3A_2442] : memref<8x512x512xf32, #tpu.memory_space<vmem>> -> memref<1x512x512xf32, #tpu.memory_space<vmem>>
    %dma_wait3A_2444 = tpu.memref_squeeze %dma_wait3A_2443 : memref<1x512x512xf32, #tpu.memory_space<vmem>> -> memref<512x512xf32, #tpu.memory_space<vmem>>
    tpu.wait_dma2 semaphore(%arg3 : memref<!tpu.dma_semaphore, #tpu.memory_space<semaphore_mem>>) src(%dma_wait3A_2444 : memref<512x512xf32, #tpu.memory_space<vmem>>) dst(%dma_wait3A_2440 : memref<512x512xf32, #tpu.memory_space<any>>)
    %dma_wait3A_2445 = arith.constant 4 : i32
    %dma_wait3A_2446 = arith.constant 4 : i32
    %dma_wait3A_2447 = arith.constant 15 : i32
    %dma_wait3A_2448 = arith.constant 0 : i32
    %dma_wait3A_2449 = arith.constant 0 : i32
    %dma_wait3A_2450 = tpu.memref_slice %arg1[%dma_wait3A_2446, %dma_wait3A_2447, %dma_wait3A_2448, %dma_wait3A_2449] : memref<8x16x512x512xf32, #tpu.memory_space<any>> -> memref<1x1x512x512xf32, #tpu.memory_space<any>>
    %dma_wait3A_2451 = tpu.memref_squeeze %dma_wait3A_2450 : memref<1x1x512x512xf32, #tpu.memory_space<any>> -> memref<512x512xf32, #tpu.memory_space<any>>
    %dma_wait3A_2452 = arith.constant 0 : i32
    %dma_wait3A_2453 = arith.constant 0 : i32
    %dma_wait3A_2454 = tpu.memref_slice %arg2[%dma_wait3A_2445, %dma_wait3A_2452, %dma_wait3A_2453] : memref<8x512x512xf32, #tpu.memory_space<vmem>> -> memref<1x512x512xf32, #tpu.memory_space<vmem>>
    %dma_wait3A_2455 = tpu.memref_squeeze %dma_wait3A_2454 : memref<1x512x512xf32, #tpu.memory_space<vmem>> -> memref<512x512xf32, #tpu.memory_space<vmem>>
    tpu.wait_dma2 semaphore(%arg3 : memref<!tpu.dma_semaphore, #tpu.memory_space<semaphore_mem>>) src(%dma_wait3A_2455 : memref<512x512xf32, #tpu.memory_space<vmem>>) dst(%dma_wait3A_2451 : memref<512x512xf32, #tpu.memory_space<any>>)
    %dma_wait3A_2456 = arith.constant 5 : i32
    %dma_wait3A_2457 = arith.constant 5 : i32
    %dma_wait3A_2458 = arith.constant 0 : i32
    %dma_wait3A_2459 = arith.constant 0 : i32
    %dma_wait3A_2460 = arith.constant 0 : i32
    %dma_wait3A_2461 = tpu.memref_slice %arg1[%dma_wait3A_2457, %dma_wait3A_2458, %dma_wait3A_2459, %dma_wait3A_2460] : memref<8x16x512x512xf32, #tpu.memory_space<any>> -> memref<1x1x512x512xf32, #tpu.memory_space<any>>
    %dma_wait3A_2462 = tpu.memref_squeeze %dma_wait3A_2461 : memref<1x1x512x512xf32, #tpu.memory_space<any>> -> memref<512x512xf32, #tpu.memory_space<any>>
    %dma_wait3A_2463 = arith.constant 0 : i32
    %dma_wait3A_2464 = arith.constant 0 : i32
    %dma_wait3A_2465 = tpu.memref_slice %arg2[%dma_wait3A_2456, %dma_wait3A_2463, %dma_wait3A_2464] : memref<8x512x512xf32, #tpu.memory_space<vmem>> -> memref<1x512x512xf32, #tpu.memory_space<vmem>>
    %dma_wait3A_2466 = tpu.memref_squeeze %dma_wait3A_2465 : memref<1x512x512xf32, #tpu.memory_space<vmem>> -> memref<512x512xf32, #tpu.memory_space<vmem>>
    tpu.wait_dma2 semaphore(%arg3 : memref<!tpu.dma_semaphore, #tpu.memory_space<semaphore_mem>>) src(%dma_wait3A_2466 : memref<512x512xf32, #tpu.memory_space<vmem>>) dst(%dma_wait3A_2462 : memref<512x512xf32, #tpu.memory_space<any>>)
    %dma_wait3A_2467 = arith.constant 5 : i32
    %dma_wait3A_2468 = arith.constant 5 : i32
    %dma_wait3A_2469 = arith.constant 1 : i32
    %dma_wait3A_2470 = arith.constant 0 : i32
    %dma_wait3A_2471 = arith.constant 0 : i32
    %dma_wait3A_2472 = tpu.memref_slice %arg1[%dma_wait3A_2468, %dma_wait3A_2469, %dma_wait3A_2470, %dma_wait3A_2471] : memref<8x16x512x512xf32, #tpu.memory_space<any>> -> memref<1x1x512x512xf32, #tpu.memory_space<any>>
    %dma_wait3A_2473 = tpu.memref_squeeze %dma_wait3A_2472 : memref<1x1x512x512xf32, #tpu.memory_space<any>> -> memref<512x512xf32, #tpu.memory_space<any>>
    %dma_wait3A_2474 = arith.constant 0 : i32
    %dma_wait3A_2475 = arith.constant 0 : i32
    %dma_wait3A_2476 = tpu.memref_slice %arg2[%dma_wait3A_2467, %dma_wait3A_2474, %dma_wait3A_2475] : memref<8x512x512xf32, #tpu.memory_space<vmem>> -> memref<1x512x512xf32, #tpu.memory_space<vmem>>
    %dma_wait3A_2477 = tpu.memref_squeeze %dma_wait3A_2476 : memref<1x512x512xf32, #tpu.memory_space<vmem>> -> memref<512x512xf32, #tpu.memory_space<vmem>>
    tpu.wait_dma2 semaphore(%arg3 : memref<!tpu.dma_semaphore, #tpu.memory_space<semaphore_mem>>) src(%dma_wait3A_2477 : memref<512x512xf32, #tpu.memory_space<vmem>>) dst(%dma_wait3A_2473 : memref<512x512xf32, #tpu.memory_space<any>>)
    %dma_wait3A_2478 = arith.constant 5 : i32
    %dma_wait3A_2479 = arith.constant 5 : i32
    %dma_wait3A_2480 = arith.constant 2 : i32
    %dma_wait3A_2481 = arith.constant 0 : i32
    %dma_wait3A_2482 = arith.constant 0 : i32
    %dma_wait3A_2483 = tpu.memref_slice %arg1[%dma_wait3A_2479, %dma_wait3A_2480, %dma_wait3A_2481, %dma_wait3A_2482] : memref<8x16x512x512xf32, #tpu.memory_space<any>> -> memref<1x1x512x512xf32, #tpu.memory_space<any>>
    %dma_wait3A_2484 = tpu.memref_squeeze %dma_wait3A_2483 : memref<1x1x512x512xf32, #tpu.memory_space<any>> -> memref<512x512xf32, #tpu.memory_space<any>>
    %dma_wait3A_2485 = arith.constant 0 : i32
    %dma_wait3A_2486 = arith.constant 0 : i32
    %dma_wait3A_2487 = tpu.memref_slice %arg2[%dma_wait3A_2478, %dma_wait3A_2485, %dma_wait3A_2486] : memref<8x512x512xf32, #tpu.memory_space<vmem>> -> memref<1x512x512xf32, #tpu.memory_space<vmem>>
    %dma_wait3A_2488 = tpu.memref_squeeze %dma_wait3A_2487 : memref<1x512x512xf32, #tpu.memory_space<vmem>> -> memref<512x512xf32, #tpu.memory_space<vmem>>
    tpu.wait_dma2 semaphore(%arg3 : memref<!tpu.dma_semaphore, #tpu.memory_space<semaphore_mem>>) src(%dma_wait3A_2488 : memref<512x512xf32, #tpu.memory_space<vmem>>) dst(%dma_wait3A_2484 : memref<512x512xf32, #tpu.memory_space<any>>)
    %dma_wait3A_2489 = arith.constant 5 : i32
    %dma_wait3A_2490 = arith.constant 5 : i32
    %dma_wait3A_2491 = arith.constant 3 : i32
    %dma_wait3A_2492 = arith.constant 0 : i32
    %dma_wait3A_2493 = arith.constant 0 : i32
    %dma_wait3A_2494 = tpu.memref_slice %arg1[%dma_wait3A_2490, %dma_wait3A_2491, %dma_wait3A_2492, %dma_wait3A_2493] : memref<8x16x512x512xf32, #tpu.memory_space<any>> -> memref<1x1x512x512xf32, #tpu.memory_space<any>>
    %dma_wait3A_2495 = tpu.memref_squeeze %dma_wait3A_2494 : memref<1x1x512x512xf32, #tpu.memory_space<any>> -> memref<512x512xf32, #tpu.memory_space<any>>
    %dma_wait3A_2496 = arith.constant 0 : i32
    %dma_wait3A_2497 = arith.constant 0 : i32
    %dma_wait3A_2498 = tpu.memref_slice %arg2[%dma_wait3A_2489, %dma_wait3A_2496, %dma_wait3A_2497] : memref<8x512x512xf32, #tpu.memory_space<vmem>> -> memref<1x512x512xf32, #tpu.memory_space<vmem>>
    %dma_wait3A_2499 = tpu.memref_squeeze %dma_wait3A_2498 : memref<1x512x512xf32, #tpu.memory_space<vmem>> -> memref<512x512xf32, #tpu.memory_space<vmem>>
    tpu.wait_dma2 semaphore(%arg3 : memref<!tpu.dma_semaphore, #tpu.memory_space<semaphore_mem>>) src(%dma_wait3A_2499 : memref<512x512xf32, #tpu.memory_space<vmem>>) dst(%dma_wait3A_2495 : memref<512x512xf32, #tpu.memory_space<any>>)
    %dma_wait3A_2500 = arith.constant 5 : i32
    %dma_wait3A_2501 = arith.constant 5 : i32
    %dma_wait3A_2502 = arith.constant 4 : i32
    %dma_wait3A_2503 = arith.constant 0 : i32
    %dma_wait3A_2504 = arith.constant 0 : i32
    %dma_wait3A_2505 = tpu.memref_slice %arg1[%dma_wait3A_2501, %dma_wait3A_2502, %dma_wait3A_2503, %dma_wait3A_2504] : memref<8x16x512x512xf32, #tpu.memory_space<any>> -> memref<1x1x512x512xf32, #tpu.memory_space<any>>
    %dma_wait3A_2506 = tpu.memref_squeeze %dma_wait3A_2505 : memref<1x1x512x512xf32, #tpu.memory_space<any>> -> memref<512x512xf32, #tpu.memory_space<any>>
    %dma_wait3A_2507 = arith.constant 0 : i32
    %dma_wait3A_2508 = arith.constant 0 : i32
    %dma_wait3A_2509 = tpu.memref_slice %arg2[%dma_wait3A_2500, %dma_wait3A_2507, %dma_wait3A_2508] : memref<8x512x512xf32, #tpu.memory_space<vmem>> -> memref<1x512x512xf32, #tpu.memory_space<vmem>>
    %dma_wait3A_2510 = tpu.memref_squeeze %dma_wait3A_2509 : memref<1x512x512xf32, #tpu.memory_space<vmem>> -> memref<512x512xf32, #tpu.memory_space<vmem>>
    tpu.wait_dma2 semaphore(%arg3 : memref<!tpu.dma_semaphore, #tpu.memory_space<semaphore_mem>>) src(%dma_wait3A_2510 : memref<512x512xf32, #tpu.memory_space<vmem>>) dst(%dma_wait3A_2506 : memref<512x512xf32, #tpu.memory_space<any>>)
    %dma_wait3A_2511 = arith.constant 5 : i32
    %dma_wait3A_2512 = arith.constant 5 : i32
    %dma_wait3A_2513 = arith.constant 5 : i32
    %dma_wait3A_2514 = arith.constant 0 : i32
    %dma_wait3A_2515 = arith.constant 0 : i32
    %dma_wait3A_2516 = tpu.memref_slice %arg1[%dma_wait3A_2512, %dma_wait3A_2513, %dma_wait3A_2514, %dma_wait3A_2515] : memref<8x16x512x512xf32, #tpu.memory_space<any>> -> memref<1x1x512x512xf32, #tpu.memory_space<any>>
    %dma_wait3A_2517 = tpu.memref_squeeze %dma_wait3A_2516 : memref<1x1x512x512xf32, #tpu.memory_space<any>> -> memref<512x512xf32, #tpu.memory_space<any>>
    %dma_wait3A_2518 = arith.constant 0 : i32
    %dma_wait3A_2519 = arith.constant 0 : i32
    %dma_wait3A_2520 = tpu.memref_slice %arg2[%dma_wait3A_2511, %dma_wait3A_2518, %dma_wait3A_2519] : memref<8x512x512xf32, #tpu.memory_space<vmem>> -> memref<1x512x512xf32, #tpu.memory_space<vmem>>
    %dma_wait3A_2521 = tpu.memref_squeeze %dma_wait3A_2520 : memref<1x512x512xf32, #tpu.memory_space<vmem>> -> memref<512x512xf32, #tpu.memory_space<vmem>>
    tpu.wait_dma2 semaphore(%arg3 : memref<!tpu.dma_semaphore, #tpu.memory_space<semaphore_mem>>) src(%dma_wait3A_2521 : memref<512x512xf32, #tpu.memory_space<vmem>>) dst(%dma_wait3A_2517 : memref<512x512xf32, #tpu.memory_space<any>>)
    %dma_wait3A_2522 = arith.constant 5 : i32
    %dma_wait3A_2523 = arith.constant 5 : i32
    %dma_wait3A_2524 = arith.constant 6 : i32
    %dma_wait3A_2525 = arith.constant 0 : i32
    %dma_wait3A_2526 = arith.constant 0 : i32
    %dma_wait3A_2527 = tpu.memref_slice %arg1[%dma_wait3A_2523, %dma_wait3A_2524, %dma_wait3A_2525, %dma_wait3A_2526] : memref<8x16x512x512xf32, #tpu.memory_space<any>> -> memref<1x1x512x512xf32, #tpu.memory_space<any>>
    %dma_wait3A_2528 = tpu.memref_squeeze %dma_wait3A_2527 : memref<1x1x512x512xf32, #tpu.memory_space<any>> -> memref<512x512xf32, #tpu.memory_space<any>>
    %dma_wait3A_2529 = arith.constant 0 : i32
    %dma_wait3A_2530 = arith.constant 0 : i32
    %dma_wait3A_2531 = tpu.memref_slice %arg2[%dma_wait3A_2522, %dma_wait3A_2529, %dma_wait3A_2530] : memref<8x512x512xf32, #tpu.memory_space<vmem>> -> memref<1x512x512xf32, #tpu.memory_space<vmem>>
    %dma_wait3A_2532 = tpu.memref_squeeze %dma_wait3A_2531 : memref<1x512x512xf32, #tpu.memory_space<vmem>> -> memref<512x512xf32, #tpu.memory_space<vmem>>
    tpu.wait_dma2 semaphore(%arg3 : memref<!tpu.dma_semaphore, #tpu.memory_space<semaphore_mem>>) src(%dma_wait3A_2532 : memref<512x512xf32, #tpu.memory_space<vmem>>) dst(%dma_wait3A_2528 : memref<512x512xf32, #tpu.memory_space<any>>)
    %dma_wait3A_2533 = arith.constant 5 : i32
    %dma_wait3A_2534 = arith.constant 5 : i32
    %dma_wait3A_2535 = arith.constant 7 : i32
    %dma_wait3A_2536 = arith.constant 0 : i32
    %dma_wait3A_2537 = arith.constant 0 : i32
    %dma_wait3A_2538 = tpu.memref_slice %arg1[%dma_wait3A_2534, %dma_wait3A_2535, %dma_wait3A_2536, %dma_wait3A_2537] : memref<8x16x512x512xf32, #tpu.memory_space<any>> -> memref<1x1x512x512xf32, #tpu.memory_space<any>>
    %dma_wait3A_2539 = tpu.memref_squeeze %dma_wait3A_2538 : memref<1x1x512x512xf32, #tpu.memory_space<any>> -> memref<512x512xf32, #tpu.memory_space<any>>
    %dma_wait3A_2540 = arith.constant 0 : i32
    %dma_wait3A_2541 = arith.constant 0 : i32
    %dma_wait3A_2542 = tpu.memref_slice %arg2[%dma_wait3A_2533, %dma_wait3A_2540, %dma_wait3A_2541] : memref<8x512x512xf32, #tpu.memory_space<vmem>> -> memref<1x512x512xf32, #tpu.memory_space<vmem>>
    %dma_wait3A_2543 = tpu.memref_squeeze %dma_wait3A_2542 : memref<1x512x512xf32, #tpu.memory_space<vmem>> -> memref<512x512xf32, #tpu.memory_space<vmem>>
    tpu.wait_dma2 semaphore(%arg3 : memref<!tpu.dma_semaphore, #tpu.memory_space<semaphore_mem>>) src(%dma_wait3A_2543 : memref<512x512xf32, #tpu.memory_space<vmem>>) dst(%dma_wait3A_2539 : memref<512x512xf32, #tpu.memory_space<any>>)
    %dma_wait3A_2544 = arith.constant 5 : i32
    %dma_wait3A_2545 = arith.constant 5 : i32
    %dma_wait3A_2546 = arith.constant 8 : i32
    %dma_wait3A_2547 = arith.constant 0 : i32
    %dma_wait3A_2548 = arith.constant 0 : i32
    %dma_wait3A_2549 = tpu.memref_slice %arg1[%dma_wait3A_2545, %dma_wait3A_2546, %dma_wait3A_2547, %dma_wait3A_2548] : memref<8x16x512x512xf32, #tpu.memory_space<any>> -> memref<1x1x512x512xf32, #tpu.memory_space<any>>
    %dma_wait3A_2550 = tpu.memref_squeeze %dma_wait3A_2549 : memref<1x1x512x512xf32, #tpu.memory_space<any>> -> memref<512x512xf32, #tpu.memory_space<any>>
    %dma_wait3A_2551 = arith.constant 0 : i32
    %dma_wait3A_2552 = arith.constant 0 : i32
    %dma_wait3A_2553 = tpu.memref_slice %arg2[%dma_wait3A_2544, %dma_wait3A_2551, %dma_wait3A_2552] : memref<8x512x512xf32, #tpu.memory_space<vmem>> -> memref<1x512x512xf32, #tpu.memory_space<vmem>>
    %dma_wait3A_2554 = tpu.memref_squeeze %dma_wait3A_2553 : memref<1x512x512xf32, #tpu.memory_space<vmem>> -> memref<512x512xf32, #tpu.memory_space<vmem>>
    tpu.wait_dma2 semaphore(%arg3 : memref<!tpu.dma_semaphore, #tpu.memory_space<semaphore_mem>>) src(%dma_wait3A_2554 : memref<512x512xf32, #tpu.memory_space<vmem>>) dst(%dma_wait3A_2550 : memref<512x512xf32, #tpu.memory_space<any>>)
    %dma_wait3A_2555 = arith.constant 5 : i32
    %dma_wait3A_2556 = arith.constant 5 : i32
    %dma_wait3A_2557 = arith.constant 9 : i32
    %dma_wait3A_2558 = arith.constant 0 : i32
    %dma_wait3A_2559 = arith.constant 0 : i32
    %dma_wait3A_2560 = tpu.memref_slice %arg1[%dma_wait3A_2556, %dma_wait3A_2557, %dma_wait3A_2558, %dma_wait3A_2559] : memref<8x16x512x512xf32, #tpu.memory_space<any>> -> memref<1x1x512x512xf32, #tpu.memory_space<any>>
    %dma_wait3A_2561 = tpu.memref_squeeze %dma_wait3A_2560 : memref<1x1x512x512xf32, #tpu.memory_space<any>> -> memref<512x512xf32, #tpu.memory_space<any>>
    %dma_wait3A_2562 = arith.constant 0 : i32
    %dma_wait3A_2563 = arith.constant 0 : i32
    %dma_wait3A_2564 = tpu.memref_slice %arg2[%dma_wait3A_2555, %dma_wait3A_2562, %dma_wait3A_2563] : memref<8x512x512xf32, #tpu.memory_space<vmem>> -> memref<1x512x512xf32, #tpu.memory_space<vmem>>
    %dma_wait3A_2565 = tpu.memref_squeeze %dma_wait3A_2564 : memref<1x512x512xf32, #tpu.memory_space<vmem>> -> memref<512x512xf32, #tpu.memory_space<vmem>>
    tpu.wait_dma2 semaphore(%arg3 : memref<!tpu.dma_semaphore, #tpu.memory_space<semaphore_mem>>) src(%dma_wait3A_2565 : memref<512x512xf32, #tpu.memory_space<vmem>>) dst(%dma_wait3A_2561 : memref<512x512xf32, #tpu.memory_space<any>>)
    %dma_wait3A_2566 = arith.constant 5 : i32
    %dma_wait3A_2567 = arith.constant 5 : i32
    %dma_wait3A_2568 = arith.constant 10 : i32
    %dma_wait3A_2569 = arith.constant 0 : i32
    %dma_wait3A_2570 = arith.constant 0 : i32
    %dma_wait3A_2571 = tpu.memref_slice %arg1[%dma_wait3A_2567, %dma_wait3A_2568, %dma_wait3A_2569, %dma_wait3A_2570] : memref<8x16x512x512xf32, #tpu.memory_space<any>> -> memref<1x1x512x512xf32, #tpu.memory_space<any>>
    %dma_wait3A_2572 = tpu.memref_squeeze %dma_wait3A_2571 : memref<1x1x512x512xf32, #tpu.memory_space<any>> -> memref<512x512xf32, #tpu.memory_space<any>>
    %dma_wait3A_2573 = arith.constant 0 : i32
    %dma_wait3A_2574 = arith.constant 0 : i32
    %dma_wait3A_2575 = tpu.memref_slice %arg2[%dma_wait3A_2566, %dma_wait3A_2573, %dma_wait3A_2574] : memref<8x512x512xf32, #tpu.memory_space<vmem>> -> memref<1x512x512xf32, #tpu.memory_space<vmem>>
    %dma_wait3A_2576 = tpu.memref_squeeze %dma_wait3A_2575 : memref<1x512x512xf32, #tpu.memory_space<vmem>> -> memref<512x512xf32, #tpu.memory_space<vmem>>
    tpu.wait_dma2 semaphore(%arg3 : memref<!tpu.dma_semaphore, #tpu.memory_space<semaphore_mem>>) src(%dma_wait3A_2576 : memref<512x512xf32, #tpu.memory_space<vmem>>) dst(%dma_wait3A_2572 : memref<512x512xf32, #tpu.memory_space<any>>)
    %dma_wait3A_2577 = arith.constant 5 : i32
    %dma_wait3A_2578 = arith.constant 5 : i32
    %dma_wait3A_2579 = arith.constant 11 : i32
    %dma_wait3A_2580 = arith.constant 0 : i32
    %dma_wait3A_2581 = arith.constant 0 : i32
    %dma_wait3A_2582 = tpu.memref_slice %arg1[%dma_wait3A_2578, %dma_wait3A_2579, %dma_wait3A_2580, %dma_wait3A_2581] : memref<8x16x512x512xf32, #tpu.memory_space<any>> -> memref<1x1x512x512xf32, #tpu.memory_space<any>>
    %dma_wait3A_2583 = tpu.memref_squeeze %dma_wait3A_2582 : memref<1x1x512x512xf32, #tpu.memory_space<any>> -> memref<512x512xf32, #tpu.memory_space<any>>
    %dma_wait3A_2584 = arith.constant 0 : i32
    %dma_wait3A_2585 = arith.constant 0 : i32
    %dma_wait3A_2586 = tpu.memref_slice %arg2[%dma_wait3A_2577, %dma_wait3A_2584, %dma_wait3A_2585] : memref<8x512x512xf32, #tpu.memory_space<vmem>> -> memref<1x512x512xf32, #tpu.memory_space<vmem>>
    %dma_wait3A_2587 = tpu.memref_squeeze %dma_wait3A_2586 : memref<1x512x512xf32, #tpu.memory_space<vmem>> -> memref<512x512xf32, #tpu.memory_space<vmem>>
    tpu.wait_dma2 semaphore(%arg3 : memref<!tpu.dma_semaphore, #tpu.memory_space<semaphore_mem>>) src(%dma_wait3A_2587 : memref<512x512xf32, #tpu.memory_space<vmem>>) dst(%dma_wait3A_2583 : memref<512x512xf32, #tpu.memory_space<any>>)
    %dma_wait3A_2588 = arith.constant 5 : i32
    %dma_wait3A_2589 = arith.constant 5 : i32
    %dma_wait3A_2590 = arith.constant 12 : i32
    %dma_wait3A_2591 = arith.constant 0 : i32
    %dma_wait3A_2592 = arith.constant 0 : i32
    %dma_wait3A_2593 = tpu.memref_slice %arg1[%dma_wait3A_2589, %dma_wait3A_2590, %dma_wait3A_2591, %dma_wait3A_2592] : memref<8x16x512x512xf32, #tpu.memory_space<any>> -> memref<1x1x512x512xf32, #tpu.memory_space<any>>
    %dma_wait3A_2594 = tpu.memref_squeeze %dma_wait3A_2593 : memref<1x1x512x512xf32, #tpu.memory_space<any>> -> memref<512x512xf32, #tpu.memory_space<any>>
    %dma_wait3A_2595 = arith.constant 0 : i32
    %dma_wait3A_2596 = arith.constant 0 : i32
    %dma_wait3A_2597 = tpu.memref_slice %arg2[%dma_wait3A_2588, %dma_wait3A_2595, %dma_wait3A_2596] : memref<8x512x512xf32, #tpu.memory_space<vmem>> -> memref<1x512x512xf32, #tpu.memory_space<vmem>>
    %dma_wait3A_2598 = tpu.memref_squeeze %dma_wait3A_2597 : memref<1x512x512xf32, #tpu.memory_space<vmem>> -> memref<512x512xf32, #tpu.memory_space<vmem>>
    tpu.wait_dma2 semaphore(%arg3 : memref<!tpu.dma_semaphore, #tpu.memory_space<semaphore_mem>>) src(%dma_wait3A_2598 : memref<512x512xf32, #tpu.memory_space<vmem>>) dst(%dma_wait3A_2594 : memref<512x512xf32, #tpu.memory_space<any>>)
    %dma_wait3A_2599 = arith.constant 5 : i32
    %dma_wait3A_2600 = arith.constant 5 : i32
    %dma_wait3A_2601 = arith.constant 13 : i32
    %dma_wait3A_2602 = arith.constant 0 : i32
    %dma_wait3A_2603 = arith.constant 0 : i32
    %dma_wait3A_2604 = tpu.memref_slice %arg1[%dma_wait3A_2600, %dma_wait3A_2601, %dma_wait3A_2602, %dma_wait3A_2603] : memref<8x16x512x512xf32, #tpu.memory_space<any>> -> memref<1x1x512x512xf32, #tpu.memory_space<any>>
    %dma_wait3A_2605 = tpu.memref_squeeze %dma_wait3A_2604 : memref<1x1x512x512xf32, #tpu.memory_space<any>> -> memref<512x512xf32, #tpu.memory_space<any>>
    %dma_wait3A_2606 = arith.constant 0 : i32
    %dma_wait3A_2607 = arith.constant 0 : i32
    %dma_wait3A_2608 = tpu.memref_slice %arg2[%dma_wait3A_2599, %dma_wait3A_2606, %dma_wait3A_2607] : memref<8x512x512xf32, #tpu.memory_space<vmem>> -> memref<1x512x512xf32, #tpu.memory_space<vmem>>
    %dma_wait3A_2609 = tpu.memref_squeeze %dma_wait3A_2608 : memref<1x512x512xf32, #tpu.memory_space<vmem>> -> memref<512x512xf32, #tpu.memory_space<vmem>>
    tpu.wait_dma2 semaphore(%arg3 : memref<!tpu.dma_semaphore, #tpu.memory_space<semaphore_mem>>) src(%dma_wait3A_2609 : memref<512x512xf32, #tpu.memory_space<vmem>>) dst(%dma_wait3A_2605 : memref<512x512xf32, #tpu.memory_space<any>>)
    %dma_wait3A_2610 = arith.constant 5 : i32
    %dma_wait3A_2611 = arith.constant 5 : i32
    %dma_wait3A_2612 = arith.constant 14 : i32
    %dma_wait3A_2613 = arith.constant 0 : i32
    %dma_wait3A_2614 = arith.constant 0 : i32
    %dma_wait3A_2615 = tpu.memref_slice %arg1[%dma_wait3A_2611, %dma_wait3A_2612, %dma_wait3A_2613, %dma_wait3A_2614] : memref<8x16x512x512xf32, #tpu.memory_space<any>> -> memref<1x1x512x512xf32, #tpu.memory_space<any>>
    %dma_wait3A_2616 = tpu.memref_squeeze %dma_wait3A_2615 : memref<1x1x512x512xf32, #tpu.memory_space<any>> -> memref<512x512xf32, #tpu.memory_space<any>>
    %dma_wait3A_2617 = arith.constant 0 : i32
    %dma_wait3A_2618 = arith.constant 0 : i32
    %dma_wait3A_2619 = tpu.memref_slice %arg2[%dma_wait3A_2610, %dma_wait3A_2617, %dma_wait3A_2618] : memref<8x512x512xf32, #tpu.memory_space<vmem>> -> memref<1x512x512xf32, #tpu.memory_space<vmem>>
    %dma_wait3A_2620 = tpu.memref_squeeze %dma_wait3A_2619 : memref<1x512x512xf32, #tpu.memory_space<vmem>> -> memref<512x512xf32, #tpu.memory_space<vmem>>
    tpu.wait_dma2 semaphore(%arg3 : memref<!tpu.dma_semaphore, #tpu.memory_space<semaphore_mem>>) src(%dma_wait3A_2620 : memref<512x512xf32, #tpu.memory_space<vmem>>) dst(%dma_wait3A_2616 : memref<512x512xf32, #tpu.memory_space<any>>)
    %dma_wait3A_2621 = arith.constant 5 : i32
    %dma_wait3A_2622 = arith.constant 5 : i32
    %dma_wait3A_2623 = arith.constant 15 : i32
    %dma_wait3A_2624 = arith.constant 0 : i32
    %dma_wait3A_2625 = arith.constant 0 : i32
    %dma_wait3A_2626 = tpu.memref_slice %arg1[%dma_wait3A_2622, %dma_wait3A_2623, %dma_wait3A_2624, %dma_wait3A_2625] : memref<8x16x512x512xf32, #tpu.memory_space<any>> -> memref<1x1x512x512xf32, #tpu.memory_space<any>>
    %dma_wait3A_2627 = tpu.memref_squeeze %dma_wait3A_2626 : memref<1x1x512x512xf32, #tpu.memory_space<any>> -> memref<512x512xf32, #tpu.memory_space<any>>
    %dma_wait3A_2628 = arith.constant 0 : i32
    %dma_wait3A_2629 = arith.constant 0 : i32
    %dma_wait3A_2630 = tpu.memref_slice %arg2[%dma_wait3A_2621, %dma_wait3A_2628, %dma_wait3A_2629] : memref<8x512x512xf32, #tpu.memory_space<vmem>> -> memref<1x512x512xf32, #tpu.memory_space<vmem>>
    %dma_wait3A_2631 = tpu.memref_squeeze %dma_wait3A_2630 : memref<1x512x512xf32, #tpu.memory_space<vmem>> -> memref<512x512xf32, #tpu.memory_space<vmem>>
    tpu.wait_dma2 semaphore(%arg3 : memref<!tpu.dma_semaphore, #tpu.memory_space<semaphore_mem>>) src(%dma_wait3A_2631 : memref<512x512xf32, #tpu.memory_space<vmem>>) dst(%dma_wait3A_2627 : memref<512x512xf32, #tpu.memory_space<any>>)
    %dma_wait3A_2632 = arith.constant 6 : i32
    %dma_wait3A_2633 = arith.constant 6 : i32
    %dma_wait3A_2634 = arith.constant 0 : i32
    %dma_wait3A_2635 = arith.constant 0 : i32
    %dma_wait3A_2636 = arith.constant 0 : i32
    %dma_wait3A_2637 = tpu.memref_slice %arg1[%dma_wait3A_2633, %dma_wait3A_2634, %dma_wait3A_2635, %dma_wait3A_2636] : memref<8x16x512x512xf32, #tpu.memory_space<any>> -> memref<1x1x512x512xf32, #tpu.memory_space<any>>
    %dma_wait3A_2638 = tpu.memref_squeeze %dma_wait3A_2637 : memref<1x1x512x512xf32, #tpu.memory_space<any>> -> memref<512x512xf32, #tpu.memory_space<any>>
    %dma_wait3A_2639 = arith.constant 0 : i32
    %dma_wait3A_2640 = arith.constant 0 : i32
    %dma_wait3A_2641 = tpu.memref_slice %arg2[%dma_wait3A_2632, %dma_wait3A_2639, %dma_wait3A_2640] : memref<8x512x512xf32, #tpu.memory_space<vmem>> -> memref<1x512x512xf32, #tpu.memory_space<vmem>>
    %dma_wait3A_2642 = tpu.memref_squeeze %dma_wait3A_2641 : memref<1x512x512xf32, #tpu.memory_space<vmem>> -> memref<512x512xf32, #tpu.memory_space<vmem>>
    tpu.wait_dma2 semaphore(%arg3 : memref<!tpu.dma_semaphore, #tpu.memory_space<semaphore_mem>>) src(%dma_wait3A_2642 : memref<512x512xf32, #tpu.memory_space<vmem>>) dst(%dma_wait3A_2638 : memref<512x512xf32, #tpu.memory_space<any>>)
    %dma_wait3A_2643 = arith.constant 6 : i32
    %dma_wait3A_2644 = arith.constant 6 : i32
    %dma_wait3A_2645 = arith.constant 1 : i32
    %dma_wait3A_2646 = arith.constant 0 : i32
    %dma_wait3A_2647 = arith.constant 0 : i32
    %dma_wait3A_2648 = tpu.memref_slice %arg1[%dma_wait3A_2644, %dma_wait3A_2645, %dma_wait3A_2646, %dma_wait3A_2647] : memref<8x16x512x512xf32, #tpu.memory_space<any>> -> memref<1x1x512x512xf32, #tpu.memory_space<any>>
    %dma_wait3A_2649 = tpu.memref_squeeze %dma_wait3A_2648 : memref<1x1x512x512xf32, #tpu.memory_space<any>> -> memref<512x512xf32, #tpu.memory_space<any>>
    %dma_wait3A_2650 = arith.constant 0 : i32
    %dma_wait3A_2651 = arith.constant 0 : i32
    %dma_wait3A_2652 = tpu.memref_slice %arg2[%dma_wait3A_2643, %dma_wait3A_2650, %dma_wait3A_2651] : memref<8x512x512xf32, #tpu.memory_space<vmem>> -> memref<1x512x512xf32, #tpu.memory_space<vmem>>
    %dma_wait3A_2653 = tpu.memref_squeeze %dma_wait3A_2652 : memref<1x512x512xf32, #tpu.memory_space<vmem>> -> memref<512x512xf32, #tpu.memory_space<vmem>>
    tpu.wait_dma2 semaphore(%arg3 : memref<!tpu.dma_semaphore, #tpu.memory_space<semaphore_mem>>) src(%dma_wait3A_2653 : memref<512x512xf32, #tpu.memory_space<vmem>>) dst(%dma_wait3A_2649 : memref<512x512xf32, #tpu.memory_space<any>>)
    %dma_wait3A_2654 = arith.constant 6 : i32
    %dma_wait3A_2655 = arith.constant 6 : i32
    %dma_wait3A_2656 = arith.constant 2 : i32
    %dma_wait3A_2657 = arith.constant 0 : i32
    %dma_wait3A_2658 = arith.constant 0 : i32
    %dma_wait3A_2659 = tpu.memref_slice %arg1[%dma_wait3A_2655, %dma_wait3A_2656, %dma_wait3A_2657, %dma_wait3A_2658] : memref<8x16x512x512xf32, #tpu.memory_space<any>> -> memref<1x1x512x512xf32, #tpu.memory_space<any>>
    %dma_wait3A_2660 = tpu.memref_squeeze %dma_wait3A_2659 : memref<1x1x512x512xf32, #tpu.memory_space<any>> -> memref<512x512xf32, #tpu.memory_space<any>>
    %dma_wait3A_2661 = arith.constant 0 : i32
    %dma_wait3A_2662 = arith.constant 0 : i32
    %dma_wait3A_2663 = tpu.memref_slice %arg2[%dma_wait3A_2654, %dma_wait3A_2661, %dma_wait3A_2662] : memref<8x512x512xf32, #tpu.memory_space<vmem>> -> memref<1x512x512xf32, #tpu.memory_space<vmem>>
    %dma_wait3A_2664 = tpu.memref_squeeze %dma_wait3A_2663 : memref<1x512x512xf32, #tpu.memory_space<vmem>> -> memref<512x512xf32, #tpu.memory_space<vmem>>
    tpu.wait_dma2 semaphore(%arg3 : memref<!tpu.dma_semaphore, #tpu.memory_space<semaphore_mem>>) src(%dma_wait3A_2664 : memref<512x512xf32, #tpu.memory_space<vmem>>) dst(%dma_wait3A_2660 : memref<512x512xf32, #tpu.memory_space<any>>)
    %dma_wait3A_2665 = arith.constant 6 : i32
    %dma_wait3A_2666 = arith.constant 6 : i32
    %dma_wait3A_2667 = arith.constant 3 : i32
    %dma_wait3A_2668 = arith.constant 0 : i32
    %dma_wait3A_2669 = arith.constant 0 : i32
    %dma_wait3A_2670 = tpu.memref_slice %arg1[%dma_wait3A_2666, %dma_wait3A_2667, %dma_wait3A_2668, %dma_wait3A_2669] : memref<8x16x512x512xf32, #tpu.memory_space<any>> -> memref<1x1x512x512xf32, #tpu.memory_space<any>>
    %dma_wait3A_2671 = tpu.memref_squeeze %dma_wait3A_2670 : memref<1x1x512x512xf32, #tpu.memory_space<any>> -> memref<512x512xf32, #tpu.memory_space<any>>
    %dma_wait3A_2672 = arith.constant 0 : i32
    %dma_wait3A_2673 = arith.constant 0 : i32
    %dma_wait3A_2674 = tpu.memref_slice %arg2[%dma_wait3A_2665, %dma_wait3A_2672, %dma_wait3A_2673] : memref<8x512x512xf32, #tpu.memory_space<vmem>> -> memref<1x512x512xf32, #tpu.memory_space<vmem>>
    %dma_wait3A_2675 = tpu.memref_squeeze %dma_wait3A_2674 : memref<1x512x512xf32, #tpu.memory_space<vmem>> -> memref<512x512xf32, #tpu.memory_space<vmem>>
    tpu.wait_dma2 semaphore(%arg3 : memref<!tpu.dma_semaphore, #tpu.memory_space<semaphore_mem>>) src(%dma_wait3A_2675 : memref<512x512xf32, #tpu.memory_space<vmem>>) dst(%dma_wait3A_2671 : memref<512x512xf32, #tpu.memory_space<any>>)
    %dma_wait3A_2676 = arith.constant 6 : i32
    %dma_wait3A_2677 = arith.constant 6 : i32
    %dma_wait3A_2678 = arith.constant 4 : i32
    %dma_wait3A_2679 = arith.constant 0 : i32
    %dma_wait3A_2680 = arith.constant 0 : i32
    %dma_wait3A_2681 = tpu.memref_slice %arg1[%dma_wait3A_2677, %dma_wait3A_2678, %dma_wait3A_2679, %dma_wait3A_2680] : memref<8x16x512x512xf32, #tpu.memory_space<any>> -> memref<1x1x512x512xf32, #tpu.memory_space<any>>
    %dma_wait3A_2682 = tpu.memref_squeeze %dma_wait3A_2681 : memref<1x1x512x512xf32, #tpu.memory_space<any>> -> memref<512x512xf32, #tpu.memory_space<any>>
    %dma_wait3A_2683 = arith.constant 0 : i32
    %dma_wait3A_2684 = arith.constant 0 : i32
    %dma_wait3A_2685 = tpu.memref_slice %arg2[%dma_wait3A_2676, %dma_wait3A_2683, %dma_wait3A_2684] : memref<8x512x512xf32, #tpu.memory_space<vmem>> -> memref<1x512x512xf32, #tpu.memory_space<vmem>>
    %dma_wait3A_2686 = tpu.memref_squeeze %dma_wait3A_2685 : memref<1x512x512xf32, #tpu.memory_space<vmem>> -> memref<512x512xf32, #tpu.memory_space<vmem>>
    tpu.wait_dma2 semaphore(%arg3 : memref<!tpu.dma_semaphore, #tpu.memory_space<semaphore_mem>>) src(%dma_wait3A_2686 : memref<512x512xf32, #tpu.memory_space<vmem>>) dst(%dma_wait3A_2682 : memref<512x512xf32, #tpu.memory_space<any>>)
    %dma_wait3A_2687 = arith.constant 6 : i32
    %dma_wait3A_2688 = arith.constant 6 : i32
    %dma_wait3A_2689 = arith.constant 5 : i32
    %dma_wait3A_2690 = arith.constant 0 : i32
    %dma_wait3A_2691 = arith.constant 0 : i32
    %dma_wait3A_2692 = tpu.memref_slice %arg1[%dma_wait3A_2688, %dma_wait3A_2689, %dma_wait3A_2690, %dma_wait3A_2691] : memref<8x16x512x512xf32, #tpu.memory_space<any>> -> memref<1x1x512x512xf32, #tpu.memory_space<any>>
    %dma_wait3A_2693 = tpu.memref_squeeze %dma_wait3A_2692 : memref<1x1x512x512xf32, #tpu.memory_space<any>> -> memref<512x512xf32, #tpu.memory_space<any>>
    %dma_wait3A_2694 = arith.constant 0 : i32
    %dma_wait3A_2695 = arith.constant 0 : i32
    %dma_wait3A_2696 = tpu.memref_slice %arg2[%dma_wait3A_2687, %dma_wait3A_2694, %dma_wait3A_2695] : memref<8x512x512xf32, #tpu.memory_space<vmem>> -> memref<1x512x512xf32, #tpu.memory_space<vmem>>
    %dma_wait3A_2697 = tpu.memref_squeeze %dma_wait3A_2696 : memref<1x512x512xf32, #tpu.memory_space<vmem>> -> memref<512x512xf32, #tpu.memory_space<vmem>>
    tpu.wait_dma2 semaphore(%arg3 : memref<!tpu.dma_semaphore, #tpu.memory_space<semaphore_mem>>) src(%dma_wait3A_2697 : memref<512x512xf32, #tpu.memory_space<vmem>>) dst(%dma_wait3A_2693 : memref<512x512xf32, #tpu.memory_space<any>>)
    %dma_wait3A_2698 = arith.constant 6 : i32
    %dma_wait3A_2699 = arith.constant 6 : i32
    %dma_wait3A_2700 = arith.constant 6 : i32
    %dma_wait3A_2701 = arith.constant 0 : i32
    %dma_wait3A_2702 = arith.constant 0 : i32
    %dma_wait3A_2703 = tpu.memref_slice %arg1[%dma_wait3A_2699, %dma_wait3A_2700, %dma_wait3A_2701, %dma_wait3A_2702] : memref<8x16x512x512xf32, #tpu.memory_space<any>> -> memref<1x1x512x512xf32, #tpu.memory_space<any>>
    %dma_wait3A_2704 = tpu.memref_squeeze %dma_wait3A_2703 : memref<1x1x512x512xf32, #tpu.memory_space<any>> -> memref<512x512xf32, #tpu.memory_space<any>>
    %dma_wait3A_2705 = arith.constant 0 : i32
    %dma_wait3A_2706 = arith.constant 0 : i32
    %dma_wait3A_2707 = tpu.memref_slice %arg2[%dma_wait3A_2698, %dma_wait3A_2705, %dma_wait3A_2706] : memref<8x512x512xf32, #tpu.memory_space<vmem>> -> memref<1x512x512xf32, #tpu.memory_space<vmem>>
    %dma_wait3A_2708 = tpu.memref_squeeze %dma_wait3A_2707 : memref<1x512x512xf32, #tpu.memory_space<vmem>> -> memref<512x512xf32, #tpu.memory_space<vmem>>
    tpu.wait_dma2 semaphore(%arg3 : memref<!tpu.dma_semaphore, #tpu.memory_space<semaphore_mem>>) src(%dma_wait3A_2708 : memref<512x512xf32, #tpu.memory_space<vmem>>) dst(%dma_wait3A_2704 : memref<512x512xf32, #tpu.memory_space<any>>)
    %dma_wait3A_2709 = arith.constant 6 : i32
    %dma_wait3A_2710 = arith.constant 6 : i32
    %dma_wait3A_2711 = arith.constant 7 : i32
    %dma_wait3A_2712 = arith.constant 0 : i32
    %dma_wait3A_2713 = arith.constant 0 : i32
    %dma_wait3A_2714 = tpu.memref_slice %arg1[%dma_wait3A_2710, %dma_wait3A_2711, %dma_wait3A_2712, %dma_wait3A_2713] : memref<8x16x512x512xf32, #tpu.memory_space<any>> -> memref<1x1x512x512xf32, #tpu.memory_space<any>>
    %dma_wait3A_2715 = tpu.memref_squeeze %dma_wait3A_2714 : memref<1x1x512x512xf32, #tpu.memory_space<any>> -> memref<512x512xf32, #tpu.memory_space<any>>
    %dma_wait3A_2716 = arith.constant 0 : i32
    %dma_wait3A_2717 = arith.constant 0 : i32
    %dma_wait3A_2718 = tpu.memref_slice %arg2[%dma_wait3A_2709, %dma_wait3A_2716, %dma_wait3A_2717] : memref<8x512x512xf32, #tpu.memory_space<vmem>> -> memref<1x512x512xf32, #tpu.memory_space<vmem>>
    %dma_wait3A_2719 = tpu.memref_squeeze %dma_wait3A_2718 : memref<1x512x512xf32, #tpu.memory_space<vmem>> -> memref<512x512xf32, #tpu.memory_space<vmem>>
    tpu.wait_dma2 semaphore(%arg3 : memref<!tpu.dma_semaphore, #tpu.memory_space<semaphore_mem>>) src(%dma_wait3A_2719 : memref<512x512xf32, #tpu.memory_space<vmem>>) dst(%dma_wait3A_2715 : memref<512x512xf32, #tpu.memory_space<any>>)
    %dma_wait3A_2720 = arith.constant 6 : i32
    %dma_wait3A_2721 = arith.constant 6 : i32
    %dma_wait3A_2722 = arith.constant 8 : i32
    %dma_wait3A_2723 = arith.constant 0 : i32
    %dma_wait3A_2724 = arith.constant 0 : i32
    %dma_wait3A_2725 = tpu.memref_slice %arg1[%dma_wait3A_2721, %dma_wait3A_2722, %dma_wait3A_2723, %dma_wait3A_2724] : memref<8x16x512x512xf32, #tpu.memory_space<any>> -> memref<1x1x512x512xf32, #tpu.memory_space<any>>
    %dma_wait3A_2726 = tpu.memref_squeeze %dma_wait3A_2725 : memref<1x1x512x512xf32, #tpu.memory_space<any>> -> memref<512x512xf32, #tpu.memory_space<any>>
    %dma_wait3A_2727 = arith.constant 0 : i32
    %dma_wait3A_2728 = arith.constant 0 : i32
    %dma_wait3A_2729 = tpu.memref_slice %arg2[%dma_wait3A_2720, %dma_wait3A_2727, %dma_wait3A_2728] : memref<8x512x512xf32, #tpu.memory_space<vmem>> -> memref<1x512x512xf32, #tpu.memory_space<vmem>>
    %dma_wait3A_2730 = tpu.memref_squeeze %dma_wait3A_2729 : memref<1x512x512xf32, #tpu.memory_space<vmem>> -> memref<512x512xf32, #tpu.memory_space<vmem>>
    tpu.wait_dma2 semaphore(%arg3 : memref<!tpu.dma_semaphore, #tpu.memory_space<semaphore_mem>>) src(%dma_wait3A_2730 : memref<512x512xf32, #tpu.memory_space<vmem>>) dst(%dma_wait3A_2726 : memref<512x512xf32, #tpu.memory_space<any>>)
    %dma_wait3A_2731 = arith.constant 6 : i32
    %dma_wait3A_2732 = arith.constant 6 : i32
    %dma_wait3A_2733 = arith.constant 9 : i32
    %dma_wait3A_2734 = arith.constant 0 : i32
    %dma_wait3A_2735 = arith.constant 0 : i32
    %dma_wait3A_2736 = tpu.memref_slice %arg1[%dma_wait3A_2732, %dma_wait3A_2733, %dma_wait3A_2734, %dma_wait3A_2735] : memref<8x16x512x512xf32, #tpu.memory_space<any>> -> memref<1x1x512x512xf32, #tpu.memory_space<any>>
    %dma_wait3A_2737 = tpu.memref_squeeze %dma_wait3A_2736 : memref<1x1x512x512xf32, #tpu.memory_space<any>> -> memref<512x512xf32, #tpu.memory_space<any>>
    %dma_wait3A_2738 = arith.constant 0 : i32
    %dma_wait3A_2739 = arith.constant 0 : i32
    %dma_wait3A_2740 = tpu.memref_slice %arg2[%dma_wait3A_2731, %dma_wait3A_2738, %dma_wait3A_2739] : memref<8x512x512xf32, #tpu.memory_space<vmem>> -> memref<1x512x512xf32, #tpu.memory_space<vmem>>
    %dma_wait3A_2741 = tpu.memref_squeeze %dma_wait3A_2740 : memref<1x512x512xf32, #tpu.memory_space<vmem>> -> memref<512x512xf32, #tpu.memory_space<vmem>>
    tpu.wait_dma2 semaphore(%arg3 : memref<!tpu.dma_semaphore, #tpu.memory_space<semaphore_mem>>) src(%dma_wait3A_2741 : memref<512x512xf32, #tpu.memory_space<vmem>>) dst(%dma_wait3A_2737 : memref<512x512xf32, #tpu.memory_space<any>>)
    %dma_wait3A_2742 = arith.constant 6 : i32
    %dma_wait3A_2743 = arith.constant 6 : i32
    %dma_wait3A_2744 = arith.constant 10 : i32
    %dma_wait3A_2745 = arith.constant 0 : i32
    %dma_wait3A_2746 = arith.constant 0 : i32
    %dma_wait3A_2747 = tpu.memref_slice %arg1[%dma_wait3A_2743, %dma_wait3A_2744, %dma_wait3A_2745, %dma_wait3A_2746] : memref<8x16x512x512xf32, #tpu.memory_space<any>> -> memref<1x1x512x512xf32, #tpu.memory_space<any>>
    %dma_wait3A_2748 = tpu.memref_squeeze %dma_wait3A_2747 : memref<1x1x512x512xf32, #tpu.memory_space<any>> -> memref<512x512xf32, #tpu.memory_space<any>>
    %dma_wait3A_2749 = arith.constant 0 : i32
    %dma_wait3A_2750 = arith.constant 0 : i32
    %dma_wait3A_2751 = tpu.memref_slice %arg2[%dma_wait3A_2742, %dma_wait3A_2749, %dma_wait3A_2750] : memref<8x512x512xf32, #tpu.memory_space<vmem>> -> memref<1x512x512xf32, #tpu.memory_space<vmem>>
    %dma_wait3A_2752 = tpu.memref_squeeze %dma_wait3A_2751 : memref<1x512x512xf32, #tpu.memory_space<vmem>> -> memref<512x512xf32, #tpu.memory_space<vmem>>
    tpu.wait_dma2 semaphore(%arg3 : memref<!tpu.dma_semaphore, #tpu.memory_space<semaphore_mem>>) src(%dma_wait3A_2752 : memref<512x512xf32, #tpu.memory_space<vmem>>) dst(%dma_wait3A_2748 : memref<512x512xf32, #tpu.memory_space<any>>)
    %dma_wait3A_2753 = arith.constant 6 : i32
    %dma_wait3A_2754 = arith.constant 6 : i32
    %dma_wait3A_2755 = arith.constant 11 : i32
    %dma_wait3A_2756 = arith.constant 0 : i32
    %dma_wait3A_2757 = arith.constant 0 : i32
    %dma_wait3A_2758 = tpu.memref_slice %arg1[%dma_wait3A_2754, %dma_wait3A_2755, %dma_wait3A_2756, %dma_wait3A_2757] : memref<8x16x512x512xf32, #tpu.memory_space<any>> -> memref<1x1x512x512xf32, #tpu.memory_space<any>>
    %dma_wait3A_2759 = tpu.memref_squeeze %dma_wait3A_2758 : memref<1x1x512x512xf32, #tpu.memory_space<any>> -> memref<512x512xf32, #tpu.memory_space<any>>
    %dma_wait3A_2760 = arith.constant 0 : i32
    %dma_wait3A_2761 = arith.constant 0 : i32
    %dma_wait3A_2762 = tpu.memref_slice %arg2[%dma_wait3A_2753, %dma_wait3A_2760, %dma_wait3A_2761] : memref<8x512x512xf32, #tpu.memory_space<vmem>> -> memref<1x512x512xf32, #tpu.memory_space<vmem>>
    %dma_wait3A_2763 = tpu.memref_squeeze %dma_wait3A_2762 : memref<1x512x512xf32, #tpu.memory_space<vmem>> -> memref<512x512xf32, #tpu.memory_space<vmem>>
    tpu.wait_dma2 semaphore(%arg3 : memref<!tpu.dma_semaphore, #tpu.memory_space<semaphore_mem>>) src(%dma_wait3A_2763 : memref<512x512xf32, #tpu.memory_space<vmem>>) dst(%dma_wait3A_2759 : memref<512x512xf32, #tpu.memory_space<any>>)
    %dma_wait3A_2764 = arith.constant 6 : i32
    %dma_wait3A_2765 = arith.constant 6 : i32
    %dma_wait3A_2766 = arith.constant 12 : i32
    %dma_wait3A_2767 = arith.constant 0 : i32
    %dma_wait3A_2768 = arith.constant 0 : i32
    %dma_wait3A_2769 = tpu.memref_slice %arg1[%dma_wait3A_2765, %dma_wait3A_2766, %dma_wait3A_2767, %dma_wait3A_2768] : memref<8x16x512x512xf32, #tpu.memory_space<any>> -> memref<1x1x512x512xf32, #tpu.memory_space<any>>
    %dma_wait3A_2770 = tpu.memref_squeeze %dma_wait3A_2769 : memref<1x1x512x512xf32, #tpu.memory_space<any>> -> memref<512x512xf32, #tpu.memory_space<any>>
    %dma_wait3A_2771 = arith.constant 0 : i32
    %dma_wait3A_2772 = arith.constant 0 : i32
    %dma_wait3A_2773 = tpu.memref_slice %arg2[%dma_wait3A_2764, %dma_wait3A_2771, %dma_wait3A_2772] : memref<8x512x512xf32, #tpu.memory_space<vmem>> -> memref<1x512x512xf32, #tpu.memory_space<vmem>>
    %dma_wait3A_2774 = tpu.memref_squeeze %dma_wait3A_2773 : memref<1x512x512xf32, #tpu.memory_space<vmem>> -> memref<512x512xf32, #tpu.memory_space<vmem>>
    tpu.wait_dma2 semaphore(%arg3 : memref<!tpu.dma_semaphore, #tpu.memory_space<semaphore_mem>>) src(%dma_wait3A_2774 : memref<512x512xf32, #tpu.memory_space<vmem>>) dst(%dma_wait3A_2770 : memref<512x512xf32, #tpu.memory_space<any>>)
    %dma_wait3A_2775 = arith.constant 6 : i32
    %dma_wait3A_2776 = arith.constant 6 : i32
    %dma_wait3A_2777 = arith.constant 13 : i32
    %dma_wait3A_2778 = arith.constant 0 : i32
    %dma_wait3A_2779 = arith.constant 0 : i32
    %dma_wait3A_2780 = tpu.memref_slice %arg1[%dma_wait3A_2776, %dma_wait3A_2777, %dma_wait3A_2778, %dma_wait3A_2779] : memref<8x16x512x512xf32, #tpu.memory_space<any>> -> memref<1x1x512x512xf32, #tpu.memory_space<any>>
    %dma_wait3A_2781 = tpu.memref_squeeze %dma_wait3A_2780 : memref<1x1x512x512xf32, #tpu.memory_space<any>> -> memref<512x512xf32, #tpu.memory_space<any>>
    %dma_wait3A_2782 = arith.constant 0 : i32
    %dma_wait3A_2783 = arith.constant 0 : i32
    %dma_wait3A_2784 = tpu.memref_slice %arg2[%dma_wait3A_2775, %dma_wait3A_2782, %dma_wait3A_2783] : memref<8x512x512xf32, #tpu.memory_space<vmem>> -> memref<1x512x512xf32, #tpu.memory_space<vmem>>
    %dma_wait3A_2785 = tpu.memref_squeeze %dma_wait3A_2784 : memref<1x512x512xf32, #tpu.memory_space<vmem>> -> memref<512x512xf32, #tpu.memory_space<vmem>>
    tpu.wait_dma2 semaphore(%arg3 : memref<!tpu.dma_semaphore, #tpu.memory_space<semaphore_mem>>) src(%dma_wait3A_2785 : memref<512x512xf32, #tpu.memory_space<vmem>>) dst(%dma_wait3A_2781 : memref<512x512xf32, #tpu.memory_space<any>>)
    %dma_wait3A_2786 = arith.constant 6 : i32
    %dma_wait3A_2787 = arith.constant 6 : i32
    %dma_wait3A_2788 = arith.constant 14 : i32
    %dma_wait3A_2789 = arith.constant 0 : i32
    %dma_wait3A_2790 = arith.constant 0 : i32
    %dma_wait3A_2791 = tpu.memref_slice %arg1[%dma_wait3A_2787, %dma_wait3A_2788, %dma_wait3A_2789, %dma_wait3A_2790] : memref<8x16x512x512xf32, #tpu.memory_space<any>> -> memref<1x1x512x512xf32, #tpu.memory_space<any>>
    %dma_wait3A_2792 = tpu.memref_squeeze %dma_wait3A_2791 : memref<1x1x512x512xf32, #tpu.memory_space<any>> -> memref<512x512xf32, #tpu.memory_space<any>>
    %dma_wait3A_2793 = arith.constant 0 : i32
    %dma_wait3A_2794 = arith.constant 0 : i32
    %dma_wait3A_2795 = tpu.memref_slice %arg2[%dma_wait3A_2786, %dma_wait3A_2793, %dma_wait3A_2794] : memref<8x512x512xf32, #tpu.memory_space<vmem>> -> memref<1x512x512xf32, #tpu.memory_space<vmem>>
    %dma_wait3A_2796 = tpu.memref_squeeze %dma_wait3A_2795 : memref<1x512x512xf32, #tpu.memory_space<vmem>> -> memref<512x512xf32, #tpu.memory_space<vmem>>
    tpu.wait_dma2 semaphore(%arg3 : memref<!tpu.dma_semaphore, #tpu.memory_space<semaphore_mem>>) src(%dma_wait3A_2796 : memref<512x512xf32, #tpu.memory_space<vmem>>) dst(%dma_wait3A_2792 : memref<512x512xf32, #tpu.memory_space<any>>)
    %dma_wait3A_2797 = arith.constant 6 : i32
    %dma_wait3A_2798 = arith.constant 6 : i32
    %dma_wait3A_2799 = arith.constant 15 : i32
    %dma_wait3A_2800 = arith.constant 0 : i32
    %dma_wait3A_2801 = arith.constant 0 : i32
    %dma_wait3A_2802 = tpu.memref_slice %arg1[%dma_wait3A_2798, %dma_wait3A_2799, %dma_wait3A_2800, %dma_wait3A_2801] : memref<8x16x512x512xf32, #tpu.memory_space<any>> -> memref<1x1x512x512xf32, #tpu.memory_space<any>>
    %dma_wait3A_2803 = tpu.memref_squeeze %dma_wait3A_2802 : memref<1x1x512x512xf32, #tpu.memory_space<any>> -> memref<512x512xf32, #tpu.memory_space<any>>
    %dma_wait3A_2804 = arith.constant 0 : i32
    %dma_wait3A_2805 = arith.constant 0 : i32
    %dma_wait3A_2806 = tpu.memref_slice %arg2[%dma_wait3A_2797, %dma_wait3A_2804, %dma_wait3A_2805] : memref<8x512x512xf32, #tpu.memory_space<vmem>> -> memref<1x512x512xf32, #tpu.memory_space<vmem>>
    %dma_wait3A_2807 = tpu.memref_squeeze %dma_wait3A_2806 : memref<1x512x512xf32, #tpu.memory_space<vmem>> -> memref<512x512xf32, #tpu.memory_space<vmem>>
    tpu.wait_dma2 semaphore(%arg3 : memref<!tpu.dma_semaphore, #tpu.memory_space<semaphore_mem>>) src(%dma_wait3A_2807 : memref<512x512xf32, #tpu.memory_space<vmem>>) dst(%dma_wait3A_2803 : memref<512x512xf32, #tpu.memory_space<any>>)
    %dma_wait3A_2808 = arith.constant 7 : i32
    %dma_wait3A_2809 = arith.constant 7 : i32
    %dma_wait3A_2810 = arith.constant 0 : i32
    %dma_wait3A_2811 = arith.constant 0 : i32
    %dma_wait3A_2812 = arith.constant 0 : i32
    %dma_wait3A_2813 = tpu.memref_slice %arg1[%dma_wait3A_2809, %dma_wait3A_2810, %dma_wait3A_2811, %dma_wait3A_2812] : memref<8x16x512x512xf32, #tpu.memory_space<any>> -> memref<1x1x512x512xf32, #tpu.memory_space<any>>
    %dma_wait3A_2814 = tpu.memref_squeeze %dma_wait3A_2813 : memref<1x1x512x512xf32, #tpu.memory_space<any>> -> memref<512x512xf32, #tpu.memory_space<any>>
    %dma_wait3A_2815 = arith.constant 0 : i32
    %dma_wait3A_2816 = arith.constant 0 : i32
    %dma_wait3A_2817 = tpu.memref_slice %arg2[%dma_wait3A_2808, %dma_wait3A_2815, %dma_wait3A_2816] : memref<8x512x512xf32, #tpu.memory_space<vmem>> -> memref<1x512x512xf32, #tpu.memory_space<vmem>>
    %dma_wait3A_2818 = tpu.memref_squeeze %dma_wait3A_2817 : memref<1x512x512xf32, #tpu.memory_space<vmem>> -> memref<512x512xf32, #tpu.memory_space<vmem>>
    tpu.wait_dma2 semaphore(%arg3 : memref<!tpu.dma_semaphore, #tpu.memory_space<semaphore_mem>>) src(%dma_wait3A_2818 : memref<512x512xf32, #tpu.memory_space<vmem>>) dst(%dma_wait3A_2814 : memref<512x512xf32, #tpu.memory_space<any>>)
    %dma_wait3A_2819 = arith.constant 7 : i32
    %dma_wait3A_2820 = arith.constant 7 : i32
    %dma_wait3A_2821 = arith.constant 1 : i32
    %dma_wait3A_2822 = arith.constant 0 : i32
    %dma_wait3A_2823 = arith.constant 0 : i32
    %dma_wait3A_2824 = tpu.memref_slice %arg1[%dma_wait3A_2820, %dma_wait3A_2821, %dma_wait3A_2822, %dma_wait3A_2823] : memref<8x16x512x512xf32, #tpu.memory_space<any>> -> memref<1x1x512x512xf32, #tpu.memory_space<any>>
    %dma_wait3A_2825 = tpu.memref_squeeze %dma_wait3A_2824 : memref<1x1x512x512xf32, #tpu.memory_space<any>> -> memref<512x512xf32, #tpu.memory_space<any>>
    %dma_wait3A_2826 = arith.constant 0 : i32
    %dma_wait3A_2827 = arith.constant 0 : i32
    %dma_wait3A_2828 = tpu.memref_slice %arg2[%dma_wait3A_2819, %dma_wait3A_2826, %dma_wait3A_2827] : memref<8x512x512xf32, #tpu.memory_space<vmem>> -> memref<1x512x512xf32, #tpu.memory_space<vmem>>
    %dma_wait3A_2829 = tpu.memref_squeeze %dma_wait3A_2828 : memref<1x512x512xf32, #tpu.memory_space<vmem>> -> memref<512x512xf32, #tpu.memory_space<vmem>>
    tpu.wait_dma2 semaphore(%arg3 : memref<!tpu.dma_semaphore, #tpu.memory_space<semaphore_mem>>) src(%dma_wait3A_2829 : memref<512x512xf32, #tpu.memory_space<vmem>>) dst(%dma_wait3A_2825 : memref<512x512xf32, #tpu.memory_space<any>>)
    %dma_wait3A_2830 = arith.constant 7 : i32
    %dma_wait3A_2831 = arith.constant 7 : i32
    %dma_wait3A_2832 = arith.constant 2 : i32
    %dma_wait3A_2833 = arith.constant 0 : i32
    %dma_wait3A_2834 = arith.constant 0 : i32
    %dma_wait3A_2835 = tpu.memref_slice %arg1[%dma_wait3A_2831, %dma_wait3A_2832, %dma_wait3A_2833, %dma_wait3A_2834] : memref<8x16x512x512xf32, #tpu.memory_space<any>> -> memref<1x1x512x512xf32, #tpu.memory_space<any>>
    %dma_wait3A_2836 = tpu.memref_squeeze %dma_wait3A_2835 : memref<1x1x512x512xf32, #tpu.memory_space<any>> -> memref<512x512xf32, #tpu.memory_space<any>>
    %dma_wait3A_2837 = arith.constant 0 : i32
    %dma_wait3A_2838 = arith.constant 0 : i32
    %dma_wait3A_2839 = tpu.memref_slice %arg2[%dma_wait3A_2830, %dma_wait3A_2837, %dma_wait3A_2838] : memref<8x512x512xf32, #tpu.memory_space<vmem>> -> memref<1x512x512xf32, #tpu.memory_space<vmem>>
    %dma_wait3A_2840 = tpu.memref_squeeze %dma_wait3A_2839 : memref<1x512x512xf32, #tpu.memory_space<vmem>> -> memref<512x512xf32, #tpu.memory_space<vmem>>
    tpu.wait_dma2 semaphore(%arg3 : memref<!tpu.dma_semaphore, #tpu.memory_space<semaphore_mem>>) src(%dma_wait3A_2840 : memref<512x512xf32, #tpu.memory_space<vmem>>) dst(%dma_wait3A_2836 : memref<512x512xf32, #tpu.memory_space<any>>)
    %dma_wait3A_2841 = arith.constant 7 : i32
    %dma_wait3A_2842 = arith.constant 7 : i32
    %dma_wait3A_2843 = arith.constant 3 : i32
    %dma_wait3A_2844 = arith.constant 0 : i32
    %dma_wait3A_2845 = arith.constant 0 : i32
    %dma_wait3A_2846 = tpu.memref_slice %arg1[%dma_wait3A_2842, %dma_wait3A_2843, %dma_wait3A_2844, %dma_wait3A_2845] : memref<8x16x512x512xf32, #tpu.memory_space<any>> -> memref<1x1x512x512xf32, #tpu.memory_space<any>>
    %dma_wait3A_2847 = tpu.memref_squeeze %dma_wait3A_2846 : memref<1x1x512x512xf32, #tpu.memory_space<any>> -> memref<512x512xf32, #tpu.memory_space<any>>
    %dma_wait3A_2848 = arith.constant 0 : i32
    %dma_wait3A_2849 = arith.constant 0 : i32
    %dma_wait3A_2850 = tpu.memref_slice %arg2[%dma_wait3A_2841, %dma_wait3A_2848, %dma_wait3A_2849] : memref<8x512x512xf32, #tpu.memory_space<vmem>> -> memref<1x512x512xf32, #tpu.memory_space<vmem>>
    %dma_wait3A_2851 = tpu.memref_squeeze %dma_wait3A_2850 : memref<1x512x512xf32, #tpu.memory_space<vmem>> -> memref<512x512xf32, #tpu.memory_space<vmem>>
    tpu.wait_dma2 semaphore(%arg3 : memref<!tpu.dma_semaphore, #tpu.memory_space<semaphore_mem>>) src(%dma_wait3A_2851 : memref<512x512xf32, #tpu.memory_space<vmem>>) dst(%dma_wait3A_2847 : memref<512x512xf32, #tpu.memory_space<any>>)
    %dma_wait3A_2852 = arith.constant 7 : i32
    %dma_wait3A_2853 = arith.constant 7 : i32
    %dma_wait3A_2854 = arith.constant 4 : i32
    %dma_wait3A_2855 = arith.constant 0 : i32
    %dma_wait3A_2856 = arith.constant 0 : i32
    %dma_wait3A_2857 = tpu.memref_slice %arg1[%dma_wait3A_2853, %dma_wait3A_2854, %dma_wait3A_2855, %dma_wait3A_2856] : memref<8x16x512x512xf32, #tpu.memory_space<any>> -> memref<1x1x512x512xf32, #tpu.memory_space<any>>
    %dma_wait3A_2858 = tpu.memref_squeeze %dma_wait3A_2857 : memref<1x1x512x512xf32, #tpu.memory_space<any>> -> memref<512x512xf32, #tpu.memory_space<any>>
    %dma_wait3A_2859 = arith.constant 0 : i32
    %dma_wait3A_2860 = arith.constant 0 : i32
    %dma_wait3A_2861 = tpu.memref_slice %arg2[%dma_wait3A_2852, %dma_wait3A_2859, %dma_wait3A_2860] : memref<8x512x512xf32, #tpu.memory_space<vmem>> -> memref<1x512x512xf32, #tpu.memory_space<vmem>>
    %dma_wait3A_2862 = tpu.memref_squeeze %dma_wait3A_2861 : memref<1x512x512xf32, #tpu.memory_space<vmem>> -> memref<512x512xf32, #tpu.memory_space<vmem>>
    tpu.wait_dma2 semaphore(%arg3 : memref<!tpu.dma_semaphore, #tpu.memory_space<semaphore_mem>>) src(%dma_wait3A_2862 : memref<512x512xf32, #tpu.memory_space<vmem>>) dst(%dma_wait3A_2858 : memref<512x512xf32, #tpu.memory_space<any>>)
    %dma_wait3A_2863 = arith.constant 7 : i32
    %dma_wait3A_2864 = arith.constant 7 : i32
    %dma_wait3A_2865 = arith.constant 5 : i32
    %dma_wait3A_2866 = arith.constant 0 : i32
    %dma_wait3A_2867 = arith.constant 0 : i32
    %dma_wait3A_2868 = tpu.memref_slice %arg1[%dma_wait3A_2864, %dma_wait3A_2865, %dma_wait3A_2866, %dma_wait3A_2867] : memref<8x16x512x512xf32, #tpu.memory_space<any>> -> memref<1x1x512x512xf32, #tpu.memory_space<any>>
    %dma_wait3A_2869 = tpu.memref_squeeze %dma_wait3A_2868 : memref<1x1x512x512xf32, #tpu.memory_space<any>> -> memref<512x512xf32, #tpu.memory_space<any>>
    %dma_wait3A_2870 = arith.constant 0 : i32
    %dma_wait3A_2871 = arith.constant 0 : i32
    %dma_wait3A_2872 = tpu.memref_slice %arg2[%dma_wait3A_2863, %dma_wait3A_2870, %dma_wait3A_2871] : memref<8x512x512xf32, #tpu.memory_space<vmem>> -> memref<1x512x512xf32, #tpu.memory_space<vmem>>
    %dma_wait3A_2873 = tpu.memref_squeeze %dma_wait3A_2872 : memref<1x512x512xf32, #tpu.memory_space<vmem>> -> memref<512x512xf32, #tpu.memory_space<vmem>>
    tpu.wait_dma2 semaphore(%arg3 : memref<!tpu.dma_semaphore, #tpu.memory_space<semaphore_mem>>) src(%dma_wait3A_2873 : memref<512x512xf32, #tpu.memory_space<vmem>>) dst(%dma_wait3A_2869 : memref<512x512xf32, #tpu.memory_space<any>>)
    %dma_wait3A_2874 = arith.constant 7 : i32
    %dma_wait3A_2875 = arith.constant 7 : i32
    %dma_wait3A_2876 = arith.constant 6 : i32
    %dma_wait3A_2877 = arith.constant 0 : i32
    %dma_wait3A_2878 = arith.constant 0 : i32
    %dma_wait3A_2879 = tpu.memref_slice %arg1[%dma_wait3A_2875, %dma_wait3A_2876, %dma_wait3A_2877, %dma_wait3A_2878] : memref<8x16x512x512xf32, #tpu.memory_space<any>> -> memref<1x1x512x512xf32, #tpu.memory_space<any>>
    %dma_wait3A_2880 = tpu.memref_squeeze %dma_wait3A_2879 : memref<1x1x512x512xf32, #tpu.memory_space<any>> -> memref<512x512xf32, #tpu.memory_space<any>>
    %dma_wait3A_2881 = arith.constant 0 : i32
    %dma_wait3A_2882 = arith.constant 0 : i32
    %dma_wait3A_2883 = tpu.memref_slice %arg2[%dma_wait3A_2874, %dma_wait3A_2881, %dma_wait3A_2882] : memref<8x512x512xf32, #tpu.memory_space<vmem>> -> memref<1x512x512xf32, #tpu.memory_space<vmem>>
    %dma_wait3A_2884 = tpu.memref_squeeze %dma_wait3A_2883 : memref<1x512x512xf32, #tpu.memory_space<vmem>> -> memref<512x512xf32, #tpu.memory_space<vmem>>
    tpu.wait_dma2 semaphore(%arg3 : memref<!tpu.dma_semaphore, #tpu.memory_space<semaphore_mem>>) src(%dma_wait3A_2884 : memref<512x512xf32, #tpu.memory_space<vmem>>) dst(%dma_wait3A_2880 : memref<512x512xf32, #tpu.memory_space<any>>)
    %dma_wait3A_2885 = arith.constant 7 : i32
    %dma_wait3A_2886 = arith.constant 7 : i32
    %dma_wait3A_2887 = arith.constant 7 : i32
    %dma_wait3A_2888 = arith.constant 0 : i32
    %dma_wait3A_2889 = arith.constant 0 : i32
    %dma_wait3A_2890 = tpu.memref_slice %arg1[%dma_wait3A_2886, %dma_wait3A_2887, %dma_wait3A_2888, %dma_wait3A_2889] : memref<8x16x512x512xf32, #tpu.memory_space<any>> -> memref<1x1x512x512xf32, #tpu.memory_space<any>>
    %dma_wait3A_2891 = tpu.memref_squeeze %dma_wait3A_2890 : memref<1x1x512x512xf32, #tpu.memory_space<any>> -> memref<512x512xf32, #tpu.memory_space<any>>
    %dma_wait3A_2892 = arith.constant 0 : i32
    %dma_wait3A_2893 = arith.constant 0 : i32
    %dma_wait3A_2894 = tpu.memref_slice %arg2[%dma_wait3A_2885, %dma_wait3A_2892, %dma_wait3A_2893] : memref<8x512x512xf32, #tpu.memory_space<vmem>> -> memref<1x512x512xf32, #tpu.memory_space<vmem>>
    %dma_wait3A_2895 = tpu.memref_squeeze %dma_wait3A_2894 : memref<1x512x512xf32, #tpu.memory_space<vmem>> -> memref<512x512xf32, #tpu.memory_space<vmem>>
    tpu.wait_dma2 semaphore(%arg3 : memref<!tpu.dma_semaphore, #tpu.memory_space<semaphore_mem>>) src(%dma_wait3A_2895 : memref<512x512xf32, #tpu.memory_space<vmem>>) dst(%dma_wait3A_2891 : memref<512x512xf32, #tpu.memory_space<any>>)
    %dma_wait3A_2896 = arith.constant 7 : i32
    %dma_wait3A_2897 = arith.constant 7 : i32
    %dma_wait3A_2898 = arith.constant 8 : i32
    %dma_wait3A_2899 = arith.constant 0 : i32
    %dma_wait3A_2900 = arith.constant 0 : i32
    %dma_wait3A_2901 = tpu.memref_slice %arg1[%dma_wait3A_2897, %dma_wait3A_2898, %dma_wait3A_2899, %dma_wait3A_2900] : memref<8x16x512x512xf32, #tpu.memory_space<any>> -> memref<1x1x512x512xf32, #tpu.memory_space<any>>
    %dma_wait3A_2902 = tpu.memref_squeeze %dma_wait3A_2901 : memref<1x1x512x512xf32, #tpu.memory_space<any>> -> memref<512x512xf32, #tpu.memory_space<any>>
    %dma_wait3A_2903 = arith.constant 0 : i32
    %dma_wait3A_2904 = arith.constant 0 : i32
    %dma_wait3A_2905 = tpu.memref_slice %arg2[%dma_wait3A_2896, %dma_wait3A_2903, %dma_wait3A_2904] : memref<8x512x512xf32, #tpu.memory_space<vmem>> -> memref<1x512x512xf32, #tpu.memory_space<vmem>>
    %dma_wait3A_2906 = tpu.memref_squeeze %dma_wait3A_2905 : memref<1x512x512xf32, #tpu.memory_space<vmem>> -> memref<512x512xf32, #tpu.memory_space<vmem>>
    tpu.wait_dma2 semaphore(%arg3 : memref<!tpu.dma_semaphore, #tpu.memory_space<semaphore_mem>>) src(%dma_wait3A_2906 : memref<512x512xf32, #tpu.memory_space<vmem>>) dst(%dma_wait3A_2902 : memref<512x512xf32, #tpu.memory_space<any>>)
    %dma_wait3A_2907 = arith.constant 7 : i32
    %dma_wait3A_2908 = arith.constant 7 : i32
    %dma_wait3A_2909 = arith.constant 9 : i32
    %dma_wait3A_2910 = arith.constant 0 : i32
    %dma_wait3A_2911 = arith.constant 0 : i32
    %dma_wait3A_2912 = tpu.memref_slice %arg1[%dma_wait3A_2908, %dma_wait3A_2909, %dma_wait3A_2910, %dma_wait3A_2911] : memref<8x16x512x512xf32, #tpu.memory_space<any>> -> memref<1x1x512x512xf32, #tpu.memory_space<any>>
    %dma_wait3A_2913 = tpu.memref_squeeze %dma_wait3A_2912 : memref<1x1x512x512xf32, #tpu.memory_space<any>> -> memref<512x512xf32, #tpu.memory_space<any>>
    %dma_wait3A_2914 = arith.constant 0 : i32
    %dma_wait3A_2915 = arith.constant 0 : i32
    %dma_wait3A_2916 = tpu.memref_slice %arg2[%dma_wait3A_2907, %dma_wait3A_2914, %dma_wait3A_2915] : memref<8x512x512xf32, #tpu.memory_space<vmem>> -> memref<1x512x512xf32, #tpu.memory_space<vmem>>
    %dma_wait3A_2917 = tpu.memref_squeeze %dma_wait3A_2916 : memref<1x512x512xf32, #tpu.memory_space<vmem>> -> memref<512x512xf32, #tpu.memory_space<vmem>>
    tpu.wait_dma2 semaphore(%arg3 : memref<!tpu.dma_semaphore, #tpu.memory_space<semaphore_mem>>) src(%dma_wait3A_2917 : memref<512x512xf32, #tpu.memory_space<vmem>>) dst(%dma_wait3A_2913 : memref<512x512xf32, #tpu.memory_space<any>>)
    %dma_wait3A_2918 = arith.constant 7 : i32
    %dma_wait3A_2919 = arith.constant 7 : i32
    %dma_wait3A_2920 = arith.constant 10 : i32
    %dma_wait3A_2921 = arith.constant 0 : i32
    %dma_wait3A_2922 = arith.constant 0 : i32
    %dma_wait3A_2923 = tpu.memref_slice %arg1[%dma_wait3A_2919, %dma_wait3A_2920, %dma_wait3A_2921, %dma_wait3A_2922] : memref<8x16x512x512xf32, #tpu.memory_space<any>> -> memref<1x1x512x512xf32, #tpu.memory_space<any>>
    %dma_wait3A_2924 = tpu.memref_squeeze %dma_wait3A_2923 : memref<1x1x512x512xf32, #tpu.memory_space<any>> -> memref<512x512xf32, #tpu.memory_space<any>>
    %dma_wait3A_2925 = arith.constant 0 : i32
    %dma_wait3A_2926 = arith.constant 0 : i32
    %dma_wait3A_2927 = tpu.memref_slice %arg2[%dma_wait3A_2918, %dma_wait3A_2925, %dma_wait3A_2926] : memref<8x512x512xf32, #tpu.memory_space<vmem>> -> memref<1x512x512xf32, #tpu.memory_space<vmem>>
    %dma_wait3A_2928 = tpu.memref_squeeze %dma_wait3A_2927 : memref<1x512x512xf32, #tpu.memory_space<vmem>> -> memref<512x512xf32, #tpu.memory_space<vmem>>
    tpu.wait_dma2 semaphore(%arg3 : memref<!tpu.dma_semaphore, #tpu.memory_space<semaphore_mem>>) src(%dma_wait3A_2928 : memref<512x512xf32, #tpu.memory_space<vmem>>) dst(%dma_wait3A_2924 : memref<512x512xf32, #tpu.memory_space<any>>)
    %dma_wait3A_2929 = arith.constant 7 : i32
    %dma_wait3A_2930 = arith.constant 7 : i32
    %dma_wait3A_2931 = arith.constant 11 : i32
    %dma_wait3A_2932 = arith.constant 0 : i32
    %dma_wait3A_2933 = arith.constant 0 : i32
    %dma_wait3A_2934 = tpu.memref_slice %arg1[%dma_wait3A_2930, %dma_wait3A_2931, %dma_wait3A_2932, %dma_wait3A_2933] : memref<8x16x512x512xf32, #tpu.memory_space<any>> -> memref<1x1x512x512xf32, #tpu.memory_space<any>>
    %dma_wait3A_2935 = tpu.memref_squeeze %dma_wait3A_2934 : memref<1x1x512x512xf32, #tpu.memory_space<any>> -> memref<512x512xf32, #tpu.memory_space<any>>
    %dma_wait3A_2936 = arith.constant 0 : i32
    %dma_wait3A_2937 = arith.constant 0 : i32
    %dma_wait3A_2938 = tpu.memref_slice %arg2[%dma_wait3A_2929, %dma_wait3A_2936, %dma_wait3A_2937] : memref<8x512x512xf32, #tpu.memory_space<vmem>> -> memref<1x512x512xf32, #tpu.memory_space<vmem>>
    %dma_wait3A_2939 = tpu.memref_squeeze %dma_wait3A_2938 : memref<1x512x512xf32, #tpu.memory_space<vmem>> -> memref<512x512xf32, #tpu.memory_space<vmem>>
    tpu.wait_dma2 semaphore(%arg3 : memref<!tpu.dma_semaphore, #tpu.memory_space<semaphore_mem>>) src(%dma_wait3A_2939 : memref<512x512xf32, #tpu.memory_space<vmem>>) dst(%dma_wait3A_2935 : memref<512x512xf32, #tpu.memory_space<any>>)
    %dma_wait3A_2940 = arith.constant 7 : i32
    %dma_wait3A_2941 = arith.constant 7 : i32
    %dma_wait3A_2942 = arith.constant 12 : i32
    %dma_wait3A_2943 = arith.constant 0 : i32
    %dma_wait3A_2944 = arith.constant 0 : i32
    %dma_wait3A_2945 = tpu.memref_slice %arg1[%dma_wait3A_2941, %dma_wait3A_2942, %dma_wait3A_2943, %dma_wait3A_2944] : memref<8x16x512x512xf32, #tpu.memory_space<any>> -> memref<1x1x512x512xf32, #tpu.memory_space<any>>
    %dma_wait3A_2946 = tpu.memref_squeeze %dma_wait3A_2945 : memref<1x1x512x512xf32, #tpu.memory_space<any>> -> memref<512x512xf32, #tpu.memory_space<any>>
    %dma_wait3A_2947 = arith.constant 0 : i32
    %dma_wait3A_2948 = arith.constant 0 : i32
    %dma_wait3A_2949 = tpu.memref_slice %arg2[%dma_wait3A_2940, %dma_wait3A_2947, %dma_wait3A_2948] : memref<8x512x512xf32, #tpu.memory_space<vmem>> -> memref<1x512x512xf32, #tpu.memory_space<vmem>>
    %dma_wait3A_2950 = tpu.memref_squeeze %dma_wait3A_2949 : memref<1x512x512xf32, #tpu.memory_space<vmem>> -> memref<512x512xf32, #tpu.memory_space<vmem>>
    tpu.wait_dma2 semaphore(%arg3 : memref<!tpu.dma_semaphore, #tpu.memory_space<semaphore_mem>>) src(%dma_wait3A_2950 : memref<512x512xf32, #tpu.memory_space<vmem>>) dst(%dma_wait3A_2946 : memref<512x512xf32, #tpu.memory_space<any>>)
    %dma_wait3A_2951 = arith.constant 7 : i32
    %dma_wait3A_2952 = arith.constant 7 : i32
    %dma_wait3A_2953 = arith.constant 13 : i32
    %dma_wait3A_2954 = arith.constant 0 : i32
    %dma_wait3A_2955 = arith.constant 0 : i32
    %dma_wait3A_2956 = tpu.memref_slice %arg1[%dma_wait3A_2952, %dma_wait3A_2953, %dma_wait3A_2954, %dma_wait3A_2955] : memref<8x16x512x512xf32, #tpu.memory_space<any>> -> memref<1x1x512x512xf32, #tpu.memory_space<any>>
    %dma_wait3A_2957 = tpu.memref_squeeze %dma_wait3A_2956 : memref<1x1x512x512xf32, #tpu.memory_space<any>> -> memref<512x512xf32, #tpu.memory_space<any>>
    %dma_wait3A_2958 = arith.constant 0 : i32
    %dma_wait3A_2959 = arith.constant 0 : i32
    %dma_wait3A_2960 = tpu.memref_slice %arg2[%dma_wait3A_2951, %dma_wait3A_2958, %dma_wait3A_2959] : memref<8x512x512xf32, #tpu.memory_space<vmem>> -> memref<1x512x512xf32, #tpu.memory_space<vmem>>
    %dma_wait3A_2961 = tpu.memref_squeeze %dma_wait3A_2960 : memref<1x512x512xf32, #tpu.memory_space<vmem>> -> memref<512x512xf32, #tpu.memory_space<vmem>>
    tpu.wait_dma2 semaphore(%arg3 : memref<!tpu.dma_semaphore, #tpu.memory_space<semaphore_mem>>) src(%dma_wait3A_2961 : memref<512x512xf32, #tpu.memory_space<vmem>>) dst(%dma_wait3A_2957 : memref<512x512xf32, #tpu.memory_space<any>>)
    %dma_wait3A_2962 = arith.constant 7 : i32
    %dma_wait3A_2963 = arith.constant 7 : i32
    %dma_wait3A_2964 = arith.constant 14 : i32
    %dma_wait3A_2965 = arith.constant 0 : i32
    %dma_wait3A_2966 = arith.constant 0 : i32
    %dma_wait3A_2967 = tpu.memref_slice %arg1[%dma_wait3A_2963, %dma_wait3A_2964, %dma_wait3A_2965, %dma_wait3A_2966] : memref<8x16x512x512xf32, #tpu.memory_space<any>> -> memref<1x1x512x512xf32, #tpu.memory_space<any>>
    %dma_wait3A_2968 = tpu.memref_squeeze %dma_wait3A_2967 : memref<1x1x512x512xf32, #tpu.memory_space<any>> -> memref<512x512xf32, #tpu.memory_space<any>>
    %dma_wait3A_2969 = arith.constant 0 : i32
    %dma_wait3A_2970 = arith.constant 0 : i32
    %dma_wait3A_2971 = tpu.memref_slice %arg2[%dma_wait3A_2962, %dma_wait3A_2969, %dma_wait3A_2970] : memref<8x512x512xf32, #tpu.memory_space<vmem>> -> memref<1x512x512xf32, #tpu.memory_space<vmem>>
    %dma_wait3A_2972 = tpu.memref_squeeze %dma_wait3A_2971 : memref<1x512x512xf32, #tpu.memory_space<vmem>> -> memref<512x512xf32, #tpu.memory_space<vmem>>
    tpu.wait_dma2 semaphore(%arg3 : memref<!tpu.dma_semaphore, #tpu.memory_space<semaphore_mem>>) src(%dma_wait3A_2972 : memref<512x512xf32, #tpu.memory_space<vmem>>) dst(%dma_wait3A_2968 : memref<512x512xf32, #tpu.memory_space<any>>)
    %dma_wait3A_2973 = arith.constant 7 : i32
    %dma_wait3A_2974 = arith.constant 7 : i32
    %dma_wait3A_2975 = arith.constant 15 : i32
    %dma_wait3A_2976 = arith.constant 0 : i32
    %dma_wait3A_2977 = arith.constant 0 : i32
    %dma_wait3A_2978 = tpu.memref_slice %arg1[%dma_wait3A_2974, %dma_wait3A_2975, %dma_wait3A_2976, %dma_wait3A_2977] : memref<8x16x512x512xf32, #tpu.memory_space<any>> -> memref<1x1x512x512xf32, #tpu.memory_space<any>>
    %dma_wait3A_2979 = tpu.memref_squeeze %dma_wait3A_2978 : memref<1x1x512x512xf32, #tpu.memory_space<any>> -> memref<512x512xf32, #tpu.memory_space<any>>
    %dma_wait3A_2980 = arith.constant 0 : i32
    %dma_wait3A_2981 = arith.constant 0 : i32
    %dma_wait3A_2982 = tpu.memref_slice %arg2[%dma_wait3A_2973, %dma_wait3A_2980, %dma_wait3A_2981] : memref<8x512x512xf32, #tpu.memory_space<vmem>> -> memref<1x512x512xf32, #tpu.memory_space<vmem>>
    %dma_wait3A_2983 = tpu.memref_squeeze %dma_wait3A_2982 : memref<1x512x512xf32, #tpu.memory_space<vmem>> -> memref<512x512xf32, #tpu.memory_space<vmem>>
    tpu.wait_dma2 semaphore(%arg3 : memref<!tpu.dma_semaphore, #tpu.memory_space<semaphore_mem>>) src(%dma_wait3A_2983 : memref<512x512xf32, #tpu.memory_space<vmem>>) dst(%dma_wait3A_2979 : memref<512x512xf32, #tpu.memory_space<any>>)
    return
  }
}

</mosaic_0001>

<sc_bundles>
// kernel: kernel.5.cloned.1.call-start
scs
__scs_entry_jumppad:
0x0: {  	(pc) =	sbr.rel $0x88, $3  }
0x1: {  	(tag) =	ssettag $0x0;
	lr =	simm.s32 $0x1  }
0x2: {  	[smem:$0x3F9F] =	sst lr;
	_ =	strace $0xD0000000  }
0x3: {  	_ = 	snop  }
0x4: {  	_ = 	snop  }
0x5: {  	_ = 	snop  }
0x6: {  	_ = 	snop  }
0x7: {  	_ = 	snop  }
__scs_overlays_trampoline_lowered:
0x8: {  	[smem:$0x3FAE] =	sst s0  }
0x9: {  	[smem:$0x3FAF] =	sst s1  }
0xa: {  	[smem:$0x3FB0] =	sst s2  }
0xb: {  	[smem:$0x3FB1] =	sst s3  }
0xc: {  	[smem:$0x3FB2] =	sst s4  }
0xd: {  	[smem:$0x3FB3] =	sst s5  }
0xe: {  	[smem:$0x3FB4] =	sst s6  }
0xf: {  	[smem:$0x3FB5] =	sst s7  }
0x10: {  	[smem:$0x3FB6] =	sst s8  }
0x11: {  	[smem:$0x3FB7] =	sst s9;
	s0 =	simm.s32 @!p0 $0x0  }
0x12: {  	s1 =	sld [smem:$0x3F9D];
	s0 =	simm.s32 @p0 $0x1  }
0x13: {  	[smem:$0x3FB8] =	sst s0;
	s0 =	simm.s32 @!p1 $0x0  }
0x14: {  	s2 =	sld [smem:$0x3F9C];
	s0 =	simm.s32 @p1 $0x1  }
0x15: {  	[smem:$0x3FB9] =	sst s0;
	s0 =	simm.s32 @!p2 $0x0  }
0x16: {  	s3 =	sld [smem:$0x3FDB];
	s0 =	simm.s32 @p2 $0x1  }
0x17: {  	s4 =	simm.s32 $0x1BF5;
	[smem:$0x3FBB] =	sst s0  }
0x18: {  	s0 =	sld [smem:$0x3F9E];
	_ =	swait.ge [sflag:s4], $0x0  }
0x19: {  	s7 =	sld [smem:$0x3F9F]  }
0x1a: {  	s8 =	sadd.s32 $0xFFFFE003, lr  }
0x1b: {  	s9 =	sadd.s32 $0xFFFFFEF7, lr;
	s5 =	simm.s32 $0xFFFFFFFF;
	p2 =	slt.u32 s8, $0xFFFFF086  }
0x1c: {  	p1 =	slt.u32 s9, $0xF7A;
	s5 =	simm.s32 @!p2 $0x0  }
0x1d: {  	s5 =	simm.s32 @p1 $0x1;
	p0 =	seq.s32 s7, s2  }
0x1e: {  	s7 =	smul.u32 @!p0 $0xF7A, s2;
	p2 =	seq.s32 @!p0 s5, $0x0  }
0x1f: {  	s9 =	smul.u32 $0xF7A, s1;
	s8 =	simm.s32 @!p0 $0x1BF5;
	p2 =	por !p2, p0  }
0x20: {  	[sflag:s8] =	ssyncset.s32 @!p0 $0xFFFFF086;
	s6 =	sadd.s32 @!p0 s3, s7;
	s7 =	simm.s32 @!p0 $0x108  }
0x21: {  	s3 =	sadd.s32 s3, s9;
	s6 =	sadd.s32 @!p0 $0x88, s6;
	s7 =	simm.s32 @p2 $0x1082  }
0x22: {  	[simem:s7], [sflag:s8] =	dma.local @!p0 [hbm:s6], $0xF7A  }
0x23: {  	s9 =	sor.u32 $0xD0000000, s2;
	s6 =	simm.s32 $0x108;
	_ =	swait.ge @!p0 [sflag:s8], $0x0  }
0x24: {  	s3 =	sadd.s32 $0x88, s3;
	s6 =	simm.s32 @!p1 $0x1082;
	[sflag:s4] =	ssyncset.s32 $0xFFFFF086  }
0x25: {  	[simem:s6], [sflag:s4] =	dma.local [hbm:s3], $0xF7A  }
0x26: {  	[smem:$0x3F9F] =	sst s1;
	(tag) =	ssettag s2;
	_ =	strace s9  }
0x27: {  	s1 =	sld [smem:$0x3FAF]  }
0x28: {  	s2 =	sld [smem:$0x3FB0]  }
0x29: {  	s4 =	sld [smem:$0x3FB2]  }
0x2a: {  	p0 =	seq.s32 s5, $0x0;
	s5 =	sld [smem:$0x3FB3]  }
0x2b: {  	s6 =	sld [smem:$0x3FB4]  }
0x2c: {  	s7 =	sld [smem:$0x3FB5]  }
0x2d: {  	s3 =	simm.s32 $0x108;
	s8 =	sld [smem:$0x3FB6]  }
0x2e: {  	s3 =	simm.s32 @!p0 $0x1082;
	s9 =	sld [smem:$0x3FB7]  }
0x2f: {  	lr =	sadd.s32 s0, s3;
	s0 =	sld [smem:$0x3FAE]  }
0x30: {  	s3 =	sld [smem:$0x3FB1]  }
0x31: {  	[smem:$0x3FBA] =	sst s10  }
0x32: {  	s10 =	sld [smem:$0x3FB8];
	_ =	sdelay $0x3  }
0x33: {  	p0 =	seq.s32 s10, $0x1;
	s10 =	sld [smem:$0x3FBA];
	_ =	sdelay $0x3  }
0x34: {  	[smem:$0x3FBA] =	sst s10  }
0x35: {  	s10 =	sld [smem:$0x3FB9];
	_ =	sdelay $0x3  }
0x36: {  	p1 =	seq.s32 s10, $0x1;
	s10 =	sld [smem:$0x3FBA];
	_ =	sdelay $0x3  }
0x37: {  	[smem:$0x3FBA] =	sst s10  }
0x38: {  	s10 =	sld [smem:$0x3FBB]  }
0x39: {  	_ = 	snop;
	(pc) =	sbr.ind lr, $3  }
0x3a: {  	_ = 	snop  }
0x3b: {  	_ = 	snop  }
0x3c: {  	p2 =	seq.s32 s10, $0x1;
	s10 =	sld [smem:$0x3FBA]  }
0x3d: {  	_ =	shalt  }
0x3e: {  	_ =	shalt  }
0x3f: {  	_ =	shalt  }
0x40: {  	_ =	shalt  }
0x41: {  	_ =	shalt  }
0x42: {  	_ =	shalt  }
0x43: {  	_ =	shalt  }
0x44: {  	_ =	shalt  }
0x45: {  	_ =	shalt  }
0x46: {  	_ =	shalt  }
0x47: {  	_ =	shalt  }
0x48: {  	_ =	shalt  }
0x49: {  	_ =	shalt  }
0x4a: {  	_ =	shalt  }
0x4b: {  	_ =	shalt  }
0x4c: {  	_ =	shalt  }
0x4d: {  	_ =	shalt  }
0x4e: {  	_ =	shalt  }
0x4f: {  	_ =	shalt  }
0x50: {  	_ =	shalt  }
0x51: {  	_ =	shalt  }
0x52: {  	_ =	shalt  }
0x53: {  	_ =	shalt  }
0x54: {  	_ =	shalt  }
0x55: {  	_ =	shalt  }
0x56: {  	_ =	shalt  }
0x57: {  	_ =	shalt  }
0x58: {  	_ =	shalt  }
0x59: {  	_ =	shalt  }
0x5a: {  	_ =	shalt  }
0x5b: {  	_ =	shalt  }
0x5c: {  	_ =	shalt  }
0x5d: {  	_ =	shalt  }
0x5e: {  	_ =	shalt  }
0x5f: {  	_ =	shalt  }
0x60: {  	_ =	shalt  }
0x61: {  	_ =	shalt  }
0x62: {  	_ =	shalt  }
0x63: {  	_ =	shalt  }
0x64: {  	_ =	shalt  }
0x65: {  	_ =	shalt  }
0x66: {  	_ =	shalt  }
0x67: {  	_ =	shalt  }
0x68: {  	_ =	shalt  }
0x69: {  	_ =	shalt  }
0x6a: {  	_ =	shalt  }
0x6b: {  	_ =	shalt  }
0x6c: {  	_ =	shalt  }
0x6d: {  	_ =	shalt  }
0x6e: {  	_ =	shalt  }
0x6f: {  	_ =	shalt  }
0x70: {  	_ =	shalt  }
0x71: {  	_ =	shalt  }
0x72: {  	_ =	shalt  }
0x73: {  	_ =	shalt  }
0x74: {  	_ =	shalt  }
0x75: {  	_ =	shalt  }
0x76: {  	_ =	shalt  }
0x77: {  	_ =	shalt  }
0x78: {  	_ =	shalt  }
0x79: {  	_ =	shalt  }
0x7a: {  	_ =	shalt  }
0x7b: {  	_ =	shalt  }
0x7c: {  	_ =	shalt  }
0x7d: {  	_ =	shalt  }
0x7e: {  	_ =	shalt  }
0x7f: {  	_ =	shalt  }
0x80: {  	_ =	shalt  }
0x81: {  	_ =	shalt  }
0x82: {  	_ =	shalt  }
0x83: {  	_ =	shalt  }
0x84: {  	_ =	shalt  }
0x85: {  	_ =	shalt  }
0x86: {  	_ =	shalt  }
0x87: {  	_ =	shalt  }
.Lfunc_end0:
.L_simem_size_0:
called_computation_lowered:
.L_overlay_start_0:
0x88: {  	s0 =	sld [smem:$0x3FD9]  }
0x89: {  	s1 =	sld [smem:$0x3FFE];
	_ =	sdelay $0x3  }
0x8a: {  	s0 =	sadd.s32 s1, s0  }
0x8b: {  	[smem:$0x3FC6] =	sst s0  }
0x8c: {  	_ = 	snop  }
0x8d: {  	s0 =	sld [smem:$0x3FD0];
	_ =	sdelay $0x2  }
0x8e: {  	s13 =	simm.s32 $0xA;
	s2 =	simm.s32 $0x10  }
0x8f: {  	[smem:s2], [sflag:s13] =	dma.local [hbm:s0], $0x1  }
0x90: {  	_ =	swait.eq [sflag:s13], $0x1  }
0x91: {  	[sflag:s13] =	ssyncset.done $0x0  }
0x92: {  	[sflag:s13] =	ssyncadd.s32 $0xFFFFFFFF  }
0x93: {  	s14 =	sld [smem:$0x10];
	(tm) =	ssettm $0x1  }
0x94: {  	s15 =	sld [smem:$0x3FFB];
	_ =	sdelay $0x3  }
0x95: {  	_ =	strace s15  }
0x96: {  	s1 =	sld [smem:$0x3FFC];
	_ =	sdelay $0x3  }
0x97: {  	_ =	strace s1  }
0x98: {  	s1 =	sld [smem:$0x3FFD];
	_ =	sdelay $0x3  }
0x99: {  	_ =	strace s1  }
0x9a: {  	_ =	strace $0x8FFFFFFF  }
0x9b: {  	s16 =	sld [smem:$0x3FDB];
	_ =	sdelay $0x1  }
0x9c: {  	s17 =	simm.s32 $_scs_section_size  }
0x9d: {  	s3 =	simm.s32 $_size__tile_overlayer_lowered;
	s4 =	simm.s32 $_tile_overlayer_lowered  }
0x9e: {  	s20 =	simm.s32 $0x1BFF;
	s19 =	sshll.u32 s4, $0x1;
	s1 =	sadd.s32 s17, s16  }
0x9f: {  	s5 =	simm.s32 $0x0;
	s18 =	sshll.u32 s3, $0x1;
	s3 =	sadd.s32 s19, s1  }
0xa0: {  	[timem:s5], [sflag:s20] =	dma.local [hbm:s3], s18  }
0xa1: {  	_ =	swait.ge [sflag:s20], s18  }
0xa2: {  	s2 =	ssub.s32 $0x0, s18;
	[sflag:s20] =	ssyncset.done $0x0  }
0xa3: {  	[sflag:s20] =	ssyncadd.s32 s2;
	_ =	sdelay $0x1  }
0xa4: {  	s21 =	simm.s32 $0x1B8B  }
0xa5: {  	_ =	swait.ge [sflag:s21], $0x1  }
0xa6: {  	[sflag:s21] =	ssyncset.done $0x0  }
0xa7: {  	s23 =	simm.s32 $0x1B8E;
	s22 =	sld [smem:$0x3FFE];
	[sflag:s21] =	ssyncadd.s32 $0xFFFFFFFF  }
0xa8: {  	s24 =	simm.s32 $execute0_lowered;
	[smem:$0x3FD2] =	sst s23  }
0xa9: {  	s3 =	sshll.u32 s24, $0x1;
	_ =	strace $0x80000046;
	[dreg:$0x1] =	wrdreg $0xFFFFFFFF  }
0xaa: {  	s25 =	simm.s32 $_size_execute0_lowered;
	s1 =	sadd.s32 s1, s3;
	[dreg:$0x0] =	wrdreg $0x0  }
0xab: {  	s3 =	sshll.u32 s25, $0x1;
	[dreg:$0x2] =	wrdreg s1  }
0xac: {  	[dreg:$0x3] =	wrdreg s3  }
0xad: {  	[dreg:$0x4] =	wrdreg $0xC0  }
0xae: {  	_ =	task [dreg:s5], $0x5FFFF  }
0xaf: {  	[dreg:$0x1] =	wrdreg $0xFFFFFFFF  }
0xb0: {  	[dreg:$0x0] =	wrdreg $0x60  }
0xb1: {  	[dreg:$0x2] =	wrdreg s22  }
0xb2: {  	[dreg:$0x3] =	wrdreg s14  }
0xb3: {  	[dreg:$0x4] =	wrdreg $0x9  }
0xb4: {  	_ =	task.clear_ibuf [dreg:s5], $0x5FFFF;
	_ =	strace $0x90000046  }
0xb5: {  	s26 =	simm.s32 $0x9;
	_ =	strace $0x80000048  }
0xb6: {  	_ =	swait.ge [sflag:s26], $0x1  }
0xb7: {  	[sflag:s26] =	ssyncadd.s32 $0xFFFFFFFF  }
0xb8: {  	_ =	strace $0x90000048  }
0xb9: {  	_ =	sfence  }
0xba: {  	s28 =	sld [smem:$0x0];
	_ =	sdelay $0x1  }
0xbb: {  	s29 =	srdreg.scid  }
0xbc: {  	s30 =	sshll.u32 s29, $0xD;
	s31 =	sshrl.u32 s29, $0x2  }
0xbd: {  	s2 =	sand.u32 $0x4000, s30;
	s1 =	sand.u32 $0x1, s29;
	s0 =	sadd.s32 s31, s28  }
0xbe: {  	s1 =	sor.u32 s2, s1;
	s0 =	sshll.u32 s0, $0x11  }
0xbf: {  	s0 =	sor.u32 s0, s1  }
0xc0: {  	s0 =	sadd.s32 $0x8F2B, s0  }
0xc1: {  	[sflag:s0] =	ssyncadd.remote.s32 $0x1  }
0xc2: {  	_ =	sfence.sel $0xFFFF  }
0xc3: {  	[dreg:$0x0] =	wrdreg $0xFFFFFFFF;
	(pc) =	sbr.abs _section_cstart, $3  }
0xc4: {  	[dreg:$0x1] =	wrdreg $0xFFFFFFFF  }
0xc5: {  	_ =	task.clear_ibuf [dreg:s5], $0x2FFFF;
	_ =	strace $0x9FFFFFFF  }
0xc6: {  	(tm) =	ssettm $0x7FFFFFFF  }
0xc7: {  	_ =	shalt  }
tec
execute0_lowered:
.L_overlay_start_1:
0x0: {  	(tag) =	ssettag $0x1  }
0x1: {  	s0 =	rddreg [dreg:$0x0];
	s1 =	stileid.u32  }
0x2: {  	s9 =	rddreg [dreg:$0x1];
	s2 =	simm.s32 $0x0;
	s1 =	sshll.u32 s1, $0x5  }
0x3: {  	[smem:$0x7FF] =	sst s2;
	s1 =	sadd.s32 s1, s0  }
0x4: {  	s21 =	simm.s32 $0x4;
	_ =	strace $0x80000047;
	s1 =	sadd.s32 $0x600, s1  }
0x5: {  	[tilespmem:s2], [sflag:$0x4] =	stream.linear.gather [hbm4b:s1+s2], $0x100, $0x38;
	[tilespmem:$0xC100] =	vst v63  }
0x6: {  	_ =	swait.ge [sflag:s21], $0x100  }
0x7: {  	[sflag:s21] =	ssyncset.done $0x0  }
0x8: {  	[sflag:s21] =	ssyncadd.s32 $0xFFFFFF00  }
0x9: {  	v0 =	vld [tilespmem:$0x0];
	_ =	sdelay $0x4  }
0xa: {  	v1 =	vshrl.u32 v0, $0x3  }
0xb: {  	v1 =	vmul.u32 $0x30, v1  }
0xc: {  	v2 =	vlaneseq.u32;
	v0 =	vand.u32 $0x7, v0  }
0xd: {  	v40 =	vand.u32 $0x7, v2;
	v41 =	vshrl.u32 v2, $0x3;
	v3 =	vor.u32 v0, v1  }
0xe: {  	v0 =	vmul.u32 $0x8, v41;
	v4 =	vperm.xlane v3, v40;
	_ =	sdelay $0x1  }
0xf: {  	v4 =	vadd.s32 v0, v4;
	_ =	sdelay $0x2  }
0x10: {  	v2 =	vor.u32 $0x8, v2  }
0x11: {  	vm0 =	vmmov $0xffff;
	s6 =	simm.s32 $0x100;
	s3 =	sadd.s32 $0x800, s0;
	v3 =	vperm.xlane v3, v2  }
0x12: {  	[tilespmem:s6], [sflag:$0x1] =	stream.indirect_vreg.gather [hbm4b:s3+s2], $0x80, v4, vm0, $0xb8;
	[tilespmem:$0xC100] =	vst v63  }
0x13: {  	s22 =	simm.s32 $0x900;
	s4 =	sadd.s32 $0x900, s0;
	v3 =	vadd.s32 v0, v3  }
0x14: {  	[tilespmem:s22], [sflag:$0x1] =	stream.indirect_vreg.gather [hbm4b:s4+s2], $0x80, v4, vm0, $0xb8;
	[tilespmem:$0xC100] =	vst v63  }
0x15: {  	s23 =	simm.s32 $0x1100;
	s5 =	sadd.s32 $0xA00, s0  }
0x16: {  	[tilespmem:s23], [sflag:$0x1] =	stream.indirect_vreg.gather [hbm4b:s5+s2], $0x80, v4, vm0, $0xb8;
	[tilespmem:$0xC100] =	vst v63  }
0x17: {  	s24 =	simm.s32 $0x1900  }
0x18: {  	[tilespmem:s24], [sflag:$0x1] =	stream.indirect_vreg.gather [hbm4b:s3+s2], $0x80, v3, vm0, $0xb8;
	[tilespmem:$0xC100] =	vst v63  }
0x19: {  	s25 =	simm.s32 $0x2100  }
0x1a: {  	[tilespmem:s25], [sflag:$0x1] =	stream.indirect_vreg.gather [hbm4b:s4+s2], $0x80, v3, vm0, $0xb8;
	[tilespmem:$0xC100] =	vst v63  }
0x1b: {  	s26 =	simm.s32 $0x2900  }
0x1c: {  	[tilespmem:s26], [sflag:$0x1] =	stream.indirect_vreg.gather [hbm4b:s5+s2], $0x80, v3, vm0, $0xb8;
	[tilespmem:$0xC100] =	vst v63  }
0x1d: {  	v3 =	vld [tilespmem:$0x10];
	_ =	sdelay $0x4  }
0x1e: {  	v42 =	vshrl.u32 v3, $0x3  }
0x1f: {  	v4 =	vmul.u32 $0x30, v42  }
0x20: {  	v3 =	vand.u32 $0x7, v3  }
0x21: {  	v3 =	vor.u32 v3, v4  }
0x22: {  	v4 =	vperm.xlane v3, v40;
	_ =	sdelay $0x1  }
0x23: {  	v4 =	vadd.s32 v0, v4;
	_ =	sdelay $0x3  }
0x24: {  	s28 =	simm.s32 $0x3100;
	v3 =	vperm.xlane v3, v2  }
0x25: {  	[tilespmem:s28], [sflag:$0x1] =	stream.indirect_vreg.gather [hbm4b:s3+s2], $0x80, v4, vm0, $0xb8;
	[tilespmem:$0xC100] =	vst v63  }
0x26: {  	s29 =	simm.s32 $0x3900;
	v3 =	vadd.s32 v0, v3  }
0x27: {  	[tilespmem:s29], [sflag:$0x1] =	stream.indirect_vreg.gather [hbm4b:s4+s2], $0x80, v4, vm0, $0xb8;
	[tilespmem:$0xC100] =	vst v63  }
0x28: {  	s30 =	simm.s32 $0x4100  }
0x29: {  	[tilespmem:s30], [sflag:$0x1] =	stream.indirect_vreg.gather [hbm4b:s5+s2], $0x80, v4, vm0, $0xb8;
	[tilespmem:$0xC100] =	vst v63  }
0x2a: {  	s31 =	simm.s32 $0x4900  }
0x2b: {  	[tilespmem:s31], [sflag:$0x1] =	stream.indirect_vreg.gather [hbm4b:s3+s2], $0x80, v3, vm0, $0xb8;
	[tilespmem:$0xC100] =	vst v63  }
0x2c: {  	s1 =	simm.s32 $0x5100  }
0x2d: {  	[tilespmem:s1], [sflag:$0x1] =	stream.indirect_vreg.gather [hbm4b:s4+s2], $0x80, v3, vm0, $0xb8;
	[tilespmem:$0xC100] =	vst v63  }
0x2e: {  	s7 =	simm.s32 $0x5900  }
0x2f: {  	[tilespmem:s7], [sflag:$0x1] =	stream.indirect_vreg.gather [hbm4b:s5+s2], $0x80, v3, vm0, $0xb8;
	[tilespmem:$0xC100] =	vst v63  }
0x30: {  	s8 =	stileid.u32;
	s7 =	simm.s32 $0x1  }
0x31: {  	s10 =	smul.u32 $0x6000, s8;
	_ =	swait.ge [sflag:s7], $0x6000  }
0x32: {  	[sflag:s7] =	ssyncset.done $0x0  }
0x33: {  	s0 =	sadd.s32 s9, s10;
	[sflag:s7] =	ssyncadd.s32 $0xFFFFA000  }
0x34: {  	[hbm4b:s0+s2] =	stream.linear.scatter [tilespmem:s6], [sflag:$0x2], $0x6000, $0x38;
	[tilespmem:$0xC100] =	vst v63  }
0x35: {  	v43 =	vld [tilespmem:$0x20];
	_ =	sdelay $0x4  }
0x36: {  	v44 =	vshrl.u32 v43, $0x3  }
0x37: {  	v4 =	vmul.u32 $0x30, v44  }
0x38: {  	v3 =	vand.u32 $0x7, v43  }
0x39: {  	v3 =	vor.u32 v3, v4  }
0x3a: {  	v4 =	vperm.xlane v3, v40;
	_ =	sdelay $0x1  }
0x3b: {  	v4 =	vadd.s32 v0, v4;
	_ =	sdelay $0x3  }
0x3c: {  	s8 =	simm.s32 $0x6100;
	v3 =	vperm.xlane v3, v2  }
0x3d: {  	[tilespmem:s8], [sflag:$0x1] =	stream.indirect_vreg.gather [hbm4b:s3+s2], $0x80, v4, vm0, $0xb8;
	[tilespmem:$0xC100] =	vst v63  }
0x3e: {  	s22 =	simm.s32 $0x6900;
	v3 =	vadd.s32 v0, v3  }
0x3f: {  	[tilespmem:s22], [sflag:$0x1] =	stream.indirect_vreg.gather [hbm4b:s4+s2], $0x80, v4, vm0, $0xb8;
	[tilespmem:$0xC100] =	vst v63  }
0x40: {  	s23 =	simm.s32 $0x7100  }
0x41: {  	[tilespmem:s23], [sflag:$0x1] =	stream.indirect_vreg.gather [hbm4b:s5+s2], $0x80, v4, vm0, $0xb8;
	[tilespmem:$0xC100] =	vst v63  }
0x42: {  	s24 =	simm.s32 $0x7900  }
0x43: {  	[tilespmem:s24], [sflag:$0x1] =	stream.indirect_vreg.gather [hbm4b:s3+s2], $0x80, v3, vm0, $0xb8;
	[tilespmem:$0xC100] =	vst v63  }
0x44: {  	s25 =	simm.s32 $0x8100  }
0x45: {  	[tilespmem:s25], [sflag:$0x1] =	stream.indirect_vreg.gather [hbm4b:s4+s2], $0x80, v3, vm0, $0xb8;
	[tilespmem:$0xC100] =	vst v63  }
0x46: {  	s26 =	simm.s32 $0x8900  }
0x47: {  	[tilespmem:s26], [sflag:$0x1] =	stream.indirect_vreg.gather [hbm4b:s5+s2], $0x80, v3, vm0, $0xb8;
	[tilespmem:$0xC100] =	vst v63  }
0x48: {  	v3 =	vld [tilespmem:$0x30];
	_ =	sdelay $0x4  }
0x49: {  	v45 =	vshrl.u32 v3, $0x3  }
0x4a: {  	v4 =	vmul.u32 $0x30, v45  }
0x4b: {  	v3 =	vand.u32 $0x7, v3  }
0x4c: {  	v3 =	vor.u32 v3, v4  }
0x4d: {  	v4 =	vperm.xlane v3, v40;
	_ =	sdelay $0x1  }
0x4e: {  	v4 =	vadd.s32 v0, v4;
	_ =	sdelay $0x3  }
0x4f: {  	s28 =	simm.s32 $0x9100;
	v3 =	vperm.xlane v3, v2  }
0x50: {  	[tilespmem:s28], [sflag:$0x1] =	stream.indirect_vreg.gather [hbm4b:s3+s2], $0x80, v4, vm0, $0xb8;
	[tilespmem:$0xC100] =	vst v63  }
0x51: {  	s29 =	simm.s32 $0x9900;
	v3 =	vadd.s32 v0, v3  }
0x52: {  	[tilespmem:s29], [sflag:$0x1] =	stream.indirect_vreg.gather [hbm4b:s4+s2], $0x80, v4, vm0, $0xb8;
	[tilespmem:$0xC100] =	vst v63  }
0x53: {  	s30 =	simm.s32 $0xA100  }
0x54: {  	[tilespmem:s30], [sflag:$0x1] =	stream.indirect_vreg.gather [hbm4b:s5+s2], $0x80, v4, vm0, $0xb8;
	[tilespmem:$0xC100] =	vst v63  }
0x55: {  	s31 =	simm.s32 $0xA900  }
0x56: {  	[tilespmem:s31], [sflag:$0x1] =	stream.indirect_vreg.gather [hbm4b:s3+s2], $0x80, v3, vm0, $0xb8;
	[tilespmem:$0xC100] =	vst v63  }
0x57: {  	s10 =	simm.s32 $0xB100  }
0x58: {  	[tilespmem:s10], [sflag:$0x1] =	stream.indirect_vreg.gather [hbm4b:s4+s2], $0x80, v3, vm0, $0xb8;
	[tilespmem:$0xC100] =	vst v63  }
0x59: {  	s30 =	simm.s32 $0xB900  }
0x5a: {  	[tilespmem:s30], [sflag:$0x1] =	stream.indirect_vreg.gather [hbm4b:s5+s2], $0x80, v3, vm0, $0xb8;
	[tilespmem:$0xC100] =	vst v63  }
0x5b: {  	_ =	swait.ge [sflag:s7], $0x6000  }
0x5c: {  	[sflag:s7] =	ssyncset.done $0x0  }
0x5d: {  	s31 =	sadd.s32 $0xC00, s0;
	[sflag:s7] =	ssyncadd.s32 $0xFFFFA000  }
0x5e: {  	[hbm4b:s31+s2] =	stream.linear.scatter [tilespmem:s8], [sflag:$0x3], $0x6000, $0x38;
	[tilespmem:$0xC100] =	vst v63  }
0x5f: {  	s31 =	simm.s32 $0x2  }
0x60: {  	_ =	swait.ge [sflag:s31], $0x6000  }
0x61: {  	[sflag:s31] =	ssyncset.done $0x0  }
0x62: {  	[sflag:s31] =	ssyncadd.s32 $0xFFFFA000  }
0x63: {  	v46 =	vld [tilespmem:$0x40];
	_ =	sdelay $0x4  }
0x64: {  	v47 =	vshrl.u32 v46, $0x3  }
0x65: {  	v4 =	vmul.u32 $0x30, v47  }
0x66: {  	v3 =	vand.u32 $0x7, v46  }
0x67: {  	v3 =	vor.u32 v3, v4  }
0x68: {  	v4 =	vperm.xlane v3, v40;
	_ =	sdelay $0x1  }
0x69: {  	v4 =	vadd.s32 v0, v4;
	_ =	sdelay $0x3  }
0x6a: {  	v3 =	vperm.xlane v3, v2  }
0x6b: {  	[tilespmem:s6], [sflag:$0x1] =	stream.indirect_vreg.gather [hbm4b:s3+s2], $0x80, v4, vm0, $0xb8;
	[tilespmem:$0xC100] =	vst v63  }
0x6c: {  	s11 =	simm.s32 $0x900;
	v3 =	vadd.s32 v0, v3  }
0x6d: {  	[tilespmem:s11], [sflag:$0x1] =	stream.indirect_vreg.gather [hbm4b:s4+s2], $0x80, v4, vm0, $0xb8;
	[tilespmem:$0xC100] =	vst v63  }
0x6e: {  	s12 =	simm.s32 $0x1100  }
0x6f: {  	[tilespmem:s12], [sflag:$0x1] =	stream.indirect_vreg.gather [hbm4b:s5+s2], $0x80, v4, vm0, $0xb8;
	[tilespmem:$0xC100] =	vst v63  }
0x70: {  	s13 =	simm.s32 $0x1900  }
0x71: {  	[tilespmem:s13], [sflag:$0x1] =	stream.indirect_vreg.gather [hbm4b:s3+s2], $0x80, v3, vm0, $0xb8;
	[tilespmem:$0xC100] =	vst v63  }
0x72: {  	s14 =	simm.s32 $0x2100  }
0x73: {  	[tilespmem:s14], [sflag:$0x1] =	stream.indirect_vreg.gather [hbm4b:s4+s2], $0x80, v3, vm0, $0xb8;
	[tilespmem:$0xC100] =	vst v63  }
0x74: {  	s15 =	simm.s32 $0x2900  }
0x75: {  	[tilespmem:s15], [sflag:$0x1] =	stream.indirect_vreg.gather [hbm4b:s5+s2], $0x80, v3, vm0, $0xb8;
	[tilespmem:$0xC100] =	vst v63  }
0x76: {  	v3 =	vld [tilespmem:$0x50];
	_ =	sdelay $0x4  }
0x77: {  	v48 =	vshrl.u32 v3, $0x3  }
0x78: {  	v4 =	vmul.u32 $0x30, v48  }
0x79: {  	v3 =	vand.u32 $0x7, v3  }
0x7a: {  	v3 =	vor.u32 v3, v4  }
0x7b: {  	v4 =	vperm.xlane v3, v40;
	_ =	sdelay $0x1  }
0x7c: {  	v4 =	vadd.s32 v0, v4;
	_ =	sdelay $0x3  }
0x7d: {  	s16 =	simm.s32 $0x3100;
	v3 =	vperm.xlane v3, v2  }
0x7e: {  	[tilespmem:s16], [sflag:$0x1] =	stream.indirect_vreg.gather [hbm4b:s3+s2], $0x80, v4, vm0, $0xb8;
	[tilespmem:$0xC100] =	vst v63  }
0x7f: {  	s17 =	simm.s32 $0x3900;
	v3 =	vadd.s32 v0, v3  }
0x80: {  	[tilespmem:s17], [sflag:$0x1] =	stream.indirect_vreg.gather [hbm4b:s4+s2], $0x80, v4, vm0, $0xb8;
	[tilespmem:$0xC100] =	vst v63  }
0x81: {  	s18 =	simm.s32 $0x4100  }
0x82: {  	[tilespmem:s18], [sflag:$0x1] =	stream.indirect_vreg.gather [hbm4b:s5+s2], $0x80, v4, vm0, $0xb8;
	[tilespmem:$0xC100] =	vst v63  }
0x83: {  	s19 =	simm.s32 $0x4900  }
0x84: {  	[tilespmem:s19], [sflag:$0x1] =	stream.indirect_vreg.gather [hbm4b:s3+s2], $0x80, v3, vm0, $0xb8;
	[tilespmem:$0xC100] =	vst v63  }
0x85: {  	s20 =	simm.s32 $0x5100  }
0x86: {  	[tilespmem:s20], [sflag:$0x1] =	stream.indirect_vreg.gather [hbm4b:s4+s2], $0x80, v3, vm0, $0xb8;
	[tilespmem:$0xC100] =	vst v63  }
0x87: {  	s21 =	simm.s32 $0x5900  }
0x88: {  	[tilespmem:s21], [sflag:$0x1] =	stream.indirect_vreg.gather [hbm4b:s5+s2], $0x80, v3, vm0, $0xb8;
	[tilespmem:$0xC100] =	vst v63  }
0x89: {  	_ =	swait.ge [sflag:s7], $0x6000  }
0x8a: {  	[sflag:s7] =	ssyncset.done $0x0  }
0x8b: {  	s1 =	simm.s32 $0x3;
	s0 =	sadd.s32 $0x1800, s0;
	[sflag:s7] =	ssyncadd.s32 $0xFFFFA000  }
0x8c: {  	[hbm4b:s0+s2] =	stream.linear.scatter [tilespmem:s6], [sflag:$0x2], $0x6000, $0x38;
	[tilespmem:$0xC100] =	vst v63  }
0x8d: {  	_ =	swait.ge [sflag:s1], $0x6000  }
0x8e: {  	[sflag:s1] =	ssyncset.done $0x0  }
0x8f: {  	[sflag:s1] =	ssyncadd.s32 $0xFFFFA000  }
0x90: {  	v49 =	vld [tilespmem:$0x60];
	_ =	sdelay $0x4  }
0x91: {  	v50 =	vshrl.u32 v49, $0x3  }
0x92: {  	v4 =	vmul.u32 $0x30, v50  }
0x93: {  	v3 =	vand.u32 $0x7, v49  }
0x94: {  	v3 =	vor.u32 v3, v4  }
0x95: {  	v4 =	vperm.xlane v3, v40;
	_ =	sdelay $0x1  }
0x96: {  	v4 =	vadd.s32 v0, v4;
	_ =	sdelay $0x3  }
0x97: {  	v3 =	vperm.xlane v3, v2  }
0x98: {  	[tilespmem:s8], [sflag:$0x1] =	stream.indirect_vreg.gather [hbm4b:s3+s2], $0x80, v4, vm0, $0xb8;
	[tilespmem:$0xC100] =	vst v63  }
0x99: {  	s9 =	simm.s32 $0x6900;
	v3 =	vadd.s32 v0, v3  }
0x9a: {  	[tilespmem:s9], [sflag:$0x1] =	stream.indirect_vreg.gather [hbm4b:s4+s2], $0x80, v4, vm0, $0xb8;
	[tilespmem:$0xC100] =	vst v63  }
0x9b: {  	s22 =	simm.s32 $0x7100  }
0x9c: {  	[tilespmem:s22], [sflag:$0x1] =	stream.indirect_vreg.gather [hbm4b:s5+s2], $0x80, v4, vm0, $0xb8;
	[tilespmem:$0xC100] =	vst v63  }
0x9d: {  	s23 =	simm.s32 $0x7900  }
0x9e: {  	[tilespmem:s23], [sflag:$0x1] =	stream.indirect_vreg.gather [hbm4b:s3+s2], $0x80, v3, vm0, $0xb8;
	[tilespmem:$0xC100] =	vst v63  }
0x9f: {  	s24 =	simm.s32 $0x8100  }
0xa0: {  	[tilespmem:s24], [sflag:$0x1] =	stream.indirect_vreg.gather [hbm4b:s4+s2], $0x80, v3, vm0, $0xb8;
	[tilespmem:$0xC100] =	vst v63  }
0xa1: {  	s25 =	simm.s32 $0x8900  }
0xa2: {  	[tilespmem:s25], [sflag:$0x1] =	stream.indirect_vreg.gather [hbm4b:s5+s2], $0x80, v3, vm0, $0xb8;
	[tilespmem:$0xC100] =	vst v63  }
0xa3: {  	v3 =	vld [tilespmem:$0x70];
	_ =	sdelay $0x4  }
0xa4: {  	v51 =	vshrl.u32 v3, $0x3  }
0xa5: {  	v4 =	vmul.u32 $0x30, v51  }
0xa6: {  	v3 =	vand.u32 $0x7, v3  }
0xa7: {  	v3 =	vor.u32 v3, v4  }
0xa8: {  	v4 =	vperm.xlane v3, v40;
	_ =	sdelay $0x1  }
0xa9: {  	v4 =	vadd.s32 v0, v4;
	_ =	sdelay $0x3  }
0xaa: {  	s26 =	simm.s32 $0x9100;
	v3 =	vperm.xlane v3, v2  }
0xab: {  	[tilespmem:s26], [sflag:$0x1] =	stream.indirect_vreg.gather [hbm4b:s3+s2], $0x80, v4, vm0, $0xb8;
	[tilespmem:$0xC100] =	vst v63  }
0xac: {  	s28 =	simm.s32 $0x9900;
	v3 =	vadd.s32 v0, v3  }
0xad: {  	[tilespmem:s28], [sflag:$0x1] =	stream.indirect_vreg.gather [hbm4b:s4+s2], $0x80, v4, vm0, $0xb8;
	[tilespmem:$0xC100] =	vst v63  }
0xae: {  	s29 =	simm.s32 $0xA100  }
0xaf: {  	[tilespmem:s29], [sflag:$0x1] =	stream.indirect_vreg.gather [hbm4b:s5+s2], $0x80, v4, vm0, $0xb8;
	[tilespmem:$0xC100] =	vst v63  }
0xb0: {  	s0 =	simm.s32 $0xA900  }
0xb1: {  	[tilespmem:s0], [sflag:$0x1] =	stream.indirect_vreg.gather [hbm4b:s3+s2], $0x80, v3, vm0, $0xb8;
	[tilespmem:$0xC100] =	vst v63  }
0xb2: {  	s10 =	simm.s32 $0xB100  }
0xb3: {  	[tilespmem:s10], [sflag:$0x1] =	stream.indirect_vreg.gather [hbm4b:s4+s2], $0x80, v3, vm0, $0xb8;
	[tilespmem:$0xC100] =	vst v63  }
0xb4: {  	s10 =	stileid.u32  }
0xb5: {  	s30 =	simm.s32 $0xB900;
	s0 =	smul.u32 $0x30000, s10  }
0xb6: {  	[tilespmem:s30], [sflag:$0x1] =	stream.indirect_vreg.gather [hbm4b:s5+s2], $0x80, v3, vm0, $0xb8;
	[tilespmem:$0xC100] =	vst v63  }
0xb7: {  	_ =	swait.ge [sflag:s7], $0x6000  }
0xb8: {  	s0 =	sshrl.u32 s0, $0x3;
	s30 =	rddreg [dreg:$0x1]  }
0xb9: {  	[sflag:s7] =	ssyncset.done $0x0;
	s0 =	sadd.s32 s30, s0  }
0xba: {  	[sflag:s7] =	ssyncadd.s32 $0xFFFFA000;
	s10 =	sadd.s32 $0x2400, s0  }
0xbb: {  	[hbm4b:s10+s2] =	stream.linear.scatter [tilespmem:s8], [sflag:$0x3], $0x6000, $0x38;
	[tilespmem:$0xC100] =	vst v63  }
0xbc: {  	_ =	swait.ge [sflag:s31], $0x6000  }
0xbd: {  	[sflag:s31] =	ssyncset.done $0x0  }
0xbe: {  	[sflag:s31] =	ssyncadd.s32 $0xFFFFA000  }
0xbf: {  	v52 =	vld [tilespmem:$0x80];
	_ =	sdelay $0x4  }
0xc0: {  	v53 =	vshrl.u32 v52, $0x3  }
0xc1: {  	v4 =	vmul.u32 $0x30, v53  }
0xc2: {  	v3 =	vand.u32 $0x7, v52  }
0xc3: {  	v3 =	vor.u32 v3, v4  }
0xc4: {  	v4 =	vperm.xlane v3, v40;
	_ =	sdelay $0x1  }
0xc5: {  	v4 =	vadd.s32 v0, v4;
	_ =	sdelay $0x3  }
0xc6: {  	v3 =	vperm.xlane v3, v2  }
0xc7: {  	[tilespmem:s6], [sflag:$0x1] =	stream.indirect_vreg.gather [hbm4b:s3+s2], $0x80, v4, vm0, $0xb8;
	[tilespmem:$0xC100] =	vst v63  }
0xc8: {  	s11 =	simm.s32 $0x900;
	v3 =	vadd.s32 v0, v3  }
0xc9: {  	[tilespmem:s11], [sflag:$0x1] =	stream.indirect_vreg.gather [hbm4b:s4+s2], $0x80, v4, vm0, $0xb8;
	[tilespmem:$0xC100] =	vst v63  }
0xca: {  	s12 =	simm.s32 $0x1100  }
0xcb: {  	[tilespmem:s12], [sflag:$0x1] =	stream.indirect_vreg.gather [hbm4b:s5+s2], $0x80, v4, vm0, $0xb8;
	[tilespmem:$0xC100] =	vst v63  }
0xcc: {  	s13 =	simm.s32 $0x1900  }
0xcd: {  	[tilespmem:s13], [sflag:$0x1] =	stream.indirect_vreg.gather [hbm4b:s3+s2], $0x80, v3, vm0, $0xb8;
	[tilespmem:$0xC100] =	vst v63  }
0xce: {  	s14 =	simm.s32 $0x2100  }
0xcf: {  	[tilespmem:s14], [sflag:$0x1] =	stream.indirect_vreg.gather [hbm4b:s4+s2], $0x80, v3, vm0, $0xb8;
	[tilespmem:$0xC100] =	vst v63  }
0xd0: {  	s15 =	simm.s32 $0x2900  }
0xd1: {  	[tilespmem:s15], [sflag:$0x1] =	stream.indirect_vreg.gather [hbm4b:s5+s2], $0x80, v3, vm0, $0xb8;
	[tilespmem:$0xC100] =	vst v63  }
0xd2: {  	v3 =	vld [tilespmem:$0x90];
	_ =	sdelay $0x4  }
0xd3: {  	v54 =	vshrl.u32 v3, $0x3  }
0xd4: {  	v4 =	vmul.u32 $0x30, v54  }
0xd5: {  	v3 =	vand.u32 $0x7, v3  }
0xd6: {  	v3 =	vor.u32 v3, v4  }
0xd7: {  	v4 =	vperm.xlane v3, v40;
	_ =	sdelay $0x1  }
0xd8: {  	v4 =	vadd.s32 v0, v4;
	_ =	sdelay $0x3  }
0xd9: {  	s16 =	simm.s32 $0x3100;
	v3 =	vperm.xlane v3, v2  }
0xda: {  	[tilespmem:s16], [sflag:$0x1] =	stream.indirect_vreg.gather [hbm4b:s3+s2], $0x80, v4, vm0, $0xb8;
	[tilespmem:$0xC100] =	vst v63  }
0xdb: {  	s17 =	simm.s32 $0x3900;
	v3 =	vadd.s32 v0, v3  }
0xdc: {  	[tilespmem:s17], [sflag:$0x1] =	stream.indirect_vreg.gather [hbm4b:s4+s2], $0x80, v4, vm0, $0xb8;
	[tilespmem:$0xC100] =	vst v63  }
0xdd: {  	s18 =	simm.s32 $0x4100  }
0xde: {  	[tilespmem:s18], [sflag:$0x1] =	stream.indirect_vreg.gather [hbm4b:s5+s2], $0x80, v4, vm0, $0xb8;
	[tilespmem:$0xC100] =	vst v63  }
0xdf: {  	s19 =	simm.s32 $0x4900  }
0xe0: {  	[tilespmem:s19], [sflag:$0x1] =	stream.indirect_vreg.gather [hbm4b:s3+s2], $0x80, v3, vm0, $0xb8;
	[tilespmem:$0xC100] =	vst v63  }
0xe1: {  	s20 =	simm.s32 $0x5100  }
0xe2: {  	[tilespmem:s20], [sflag:$0x1] =	stream.indirect_vreg.gather [hbm4b:s4+s2], $0x80, v3, vm0, $0xb8;
	[tilespmem:$0xC100] =	vst v63  }
0xe3: {  	s21 =	simm.s32 $0x5900  }
0xe4: {  	[tilespmem:s21], [sflag:$0x1] =	stream.indirect_vreg.gather [hbm4b:s5+s2], $0x80, v3, vm0, $0xb8;
	[tilespmem:$0xC100] =	vst v63  }
0xe5: {  	_ =	swait.ge [sflag:s7], $0x6000  }
0xe6: {  	[sflag:s7] =	ssyncset.done $0x0  }
0xe7: {  	s30 =	sadd.s32 $0x3000, s0;
	[sflag:s7] =	ssyncadd.s32 $0xFFFFA000  }
0xe8: {  	[hbm4b:s30+s2] =	stream.linear.scatter [tilespmem:s6], [sflag:$0x2], $0x6000, $0x38;
	[tilespmem:$0xC100] =	vst v63  }
0xe9: {  	_ =	swait.ge [sflag:s1], $0x6000  }
0xea: {  	[sflag:s1] =	ssyncset.done $0x0  }
0xeb: {  	[sflag:s1] =	ssyncadd.s32 $0xFFFFA000  }
0xec: {  	v55 =	vld [tilespmem:$0xA0];
	_ =	sdelay $0x4  }
0xed: {  	v56 =	vshrl.u32 v55, $0x3  }
0xee: {  	v4 =	vmul.u32 $0x30, v56  }
0xef: {  	v3 =	vand.u32 $0x7, v55  }
0xf0: {  	v3 =	vor.u32 v3, v4  }
0xf1: {  	v4 =	vperm.xlane v3, v40;
	_ =	sdelay $0x1  }
0xf2: {  	v4 =	vadd.s32 v0, v4;
	_ =	sdelay $0x3  }
0xf3: {  	v3 =	vperm.xlane v3, v2  }
0xf4: {  	[tilespmem:s8], [sflag:$0x1] =	stream.indirect_vreg.gather [hbm4b:s3+s2], $0x80, v4, vm0, $0xb8;
	[tilespmem:$0xC100] =	vst v63  }
0xf5: {  	s9 =	simm.s32 $0x6900;
	v3 =	vadd.s32 v0, v3  }
0xf6: {  	[tilespmem:s9], [sflag:$0x1] =	stream.indirect_vreg.gather [hbm4b:s4+s2], $0x80, v4, vm0, $0xb8;
	[tilespmem:$0xC100] =	vst v63  }
0xf7: {  	s22 =	simm.s32 $0x7100  }
0xf8: {  	[tilespmem:s22], [sflag:$0x1] =	stream.indirect_vreg.gather [hbm4b:s5+s2], $0x80, v4, vm0, $0xb8;
	[tilespmem:$0xC100] =	vst v63  }
0xf9: {  	s23 =	simm.s32 $0x7900  }
0xfa: {  	[tilespmem:s23], [sflag:$0x1] =	stream.indirect_vreg.gather [hbm4b:s3+s2], $0x80, v3, vm0, $0xb8;
	[tilespmem:$0xC100] =	vst v63  }
0xfb: {  	s24 =	simm.s32 $0x8100  }
0xfc: {  	[tilespmem:s24], [sflag:$0x1] =	stream.indirect_vreg.gather [hbm4b:s4+s2], $0x80, v3, vm0, $0xb8;
	[tilespmem:$0xC100] =	vst v63  }
0xfd: {  	s25 =	simm.s32 $0x8900  }
0xfe: {  	[tilespmem:s25], [sflag:$0x1] =	stream.indirect_vreg.gather [hbm4b:s5+s2], $0x80, v3, vm0, $0xb8;
	[tilespmem:$0xC100] =	vst v63  }
0xff: {  	v3 =	vld [tilespmem:$0xB0];
	_ =	sdelay $0x4  }
0x100: {  	v57 =	vshrl.u32 v3, $0x3  }
0x101: {  	v4 =	vmul.u32 $0x30, v57  }
0x102: {  	v3 =	vand.u32 $0x7, v3  }
0x103: {  	v3 =	vor.u32 v3, v4  }
0x104: {  	v4 =	vperm.xlane v3, v40;
	_ =	sdelay $0x1  }
0x105: {  	v4 =	vadd.s32 v0, v4;
	_ =	sdelay $0x3  }
0x106: {  	s26 =	simm.s32 $0x9100;
	v3 =	vperm.xlane v3, v2  }
0x107: {  	[tilespmem:s26], [sflag:$0x1] =	stream.indirect_vreg.gather [hbm4b:s3+s2], $0x80, v4, vm0, $0xb8;
	[tilespmem:$0xC100] =	vst v63  }
0x108: {  	s28 =	simm.s32 $0x9900;
	v3 =	vadd.s32 v0, v3  }
0x109: {  	[tilespmem:s28], [sflag:$0x1] =	stream.indirect_vreg.gather [hbm4b:s4+s2], $0x80, v4, vm0, $0xb8;
	[tilespmem:$0xC100] =	vst v63  }
0x10a: {  	s29 =	simm.s32 $0xA100  }
0x10b: {  	[tilespmem:s29], [sflag:$0x1] =	stream.indirect_vreg.gather [hbm4b:s5+s2], $0x80, v4, vm0, $0xb8;
	[tilespmem:$0xC100] =	vst v63  }
0x10c: {  	s30 =	simm.s32 $0xA900  }
0x10d: {  	[tilespmem:s30], [sflag:$0x1] =	stream.indirect_vreg.gather [hbm4b:s3+s2], $0x80, v3, vm0, $0xb8;
	[tilespmem:$0xC100] =	vst v63  }
0x10e: {  	s30 =	simm.s32 $0xB100  }
0x10f: {  	[tilespmem:s30], [sflag:$0x1] =	stream.indirect_vreg.gather [hbm4b:s4+s2], $0x80, v3, vm0, $0xb8;
	[tilespmem:$0xC100] =	vst v63  }
0x110: {  	s10 =	simm.s32 $0xB900  }
0x111: {  	[tilespmem:s10], [sflag:$0x1] =	stream.indirect_vreg.gather [hbm4b:s5+s2], $0x80, v3, vm0, $0xb8;
	[tilespmem:$0xC100] =	vst v63  }
0x112: {  	_ =	swait.ge [sflag:s7], $0x6000  }
0x113: {  	[sflag:s7] =	ssyncset.done $0x0  }
0x114: {  	s10 =	sadd.s32 $0x3C00, s0;
	[sflag:s7] =	ssyncadd.s32 $0xFFFFA000  }
0x115: {  	[hbm4b:s10+s2] =	stream.linear.scatter [tilespmem:s8], [sflag:$0x3], $0x6000, $0x38;
	[tilespmem:$0xC100] =	vst v63  }
0x116: {  	_ =	swait.ge [sflag:s31], $0x6000  }
0x117: {  	[sflag:s31] =	ssyncset.done $0x0  }
0x118: {  	[sflag:s31] =	ssyncadd.s32 $0xFFFFA000  }
0x119: {  	v58 =	vld [tilespmem:$0xC0];
	_ =	sdelay $0x4  }
0x11a: {  	v59 =	vshrl.u32 v58, $0x3  }
0x11b: {  	v4 =	vmul.u32 $0x30, v59  }
0x11c: {  	v3 =	vand.u32 $0x7, v58  }
0x11d: {  	v3 =	vor.u32 v3, v4  }
0x11e: {  	v4 =	vperm.xlane v3, v40;
	_ =	sdelay $0x1  }
0x11f: {  	v4 =	vadd.s32 v0, v4;
	_ =	sdelay $0x3  }
0x120: {  	v3 =	vperm.xlane v3, v2  }
0x121: {  	[tilespmem:s6], [sflag:$0x1] =	stream.indirect_vreg.gather [hbm4b:s3+s2], $0x80, v4, vm0, $0xb8;
	[tilespmem:$0xC100] =	vst v63  }
0x122: {  	s11 =	simm.s32 $0x900;
	v3 =	vadd.s32 v0, v3  }
0x123: {  	[tilespmem:s11], [sflag:$0x1] =	stream.indirect_vreg.gather [hbm4b:s4+s2], $0x80, v4, vm0, $0xb8;
	[tilespmem:$0xC100] =	vst v63  }
0x124: {  	s12 =	simm.s32 $0x1100  }
0x125: {  	[tilespmem:s12], [sflag:$0x1] =	stream.indirect_vreg.gather [hbm4b:s5+s2], $0x80, v4, vm0, $0xb8;
	[tilespmem:$0xC100] =	vst v63  }
0x126: {  	s13 =	simm.s32 $0x1900  }
0x127: {  	[tilespmem:s13], [sflag:$0x1] =	stream.indirect_vreg.gather [hbm4b:s3+s2], $0x80, v3, vm0, $0xb8;
	[tilespmem:$0xC100] =	vst v63  }
0x128: {  	s14 =	simm.s32 $0x2100  }
0x129: {  	[tilespmem:s14], [sflag:$0x1] =	stream.indirect_vreg.gather [hbm4b:s4+s2], $0x80, v3, vm0, $0xb8;
	[tilespmem:$0xC100] =	vst v63  }
0x12a: {  	s15 =	simm.s32 $0x2900  }
0x12b: {  	[tilespmem:s15], [sflag:$0x1] =	stream.indirect_vreg.gather [hbm4b:s5+s2], $0x80, v3, vm0, $0xb8;
	[tilespmem:$0xC100] =	vst v63  }
0x12c: {  	v3 =	vld [tilespmem:$0xD0];
	_ =	sdelay $0x4  }
0x12d: {  	v60 =	vshrl.u32 v3, $0x3  }
0x12e: {  	v4 =	vmul.u32 $0x30, v60  }
0x12f: {  	v3 =	vand.u32 $0x7, v3  }
0x130: {  	v3 =	vor.u32 v3, v4  }
0x131: {  	v4 =	vperm.xlane v3, v40;
	_ =	sdelay $0x1  }
0x132: {  	v4 =	vadd.s32 v0, v4;
	_ =	sdelay $0x3  }
0x133: {  	s16 =	simm.s32 $0x3100;
	v3 =	vperm.xlane v3, v2  }
0x134: {  	[tilespmem:s16], [sflag:$0x1] =	stream.indirect_vreg.gather [hbm4b:s3+s2], $0x80, v4, vm0, $0xb8;
	[tilespmem:$0xC100] =	vst v63  }
0x135: {  	s17 =	simm.s32 $0x3900;
	v3 =	vadd.s32 v0, v3  }
0x136: {  	[tilespmem:s17], [sflag:$0x1] =	stream.indirect_vreg.gather [hbm4b:s4+s2], $0x80, v4, vm0, $0xb8;
	[tilespmem:$0xC100] =	vst v63  }
0x137: {  	s18 =	simm.s32 $0x4100  }
0x138: {  	[tilespmem:s18], [sflag:$0x1] =	stream.indirect_vreg.gather [hbm4b:s5+s2], $0x80, v4, vm0, $0xb8;
	[tilespmem:$0xC100] =	vst v63  }
0x139: {  	s19 =	simm.s32 $0x4900  }
0x13a: {  	[tilespmem:s19], [sflag:$0x1] =	stream.indirect_vreg.gather [hbm4b:s3+s2], $0x80, v3, vm0, $0xb8;
	[tilespmem:$0xC100] =	vst v63  }
0x13b: {  	s20 =	simm.s32 $0x5100  }
0x13c: {  	[tilespmem:s20], [sflag:$0x1] =	stream.indirect_vreg.gather [hbm4b:s4+s2], $0x80, v3, vm0, $0xb8;
	[tilespmem:$0xC100] =	vst v63  }
0x13d: {  	s21 =	simm.s32 $0x5900  }
0x13e: {  	[tilespmem:s21], [sflag:$0x1] =	stream.indirect_vreg.gather [hbm4b:s5+s2], $0x80, v3, vm0, $0xb8;
	[tilespmem:$0xC100] =	vst v63  }
0x13f: {  	_ =	swait.ge [sflag:s7], $0x6000  }
0x140: {  	[sflag:s7] =	ssyncset.done $0x0  }
0x141: {  	s21 =	sadd.s32 $0x4800, s0;
	[sflag:s7] =	ssyncadd.s32 $0xFFFFA000  }
0x142: {  	[hbm4b:s21+s2] =	stream.linear.scatter [tilespmem:s6], [sflag:$0x2], $0x6000, $0x38;
	[tilespmem:$0xC100] =	vst v63  }
0x143: {  	_ =	swait.ge [sflag:s1], $0x6000  }
0x144: {  	[sflag:s1] =	ssyncset.done $0x0  }
0x145: {  	[sflag:s1] =	ssyncadd.s32 $0xFFFFA000  }
0x146: {  	v61 =	vld [tilespmem:$0xE0];
	_ =	sdelay $0x4  }
0x147: {  	v62 =	vshrl.u32 v61, $0x3  }
0x148: {  	v4 =	vmul.u32 $0x30, v62  }
0x149: {  	v3 =	vand.u32 $0x7, v61  }
0x14a: {  	v3 =	vor.u32 v3, v4  }
0x14b: {  	v4 =	vperm.xlane v3, v40;
	_ =	sdelay $0x1  }
0x14c: {  	v4 =	vadd.s32 v0, v4;
	_ =	sdelay $0x3  }
0x14d: {  	v3 =	vperm.xlane v3, v2  }
0x14e: {  	[tilespmem:s8], [sflag:$0x1] =	stream.indirect_vreg.gather [hbm4b:s3+s2], $0x80, v4, vm0, $0xb8;
	[tilespmem:$0xC100] =	vst v63  }
0x14f: {  	s9 =	simm.s32 $0x6900;
	v3 =	vadd.s32 v0, v3  }
0x150: {  	[tilespmem:s9], [sflag:$0x1] =	stream.indirect_vreg.gather [hbm4b:s4+s2], $0x80, v4, vm0, $0xb8;
	[tilespmem:$0xC100] =	vst v63  }
0x151: {  	s22 =	simm.s32 $0x7100  }
0x152: {  	[tilespmem:s22], [sflag:$0x1] =	stream.indirect_vreg.gather [hbm4b:s5+s2], $0x80, v4, vm0, $0xb8;
	[tilespmem:$0xC100] =	vst v63  }
0x153: {  	s23 =	simm.s32 $0x7900  }
0x154: {  	[tilespmem:s23], [sflag:$0x1] =	stream.indirect_vreg.gather [hbm4b:s3+s2], $0x80, v3, vm0, $0xb8;
	[tilespmem:$0xC100] =	vst v63  }
0x155: {  	s24 =	simm.s32 $0x8100  }
0x156: {  	[tilespmem:s24], [sflag:$0x1] =	stream.indirect_vreg.gather [hbm4b:s4+s2], $0x80, v3, vm0, $0xb8;
	[tilespmem:$0xC100] =	vst v63  }
0x157: {  	s25 =	simm.s32 $0x8900  }
0x158: {  	[tilespmem:s25], [sflag:$0x1] =	stream.indirect_vreg.gather [hbm4b:s5+s2], $0x80, v3, vm0, $0xb8;
	[tilespmem:$0xC100] =	vst v63  }
0x159: {  	v3 =	vld [tilespmem:$0xF0];
	_ =	sdelay $0x4  }
0x15a: {  	v63 =	vshrl.u32 v3, $0x3  }
0x15b: {  	v4 =	vmul.u32 $0x30, v63  }
0x15c: {  	v3 =	vand.u32 $0x7, v3  }
0x15d: {  	v3 =	vor.u32 v3, v4  }
0x15e: {  	v1 =	vperm.xlane v3, v40;
	_ =	sdelay $0x1  }
0x15f: {  	v1 =	vadd.s32 v0, v1;
	_ =	sdelay $0x3  }
0x160: {  	s26 =	simm.s32 $0x9100;
	v2 =	vperm.xlane v3, v2  }
0x161: {  	[tilespmem:s26], [sflag:$0x1] =	stream.indirect_vreg.gather [hbm4b:s3+s2], $0x80, v1, vm0, $0xb8;
	[tilespmem:$0xC100] =	vst v63  }
0x162: {  	s28 =	simm.s32 $0x9900;
	v0 =	vadd.s32 v0, v2  }
0x163: {  	[tilespmem:s28], [sflag:$0x1] =	stream.indirect_vreg.gather [hbm4b:s4+s2], $0x80, v1, vm0, $0xb8;
	[tilespmem:$0xC100] =	vst v63  }
0x164: {  	s29 =	simm.s32 $0xA100  }
0x165: {  	[tilespmem:s29], [sflag:$0x1] =	stream.indirect_vreg.gather [hbm4b:s5+s2], $0x80, v1, vm0, $0xb8;
	[tilespmem:$0xC100] =	vst v63  }
0x166: {  	s29 =	simm.s32 $0xA900  }
0x167: {  	[tilespmem:s29], [sflag:$0x1] =	stream.indirect_vreg.gather [hbm4b:s3+s2], $0x80, v0, vm0, $0xb8;
	[tilespmem:$0xC100] =	vst v63  }
0x168: {  	s30 =	simm.s32 $0xB100  }
0x169: {  	[tilespmem:s30], [sflag:$0x1] =	stream.indirect_vreg.gather [hbm4b:s4+s2], $0x80, v0, vm0, $0xb8;
	[tilespmem:$0xC100] =	vst v63  }
0x16a: {  	s30 =	simm.s32 $0xB900  }
0x16b: {  	[tilespmem:s30], [sflag:$0x1] =	stream.indirect_vreg.gather [hbm4b:s5+s2], $0x80, v0, vm0, $0xb8;
	[tilespmem:$0xC100] =	vst v63  }
0x16c: {  	_ =	swait.ge [sflag:s7], $0x6000  }
0x16d: {  	[sflag:s7] =	ssyncset.done $0x0  }
0x16e: {  	s0 =	sadd.s32 $0x5400, s0;
	[sflag:s7] =	ssyncadd.s32 $0xFFFFA000  }
0x16f: {  	[hbm4b:s0+s2] =	stream.linear.scatter [tilespmem:s8], [sflag:$0x3], $0x6000, $0x38;
	[tilespmem:$0xC100] =	vst v63  }
0x170: {  	_ =	swait.ge [sflag:s31], $0x6000  }
0x171: {  	[sflag:s31] =	ssyncset.done $0x0  }
0x172: {  	[sflag:s31] =	ssyncadd.s32 $0xFFFFA000  }
0x173: {  	_ =	swait.ge [sflag:s1], $0x6000  }
0x174: {  	[sflag:s1] =	ssyncset.done $0x0  }
0x175: {  	[sflag:s1] =	ssyncadd.s32 $0xFFFFA000  }
0x176: {  	_ =	sfence.sel $0x180000  }
0x177: {  	[bflag:$0x0] =	sbarrier.arrive $0xFFFF  }
0x178: {  	_ =	strace $0x90000047  }
0x179: {  	s31 =	stileid.u32;
	[bflag:$0x2] =	sbarrier.arrive $0xFFFF  }
0x17a: {  	p0 =	sne.s32 s31, $0x0;
	s0 =	rddreg [dreg:$0x2]  }
0x17b: {  	s0 =	sadd.s32 @!p0 $0x100000, s0  }
0x17c: {  	[sflag:s0] =	ssyncadd.tile.s32 @!p0 $0x1;
	_ =	shalt  }
.Lfunc_end2:
_tile_overlayer_lowered:
.L_overlay_start_2:
0x17d: {  	(tag) =	ssettag $0x2  }
0x17e: {  	s0 =	rddreg [dreg:$0x0];
	s2 =	stileid.u32  }
0x17f: {  	s1 =	rddreg [dreg:$0x1];
	p0 =	sne.s32 s2, $0x0  }
0x180: {  	s3 =	rddreg [dreg:$0x2];
	[bflag:$0x3] =	sbarrier.arrive $0xFFFF;
	s2 =	simm.s32 @!p0 $0x1C04  }
0x181: {  	[timem:s3], [sflag:s2] =	dma.local @!p0 [hbm:s0], s1  }
0x182: {  	s0 =	simm.s32 @!p0 $0x4  }
0x183: {  	_ =	swait.ge @!p0 [sflag:s0], s1  }
0x184: {  	s1 =	ssub.s32 @!p0 $0x0, s1;
	[sflag:s0] =	ssyncset.done @!p0 $0x0  }
0x185: {  	[sflag:s0] =	ssyncadd.s32 @!p0 s1  }
0x186: {  	[bflag:$0x3] =	sbarrier.arrive $0xFFFF  }
0x187: {  	_ =	shalt  }

</sc_bundles>
